<compile_context>
chip_gen: v7x
topology: tpu7x:2x2x1
jax: 0.10.2.dev20260603
libtpu: 0.0.44.dev20260713+nightly
codegen_flags: <defaults>
</compile_context>

<pallas_src>
import functools

import jax
import jax.numpy as jnp
from jax import lax
from jax.experimental import pallas as pl
from jax.experimental.pallas import tpu as pltpu
from jax.experimental.pallas import tpu_sc as plsc

NUM_NODES = 100000
NUM_CELLS = 200000
CPAD = 200000
FEAT = 128
PRE_W = 9
ROW_W = PRE_W + 3 * FEAT
NWORKERS = 32
NJ = (ROW_W + NWORKERS - 1) // NWORKERS
CH = 2000
NCH = NUM_CELLS // CH
NBUF = 4


def _sc_assemble_cols(ut_flat, trit_flat, pre_flat):
    mesh = plsc.VectorSubcoreMesh(core_axis_name="c", subcore_axis_name="s")

    @functools.partial(
        pl.kernel,
        mesh=mesh,
        out_type=jax.ShapeDtypeStruct((ROW_W * CPAD,), jnp.float32),
        scratch_types=[
            pltpu.VMEM((NUM_NODES,), jnp.float32),
            pltpu.VMEM((CH,), jnp.int32),
            pltpu.VMEM((CH,), jnp.int32),
            pltpu.VMEM((CH,), jnp.int32),
            pltpu.VMEM((CH,), jnp.int32),
            pltpu.VMEM((CH,), jnp.float32),
            pltpu.VMEM((CH,), jnp.float32),
            pltpu.VMEM((CH,), jnp.float32),
            pltpu.VMEM((CH,), jnp.float32),
            pltpu.SemaphoreType.DMA,
            pltpu.SemaphoreType.DMA,
        ],
        compiler_params=pltpu.CompilerParams(needs_layout_passes=False),
    )
    def asm(
        ut_hbm, trit_hbm, pre_hbm, out_hbm,
        urow_v, idx0_v, idx1_v, idx2_v, idx3_v,
        out0_v, out1_v, out2_v, out3_v, idx_sem, out_sem,
    ):
        wid = lax.axis_index("s") * 2 + lax.axis_index("c")
        idx_bufs = (idx0_v, idx1_v, idx2_v, idx3_v)
        out_bufs = (out0_v, out1_v, out2_v, out3_v)

        def idx_copy(v, c0, b):
            return pltpu.make_async_copy(
                trit_hbm.at[pl.ds(v * NUM_CELLS + c0, CH)], idx_bufs[b], idx_sem
            )

        def out_copy(j, c0, b):
            return pltpu.make_async_copy(
                out_bufs[b], out_hbm.at[pl.ds(j * CPAD + c0, CH)], out_sem
            )

        def gather_chunk(b):
            for i in range(CH // 16):
                vec = idx_bufs[b][pl.ds(i * 16, 16)]
                out_bufs[b][pl.ds(i * 16, 16)] = plsc.load_gather(urow_v, [vec])

        def col_body(jj, carry):
            j = wid + NWORKERS * jj

            @pl.when(j < PRE_W)
            def _():
                def pre_read(c0, b):
                    return pltpu.make_async_copy(
                        pre_hbm.at[pl.ds(j * NUM_CELLS + c0, CH)],
                        out_bufs[b],
                        idx_sem,
                    )

                for b in range(NBUF):
                    pre_read(b * CH, b).start()

                def pchunk(kkq, carry2):
                    k0 = NBUF * kkq
                    for b in range(NBUF):
                        pre_read((k0 + b) * CH, b).wait()
                        out_copy(j, (k0 + b) * CH, b).start()

                    @pl.when(kkq < NCH // NBUF - 1)
                    def _():
                        for b in range(NBUF):
                            out_copy(j, 0, b).wait()
                            pre_read((k0 + NBUF + b) * CH, b).start()

                    return carry2

                lax.fori_loop(0, NCH // NBUF, pchunk, 0)
                for b in range(NBUF):
                    out_copy(j, 0, b).wait()

            @pl.when((j >= PRE_W) & (j < ROW_W))
            def _():
                g = j - PRE_W
                v = g // FEAT
                f = g % FEAT
                pltpu.sync_copy(
                    ut_hbm.at[pl.ds(f * NUM_NODES, NUM_NODES)], urow_v
                )
                for b in range(NBUF):
                    idx_copy(v, b * CH, b).start()

                def pipe(kkq, carry2):
                    k0 = NBUF * kkq
                    for b in range(NBUF):
                        idx_copy(v, (k0 + b) * CH, b).wait()

                        @pl.when(kkq > 0)
                        def _():
                            out_copy(j, 0, b).wait()

                        gather_chunk(b)
                        out_copy(j, (k0 + b) * CH, b).start()

                        @pl.when(kkq < NCH // NBUF - 1)
                        def _():
                            idx_copy(v, (k0 + NBUF + b) * CH, b).start()

                    return carry2

                lax.fori_loop(0, NCH // NBUF, pipe, 0)
                for b in range(NBUF):
                    out_copy(j, 0, b).wait()

            return carry

        lax.fori_loop(0, NJ, col_body, 0)

    return asm(ut_flat, trit_flat, pre_flat)


def kernel(u, t, cell_centers, cell_local_vertex_pos, triangulation):
    n_nodes, feat = u.shape[1], u.shape[2]
    ncells = triangulation.shape[0]
    ut_flat = jnp.transpose(u.reshape(n_nodes, feat)).reshape(n_nodes * feat)
    trit_flat = (
        jnp.transpose(triangulation.astype(jnp.int32)).reshape(3 * ncells)
    )
    vp = cell_local_vertex_pos.reshape(ncells, 6)
    pre_flat = jnp.concatenate(
        [jnp.broadcast_to(t.reshape(1, 1), (ncells, 1)), cell_centers, vp],
        axis=1,
    )
    pre_flat = jnp.transpose(pre_flat).reshape(PRE_W * ncells)
    full = _sc_assemble_cols(ut_flat, trit_flat, pre_flat)
    out = jnp.transpose(full.reshape(ROW_W, CPAD))
    return out[None]

# --- scband reference (transcript-rebuilt; emitter-appended) ---
"""Pipeline reference for scband-pdeterm-14164802142668 (READ-ONLY COPY).

The authoritative reference and input builder live on the scoring server;
editing this copy changes nothing except your own understanding.
"""

import jax, jax.numpy as jnp
import numpy as np


def setup_inputs(seed: int = 0) -> dict:
    key = jax.random.key(seed)
    k1, k2, k3, k4, k5 = jax.random.split(key, 5)
    u = jax.random.normal(k1, (1, 100000, 128), dtype=jnp.float32)
    t = jax.random.uniform(k2, (1, 1), dtype=jnp.float32)
    cell_centers = jax.random.normal(k3, (200000, 2), dtype=jnp.float32)
    cell_local_vertex_pos = jax.random.normal(k4, (200000, 3, 2), dtype=jnp.float32)
    triangulation = jax.random.randint(k5, (200000, 3), 0, 100000)
    return {
        "u": u,
        "t": t,
        "cell_centers": cell_centers,
        "cell_local_vertex_pos": cell_local_vertex_pos,
        "triangulation": triangulation,
    }


def reference(u, t, cell_centers, cell_local_vertex_pos, triangulation):
    # Faithful translation of SystemState.cell_features(stationary=False, autonomous=False),
    # which is the concrete per-cell feature assembly a PDETerm consumes.
    batch_size = u.shape[0]
    ncells = triangulation.shape[0]
    # gather node features for each cell vertex: [b, cell, vertex, feat]
    vertex_features = u[:, triangulation]
    # eo.rearrange(vertex_features, 'b c v f -> b c (v f)')
    vf = vertex_features.reshape(batch_size, ncells, -1)
    # eo.repeat(vertex_pos, 'c v s -> b c (v s)', b=batch_size)
    vp = jnp.broadcast_to(
        cell_local_vertex_pos.reshape(1, ncells, -1),
        (batch_size, ncells, cell_local_vertex_pos.shape[1] * cell_local_vertex_pos.shape[2]),
    )
    # not stationary: eo.repeat(cell_pos, 'c s -> b c s', b=batch_size)
    cp = jnp.broadcast_to(cell_centers[None, :, :], (batch_size, ncells, cell_centers.shape[-1]))
    # not autonomous: eo.repeat(time, 'b f -> b c f', c=ncells)
    time = jnp.broadcast_to(t[:, None, :], (batch_size, ncells, t.shape[-1]))
    # insertion order in original: time first, then cell_pos, then vertex_pos, then vertex_features
    return jnp.concatenate([time, cp, vp, vf], axis=-1)

if __name__ == "__main__":
    import jax
    _d = setup_inputs()
    print(jax.jit(kernel)(*tuple(_d.values())))

</pallas_src>

<mosaic_0001>
#map = affine_map<(d0, d1) -> (0)>
module attributes {stable_mosaic.version = 14 : i64} {
  func.func @asm(%arg0: i32, %arg1: i32, %arg2: memref<12800000xf32, #tpu.memory_space<hbm>>, %arg3: memref<600000xi32, #tpu.memory_space<hbm>>, %arg4: memref<1800000xf32, #tpu.memory_space<hbm>>, %arg5: memref<78600000xf32, #tpu.memory_space<hbm>>, %arg6: memref<100000xf32, #tpu.memory_space<vmem>>, %arg7: memref<2000xi32, #tpu.memory_space<vmem>>, %arg8: memref<2000xi32, #tpu.memory_space<vmem>>, %arg9: memref<2000xi32, #tpu.memory_space<vmem>>, %arg10: memref<2000xi32, #tpu.memory_space<vmem>>, %arg11: memref<2000xf32, #tpu.memory_space<vmem>>, %arg12: memref<2000xf32, #tpu.memory_space<vmem>>, %arg13: memref<2000xf32, #tpu.memory_space<vmem>>, %arg14: memref<2000xf32, #tpu.memory_space<vmem>>, %arg15: memref<!tpu.dma_semaphore, #tpu.memory_space<semaphore_mem>>, %arg16: memref<!tpu.dma_semaphore, #tpu.memory_space<semaphore_mem>>) attributes {dimension_semantics = [#tpu.dimension_semantics<core_parallel>, #tpu.dimension_semantics<subcore_parallel>], iteration_bounds = array<i64: 2, 16>, scalar_prefetch = 0 : i64, scratch_operands = 11 : i64, tpu.core_type = #tpu.core_type<sc_vector_subcore>, window_params = [{transform_indices = #map}, {transform_indices = #map}, {transform_indices = #map}, {transform_indices = #map}]} {
    %mul3A = arith.constant 2 : i32
    %mul3A_0 = arith.muli %arg1, %mul3A : i32
    %add3A = arith.addi %mul3A_0, %arg0 : i32
    %scan3A = arith.constant 0 : i32
    %scan3A_1 = arith.constant 0 : i32
    %scan3A_2 = arith.constant 13 : i32
    %scan3A_3 = arith.addi %scan3A_1, %scan3A_2 : i32
    %scan3A_4 = arith.constant 1 : i32
    scf.for %scan3A_6 = %scan3A_1 to %scan3A_3 step %scan3A_4  : i32 {
      %mul3A_7 = arith.constant 32 : i32
      %mul3A_8 = arith.muli %mul3A_7, %scan3A_6 : i32
      %add3A_9 = arith.addi %add3A, %mul3A_8 : i32
      %lt3A = arith.constant 9 : i32
      %lt3A_10 = arith.cmpi slt, %add3A_9, %lt3A : i32
      %convert_element_type3A = arith.extui %lt3A_10 : i1 to i32
      %cond3A = arith.constant 0 : i32
      %cond3A_11 = arith.cmpi ne, %convert_element_type3A, %cond3A : i32
      scf.if %cond3A_11 {
        %mul3A_18 = arith.constant 200000 : i32
        %mul3A_19 = arith.muli %add3A_9, %mul3A_18 : i32
        %add3A_20 = arith.constant 0 : i32
        %add3A_21 = arith.addi %mul3A_19, %add3A_20 : i32
        %dma_start3A = tpu.memref_slice %arg4[%add3A_21] : memref<1800000xf32, #tpu.memory_space<hbm>> -> memref<2000xf32, #tpu.memory_space<hbm>>
        %dma_start3A_22 = tpu.memref_slice %arg4[%add3A_21] : memref<1800000xf32, #tpu.memory_space<hbm>> -> memref<2000xf32, #tpu.memory_space<hbm>>
        tpu.enqueue_dma source(%dma_start3A_22 : memref<2000xf32, #tpu.memory_space<hbm>>) target(%arg11 : memref<2000xf32, #tpu.memory_space<vmem>>) target_semaphore(%arg15 : memref<!tpu.dma_semaphore, #tpu.memory_space<semaphore_mem>>)
        %mul3A_23 = arith.constant 200000 : i32
        %mul3A_24 = arith.muli %add3A_9, %mul3A_23 : i32
        %add3A_25 = arith.constant 2000 : i32
        %add3A_26 = arith.addi %mul3A_24, %add3A_25 : i32
        %dma_start3A_27 = tpu.memref_slice %arg4[%add3A_26] : memref<1800000xf32, #tpu.memory_space<hbm>> -> memref<2000xf32, #tpu.memory_space<hbm>>
        %dma_start3A_28 = tpu.memref_slice %arg4[%add3A_26] : memref<1800000xf32, #tpu.memory_space<hbm>> -> memref<2000xf32, #tpu.memory_space<hbm>>
        tpu.enqueue_dma source(%dma_start3A_28 : memref<2000xf32, #tpu.memory_space<hbm>>) target(%arg12 : memref<2000xf32, #tpu.memory_space<vmem>>) target_semaphore(%arg15 : memref<!tpu.dma_semaphore, #tpu.memory_space<semaphore_mem>>)
        %mul3A_29 = arith.constant 200000 : i32
        %mul3A_30 = arith.muli %add3A_9, %mul3A_29 : i32
        %add3A_31 = arith.constant 4000 : i32
        %add3A_32 = arith.addi %mul3A_30, %add3A_31 : i32
        %dma_start3A_33 = tpu.memref_slice %arg4[%add3A_32] : memref<1800000xf32, #tpu.memory_space<hbm>> -> memref<2000xf32, #tpu.memory_space<hbm>>
        %dma_start3A_34 = tpu.memref_slice %arg4[%add3A_32] : memref<1800000xf32, #tpu.memory_space<hbm>> -> memref<2000xf32, #tpu.memory_space<hbm>>
        tpu.enqueue_dma source(%dma_start3A_34 : memref<2000xf32, #tpu.memory_space<hbm>>) target(%arg13 : memref<2000xf32, #tpu.memory_space<vmem>>) target_semaphore(%arg15 : memref<!tpu.dma_semaphore, #tpu.memory_space<semaphore_mem>>)
        %mul3A_35 = arith.constant 200000 : i32
        %mul3A_36 = arith.muli %add3A_9, %mul3A_35 : i32
        %add3A_37 = arith.constant 6000 : i32
        %add3A_38 = arith.addi %mul3A_36, %add3A_37 : i32
        %dma_start3A_39 = tpu.memref_slice %arg4[%add3A_38] : memref<1800000xf32, #tpu.memory_space<hbm>> -> memref<2000xf32, #tpu.memory_space<hbm>>
        %dma_start3A_40 = tpu.memref_slice %arg4[%add3A_38] : memref<1800000xf32, #tpu.memory_space<hbm>> -> memref<2000xf32, #tpu.memory_space<hbm>>
        tpu.enqueue_dma source(%dma_start3A_40 : memref<2000xf32, #tpu.memory_space<hbm>>) target(%arg14 : memref<2000xf32, #tpu.memory_space<vmem>>) target_semaphore(%arg15 : memref<!tpu.dma_semaphore, #tpu.memory_space<semaphore_mem>>)
        %scan3A_41 = arith.constant 0 : i32
        %scan3A_42 = arith.constant 0 : i32
        %scan3A_43 = arith.constant 25 : i32
        %scan3A_44 = arith.addi %scan3A_42, %scan3A_43 : i32
        %scan3A_45 = arith.constant 1 : i32
        scf.for %scan3A_70 = %scan3A_42 to %scan3A_44 step %scan3A_45  : i32 {
          %mul3A_71 = arith.constant 4 : i32
          %mul3A_72 = arith.muli %mul3A_71, %scan3A_70 : i32
          %add3A_73 = arith.constant 0 : i32
          %add3A_74 = arith.addi %mul3A_72, %add3A_73 : i32
          %mul3A_75 = arith.constant 2000 : i32
          %mul3A_76 = arith.muli %add3A_74, %mul3A_75 : i32
          %mul3A_77 = arith.constant 200000 : i32
          %mul3A_78 = arith.muli %add3A_9, %mul3A_77 : i32
          %add3A_79 = arith.addi %mul3A_78, %mul3A_76 : i32
          %dma_wait3A_80 = tpu.memref_slice %arg4[%add3A_79] : memref<1800000xf32, #tpu.memory_space<hbm>> -> memref<2000xf32, #tpu.memory_space<hbm>>
          %dma_wait3A_81 = tpu.memref_slice %arg4[%add3A_79] : memref<1800000xf32, #tpu.memory_space<hbm>> -> memref<2000xf32, #tpu.memory_space<hbm>>
          tpu.wait_dma2 semaphore(%arg15 : memref<!tpu.dma_semaphore, #tpu.memory_space<semaphore_mem>>) src(%dma_wait3A_81 : memref<2000xf32, #tpu.memory_space<hbm>>) dst(%arg11 : memref<2000xf32, #tpu.memory_space<vmem>>)
          %add3A_82 = arith.constant 0 : i32
          %add3A_83 = arith.addi %mul3A_72, %add3A_82 : i32
          %mul3A_84 = arith.constant 2000 : i32
          %mul3A_85 = arith.muli %add3A_83, %mul3A_84 : i32
          %mul3A_86 = arith.constant 200000 : i32
          %mul3A_87 = arith.muli %add3A_9, %mul3A_86 : i32
          %add3A_88 = arith.addi %mul3A_87, %mul3A_85 : i32
          %dma_start3A_89 = tpu.memref_slice %arg5[%add3A_88] : memref<78600000xf32, #tpu.memory_space<hbm>> -> memref<2000xf32, #tpu.memory_space<hbm>>
          %dma_start3A_90 = tpu.memref_slice %arg5[%add3A_88] : memref<78600000xf32, #tpu.memory_space<hbm>> -> memref<2000xf32, #tpu.memory_space<hbm>>
          tpu.enqueue_dma source(%arg11 : memref<2000xf32, #tpu.memory_space<vmem>>) target(%dma_start3A_90 : memref<2000xf32, #tpu.memory_space<hbm>>) target_semaphore(%arg16 : memref<!tpu.dma_semaphore, #tpu.memory_space<semaphore_mem>>)
          %add3A_91 = arith.constant 1 : i32
          %add3A_92 = arith.addi %mul3A_72, %add3A_91 : i32
          %mul3A_93 = arith.constant 2000 : i32
          %mul3A_94 = arith.muli %add3A_92, %mul3A_93 : i32
          %mul3A_95 = arith.constant 200000 : i32
          %mul3A_96 = arith.muli %add3A_9, %mul3A_95 : i32
          %add3A_97 = arith.addi %mul3A_96, %mul3A_94 : i32
          %dma_wait3A_98 = tpu.memref_slice %arg4[%add3A_97] : memref<1800000xf32, #tpu.memory_space<hbm>> -> memref<2000xf32, #tpu.memory_space<hbm>>
          %dma_wait3A_99 = tpu.memref_slice %arg4[%add3A_97] : memref<1800000xf32, #tpu.memory_space<hbm>> -> memref<2000xf32, #tpu.memory_space<hbm>>
          tpu.wait_dma2 semaphore(%arg15 : memref<!tpu.dma_semaphore, #tpu.memory_space<semaphore_mem>>) src(%dma_wait3A_99 : memref<2000xf32, #tpu.memory_space<hbm>>) dst(%arg12 : memref<2000xf32, #tpu.memory_space<vmem>>)
          %add3A_100 = arith.constant 1 : i32
          %add3A_101 = arith.addi %mul3A_72, %add3A_100 : i32
          %mul3A_102 = arith.constant 2000 : i32
          %mul3A_103 = arith.muli %add3A_101, %mul3A_102 : i32
          %mul3A_104 = arith.constant 200000 : i32
          %mul3A_105 = arith.muli %add3A_9, %mul3A_104 : i32
          %add3A_106 = arith.addi %mul3A_105, %mul3A_103 : i32
          %dma_start3A_107 = tpu.memref_slice %arg5[%add3A_106] : memref<78600000xf32, #tpu.memory_space<hbm>> -> memref<2000xf32, #tpu.memory_space<hbm>>
          %dma_start3A_108 = tpu.memref_slice %arg5[%add3A_106] : memref<78600000xf32, #tpu.memory_space<hbm>> -> memref<2000xf32, #tpu.memory_space<hbm>>
          tpu.enqueue_dma source(%arg12 : memref<2000xf32, #tpu.memory_space<vmem>>) target(%dma_start3A_108 : memref<2000xf32, #tpu.memory_space<hbm>>) target_semaphore(%arg16 : memref<!tpu.dma_semaphore, #tpu.memory_space<semaphore_mem>>)
          %add3A_109 = arith.constant 2 : i32
          %add3A_110 = arith.addi %mul3A_72, %add3A_109 : i32
          %mul3A_111 = arith.constant 2000 : i32
          %mul3A_112 = arith.muli %add3A_110, %mul3A_111 : i32
          %mul3A_113 = arith.constant 200000 : i32
          %mul3A_114 = arith.muli %add3A_9, %mul3A_113 : i32
          %add3A_115 = arith.addi %mul3A_114, %mul3A_112 : i32
          %dma_wait3A_116 = tpu.memref_slice %arg4[%add3A_115] : memref<1800000xf32, #tpu.memory_space<hbm>> -> memref<2000xf32, #tpu.memory_space<hbm>>
          %dma_wait3A_117 = tpu.memref_slice %arg4[%add3A_115] : memref<1800000xf32, #tpu.memory_space<hbm>> -> memref<2000xf32, #tpu.memory_space<hbm>>
          tpu.wait_dma2 semaphore(%arg15 : memref<!tpu.dma_semaphore, #tpu.memory_space<semaphore_mem>>) src(%dma_wait3A_117 : memref<2000xf32, #tpu.memory_space<hbm>>) dst(%arg13 : memref<2000xf32, #tpu.memory_space<vmem>>)
          %add3A_118 = arith.constant 2 : i32
          %add3A_119 = arith.addi %mul3A_72, %add3A_118 : i32
          %mul3A_120 = arith.constant 2000 : i32
          %mul3A_121 = arith.muli %add3A_119, %mul3A_120 : i32
          %mul3A_122 = arith.constant 200000 : i32
          %mul3A_123 = arith.muli %add3A_9, %mul3A_122 : i32
          %add3A_124 = arith.addi %mul3A_123, %mul3A_121 : i32
          %dma_start3A_125 = tpu.memref_slice %arg5[%add3A_124] : memref<78600000xf32, #tpu.memory_space<hbm>> -> memref<2000xf32, #tpu.memory_space<hbm>>
          %dma_start3A_126 = tpu.memref_slice %arg5[%add3A_124] : memref<78600000xf32, #tpu.memory_space<hbm>> -> memref<2000xf32, #tpu.memory_space<hbm>>
          tpu.enqueue_dma source(%arg13 : memref<2000xf32, #tpu.memory_space<vmem>>) target(%dma_start3A_126 : memref<2000xf32, #tpu.memory_space<hbm>>) target_semaphore(%arg16 : memref<!tpu.dma_semaphore, #tpu.memory_space<semaphore_mem>>)
          %add3A_127 = arith.constant 3 : i32
          %add3A_128 = arith.addi %mul3A_72, %add3A_127 : i32
          %mul3A_129 = arith.constant 2000 : i32
          %mul3A_130 = arith.muli %add3A_128, %mul3A_129 : i32
          %mul3A_131 = arith.constant 200000 : i32
          %mul3A_132 = arith.muli %add3A_9, %mul3A_131 : i32
          %add3A_133 = arith.addi %mul3A_132, %mul3A_130 : i32
          %dma_wait3A_134 = tpu.memref_slice %arg4[%add3A_133] : memref<1800000xf32, #tpu.memory_space<hbm>> -> memref<2000xf32, #tpu.memory_space<hbm>>
          %dma_wait3A_135 = tpu.memref_slice %arg4[%add3A_133] : memref<1800000xf32, #tpu.memory_space<hbm>> -> memref<2000xf32, #tpu.memory_space<hbm>>
          tpu.wait_dma2 semaphore(%arg15 : memref<!tpu.dma_semaphore, #tpu.memory_space<semaphore_mem>>) src(%dma_wait3A_135 : memref<2000xf32, #tpu.memory_space<hbm>>) dst(%arg14 : memref<2000xf32, #tpu.memory_space<vmem>>)
          %add3A_136 = arith.constant 3 : i32
          %add3A_137 = arith.addi %mul3A_72, %add3A_136 : i32
          %mul3A_138 = arith.constant 2000 : i32
          %mul3A_139 = arith.muli %add3A_137, %mul3A_138 : i32
          %mul3A_140 = arith.constant 200000 : i32
          %mul3A_141 = arith.muli %add3A_9, %mul3A_140 : i32
          %add3A_142 = arith.addi %mul3A_141, %mul3A_139 : i32
          %dma_start3A_143 = tpu.memref_slice %arg5[%add3A_142] : memref<78600000xf32, #tpu.memory_space<hbm>> -> memref<2000xf32, #tpu.memory_space<hbm>>
          %dma_start3A_144 = tpu.memref_slice %arg5[%add3A_142] : memref<78600000xf32, #tpu.memory_space<hbm>> -> memref<2000xf32, #tpu.memory_space<hbm>>
          tpu.enqueue_dma source(%arg14 : memref<2000xf32, #tpu.memory_space<vmem>>) target(%dma_start3A_144 : memref<2000xf32, #tpu.memory_space<hbm>>) target_semaphore(%arg16 : memref<!tpu.dma_semaphore, #tpu.memory_space<semaphore_mem>>)
          %lt3A_145 = arith.constant 24 : i32
          %lt3A_146 = arith.cmpi slt, %scan3A_70, %lt3A_145 : i32
          %convert_element_type3A_147 = arith.extui %lt3A_146 : i1 to i32
          %cond3A_148 = arith.constant 0 : i32
          %cond3A_149 = arith.cmpi ne, %convert_element_type3A_147, %cond3A_148 : i32
          scf.if %cond3A_149 {
            %mul3A_150 = arith.constant 200000 : i32
            %mul3A_151 = arith.muli %add3A_9, %mul3A_150 : i32
            %add3A_152 = arith.constant 0 : i32
            %add3A_153 = arith.addi %mul3A_151, %add3A_152 : i32
            %dma_wait3A_154 = tpu.memref_slice %arg5[%add3A_153] : memref<78600000xf32, #tpu.memory_space<hbm>> -> memref<2000xf32, #tpu.memory_space<hbm>>
            %dma_wait3A_155 = tpu.memref_slice %arg5[%add3A_153] : memref<78600000xf32, #tpu.memory_space<hbm>> -> memref<2000xf32, #tpu.memory_space<hbm>>
            tpu.wait_dma2 semaphore(%arg16 : memref<!tpu.dma_semaphore, #tpu.memory_space<semaphore_mem>>) src(%arg11 : memref<2000xf32, #tpu.memory_space<vmem>>) dst(%dma_wait3A_155 : memref<2000xf32, #tpu.memory_space<hbm>>)
            %add3A_156 = arith.constant 4 : i32
            %add3A_157 = arith.addi %mul3A_72, %add3A_156 : i32
            %add3A_158 = arith.constant 0 : i32
            %add3A_159 = arith.addi %add3A_157, %add3A_158 : i32
            %mul3A_160 = arith.constant 2000 : i32
            %mul3A_161 = arith.muli %add3A_159, %mul3A_160 : i32
            %mul3A_162 = arith.constant 200000 : i32
            %mul3A_163 = arith.muli %add3A_9, %mul3A_162 : i32
            %add3A_164 = arith.addi %mul3A_163, %mul3A_161 : i32
            %dma_start3A_165 = tpu.memref_slice %arg4[%add3A_164] : memref<1800000xf32, #tpu.memory_space<hbm>> -> memref<2000xf32, #tpu.memory_space<hbm>>
            %dma_start3A_166 = tpu.memref_slice %arg4[%add3A_164] : memref<1800000xf32, #tpu.memory_space<hbm>> -> memref<2000xf32, #tpu.memory_space<hbm>>
            tpu.enqueue_dma source(%dma_start3A_166 : memref<2000xf32, #tpu.memory_space<hbm>>) target(%arg11 : memref<2000xf32, #tpu.memory_space<vmem>>) target_semaphore(%arg15 : memref<!tpu.dma_semaphore, #tpu.memory_space<semaphore_mem>>)
            %mul3A_167 = arith.constant 200000 : i32
            %mul3A_168 = arith.muli %add3A_9, %mul3A_167 : i32
            %add3A_169 = arith.constant 0 : i32
            %add3A_170 = arith.addi %mul3A_168, %add3A_169 : i32
            %dma_wait3A_171 = tpu.memref_slice %arg5[%add3A_170] : memref<78600000xf32, #tpu.memory_space<hbm>> -> memref<2000xf32, #tpu.memory_space<hbm>>
            %dma_wait3A_172 = tpu.memref_slice %arg5[%add3A_170] : memref<78600000xf32, #tpu.memory_space<hbm>> -> memref<2000xf32, #tpu.memory_space<hbm>>
            tpu.wait_dma2 semaphore(%arg16 : memref<!tpu.dma_semaphore, #tpu.memory_space<semaphore_mem>>) src(%arg12 : memref<2000xf32, #tpu.memory_space<vmem>>) dst(%dma_wait3A_172 : memref<2000xf32, #tpu.memory_space<hbm>>)
            %add3A_173 = arith.constant 4 : i32
            %add3A_174 = arith.addi %mul3A_72, %add3A_173 : i32
            %add3A_175 = arith.constant 1 : i32
            %add3A_176 = arith.addi %add3A_174, %add3A_175 : i32
            %mul3A_177 = arith.constant 2000 : i32
            %mul3A_178 = arith.muli %add3A_176, %mul3A_177 : i32
            %mul3A_179 = arith.constant 200000 : i32
            %mul3A_180 = arith.muli %add3A_9, %mul3A_179 : i32
            %add3A_181 = arith.addi %mul3A_180, %mul3A_178 : i32
            %dma_start3A_182 = tpu.memref_slice %arg4[%add3A_181] : memref<1800000xf32, #tpu.memory_space<hbm>> -> memref<2000xf32, #tpu.memory_space<hbm>>
            %dma_start3A_183 = tpu.memref_slice %arg4[%add3A_181] : memref<1800000xf32, #tpu.memory_space<hbm>> -> memref<2000xf32, #tpu.memory_space<hbm>>
            tpu.enqueue_dma source(%dma_start3A_183 : memref<2000xf32, #tpu.memory_space<hbm>>) target(%arg12 : memref<2000xf32, #tpu.memory_space<vmem>>) target_semaphore(%arg15 : memref<!tpu.dma_semaphore, #tpu.memory_space<semaphore_mem>>)
            %mul3A_184 = arith.constant 200000 : i32
            %mul3A_185 = arith.muli %add3A_9, %mul3A_184 : i32
            %add3A_186 = arith.constant 0 : i32
            %add3A_187 = arith.addi %mul3A_185, %add3A_186 : i32
            %dma_wait3A_188 = tpu.memref_slice %arg5[%add3A_187] : memref<78600000xf32, #tpu.memory_space<hbm>> -> memref<2000xf32, #tpu.memory_space<hbm>>
            %dma_wait3A_189 = tpu.memref_slice %arg5[%add3A_187] : memref<78600000xf32, #tpu.memory_space<hbm>> -> memref<2000xf32, #tpu.memory_space<hbm>>
            tpu.wait_dma2 semaphore(%arg16 : memref<!tpu.dma_semaphore, #tpu.memory_space<semaphore_mem>>) src(%arg13 : memref<2000xf32, #tpu.memory_space<vmem>>) dst(%dma_wait3A_189 : memref<2000xf32, #tpu.memory_space<hbm>>)
            %add3A_190 = arith.constant 4 : i32
            %add3A_191 = arith.addi %mul3A_72, %add3A_190 : i32
            %add3A_192 = arith.constant 2 : i32
            %add3A_193 = arith.addi %add3A_191, %add3A_192 : i32
            %mul3A_194 = arith.constant 2000 : i32
            %mul3A_195 = arith.muli %add3A_193, %mul3A_194 : i32
            %mul3A_196 = arith.constant 200000 : i32
            %mul3A_197 = arith.muli %add3A_9, %mul3A_196 : i32
            %add3A_198 = arith.addi %mul3A_197, %mul3A_195 : i32
            %dma_start3A_199 = tpu.memref_slice %arg4[%add3A_198] : memref<1800000xf32, #tpu.memory_space<hbm>> -> memref<2000xf32, #tpu.memory_space<hbm>>
            %dma_start3A_200 = tpu.memref_slice %arg4[%add3A_198] : memref<1800000xf32, #tpu.memory_space<hbm>> -> memref<2000xf32, #tpu.memory_space<hbm>>
            tpu.enqueue_dma source(%dma_start3A_200 : memref<2000xf32, #tpu.memory_space<hbm>>) target(%arg13 : memref<2000xf32, #tpu.memory_space<vmem>>) target_semaphore(%arg15 : memref<!tpu.dma_semaphore, #tpu.memory_space<semaphore_mem>>)
            %mul3A_201 = arith.constant 200000 : i32
            %mul3A_202 = arith.muli %add3A_9, %mul3A_201 : i32
            %add3A_203 = arith.constant 0 : i32
            %add3A_204 = arith.addi %mul3A_202, %add3A_203 : i32
            %dma_wait3A_205 = tpu.memref_slice %arg5[%add3A_204] : memref<78600000xf32, #tpu.memory_space<hbm>> -> memref<2000xf32, #tpu.memory_space<hbm>>
            %dma_wait3A_206 = tpu.memref_slice %arg5[%add3A_204] : memref<78600000xf32, #tpu.memory_space<hbm>> -> memref<2000xf32, #tpu.memory_space<hbm>>
            tpu.wait_dma2 semaphore(%arg16 : memref<!tpu.dma_semaphore, #tpu.memory_space<semaphore_mem>>) src(%arg14 : memref<2000xf32, #tpu.memory_space<vmem>>) dst(%dma_wait3A_206 : memref<2000xf32, #tpu.memory_space<hbm>>)
            %add3A_207 = arith.constant 4 : i32
            %add3A_208 = arith.addi %mul3A_72, %add3A_207 : i32
            %add3A_209 = arith.constant 3 : i32
            %add3A_210 = arith.addi %add3A_208, %add3A_209 : i32
            %mul3A_211 = arith.constant 2000 : i32
            %mul3A_212 = arith.muli %add3A_210, %mul3A_211 : i32
            %mul3A_213 = arith.constant 200000 : i32
            %mul3A_214 = arith.muli %add3A_9, %mul3A_213 : i32
            %add3A_215 = arith.addi %mul3A_214, %mul3A_212 : i32
            %dma_start3A_216 = tpu.memref_slice %arg4[%add3A_215] : memref<1800000xf32, #tpu.memory_space<hbm>> -> memref<2000xf32, #tpu.memory_space<hbm>>
            %dma_start3A_217 = tpu.memref_slice %arg4[%add3A_215] : memref<1800000xf32, #tpu.memory_space<hbm>> -> memref<2000xf32, #tpu.memory_space<hbm>>
            tpu.enqueue_dma source(%dma_start3A_217 : memref<2000xf32, #tpu.memory_space<hbm>>) target(%arg14 : memref<2000xf32, #tpu.memory_space<vmem>>) target_semaphore(%arg15 : memref<!tpu.dma_semaphore, #tpu.memory_space<semaphore_mem>>)
          } else {
          }
        }
        %scan3A_46 = arith.constant 25 : i32
        %mul3A_47 = arith.constant 200000 : i32
        %mul3A_48 = arith.muli %add3A_9, %mul3A_47 : i32
        %add3A_49 = arith.constant 0 : i32
        %add3A_50 = arith.addi %mul3A_48, %add3A_49 : i32
        %dma_wait3A = tpu.memref_slice %arg5[%add3A_50] : memref<78600000xf32, #tpu.memory_space<hbm>> -> memref<2000xf32, #tpu.memory_space<hbm>>
        %dma_wait3A_51 = tpu.memref_slice %arg5[%add3A_50] : memref<78600000xf32, #tpu.memory_space<hbm>> -> memref<2000xf32, #tpu.memory_space<hbm>>
        tpu.wait_dma2 semaphore(%arg16 : memref<!tpu.dma_semaphore, #tpu.memory_space<semaphore_mem>>) src(%arg11 : memref<2000xf32, #tpu.memory_space<vmem>>) dst(%dma_wait3A_51 : memref<2000xf32, #tpu.memory_space<hbm>>)
        %mul3A_52 = arith.constant 200000 : i32
        %mul3A_53 = arith.muli %add3A_9, %mul3A_52 : i32
        %add3A_54 = arith.constant 0 : i32
        %add3A_55 = arith.addi %mul3A_53, %add3A_54 : i32
        %dma_wait3A_56 = tpu.memref_slice %arg5[%add3A_55] : memref<78600000xf32, #tpu.memory_space<hbm>> -> memref<2000xf32, #tpu.memory_space<hbm>>
        %dma_wait3A_57 = tpu.memref_slice %arg5[%add3A_55] : memref<78600000xf32, #tpu.memory_space<hbm>> -> memref<2000xf32, #tpu.memory_space<hbm>>
        tpu.wait_dma2 semaphore(%arg16 : memref<!tpu.dma_semaphore, #tpu.memory_space<semaphore_mem>>) src(%arg12 : memref<2000xf32, #tpu.memory_space<vmem>>) dst(%dma_wait3A_57 : memref<2000xf32, #tpu.memory_space<hbm>>)
        %mul3A_58 = arith.constant 200000 : i32
        %mul3A_59 = arith.muli %add3A_9, %mul3A_58 : i32
        %add3A_60 = arith.constant 0 : i32
        %add3A_61 = arith.addi %mul3A_59, %add3A_60 : i32
        %dma_wait3A_62 = tpu.memref_slice %arg5[%add3A_61] : memref<78600000xf32, #tpu.memory_space<hbm>> -> memref<2000xf32, #tpu.memory_space<hbm>>
        %dma_wait3A_63 = tpu.memref_slice %arg5[%add3A_61] : memref<78600000xf32, #tpu.memory_space<hbm>> -> memref<2000xf32, #tpu.memory_space<hbm>>
        tpu.wait_dma2 semaphore(%arg16 : memref<!tpu.dma_semaphore, #tpu.memory_space<semaphore_mem>>) src(%arg13 : memref<2000xf32, #tpu.memory_space<vmem>>) dst(%dma_wait3A_63 : memref<2000xf32, #tpu.memory_space<hbm>>)
        %mul3A_64 = arith.constant 200000 : i32
        %mul3A_65 = arith.muli %add3A_9, %mul3A_64 : i32
        %add3A_66 = arith.constant 0 : i32
        %add3A_67 = arith.addi %mul3A_65, %add3A_66 : i32
        %dma_wait3A_68 = tpu.memref_slice %arg5[%add3A_67] : memref<78600000xf32, #tpu.memory_space<hbm>> -> memref<2000xf32, #tpu.memory_space<hbm>>
        %dma_wait3A_69 = tpu.memref_slice %arg5[%add3A_67] : memref<78600000xf32, #tpu.memory_space<hbm>> -> memref<2000xf32, #tpu.memory_space<hbm>>
        tpu.wait_dma2 semaphore(%arg16 : memref<!tpu.dma_semaphore, #tpu.memory_space<semaphore_mem>>) src(%arg14 : memref<2000xf32, #tpu.memory_space<vmem>>) dst(%dma_wait3A_69 : memref<2000xf32, #tpu.memory_space<hbm>>)
      } else {
      }
      %ge3A = arith.constant 9 : i32
      %ge3A_12 = arith.cmpi sge, %add3A_9, %ge3A : i32
      %lt3A_13 = arith.constant 393 : i32
      %lt3A_14 = arith.cmpi slt, %add3A_9, %lt3A_13 : i32
      %and3A = arith.andi %ge3A_12, %lt3A_14 : i1
      %convert_element_type3A_15 = arith.extui %and3A : i1 to i32
      %cond3A_16 = arith.constant 0 : i32
      %cond3A_17 = arith.cmpi ne, %convert_element_type3A_15, %cond3A_16 : i32
      scf.if %cond3A_17 {
        %sub3A = arith.constant 9 : i32
        %sub3A_18 = arith.subi %add3A_9, %sub3A : i32
        %jit3A = arith.constant 128 : i32
        %div3A = arith.divsi %sub3A_18, %jit3A : i32
        %sign3A = arith.constant 0 : i32
        %sign3A_19 = arith.cmpi sgt, %sub3A_18, %sign3A : i32
        %sign3A_20 = arith.extui %sign3A_19 : i1 to i32
        %sign3A_21 = arith.constant 0 : i32
        %sign3A_22 = arith.cmpi slt, %sub3A_18, %sign3A_21 : i32
        %sign3A_23 = arith.extui %sign3A_22 : i1 to i32
        %sign3A_24 = arith.subi %sign3A_20, %sign3A_23 : i32
        %sign3A_25 = arith.constant 0 : i32
        %sign3A_26 = arith.cmpi sgt, %jit3A, %sign3A_25 : i32
        %sign3A_27 = arith.extui %sign3A_26 : i1 to i32
        %sign3A_28 = arith.constant 0 : i32
        %sign3A_29 = arith.cmpi slt, %jit3A, %sign3A_28 : i32
        %sign3A_30 = arith.extui %sign3A_29 : i1 to i32
        %sign3A_31 = arith.subi %sign3A_27, %sign3A_30 : i32
        %ne3A = arith.cmpi ne, %sign3A_24, %sign3A_31 : i32
        %rem3A = arith.remsi %sub3A_18, %jit3A : i32
        %ne3A_32 = arith.constant 0 : i32
        %ne3A_33 = arith.cmpi ne, %rem3A, %ne3A_32 : i32
        %and3A_34 = arith.andi %ne3A, %ne3A_33 : i1
        %sub3A_35 = arith.constant 1 : i32
        %sub3A_36 = arith.subi %div3A, %sub3A_35 : i32
        %select_n3A = arith.select %and3A_34, %sub3A_36, %div3A : i32
        %jit3A_37 = arith.constant 128 : i32
        %eq3A = arith.constant 0 : i32
        %eq3A_38 = arith.cmpi eq, %jit3A_37, %eq3A : i32
        %jit3A_39 = arith.constant 1 : i32
        %select_n3A_40 = arith.select %eq3A_38, %jit3A_39, %jit3A_37 : i32
        %rem3A_41 = arith.remsi %sub3A_18, %select_n3A_40 : i32
        %ne3A_42 = arith.constant 0 : i32
        %ne3A_43 = arith.cmpi ne, %rem3A_41, %ne3A_42 : i32
        %lt3A_44 = arith.constant 0 : i32
        %lt3A_45 = arith.cmpi slt, %rem3A_41, %lt3A_44 : i32
        %lt3A_46 = arith.constant 0 : i32
        %lt3A_47 = arith.cmpi slt, %select_n3A_40, %lt3A_46 : i32
        %ne3A_48 = arith.xori %lt3A_45, %lt3A_47 : i1
        %and3A_49 = arith.andi %ne3A_48, %ne3A_43 : i1
        %add3A_50 = arith.addi %rem3A_41, %select_n3A_40 : i32
        %select_n3A_51 = arith.select %and3A_49, %add3A_50, %rem3A_41 : i32
        %mul3A_52 = arith.constant 100000 : i32
        %mul3A_53 = arith.muli %select_n3A_51, %mul3A_52 : i32
        "tpu.region"() ({
          %run_scoped3A = tpu.sem_alloc : memref<!tpu.dma_semaphore, #tpu.memory_space<semaphore_mem>>
          %dma_start3A_106 = tpu.memref_slice %arg2[%mul3A_53] : memref<12800000xf32, #tpu.memory_space<hbm>> -> memref<100000xf32, #tpu.memory_space<hbm>>
          %dma_start3A_107 = tpu.memref_slice %arg2[%mul3A_53] : memref<12800000xf32, #tpu.memory_space<hbm>> -> memref<100000xf32, #tpu.memory_space<hbm>>
          tpu.enqueue_dma source(%dma_start3A_107 : memref<100000xf32, #tpu.memory_space<hbm>>) target(%arg6 : memref<100000xf32, #tpu.memory_space<vmem>>) target_semaphore(%run_scoped3A : memref<!tpu.dma_semaphore, #tpu.memory_space<semaphore_mem>>)
          %dma_wait3A_108 = tpu.memref_slice %arg2[%mul3A_53] : memref<12800000xf32, #tpu.memory_space<hbm>> -> memref<100000xf32, #tpu.memory_space<hbm>>
          %dma_wait3A_109 = tpu.memref_slice %arg2[%mul3A_53] : memref<12800000xf32, #tpu.memory_space<hbm>> -> memref<100000xf32, #tpu.memory_space<hbm>>
          tpu.wait_dma2 semaphore(%run_scoped3A : memref<!tpu.dma_semaphore, #tpu.memory_space<semaphore_mem>>) src(%dma_wait3A_109 : memref<100000xf32, #tpu.memory_space<hbm>>) dst(%arg6 : memref<100000xf32, #tpu.memory_space<vmem>>)
          tpu.yield
        }) : () -> ()
        %mul3A_54 = arith.constant 200000 : i32
        %mul3A_55 = arith.muli %select_n3A, %mul3A_54 : i32
        %add3A_56 = arith.constant 0 : i32
        %add3A_57 = arith.addi %mul3A_55, %add3A_56 : i32
        %dma_start3A = tpu.memref_slice %arg3[%add3A_57] : memref<600000xi32, #tpu.memory_space<hbm>> -> memref<2000xi32, #tpu.memory_space<hbm>>
        %dma_start3A_58 = tpu.memref_slice %arg3[%add3A_57] : memref<600000xi32, #tpu.memory_space<hbm>> -> memref<2000xi32, #tpu.memory_space<hbm>>
        tpu.enqueue_dma source(%dma_start3A_58 : memref<2000xi32, #tpu.memory_space<hbm>>) target(%arg7 : memref<2000xi32, #tpu.memory_space<vmem>>) target_semaphore(%arg15 : memref<!tpu.dma_semaphore, #tpu.memory_space<semaphore_mem>>)
        %mul3A_59 = arith.constant 200000 : i32
        %mul3A_60 = arith.muli %select_n3A, %mul3A_59 : i32
        %add3A_61 = arith.constant 2000 : i32
        %add3A_62 = arith.addi %mul3A_60, %add3A_61 : i32
        %dma_start3A_63 = tpu.memref_slice %arg3[%add3A_62] : memref<600000xi32, #tpu.memory_space<hbm>> -> memref<2000xi32, #tpu.memory_space<hbm>>
        %dma_start3A_64 = tpu.memref_slice %arg3[%add3A_62] : memref<600000xi32, #tpu.memory_space<hbm>> -> memref<2000xi32, #tpu.memory_space<hbm>>
        tpu.enqueue_dma source(%dma_start3A_64 : memref<2000xi32, #tpu.memory_space<hbm>>) target(%arg8 : memref<2000xi32, #tpu.memory_space<vmem>>) target_semaphore(%arg15 : memref<!tpu.dma_semaphore, #tpu.memory_space<semaphore_mem>>)
        %mul3A_65 = arith.constant 200000 : i32
        %mul3A_66 = arith.muli %select_n3A, %mul3A_65 : i32
        %add3A_67 = arith.constant 4000 : i32
        %add3A_68 = arith.addi %mul3A_66, %add3A_67 : i32
        %dma_start3A_69 = tpu.memref_slice %arg3[%add3A_68] : memref<600000xi32, #tpu.memory_space<hbm>> -> memref<2000xi32, #tpu.memory_space<hbm>>
        %dma_start3A_70 = tpu.memref_slice %arg3[%add3A_68] : memref<600000xi32, #tpu.memory_space<hbm>> -> memref<2000xi32, #tpu.memory_space<hbm>>
        tpu.enqueue_dma source(%dma_start3A_70 : memref<2000xi32, #tpu.memory_space<hbm>>) target(%arg9 : memref<2000xi32, #tpu.memory_space<vmem>>) target_semaphore(%arg15 : memref<!tpu.dma_semaphore, #tpu.memory_space<semaphore_mem>>)
        %mul3A_71 = arith.constant 200000 : i32
        %mul3A_72 = arith.muli %select_n3A, %mul3A_71 : i32
        %add3A_73 = arith.constant 6000 : i32
        %add3A_74 = arith.addi %mul3A_72, %add3A_73 : i32
        %dma_start3A_75 = tpu.memref_slice %arg3[%add3A_74] : memref<600000xi32, #tpu.memory_space<hbm>> -> memref<2000xi32, #tpu.memory_space<hbm>>
        %dma_start3A_76 = tpu.memref_slice %arg3[%add3A_74] : memref<600000xi32, #tpu.memory_space<hbm>> -> memref<2000xi32, #tpu.memory_space<hbm>>
        tpu.enqueue_dma source(%dma_start3A_76 : memref<2000xi32, #tpu.memory_space<hbm>>) target(%arg10 : memref<2000xi32, #tpu.memory_space<vmem>>) target_semaphore(%arg15 : memref<!tpu.dma_semaphore, #tpu.memory_space<semaphore_mem>>)
        %scan3A_77 = arith.constant 0 : i32
        %scan3A_78 = arith.constant 0 : i32
        %scan3A_79 = arith.constant 25 : i32
        %scan3A_80 = arith.addi %scan3A_78, %scan3A_79 : i32
        %scan3A_81 = arith.constant 1 : i32
        scf.for %scan3A_106 = %scan3A_78 to %scan3A_80 step %scan3A_81  : i32 {
          %mul3A_107 = arith.constant 4 : i32
          %mul3A_108 = arith.muli %mul3A_107, %scan3A_106 : i32
          %add3A_109 = arith.constant 0 : i32
          %add3A_110 = arith.addi %mul3A_108, %add3A_109 : i32
          %mul3A_111 = arith.constant 2000 : i32
          %mul3A_112 = arith.muli %add3A_110, %mul3A_111 : i32
          %mul3A_113 = arith.constant 200000 : i32
          %mul3A_114 = arith.muli %select_n3A, %mul3A_113 : i32
          %add3A_115 = arith.addi %mul3A_114, %mul3A_112 : i32
          %dma_wait3A_116 = tpu.memref_slice %arg3[%add3A_115] : memref<600000xi32, #tpu.memory_space<hbm>> -> memref<2000xi32, #tpu.memory_space<hbm>>
          %dma_wait3A_117 = tpu.memref_slice %arg3[%add3A_115] : memref<600000xi32, #tpu.memory_space<hbm>> -> memref<2000xi32, #tpu.memory_space<hbm>>
          tpu.wait_dma2 semaphore(%arg15 : memref<!tpu.dma_semaphore, #tpu.memory_space<semaphore_mem>>) src(%dma_wait3A_117 : memref<2000xi32, #tpu.memory_space<hbm>>) dst(%arg7 : memref<2000xi32, #tpu.memory_space<vmem>>)
          %gt3A = arith.constant 0 : i32
          %gt3A_118 = arith.cmpi sgt, %scan3A_106, %gt3A : i32
          %convert_element_type3A_119 = arith.extui %gt3A_118 : i1 to i32
          %cond3A_120 = arith.constant 0 : i32
          %cond3A_121 = arith.cmpi ne, %convert_element_type3A_119, %cond3A_120 : i32
          scf.if %cond3A_121 {
            %mul3A_2717 = arith.constant 200000 : i32
            %mul3A_2718 = arith.muli %add3A_9, %mul3A_2717 : i32
            %add3A_2719 = arith.constant 0 : i32
            %add3A_2720 = arith.addi %mul3A_2718, %add3A_2719 : i32
            %dma_wait3A_2721 = tpu.memref_slice %arg5[%add3A_2720] : memref<78600000xf32, #tpu.memory_space<hbm>> -> memref<2000xf32, #tpu.memory_space<hbm>>
            %dma_wait3A_2722 = tpu.memref_slice %arg5[%add3A_2720] : memref<78600000xf32, #tpu.memory_space<hbm>> -> memref<2000xf32, #tpu.memory_space<hbm>>
            tpu.wait_dma2 semaphore(%arg16 : memref<!tpu.dma_semaphore, #tpu.memory_space<semaphore_mem>>) src(%arg11 : memref<2000xf32, #tpu.memory_space<vmem>>) dst(%dma_wait3A_2722 : memref<2000xf32, #tpu.memory_space<hbm>>)
          } else {
          }
          %get3A = arith.constant 0 : index
          %get3A_122 = tpu.vector_load %arg7[%get3A] {strides = array<i32>} : memref<2000xi32, #tpu.memory_space<vmem>>, vector<16xi32>,
          %gather3A = tpu.vector_load_idx %arg6[%get3A_122] : memref<100000xf32, #tpu.memory_space<vmem>>[vector<16xi32>], vector<16xf32>,
          %swap3A = arith.constant 0 : index
          %swap3A_123 = tpu.vector_load %arg11[%swap3A] {strides = array<i32>} : memref<2000xf32, #tpu.memory_space<vmem>>, vector<16xf32>,
          tpu.vector_store %arg11[%swap3A], %gather3A {strides = array<i32>} : memref<2000xf32, #tpu.memory_space<vmem>>, vector<16xf32>,
          %get3A_124 = arith.constant 16 : index
          %get3A_125 = tpu.vector_load %arg7[%get3A_124] {strides = array<i32>} : memref<2000xi32, #tpu.memory_space<vmem>>, vector<16xi32>,
          %gather3A_126 = tpu.vector_load_idx %arg6[%get3A_125] : memref<100000xf32, #tpu.memory_space<vmem>>[vector<16xi32>], vector<16xf32>,
          %swap3A_127 = arith.constant 16 : index
          %swap3A_128 = tpu.vector_load %arg11[%swap3A_127] {strides = array<i32>} : memref<2000xf32, #tpu.memory_space<vmem>>, vector<16xf32>,
          tpu.vector_store %arg11[%swap3A_127], %gather3A_126 {strides = array<i32>} : memref<2000xf32, #tpu.memory_space<vmem>>, vector<16xf32>,
          %get3A_129 = arith.constant 32 : index
          %get3A_130 = tpu.vector_load %arg7[%get3A_129] {strides = array<i32>} : memref<2000xi32, #tpu.memory_space<vmem>>, vector<16xi32>,
          %gather3A_131 = tpu.vector_load_idx %arg6[%get3A_130] : memref<100000xf32, #tpu.memory_space<vmem>>[vector<16xi32>], vector<16xf32>,
          %swap3A_132 = arith.constant 32 : index
          %swap3A_133 = tpu.vector_load %arg11[%swap3A_132] {strides = array<i32>} : memref<2000xf32, #tpu.memory_space<vmem>>, vector<16xf32>,
          tpu.vector_store %arg11[%swap3A_132], %gather3A_131 {strides = array<i32>} : memref<2000xf32, #tpu.memory_space<vmem>>, vector<16xf32>,
          %get3A_134 = arith.constant 48 : index
          %get3A_135 = tpu.vector_load %arg7[%get3A_134] {strides = array<i32>} : memref<2000xi32, #tpu.memory_space<vmem>>, vector<16xi32>,
          %gather3A_136 = tpu.vector_load_idx %arg6[%get3A_135] : memref<100000xf32, #tpu.memory_space<vmem>>[vector<16xi32>], vector<16xf32>,
          %swap3A_137 = arith.constant 48 : index
          %swap3A_138 = tpu.vector_load %arg11[%swap3A_137] {strides = array<i32>} : memref<2000xf32, #tpu.memory_space<vmem>>, vector<16xf32>,
          tpu.vector_store %arg11[%swap3A_137], %gather3A_136 {strides = array<i32>} : memref<2000xf32, #tpu.memory_space<vmem>>, vector<16xf32>,
          %get3A_139 = arith.constant 64 : index
          %get3A_140 = tpu.vector_load %arg7[%get3A_139] {strides = array<i32>} : memref<2000xi32, #tpu.memory_space<vmem>>, vector<16xi32>,
          %gather3A_141 = tpu.vector_load_idx %arg6[%get3A_140] : memref<100000xf32, #tpu.memory_space<vmem>>[vector<16xi32>], vector<16xf32>,
          %swap3A_142 = arith.constant 64 : index
          %swap3A_143 = tpu.vector_load %arg11[%swap3A_142] {strides = array<i32>} : memref<2000xf32, #tpu.memory_space<vmem>>, vector<16xf32>,
          tpu.vector_store %arg11[%swap3A_142], %gather3A_141 {strides = array<i32>} : memref<2000xf32, #tpu.memory_space<vmem>>, vector<16xf32>,
          %get3A_144 = arith.constant 80 : index
          %get3A_145 = tpu.vector_load %arg7[%get3A_144] {strides = array<i32>} : memref<2000xi32, #tpu.memory_space<vmem>>, vector<16xi32>,
          %gather3A_146 = tpu.vector_load_idx %arg6[%get3A_145] : memref<100000xf32, #tpu.memory_space<vmem>>[vector<16xi32>], vector<16xf32>,
          %swap3A_147 = arith.constant 80 : index
          %swap3A_148 = tpu.vector_load %arg11[%swap3A_147] {strides = array<i32>} : memref<2000xf32, #tpu.memory_space<vmem>>, vector<16xf32>,
          tpu.vector_store %arg11[%swap3A_147], %gather3A_146 {strides = array<i32>} : memref<2000xf32, #tpu.memory_space<vmem>>, vector<16xf32>,
          %get3A_149 = arith.constant 96 : index
          %get3A_150 = tpu.vector_load %arg7[%get3A_149] {strides = array<i32>} : memref<2000xi32, #tpu.memory_space<vmem>>, vector<16xi32>,
          %gather3A_151 = tpu.vector_load_idx %arg6[%get3A_150] : memref<100000xf32, #tpu.memory_space<vmem>>[vector<16xi32>], vector<16xf32>,
          %swap3A_152 = arith.constant 96 : index
          %swap3A_153 = tpu.vector_load %arg11[%swap3A_152] {strides = array<i32>} : memref<2000xf32, #tpu.memory_space<vmem>>, vector<16xf32>,
          tpu.vector_store %arg11[%swap3A_152], %gather3A_151 {strides = array<i32>} : memref<2000xf32, #tpu.memory_space<vmem>>, vector<16xf32>,
          %get3A_154 = arith.constant 112 : index
          %get3A_155 = tpu.vector_load %arg7[%get3A_154] {strides = array<i32>} : memref<2000xi32, #tpu.memory_space<vmem>>, vector<16xi32>,
          %gather3A_156 = tpu.vector_load_idx %arg6[%get3A_155] : memref<100000xf32, #tpu.memory_space<vmem>>[vector<16xi32>], vector<16xf32>,
          %swap3A_157 = arith.constant 112 : index
          %swap3A_158 = tpu.vector_load %arg11[%swap3A_157] {strides = array<i32>} : memref<2000xf32, #tpu.memory_space<vmem>>, vector<16xf32>,
          tpu.vector_store %arg11[%swap3A_157], %gather3A_156 {strides = array<i32>} : memref<2000xf32, #tpu.memory_space<vmem>>, vector<16xf32>,
          %get3A_159 = arith.constant 128 : index
          %get3A_160 = tpu.vector_load %arg7[%get3A_159] {strides = array<i32>} : memref<2000xi32, #tpu.memory_space<vmem>>, vector<16xi32>,
          %gather3A_161 = tpu.vector_load_idx %arg6[%get3A_160] : memref<100000xf32, #tpu.memory_space<vmem>>[vector<16xi32>], vector<16xf32>,
          %swap3A_162 = arith.constant 128 : index
          %swap3A_163 = tpu.vector_load %arg11[%swap3A_162] {strides = array<i32>} : memref<2000xf32, #tpu.memory_space<vmem>>, vector<16xf32>,
          tpu.vector_store %arg11[%swap3A_162], %gather3A_161 {strides = array<i32>} : memref<2000xf32, #tpu.memory_space<vmem>>, vector<16xf32>,
          %get3A_164 = arith.constant 144 : index
          %get3A_165 = tpu.vector_load %arg7[%get3A_164] {strides = array<i32>} : memref<2000xi32, #tpu.memory_space<vmem>>, vector<16xi32>,
          %gather3A_166 = tpu.vector_load_idx %arg6[%get3A_165] : memref<100000xf32, #tpu.memory_space<vmem>>[vector<16xi32>], vector<16xf32>,
          %swap3A_167 = arith.constant 144 : index
          %swap3A_168 = tpu.vector_load %arg11[%swap3A_167] {strides = array<i32>} : memref<2000xf32, #tpu.memory_space<vmem>>, vector<16xf32>,
          tpu.vector_store %arg11[%swap3A_167], %gather3A_166 {strides = array<i32>} : memref<2000xf32, #tpu.memory_space<vmem>>, vector<16xf32>,
          %get3A_169 = arith.constant 160 : index
          %get3A_170 = tpu.vector_load %arg7[%get3A_169] {strides = array<i32>} : memref<2000xi32, #tpu.memory_space<vmem>>, vector<16xi32>,
          %gather3A_171 = tpu.vector_load_idx %arg6[%get3A_170] : memref<100000xf32, #tpu.memory_space<vmem>>[vector<16xi32>], vector<16xf32>,
          %swap3A_172 = arith.constant 160 : index
          %swap3A_173 = tpu.vector_load %arg11[%swap3A_172] {strides = array<i32>} : memref<2000xf32, #tpu.memory_space<vmem>>, vector<16xf32>,
          tpu.vector_store %arg11[%swap3A_172], %gather3A_171 {strides = array<i32>} : memref<2000xf32, #tpu.memory_space<vmem>>, vector<16xf32>,
          %get3A_174 = arith.constant 176 : index
          %get3A_175 = tpu.vector_load %arg7[%get3A_174] {strides = array<i32>} : memref<2000xi32, #tpu.memory_space<vmem>>, vector<16xi32>,
          %gather3A_176 = tpu.vector_load_idx %arg6[%get3A_175] : memref<100000xf32, #tpu.memory_space<vmem>>[vector<16xi32>], vector<16xf32>,
          %swap3A_177 = arith.constant 176 : index
          %swap3A_178 = tpu.vector_load %arg11[%swap3A_177] {strides = array<i32>} : memref<2000xf32, #tpu.memory_space<vmem>>, vector<16xf32>,
          tpu.vector_store %arg11[%swap3A_177], %gather3A_176 {strides = array<i32>} : memref<2000xf32, #tpu.memory_space<vmem>>, vector<16xf32>,
          %get3A_179 = arith.constant 192 : index
          %get3A_180 = tpu.vector_load %arg7[%get3A_179] {strides = array<i32>} : memref<2000xi32, #tpu.memory_space<vmem>>, vector<16xi32>,
          %gather3A_181 = tpu.vector_load_idx %arg6[%get3A_180] : memref<100000xf32, #tpu.memory_space<vmem>>[vector<16xi32>], vector<16xf32>,
          %swap3A_182 = arith.constant 192 : index
          %swap3A_183 = tpu.vector_load %arg11[%swap3A_182] {strides = array<i32>} : memref<2000xf32, #tpu.memory_space<vmem>>, vector<16xf32>,
          tpu.vector_store %arg11[%swap3A_182], %gather3A_181 {strides = array<i32>} : memref<2000xf32, #tpu.memory_space<vmem>>, vector<16xf32>,
          %get3A_184 = arith.constant 208 : index
          %get3A_185 = tpu.vector_load %arg7[%get3A_184] {strides = array<i32>} : memref<2000xi32, #tpu.memory_space<vmem>>, vector<16xi32>,
          %gather3A_186 = tpu.vector_load_idx %arg6[%get3A_185] : memref<100000xf32, #tpu.memory_space<vmem>>[vector<16xi32>], vector<16xf32>,
          %swap3A_187 = arith.constant 208 : index
          %swap3A_188 = tpu.vector_load %arg11[%swap3A_187] {strides = array<i32>} : memref<2000xf32, #tpu.memory_space<vmem>>, vector<16xf32>,
          tpu.vector_store %arg11[%swap3A_187], %gather3A_186 {strides = array<i32>} : memref<2000xf32, #tpu.memory_space<vmem>>, vector<16xf32>,
          %get3A_189 = arith.constant 224 : index
          %get3A_190 = tpu.vector_load %arg7[%get3A_189] {strides = array<i32>} : memref<2000xi32, #tpu.memory_space<vmem>>, vector<16xi32>,
          %gather3A_191 = tpu.vector_load_idx %arg6[%get3A_190] : memref<100000xf32, #tpu.memory_space<vmem>>[vector<16xi32>], vector<16xf32>,
          %swap3A_192 = arith.constant 224 : index
          %swap3A_193 = tpu.vector_load %arg11[%swap3A_192] {strides = array<i32>} : memref<2000xf32, #tpu.memory_space<vmem>>, vector<16xf32>,
          tpu.vector_store %arg11[%swap3A_192], %gather3A_191 {strides = array<i32>} : memref<2000xf32, #tpu.memory_space<vmem>>, vector<16xf32>,
          %get3A_194 = arith.constant 240 : index
          %get3A_195 = tpu.vector_load %arg7[%get3A_194] {strides = array<i32>} : memref<2000xi32, #tpu.memory_space<vmem>>, vector<16xi32>,
          %gather3A_196 = tpu.vector_load_idx %arg6[%get3A_195] : memref<100000xf32, #tpu.memory_space<vmem>>[vector<16xi32>], vector<16xf32>,
          %swap3A_197 = arith.constant 240 : index
          %swap3A_198 = tpu.vector_load %arg11[%swap3A_197] {strides = array<i32>} : memref<2000xf32, #tpu.memory_space<vmem>>, vector<16xf32>,
          tpu.vector_store %arg11[%swap3A_197], %gather3A_196 {strides = array<i32>} : memref<2000xf32, #tpu.memory_space<vmem>>, vector<16xf32>,
          %get3A_199 = arith.constant 256 : index
          %get3A_200 = tpu.vector_load %arg7[%get3A_199] {strides = array<i32>} : memref<2000xi32, #tpu.memory_space<vmem>>, vector<16xi32>,
          %gather3A_201 = tpu.vector_load_idx %arg6[%get3A_200] : memref<100000xf32, #tpu.memory_space<vmem>>[vector<16xi32>], vector<16xf32>,
          %swap3A_202 = arith.constant 256 : index
          %swap3A_203 = tpu.vector_load %arg11[%swap3A_202] {strides = array<i32>} : memref<2000xf32, #tpu.memory_space<vmem>>, vector<16xf32>,
          tpu.vector_store %arg11[%swap3A_202], %gather3A_201 {strides = array<i32>} : memref<2000xf32, #tpu.memory_space<vmem>>, vector<16xf32>,
          %get3A_204 = arith.constant 272 : index
          %get3A_205 = tpu.vector_load %arg7[%get3A_204] {strides = array<i32>} : memref<2000xi32, #tpu.memory_space<vmem>>, vector<16xi32>,
          %gather3A_206 = tpu.vector_load_idx %arg6[%get3A_205] : memref<100000xf32, #tpu.memory_space<vmem>>[vector<16xi32>], vector<16xf32>,
          %swap3A_207 = arith.constant 272 : index
          %swap3A_208 = tpu.vector_load %arg11[%swap3A_207] {strides = array<i32>} : memref<2000xf32, #tpu.memory_space<vmem>>, vector<16xf32>,
          tpu.vector_store %arg11[%swap3A_207], %gather3A_206 {strides = array<i32>} : memref<2000xf32, #tpu.memory_space<vmem>>, vector<16xf32>,
          %get3A_209 = arith.constant 288 : index
          %get3A_210 = tpu.vector_load %arg7[%get3A_209] {strides = array<i32>} : memref<2000xi32, #tpu.memory_space<vmem>>, vector<16xi32>,
          %gather3A_211 = tpu.vector_load_idx %arg6[%get3A_210] : memref<100000xf32, #tpu.memory_space<vmem>>[vector<16xi32>], vector<16xf32>,
          %swap3A_212 = arith.constant 288 : index
          %swap3A_213 = tpu.vector_load %arg11[%swap3A_212] {strides = array<i32>} : memref<2000xf32, #tpu.memory_space<vmem>>, vector<16xf32>,
          tpu.vector_store %arg11[%swap3A_212], %gather3A_211 {strides = array<i32>} : memref<2000xf32, #tpu.memory_space<vmem>>, vector<16xf32>,
          %get3A_214 = arith.constant 304 : index
          %get3A_215 = tpu.vector_load %arg7[%get3A_214] {strides = array<i32>} : memref<2000xi32, #tpu.memory_space<vmem>>, vector<16xi32>,
          %gather3A_216 = tpu.vector_load_idx %arg6[%get3A_215] : memref<100000xf32, #tpu.memory_space<vmem>>[vector<16xi32>], vector<16xf32>,
          %swap3A_217 = arith.constant 304 : index
          %swap3A_218 = tpu.vector_load %arg11[%swap3A_217] {strides = array<i32>} : memref<2000xf32, #tpu.memory_space<vmem>>, vector<16xf32>,
          tpu.vector_store %arg11[%swap3A_217], %gather3A_216 {strides = array<i32>} : memref<2000xf32, #tpu.memory_space<vmem>>, vector<16xf32>,
          %get3A_219 = arith.constant 320 : index
          %get3A_220 = tpu.vector_load %arg7[%get3A_219] {strides = array<i32>} : memref<2000xi32, #tpu.memory_space<vmem>>, vector<16xi32>,
          %gather3A_221 = tpu.vector_load_idx %arg6[%get3A_220] : memref<100000xf32, #tpu.memory_space<vmem>>[vector<16xi32>], vector<16xf32>,
          %swap3A_222 = arith.constant 320 : index
          %swap3A_223 = tpu.vector_load %arg11[%swap3A_222] {strides = array<i32>} : memref<2000xf32, #tpu.memory_space<vmem>>, vector<16xf32>,
          tpu.vector_store %arg11[%swap3A_222], %gather3A_221 {strides = array<i32>} : memref<2000xf32, #tpu.memory_space<vmem>>, vector<16xf32>,
          %get3A_224 = arith.constant 336 : index
          %get3A_225 = tpu.vector_load %arg7[%get3A_224] {strides = array<i32>} : memref<2000xi32, #tpu.memory_space<vmem>>, vector<16xi32>,
          %gather3A_226 = tpu.vector_load_idx %arg6[%get3A_225] : memref<100000xf32, #tpu.memory_space<vmem>>[vector<16xi32>], vector<16xf32>,
          %swap3A_227 = arith.constant 336 : index
          %swap3A_228 = tpu.vector_load %arg11[%swap3A_227] {strides = array<i32>} : memref<2000xf32, #tpu.memory_space<vmem>>, vector<16xf32>,
          tpu.vector_store %arg11[%swap3A_227], %gather3A_226 {strides = array<i32>} : memref<2000xf32, #tpu.memory_space<vmem>>, vector<16xf32>,
          %get3A_229 = arith.constant 352 : index
          %get3A_230 = tpu.vector_load %arg7[%get3A_229] {strides = array<i32>} : memref<2000xi32, #tpu.memory_space<vmem>>, vector<16xi32>,
          %gather3A_231 = tpu.vector_load_idx %arg6[%get3A_230] : memref<100000xf32, #tpu.memory_space<vmem>>[vector<16xi32>], vector<16xf32>,
          %swap3A_232 = arith.constant 352 : index
          %swap3A_233 = tpu.vector_load %arg11[%swap3A_232] {strides = array<i32>} : memref<2000xf32, #tpu.memory_space<vmem>>, vector<16xf32>,
          tpu.vector_store %arg11[%swap3A_232], %gather3A_231 {strides = array<i32>} : memref<2000xf32, #tpu.memory_space<vmem>>, vector<16xf32>,
          %get3A_234 = arith.constant 368 : index
          %get3A_235 = tpu.vector_load %arg7[%get3A_234] {strides = array<i32>} : memref<2000xi32, #tpu.memory_space<vmem>>, vector<16xi32>,
          %gather3A_236 = tpu.vector_load_idx %arg6[%get3A_235] : memref<100000xf32, #tpu.memory_space<vmem>>[vector<16xi32>], vector<16xf32>,
          %swap3A_237 = arith.constant 368 : index
          %swap3A_238 = tpu.vector_load %arg11[%swap3A_237] {strides = array<i32>} : memref<2000xf32, #tpu.memory_space<vmem>>, vector<16xf32>,
          tpu.vector_store %arg11[%swap3A_237], %gather3A_236 {strides = array<i32>} : memref<2000xf32, #tpu.memory_space<vmem>>, vector<16xf32>,
          %get3A_239 = arith.constant 384 : index
          %get3A_240 = tpu.vector_load %arg7[%get3A_239] {strides = array<i32>} : memref<2000xi32, #tpu.memory_space<vmem>>, vector<16xi32>,
          %gather3A_241 = tpu.vector_load_idx %arg6[%get3A_240] : memref<100000xf32, #tpu.memory_space<vmem>>[vector<16xi32>], vector<16xf32>,
          %swap3A_242 = arith.constant 384 : index
          %swap3A_243 = tpu.vector_load %arg11[%swap3A_242] {strides = array<i32>} : memref<2000xf32, #tpu.memory_space<vmem>>, vector<16xf32>,
          tpu.vector_store %arg11[%swap3A_242], %gather3A_241 {strides = array<i32>} : memref<2000xf32, #tpu.memory_space<vmem>>, vector<16xf32>,
          %get3A_244 = arith.constant 400 : index
          %get3A_245 = tpu.vector_load %arg7[%get3A_244] {strides = array<i32>} : memref<2000xi32, #tpu.memory_space<vmem>>, vector<16xi32>,
          %gather3A_246 = tpu.vector_load_idx %arg6[%get3A_245] : memref<100000xf32, #tpu.memory_space<vmem>>[vector<16xi32>], vector<16xf32>,
          %swap3A_247 = arith.constant 400 : index
          %swap3A_248 = tpu.vector_load %arg11[%swap3A_247] {strides = array<i32>} : memref<2000xf32, #tpu.memory_space<vmem>>, vector<16xf32>,
          tpu.vector_store %arg11[%swap3A_247], %gather3A_246 {strides = array<i32>} : memref<2000xf32, #tpu.memory_space<vmem>>, vector<16xf32>,
          %get3A_249 = arith.constant 416 : index
          %get3A_250 = tpu.vector_load %arg7[%get3A_249] {strides = array<i32>} : memref<2000xi32, #tpu.memory_space<vmem>>, vector<16xi32>,
          %gather3A_251 = tpu.vector_load_idx %arg6[%get3A_250] : memref<100000xf32, #tpu.memory_space<vmem>>[vector<16xi32>], vector<16xf32>,
          %swap3A_252 = arith.constant 416 : index
          %swap3A_253 = tpu.vector_load %arg11[%swap3A_252] {strides = array<i32>} : memref<2000xf32, #tpu.memory_space<vmem>>, vector<16xf32>,
          tpu.vector_store %arg11[%swap3A_252], %gather3A_251 {strides = array<i32>} : memref<2000xf32, #tpu.memory_space<vmem>>, vector<16xf32>,
          %get3A_254 = arith.constant 432 : index
          %get3A_255 = tpu.vector_load %arg7[%get3A_254] {strides = array<i32>} : memref<2000xi32, #tpu.memory_space<vmem>>, vector<16xi32>,
          %gather3A_256 = tpu.vector_load_idx %arg6[%get3A_255] : memref<100000xf32, #tpu.memory_space<vmem>>[vector<16xi32>], vector<16xf32>,
          %swap3A_257 = arith.constant 432 : index
          %swap3A_258 = tpu.vector_load %arg11[%swap3A_257] {strides = array<i32>} : memref<2000xf32, #tpu.memory_space<vmem>>, vector<16xf32>,
          tpu.vector_store %arg11[%swap3A_257], %gather3A_256 {strides = array<i32>} : memref<2000xf32, #tpu.memory_space<vmem>>, vector<16xf32>,
          %get3A_259 = arith.constant 448 : index
          %get3A_260 = tpu.vector_load %arg7[%get3A_259] {strides = array<i32>} : memref<2000xi32, #tpu.memory_space<vmem>>, vector<16xi32>,
          %gather3A_261 = tpu.vector_load_idx %arg6[%get3A_260] : memref<100000xf32, #tpu.memory_space<vmem>>[vector<16xi32>], vector<16xf32>,
          %swap3A_262 = arith.constant 448 : index
          %swap3A_263 = tpu.vector_load %arg11[%swap3A_262] {strides = array<i32>} : memref<2000xf32, #tpu.memory_space<vmem>>, vector<16xf32>,
          tpu.vector_store %arg11[%swap3A_262], %gather3A_261 {strides = array<i32>} : memref<2000xf32, #tpu.memory_space<vmem>>, vector<16xf32>,
          %get3A_264 = arith.constant 464 : index
          %get3A_265 = tpu.vector_load %arg7[%get3A_264] {strides = array<i32>} : memref<2000xi32, #tpu.memory_space<vmem>>, vector<16xi32>,
          %gather3A_266 = tpu.vector_load_idx %arg6[%get3A_265] : memref<100000xf32, #tpu.memory_space<vmem>>[vector<16xi32>], vector<16xf32>,
          %swap3A_267 = arith.constant 464 : index
          %swap3A_268 = tpu.vector_load %arg11[%swap3A_267] {strides = array<i32>} : memref<2000xf32, #tpu.memory_space<vmem>>, vector<16xf32>,
          tpu.vector_store %arg11[%swap3A_267], %gather3A_266 {strides = array<i32>} : memref<2000xf32, #tpu.memory_space<vmem>>, vector<16xf32>,
          %get3A_269 = arith.constant 480 : index
          %get3A_270 = tpu.vector_load %arg7[%get3A_269] {strides = array<i32>} : memref<2000xi32, #tpu.memory_space<vmem>>, vector<16xi32>,
          %gather3A_271 = tpu.vector_load_idx %arg6[%get3A_270] : memref<100000xf32, #tpu.memory_space<vmem>>[vector<16xi32>], vector<16xf32>,
          %swap3A_272 = arith.constant 480 : index
          %swap3A_273 = tpu.vector_load %arg11[%swap3A_272] {strides = array<i32>} : memref<2000xf32, #tpu.memory_space<vmem>>, vector<16xf32>,
          tpu.vector_store %arg11[%swap3A_272], %gather3A_271 {strides = array<i32>} : memref<2000xf32, #tpu.memory_space<vmem>>, vector<16xf32>,
          %get3A_274 = arith.constant 496 : index
          %get3A_275 = tpu.vector_load %arg7[%get3A_274] {strides = array<i32>} : memref<2000xi32, #tpu.memory_space<vmem>>, vector<16xi32>,
          %gather3A_276 = tpu.vector_load_idx %arg6[%get3A_275] : memref<100000xf32, #tpu.memory_space<vmem>>[vector<16xi32>], vector<16xf32>,
          %swap3A_277 = arith.constant 496 : index
          %swap3A_278 = tpu.vector_load %arg11[%swap3A_277] {strides = array<i32>} : memref<2000xf32, #tpu.memory_space<vmem>>, vector<16xf32>,
          tpu.vector_store %arg11[%swap3A_277], %gather3A_276 {strides = array<i32>} : memref<2000xf32, #tpu.memory_space<vmem>>, vector<16xf32>,
          %get3A_279 = arith.constant 512 : index
          %get3A_280 = tpu.vector_load %arg7[%get3A_279] {strides = array<i32>} : memref<2000xi32, #tpu.memory_space<vmem>>, vector<16xi32>,
          %gather3A_281 = tpu.vector_load_idx %arg6[%get3A_280] : memref<100000xf32, #tpu.memory_space<vmem>>[vector<16xi32>], vector<16xf32>,
          %swap3A_282 = arith.constant 512 : index
          %swap3A_283 = tpu.vector_load %arg11[%swap3A_282] {strides = array<i32>} : memref<2000xf32, #tpu.memory_space<vmem>>, vector<16xf32>,
          tpu.vector_store %arg11[%swap3A_282], %gather3A_281 {strides = array<i32>} : memref<2000xf32, #tpu.memory_space<vmem>>, vector<16xf32>,
          %get3A_284 = arith.constant 528 : index
          %get3A_285 = tpu.vector_load %arg7[%get3A_284] {strides = array<i32>} : memref<2000xi32, #tpu.memory_space<vmem>>, vector<16xi32>,
          %gather3A_286 = tpu.vector_load_idx %arg6[%get3A_285] : memref<100000xf32, #tpu.memory_space<vmem>>[vector<16xi32>], vector<16xf32>,
          %swap3A_287 = arith.constant 528 : index
          %swap3A_288 = tpu.vector_load %arg11[%swap3A_287] {strides = array<i32>} : memref<2000xf32, #tpu.memory_space<vmem>>, vector<16xf32>,
          tpu.vector_store %arg11[%swap3A_287], %gather3A_286 {strides = array<i32>} : memref<2000xf32, #tpu.memory_space<vmem>>, vector<16xf32>,
          %get3A_289 = arith.constant 544 : index
          %get3A_290 = tpu.vector_load %arg7[%get3A_289] {strides = array<i32>} : memref<2000xi32, #tpu.memory_space<vmem>>, vector<16xi32>,
          %gather3A_291 = tpu.vector_load_idx %arg6[%get3A_290] : memref<100000xf32, #tpu.memory_space<vmem>>[vector<16xi32>], vector<16xf32>,
          %swap3A_292 = arith.constant 544 : index
          %swap3A_293 = tpu.vector_load %arg11[%swap3A_292] {strides = array<i32>} : memref<2000xf32, #tpu.memory_space<vmem>>, vector<16xf32>,
          tpu.vector_store %arg11[%swap3A_292], %gather3A_291 {strides = array<i32>} : memref<2000xf32, #tpu.memory_space<vmem>>, vector<16xf32>,
          %get3A_294 = arith.constant 560 : index
          %get3A_295 = tpu.vector_load %arg7[%get3A_294] {strides = array<i32>} : memref<2000xi32, #tpu.memory_space<vmem>>, vector<16xi32>,
          %gather3A_296 = tpu.vector_load_idx %arg6[%get3A_295] : memref<100000xf32, #tpu.memory_space<vmem>>[vector<16xi32>], vector<16xf32>,
          %swap3A_297 = arith.constant 560 : index
          %swap3A_298 = tpu.vector_load %arg11[%swap3A_297] {strides = array<i32>} : memref<2000xf32, #tpu.memory_space<vmem>>, vector<16xf32>,
          tpu.vector_store %arg11[%swap3A_297], %gather3A_296 {strides = array<i32>} : memref<2000xf32, #tpu.memory_space<vmem>>, vector<16xf32>,
          %get3A_299 = arith.constant 576 : index
          %get3A_300 = tpu.vector_load %arg7[%get3A_299] {strides = array<i32>} : memref<2000xi32, #tpu.memory_space<vmem>>, vector<16xi32>,
          %gather3A_301 = tpu.vector_load_idx %arg6[%get3A_300] : memref<100000xf32, #tpu.memory_space<vmem>>[vector<16xi32>], vector<16xf32>,
          %swap3A_302 = arith.constant 576 : index
          %swap3A_303 = tpu.vector_load %arg11[%swap3A_302] {strides = array<i32>} : memref<2000xf32, #tpu.memory_space<vmem>>, vector<16xf32>,
          tpu.vector_store %arg11[%swap3A_302], %gather3A_301 {strides = array<i32>} : memref<2000xf32, #tpu.memory_space<vmem>>, vector<16xf32>,
          %get3A_304 = arith.constant 592 : index
          %get3A_305 = tpu.vector_load %arg7[%get3A_304] {strides = array<i32>} : memref<2000xi32, #tpu.memory_space<vmem>>, vector<16xi32>,
          %gather3A_306 = tpu.vector_load_idx %arg6[%get3A_305] : memref<100000xf32, #tpu.memory_space<vmem>>[vector<16xi32>], vector<16xf32>,
          %swap3A_307 = arith.constant 592 : index
          %swap3A_308 = tpu.vector_load %arg11[%swap3A_307] {strides = array<i32>} : memref<2000xf32, #tpu.memory_space<vmem>>, vector<16xf32>,
          tpu.vector_store %arg11[%swap3A_307], %gather3A_306 {strides = array<i32>} : memref<2000xf32, #tpu.memory_space<vmem>>, vector<16xf32>,
          %get3A_309 = arith.constant 608 : index
          %get3A_310 = tpu.vector_load %arg7[%get3A_309] {strides = array<i32>} : memref<2000xi32, #tpu.memory_space<vmem>>, vector<16xi32>,
          %gather3A_311 = tpu.vector_load_idx %arg6[%get3A_310] : memref<100000xf32, #tpu.memory_space<vmem>>[vector<16xi32>], vector<16xf32>,
          %swap3A_312 = arith.constant 608 : index
          %swap3A_313 = tpu.vector_load %arg11[%swap3A_312] {strides = array<i32>} : memref<2000xf32, #tpu.memory_space<vmem>>, vector<16xf32>,
          tpu.vector_store %arg11[%swap3A_312], %gather3A_311 {strides = array<i32>} : memref<2000xf32, #tpu.memory_space<vmem>>, vector<16xf32>,
          %get3A_314 = arith.constant 624 : index
          %get3A_315 = tpu.vector_load %arg7[%get3A_314] {strides = array<i32>} : memref<2000xi32, #tpu.memory_space<vmem>>, vector<16xi32>,
          %gather3A_316 = tpu.vector_load_idx %arg6[%get3A_315] : memref<100000xf32, #tpu.memory_space<vmem>>[vector<16xi32>], vector<16xf32>,
          %swap3A_317 = arith.constant 624 : index
          %swap3A_318 = tpu.vector_load %arg11[%swap3A_317] {strides = array<i32>} : memref<2000xf32, #tpu.memory_space<vmem>>, vector<16xf32>,
          tpu.vector_store %arg11[%swap3A_317], %gather3A_316 {strides = array<i32>} : memref<2000xf32, #tpu.memory_space<vmem>>, vector<16xf32>,
          %get3A_319 = arith.constant 640 : index
          %get3A_320 = tpu.vector_load %arg7[%get3A_319] {strides = array<i32>} : memref<2000xi32, #tpu.memory_space<vmem>>, vector<16xi32>,
          %gather3A_321 = tpu.vector_load_idx %arg6[%get3A_320] : memref<100000xf32, #tpu.memory_space<vmem>>[vector<16xi32>], vector<16xf32>,
          %swap3A_322 = arith.constant 640 : index
          %swap3A_323 = tpu.vector_load %arg11[%swap3A_322] {strides = array<i32>} : memref<2000xf32, #tpu.memory_space<vmem>>, vector<16xf32>,
          tpu.vector_store %arg11[%swap3A_322], %gather3A_321 {strides = array<i32>} : memref<2000xf32, #tpu.memory_space<vmem>>, vector<16xf32>,
          %get3A_324 = arith.constant 656 : index
          %get3A_325 = tpu.vector_load %arg7[%get3A_324] {strides = array<i32>} : memref<2000xi32, #tpu.memory_space<vmem>>, vector<16xi32>,
          %gather3A_326 = tpu.vector_load_idx %arg6[%get3A_325] : memref<100000xf32, #tpu.memory_space<vmem>>[vector<16xi32>], vector<16xf32>,
          %swap3A_327 = arith.constant 656 : index
          %swap3A_328 = tpu.vector_load %arg11[%swap3A_327] {strides = array<i32>} : memref<2000xf32, #tpu.memory_space<vmem>>, vector<16xf32>,
          tpu.vector_store %arg11[%swap3A_327], %gather3A_326 {strides = array<i32>} : memref<2000xf32, #tpu.memory_space<vmem>>, vector<16xf32>,
          %get3A_329 = arith.constant 672 : index
          %get3A_330 = tpu.vector_load %arg7[%get3A_329] {strides = array<i32>} : memref<2000xi32, #tpu.memory_space<vmem>>, vector<16xi32>,
          %gather3A_331 = tpu.vector_load_idx %arg6[%get3A_330] : memref<100000xf32, #tpu.memory_space<vmem>>[vector<16xi32>], vector<16xf32>,
          %swap3A_332 = arith.constant 672 : index
          %swap3A_333 = tpu.vector_load %arg11[%swap3A_332] {strides = array<i32>} : memref<2000xf32, #tpu.memory_space<vmem>>, vector<16xf32>,
          tpu.vector_store %arg11[%swap3A_332], %gather3A_331 {strides = array<i32>} : memref<2000xf32, #tpu.memory_space<vmem>>, vector<16xf32>,
          %get3A_334 = arith.constant 688 : index
          %get3A_335 = tpu.vector_load %arg7[%get3A_334] {strides = array<i32>} : memref<2000xi32, #tpu.memory_space<vmem>>, vector<16xi32>,
          %gather3A_336 = tpu.vector_load_idx %arg6[%get3A_335] : memref<100000xf32, #tpu.memory_space<vmem>>[vector<16xi32>], vector<16xf32>,
          %swap3A_337 = arith.constant 688 : index
          %swap3A_338 = tpu.vector_load %arg11[%swap3A_337] {strides = array<i32>} : memref<2000xf32, #tpu.memory_space<vmem>>, vector<16xf32>,
          tpu.vector_store %arg11[%swap3A_337], %gather3A_336 {strides = array<i32>} : memref<2000xf32, #tpu.memory_space<vmem>>, vector<16xf32>,
          %get3A_339 = arith.constant 704 : index
          %get3A_340 = tpu.vector_load %arg7[%get3A_339] {strides = array<i32>} : memref<2000xi32, #tpu.memory_space<vmem>>, vector<16xi32>,
          %gather3A_341 = tpu.vector_load_idx %arg6[%get3A_340] : memref<100000xf32, #tpu.memory_space<vmem>>[vector<16xi32>], vector<16xf32>,
          %swap3A_342 = arith.constant 704 : index
          %swap3A_343 = tpu.vector_load %arg11[%swap3A_342] {strides = array<i32>} : memref<2000xf32, #tpu.memory_space<vmem>>, vector<16xf32>,
          tpu.vector_store %arg11[%swap3A_342], %gather3A_341 {strides = array<i32>} : memref<2000xf32, #tpu.memory_space<vmem>>, vector<16xf32>,
          %get3A_344 = arith.constant 720 : index
          %get3A_345 = tpu.vector_load %arg7[%get3A_344] {strides = array<i32>} : memref<2000xi32, #tpu.memory_space<vmem>>, vector<16xi32>,
          %gather3A_346 = tpu.vector_load_idx %arg6[%get3A_345] : memref<100000xf32, #tpu.memory_space<vmem>>[vector<16xi32>], vector<16xf32>,
          %swap3A_347 = arith.constant 720 : index
          %swap3A_348 = tpu.vector_load %arg11[%swap3A_347] {strides = array<i32>} : memref<2000xf32, #tpu.memory_space<vmem>>, vector<16xf32>,
          tpu.vector_store %arg11[%swap3A_347], %gather3A_346 {strides = array<i32>} : memref<2000xf32, #tpu.memory_space<vmem>>, vector<16xf32>,
          %get3A_349 = arith.constant 736 : index
          %get3A_350 = tpu.vector_load %arg7[%get3A_349] {strides = array<i32>} : memref<2000xi32, #tpu.memory_space<vmem>>, vector<16xi32>,
          %gather3A_351 = tpu.vector_load_idx %arg6[%get3A_350] : memref<100000xf32, #tpu.memory_space<vmem>>[vector<16xi32>], vector<16xf32>,
          %swap3A_352 = arith.constant 736 : index
          %swap3A_353 = tpu.vector_load %arg11[%swap3A_352] {strides = array<i32>} : memref<2000xf32, #tpu.memory_space<vmem>>, vector<16xf32>,
          tpu.vector_store %arg11[%swap3A_352], %gather3A_351 {strides = array<i32>} : memref<2000xf32, #tpu.memory_space<vmem>>, vector<16xf32>,
          %get3A_354 = arith.constant 752 : index
          %get3A_355 = tpu.vector_load %arg7[%get3A_354] {strides = array<i32>} : memref<2000xi32, #tpu.memory_space<vmem>>, vector<16xi32>,
          %gather3A_356 = tpu.vector_load_idx %arg6[%get3A_355] : memref<100000xf32, #tpu.memory_space<vmem>>[vector<16xi32>], vector<16xf32>,
          %swap3A_357 = arith.constant 752 : index
          %swap3A_358 = tpu.vector_load %arg11[%swap3A_357] {strides = array<i32>} : memref<2000xf32, #tpu.memory_space<vmem>>, vector<16xf32>,
          tpu.vector_store %arg11[%swap3A_357], %gather3A_356 {strides = array<i32>} : memref<2000xf32, #tpu.memory_space<vmem>>, vector<16xf32>,
          %get3A_359 = arith.constant 768 : index
          %get3A_360 = tpu.vector_load %arg7[%get3A_359] {strides = array<i32>} : memref<2000xi32, #tpu.memory_space<vmem>>, vector<16xi32>,
          %gather3A_361 = tpu.vector_load_idx %arg6[%get3A_360] : memref<100000xf32, #tpu.memory_space<vmem>>[vector<16xi32>], vector<16xf32>,
          %swap3A_362 = arith.constant 768 : index
          %swap3A_363 = tpu.vector_load %arg11[%swap3A_362] {strides = array<i32>} : memref<2000xf32, #tpu.memory_space<vmem>>, vector<16xf32>,
          tpu.vector_store %arg11[%swap3A_362], %gather3A_361 {strides = array<i32>} : memref<2000xf32, #tpu.memory_space<vmem>>, vector<16xf32>,
          %get3A_364 = arith.constant 784 : index
          %get3A_365 = tpu.vector_load %arg7[%get3A_364] {strides = array<i32>} : memref<2000xi32, #tpu.memory_space<vmem>>, vector<16xi32>,
          %gather3A_366 = tpu.vector_load_idx %arg6[%get3A_365] : memref<100000xf32, #tpu.memory_space<vmem>>[vector<16xi32>], vector<16xf32>,
          %swap3A_367 = arith.constant 784 : index
          %swap3A_368 = tpu.vector_load %arg11[%swap3A_367] {strides = array<i32>} : memref<2000xf32, #tpu.memory_space<vmem>>, vector<16xf32>,
          tpu.vector_store %arg11[%swap3A_367], %gather3A_366 {strides = array<i32>} : memref<2000xf32, #tpu.memory_space<vmem>>, vector<16xf32>,
          %get3A_369 = arith.constant 800 : index
          %get3A_370 = tpu.vector_load %arg7[%get3A_369] {strides = array<i32>} : memref<2000xi32, #tpu.memory_space<vmem>>, vector<16xi32>,
          %gather3A_371 = tpu.vector_load_idx %arg6[%get3A_370] : memref<100000xf32, #tpu.memory_space<vmem>>[vector<16xi32>], vector<16xf32>,
          %swap3A_372 = arith.constant 800 : index
          %swap3A_373 = tpu.vector_load %arg11[%swap3A_372] {strides = array<i32>} : memref<2000xf32, #tpu.memory_space<vmem>>, vector<16xf32>,
          tpu.vector_store %arg11[%swap3A_372], %gather3A_371 {strides = array<i32>} : memref<2000xf32, #tpu.memory_space<vmem>>, vector<16xf32>,
          %get3A_374 = arith.constant 816 : index
          %get3A_375 = tpu.vector_load %arg7[%get3A_374] {strides = array<i32>} : memref<2000xi32, #tpu.memory_space<vmem>>, vector<16xi32>,
          %gather3A_376 = tpu.vector_load_idx %arg6[%get3A_375] : memref<100000xf32, #tpu.memory_space<vmem>>[vector<16xi32>], vector<16xf32>,
          %swap3A_377 = arith.constant 816 : index
          %swap3A_378 = tpu.vector_load %arg11[%swap3A_377] {strides = array<i32>} : memref<2000xf32, #tpu.memory_space<vmem>>, vector<16xf32>,
          tpu.vector_store %arg11[%swap3A_377], %gather3A_376 {strides = array<i32>} : memref<2000xf32, #tpu.memory_space<vmem>>, vector<16xf32>,
          %get3A_379 = arith.constant 832 : index
          %get3A_380 = tpu.vector_load %arg7[%get3A_379] {strides = array<i32>} : memref<2000xi32, #tpu.memory_space<vmem>>, vector<16xi32>,
          %gather3A_381 = tpu.vector_load_idx %arg6[%get3A_380] : memref<100000xf32, #tpu.memory_space<vmem>>[vector<16xi32>], vector<16xf32>,
          %swap3A_382 = arith.constant 832 : index
          %swap3A_383 = tpu.vector_load %arg11[%swap3A_382] {strides = array<i32>} : memref<2000xf32, #tpu.memory_space<vmem>>, vector<16xf32>,
          tpu.vector_store %arg11[%swap3A_382], %gather3A_381 {strides = array<i32>} : memref<2000xf32, #tpu.memory_space<vmem>>, vector<16xf32>,
          %get3A_384 = arith.constant 848 : index
          %get3A_385 = tpu.vector_load %arg7[%get3A_384] {strides = array<i32>} : memref<2000xi32, #tpu.memory_space<vmem>>, vector<16xi32>,
          %gather3A_386 = tpu.vector_load_idx %arg6[%get3A_385] : memref<100000xf32, #tpu.memory_space<vmem>>[vector<16xi32>], vector<16xf32>,
          %swap3A_387 = arith.constant 848 : index
          %swap3A_388 = tpu.vector_load %arg11[%swap3A_387] {strides = array<i32>} : memref<2000xf32, #tpu.memory_space<vmem>>, vector<16xf32>,
          tpu.vector_store %arg11[%swap3A_387], %gather3A_386 {strides = array<i32>} : memref<2000xf32, #tpu.memory_space<vmem>>, vector<16xf32>,
          %get3A_389 = arith.constant 864 : index
          %get3A_390 = tpu.vector_load %arg7[%get3A_389] {strides = array<i32>} : memref<2000xi32, #tpu.memory_space<vmem>>, vector<16xi32>,
          %gather3A_391 = tpu.vector_load_idx %arg6[%get3A_390] : memref<100000xf32, #tpu.memory_space<vmem>>[vector<16xi32>], vector<16xf32>,
          %swap3A_392 = arith.constant 864 : index
          %swap3A_393 = tpu.vector_load %arg11[%swap3A_392] {strides = array<i32>} : memref<2000xf32, #tpu.memory_space<vmem>>, vector<16xf32>,
          tpu.vector_store %arg11[%swap3A_392], %gather3A_391 {strides = array<i32>} : memref<2000xf32, #tpu.memory_space<vmem>>, vector<16xf32>,
          %get3A_394 = arith.constant 880 : index
          %get3A_395 = tpu.vector_load %arg7[%get3A_394] {strides = array<i32>} : memref<2000xi32, #tpu.memory_space<vmem>>, vector<16xi32>,
          %gather3A_396 = tpu.vector_load_idx %arg6[%get3A_395] : memref<100000xf32, #tpu.memory_space<vmem>>[vector<16xi32>], vector<16xf32>,
          %swap3A_397 = arith.constant 880 : index
          %swap3A_398 = tpu.vector_load %arg11[%swap3A_397] {strides = array<i32>} : memref<2000xf32, #tpu.memory_space<vmem>>, vector<16xf32>,
          tpu.vector_store %arg11[%swap3A_397], %gather3A_396 {strides = array<i32>} : memref<2000xf32, #tpu.memory_space<vmem>>, vector<16xf32>,
          %get3A_399 = arith.constant 896 : index
          %get3A_400 = tpu.vector_load %arg7[%get3A_399] {strides = array<i32>} : memref<2000xi32, #tpu.memory_space<vmem>>, vector<16xi32>,
          %gather3A_401 = tpu.vector_load_idx %arg6[%get3A_400] : memref<100000xf32, #tpu.memory_space<vmem>>[vector<16xi32>], vector<16xf32>,
          %swap3A_402 = arith.constant 896 : index
          %swap3A_403 = tpu.vector_load %arg11[%swap3A_402] {strides = array<i32>} : memref<2000xf32, #tpu.memory_space<vmem>>, vector<16xf32>,
          tpu.vector_store %arg11[%swap3A_402], %gather3A_401 {strides = array<i32>} : memref<2000xf32, #tpu.memory_space<vmem>>, vector<16xf32>,
          %get3A_404 = arith.constant 912 : index
          %get3A_405 = tpu.vector_load %arg7[%get3A_404] {strides = array<i32>} : memref<2000xi32, #tpu.memory_space<vmem>>, vector<16xi32>,
          %gather3A_406 = tpu.vector_load_idx %arg6[%get3A_405] : memref<100000xf32, #tpu.memory_space<vmem>>[vector<16xi32>], vector<16xf32>,
          %swap3A_407 = arith.constant 912 : index
          %swap3A_408 = tpu.vector_load %arg11[%swap3A_407] {strides = array<i32>} : memref<2000xf32, #tpu.memory_space<vmem>>, vector<16xf32>,
          tpu.vector_store %arg11[%swap3A_407], %gather3A_406 {strides = array<i32>} : memref<2000xf32, #tpu.memory_space<vmem>>, vector<16xf32>,
          %get3A_409 = arith.constant 928 : index
          %get3A_410 = tpu.vector_load %arg7[%get3A_409] {strides = array<i32>} : memref<2000xi32, #tpu.memory_space<vmem>>, vector<16xi32>,
          %gather3A_411 = tpu.vector_load_idx %arg6[%get3A_410] : memref<100000xf32, #tpu.memory_space<vmem>>[vector<16xi32>], vector<16xf32>,
          %swap3A_412 = arith.constant 928 : index
          %swap3A_413 = tpu.vector_load %arg11[%swap3A_412] {strides = array<i32>} : memref<2000xf32, #tpu.memory_space<vmem>>, vector<16xf32>,
          tpu.vector_store %arg11[%swap3A_412], %gather3A_411 {strides = array<i32>} : memref<2000xf32, #tpu.memory_space<vmem>>, vector<16xf32>,
          %get3A_414 = arith.constant 944 : index
          %get3A_415 = tpu.vector_load %arg7[%get3A_414] {strides = array<i32>} : memref<2000xi32, #tpu.memory_space<vmem>>, vector<16xi32>,
          %gather3A_416 = tpu.vector_load_idx %arg6[%get3A_415] : memref<100000xf32, #tpu.memory_space<vmem>>[vector<16xi32>], vector<16xf32>,
          %swap3A_417 = arith.constant 944 : index
          %swap3A_418 = tpu.vector_load %arg11[%swap3A_417] {strides = array<i32>} : memref<2000xf32, #tpu.memory_space<vmem>>, vector<16xf32>,
          tpu.vector_store %arg11[%swap3A_417], %gather3A_416 {strides = array<i32>} : memref<2000xf32, #tpu.memory_space<vmem>>, vector<16xf32>,
          %get3A_419 = arith.constant 960 : index
          %get3A_420 = tpu.vector_load %arg7[%get3A_419] {strides = array<i32>} : memref<2000xi32, #tpu.memory_space<vmem>>, vector<16xi32>,
          %gather3A_421 = tpu.vector_load_idx %arg6[%get3A_420] : memref<100000xf32, #tpu.memory_space<vmem>>[vector<16xi32>], vector<16xf32>,
          %swap3A_422 = arith.constant 960 : index
          %swap3A_423 = tpu.vector_load %arg11[%swap3A_422] {strides = array<i32>} : memref<2000xf32, #tpu.memory_space<vmem>>, vector<16xf32>,
          tpu.vector_store %arg11[%swap3A_422], %gather3A_421 {strides = array<i32>} : memref<2000xf32, #tpu.memory_space<vmem>>, vector<16xf32>,
          %get3A_424 = arith.constant 976 : index
          %get3A_425 = tpu.vector_load %arg7[%get3A_424] {strides = array<i32>} : memref<2000xi32, #tpu.memory_space<vmem>>, vector<16xi32>,
          %gather3A_426 = tpu.vector_load_idx %arg6[%get3A_425] : memref<100000xf32, #tpu.memory_space<vmem>>[vector<16xi32>], vector<16xf32>,
          %swap3A_427 = arith.constant 976 : index
          %swap3A_428 = tpu.vector_load %arg11[%swap3A_427] {strides = array<i32>} : memref<2000xf32, #tpu.memory_space<vmem>>, vector<16xf32>,
          tpu.vector_store %arg11[%swap3A_427], %gather3A_426 {strides = array<i32>} : memref<2000xf32, #tpu.memory_space<vmem>>, vector<16xf32>,
          %get3A_429 = arith.constant 992 : index
          %get3A_430 = tpu.vector_load %arg7[%get3A_429] {strides = array<i32>} : memref<2000xi32, #tpu.memory_space<vmem>>, vector<16xi32>,
          %gather3A_431 = tpu.vector_load_idx %arg6[%get3A_430] : memref<100000xf32, #tpu.memory_space<vmem>>[vector<16xi32>], vector<16xf32>,
          %swap3A_432 = arith.constant 992 : index
          %swap3A_433 = tpu.vector_load %arg11[%swap3A_432] {strides = array<i32>} : memref<2000xf32, #tpu.memory_space<vmem>>, vector<16xf32>,
          tpu.vector_store %arg11[%swap3A_432], %gather3A_431 {strides = array<i32>} : memref<2000xf32, #tpu.memory_space<vmem>>, vector<16xf32>,
          %get3A_434 = arith.constant 1008 : index
          %get3A_435 = tpu.vector_load %arg7[%get3A_434] {strides = array<i32>} : memref<2000xi32, #tpu.memory_space<vmem>>, vector<16xi32>,
          %gather3A_436 = tpu.vector_load_idx %arg6[%get3A_435] : memref<100000xf32, #tpu.memory_space<vmem>>[vector<16xi32>], vector<16xf32>,
          %swap3A_437 = arith.constant 1008 : index
          %swap3A_438 = tpu.vector_load %arg11[%swap3A_437] {strides = array<i32>} : memref<2000xf32, #tpu.memory_space<vmem>>, vector<16xf32>,
          tpu.vector_store %arg11[%swap3A_437], %gather3A_436 {strides = array<i32>} : memref<2000xf32, #tpu.memory_space<vmem>>, vector<16xf32>,
          %get3A_439 = arith.constant 1024 : index
          %get3A_440 = tpu.vector_load %arg7[%get3A_439] {strides = array<i32>} : memref<2000xi32, #tpu.memory_space<vmem>>, vector<16xi32>,
          %gather3A_441 = tpu.vector_load_idx %arg6[%get3A_440] : memref<100000xf32, #tpu.memory_space<vmem>>[vector<16xi32>], vector<16xf32>,
          %swap3A_442 = arith.constant 1024 : index
          %swap3A_443 = tpu.vector_load %arg11[%swap3A_442] {strides = array<i32>} : memref<2000xf32, #tpu.memory_space<vmem>>, vector<16xf32>,
          tpu.vector_store %arg11[%swap3A_442], %gather3A_441 {strides = array<i32>} : memref<2000xf32, #tpu.memory_space<vmem>>, vector<16xf32>,
          %get3A_444 = arith.constant 1040 : index
          %get3A_445 = tpu.vector_load %arg7[%get3A_444] {strides = array<i32>} : memref<2000xi32, #tpu.memory_space<vmem>>, vector<16xi32>,
          %gather3A_446 = tpu.vector_load_idx %arg6[%get3A_445] : memref<100000xf32, #tpu.memory_space<vmem>>[vector<16xi32>], vector<16xf32>,
          %swap3A_447 = arith.constant 1040 : index
          %swap3A_448 = tpu.vector_load %arg11[%swap3A_447] {strides = array<i32>} : memref<2000xf32, #tpu.memory_space<vmem>>, vector<16xf32>,
          tpu.vector_store %arg11[%swap3A_447], %gather3A_446 {strides = array<i32>} : memref<2000xf32, #tpu.memory_space<vmem>>, vector<16xf32>,
          %get3A_449 = arith.constant 1056 : index
          %get3A_450 = tpu.vector_load %arg7[%get3A_449] {strides = array<i32>} : memref<2000xi32, #tpu.memory_space<vmem>>, vector<16xi32>,
          %gather3A_451 = tpu.vector_load_idx %arg6[%get3A_450] : memref<100000xf32, #tpu.memory_space<vmem>>[vector<16xi32>], vector<16xf32>,
          %swap3A_452 = arith.constant 1056 : index
          %swap3A_453 = tpu.vector_load %arg11[%swap3A_452] {strides = array<i32>} : memref<2000xf32, #tpu.memory_space<vmem>>, vector<16xf32>,
          tpu.vector_store %arg11[%swap3A_452], %gather3A_451 {strides = array<i32>} : memref<2000xf32, #tpu.memory_space<vmem>>, vector<16xf32>,
          %get3A_454 = arith.constant 1072 : index
          %get3A_455 = tpu.vector_load %arg7[%get3A_454] {strides = array<i32>} : memref<2000xi32, #tpu.memory_space<vmem>>, vector<16xi32>,
          %gather3A_456 = tpu.vector_load_idx %arg6[%get3A_455] : memref<100000xf32, #tpu.memory_space<vmem>>[vector<16xi32>], vector<16xf32>,
          %swap3A_457 = arith.constant 1072 : index
          %swap3A_458 = tpu.vector_load %arg11[%swap3A_457] {strides = array<i32>} : memref<2000xf32, #tpu.memory_space<vmem>>, vector<16xf32>,
          tpu.vector_store %arg11[%swap3A_457], %gather3A_456 {strides = array<i32>} : memref<2000xf32, #tpu.memory_space<vmem>>, vector<16xf32>,
          %get3A_459 = arith.constant 1088 : index
          %get3A_460 = tpu.vector_load %arg7[%get3A_459] {strides = array<i32>} : memref<2000xi32, #tpu.memory_space<vmem>>, vector<16xi32>,
          %gather3A_461 = tpu.vector_load_idx %arg6[%get3A_460] : memref<100000xf32, #tpu.memory_space<vmem>>[vector<16xi32>], vector<16xf32>,
          %swap3A_462 = arith.constant 1088 : index
          %swap3A_463 = tpu.vector_load %arg11[%swap3A_462] {strides = array<i32>} : memref<2000xf32, #tpu.memory_space<vmem>>, vector<16xf32>,
          tpu.vector_store %arg11[%swap3A_462], %gather3A_461 {strides = array<i32>} : memref<2000xf32, #tpu.memory_space<vmem>>, vector<16xf32>,
          %get3A_464 = arith.constant 1104 : index
          %get3A_465 = tpu.vector_load %arg7[%get3A_464] {strides = array<i32>} : memref<2000xi32, #tpu.memory_space<vmem>>, vector<16xi32>,
          %gather3A_466 = tpu.vector_load_idx %arg6[%get3A_465] : memref<100000xf32, #tpu.memory_space<vmem>>[vector<16xi32>], vector<16xf32>,
          %swap3A_467 = arith.constant 1104 : index
          %swap3A_468 = tpu.vector_load %arg11[%swap3A_467] {strides = array<i32>} : memref<2000xf32, #tpu.memory_space<vmem>>, vector<16xf32>,
          tpu.vector_store %arg11[%swap3A_467], %gather3A_466 {strides = array<i32>} : memref<2000xf32, #tpu.memory_space<vmem>>, vector<16xf32>,
          %get3A_469 = arith.constant 1120 : index
          %get3A_470 = tpu.vector_load %arg7[%get3A_469] {strides = array<i32>} : memref<2000xi32, #tpu.memory_space<vmem>>, vector<16xi32>,
          %gather3A_471 = tpu.vector_load_idx %arg6[%get3A_470] : memref<100000xf32, #tpu.memory_space<vmem>>[vector<16xi32>], vector<16xf32>,
          %swap3A_472 = arith.constant 1120 : index
          %swap3A_473 = tpu.vector_load %arg11[%swap3A_472] {strides = array<i32>} : memref<2000xf32, #tpu.memory_space<vmem>>, vector<16xf32>,
          tpu.vector_store %arg11[%swap3A_472], %gather3A_471 {strides = array<i32>} : memref<2000xf32, #tpu.memory_space<vmem>>, vector<16xf32>,
          %get3A_474 = arith.constant 1136 : index
          %get3A_475 = tpu.vector_load %arg7[%get3A_474] {strides = array<i32>} : memref<2000xi32, #tpu.memory_space<vmem>>, vector<16xi32>,
          %gather3A_476 = tpu.vector_load_idx %arg6[%get3A_475] : memref<100000xf32, #tpu.memory_space<vmem>>[vector<16xi32>], vector<16xf32>,
          %swap3A_477 = arith.constant 1136 : index
          %swap3A_478 = tpu.vector_load %arg11[%swap3A_477] {strides = array<i32>} : memref<2000xf32, #tpu.memory_space<vmem>>, vector<16xf32>,
          tpu.vector_store %arg11[%swap3A_477], %gather3A_476 {strides = array<i32>} : memref<2000xf32, #tpu.memory_space<vmem>>, vector<16xf32>,
          %get3A_479 = arith.constant 1152 : index
          %get3A_480 = tpu.vector_load %arg7[%get3A_479] {strides = array<i32>} : memref<2000xi32, #tpu.memory_space<vmem>>, vector<16xi32>,
          %gather3A_481 = tpu.vector_load_idx %arg6[%get3A_480] : memref<100000xf32, #tpu.memory_space<vmem>>[vector<16xi32>], vector<16xf32>,
          %swap3A_482 = arith.constant 1152 : index
          %swap3A_483 = tpu.vector_load %arg11[%swap3A_482] {strides = array<i32>} : memref<2000xf32, #tpu.memory_space<vmem>>, vector<16xf32>,
          tpu.vector_store %arg11[%swap3A_482], %gather3A_481 {strides = array<i32>} : memref<2000xf32, #tpu.memory_space<vmem>>, vector<16xf32>,
          %get3A_484 = arith.constant 1168 : index
          %get3A_485 = tpu.vector_load %arg7[%get3A_484] {strides = array<i32>} : memref<2000xi32, #tpu.memory_space<vmem>>, vector<16xi32>,
          %gather3A_486 = tpu.vector_load_idx %arg6[%get3A_485] : memref<100000xf32, #tpu.memory_space<vmem>>[vector<16xi32>], vector<16xf32>,
          %swap3A_487 = arith.constant 1168 : index
          %swap3A_488 = tpu.vector_load %arg11[%swap3A_487] {strides = array<i32>} : memref<2000xf32, #tpu.memory_space<vmem>>, vector<16xf32>,
          tpu.vector_store %arg11[%swap3A_487], %gather3A_486 {strides = array<i32>} : memref<2000xf32, #tpu.memory_space<vmem>>, vector<16xf32>,
          %get3A_489 = arith.constant 1184 : index
          %get3A_490 = tpu.vector_load %arg7[%get3A_489] {strides = array<i32>} : memref<2000xi32, #tpu.memory_space<vmem>>, vector<16xi32>,
          %gather3A_491 = tpu.vector_load_idx %arg6[%get3A_490] : memref<100000xf32, #tpu.memory_space<vmem>>[vector<16xi32>], vector<16xf32>,
          %swap3A_492 = arith.constant 1184 : index
          %swap3A_493 = tpu.vector_load %arg11[%swap3A_492] {strides = array<i32>} : memref<2000xf32, #tpu.memory_space<vmem>>, vector<16xf32>,
          tpu.vector_store %arg11[%swap3A_492], %gather3A_491 {strides = array<i32>} : memref<2000xf32, #tpu.memory_space<vmem>>, vector<16xf32>,
          %get3A_494 = arith.constant 1200 : index
          %get3A_495 = tpu.vector_load %arg7[%get3A_494] {strides = array<i32>} : memref<2000xi32, #tpu.memory_space<vmem>>, vector<16xi32>,
          %gather3A_496 = tpu.vector_load_idx %arg6[%get3A_495] : memref<100000xf32, #tpu.memory_space<vmem>>[vector<16xi32>], vector<16xf32>,
          %swap3A_497 = arith.constant 1200 : index
          %swap3A_498 = tpu.vector_load %arg11[%swap3A_497] {strides = array<i32>} : memref<2000xf32, #tpu.memory_space<vmem>>, vector<16xf32>,
          tpu.vector_store %arg11[%swap3A_497], %gather3A_496 {strides = array<i32>} : memref<2000xf32, #tpu.memory_space<vmem>>, vector<16xf32>,
          %get3A_499 = arith.constant 1216 : index
          %get3A_500 = tpu.vector_load %arg7[%get3A_499] {strides = array<i32>} : memref<2000xi32, #tpu.memory_space<vmem>>, vector<16xi32>,
          %gather3A_501 = tpu.vector_load_idx %arg6[%get3A_500] : memref<100000xf32, #tpu.memory_space<vmem>>[vector<16xi32>], vector<16xf32>,
          %swap3A_502 = arith.constant 1216 : index
          %swap3A_503 = tpu.vector_load %arg11[%swap3A_502] {strides = array<i32>} : memref<2000xf32, #tpu.memory_space<vmem>>, vector<16xf32>,
          tpu.vector_store %arg11[%swap3A_502], %gather3A_501 {strides = array<i32>} : memref<2000xf32, #tpu.memory_space<vmem>>, vector<16xf32>,
          %get3A_504 = arith.constant 1232 : index
          %get3A_505 = tpu.vector_load %arg7[%get3A_504] {strides = array<i32>} : memref<2000xi32, #tpu.memory_space<vmem>>, vector<16xi32>,
          %gather3A_506 = tpu.vector_load_idx %arg6[%get3A_505] : memref<100000xf32, #tpu.memory_space<vmem>>[vector<16xi32>], vector<16xf32>,
          %swap3A_507 = arith.constant 1232 : index
          %swap3A_508 = tpu.vector_load %arg11[%swap3A_507] {strides = array<i32>} : memref<2000xf32, #tpu.memory_space<vmem>>, vector<16xf32>,
          tpu.vector_store %arg11[%swap3A_507], %gather3A_506 {strides = array<i32>} : memref<2000xf32, #tpu.memory_space<vmem>>, vector<16xf32>,
          %get3A_509 = arith.constant 1248 : index
          %get3A_510 = tpu.vector_load %arg7[%get3A_509] {strides = array<i32>} : memref<2000xi32, #tpu.memory_space<vmem>>, vector<16xi32>,
          %gather3A_511 = tpu.vector_load_idx %arg6[%get3A_510] : memref<100000xf32, #tpu.memory_space<vmem>>[vector<16xi32>], vector<16xf32>,
          %swap3A_512 = arith.constant 1248 : index
          %swap3A_513 = tpu.vector_load %arg11[%swap3A_512] {strides = array<i32>} : memref<2000xf32, #tpu.memory_space<vmem>>, vector<16xf32>,
          tpu.vector_store %arg11[%swap3A_512], %gather3A_511 {strides = array<i32>} : memref<2000xf32, #tpu.memory_space<vmem>>, vector<16xf32>,
          %get3A_514 = arith.constant 1264 : index
          %get3A_515 = tpu.vector_load %arg7[%get3A_514] {strides = array<i32>} : memref<2000xi32, #tpu.memory_space<vmem>>, vector<16xi32>,
          %gather3A_516 = tpu.vector_load_idx %arg6[%get3A_515] : memref<100000xf32, #tpu.memory_space<vmem>>[vector<16xi32>], vector<16xf32>,
          %swap3A_517 = arith.constant 1264 : index
          %swap3A_518 = tpu.vector_load %arg11[%swap3A_517] {strides = array<i32>} : memref<2000xf32, #tpu.memory_space<vmem>>, vector<16xf32>,
          tpu.vector_store %arg11[%swap3A_517], %gather3A_516 {strides = array<i32>} : memref<2000xf32, #tpu.memory_space<vmem>>, vector<16xf32>,
          %get3A_519 = arith.constant 1280 : index
          %get3A_520 = tpu.vector_load %arg7[%get3A_519] {strides = array<i32>} : memref<2000xi32, #tpu.memory_space<vmem>>, vector<16xi32>,
          %gather3A_521 = tpu.vector_load_idx %arg6[%get3A_520] : memref<100000xf32, #tpu.memory_space<vmem>>[vector<16xi32>], vector<16xf32>,
          %swap3A_522 = arith.constant 1280 : index
          %swap3A_523 = tpu.vector_load %arg11[%swap3A_522] {strides = array<i32>} : memref<2000xf32, #tpu.memory_space<vmem>>, vector<16xf32>,
          tpu.vector_store %arg11[%swap3A_522], %gather3A_521 {strides = array<i32>} : memref<2000xf32, #tpu.memory_space<vmem>>, vector<16xf32>,
          %get3A_524 = arith.constant 1296 : index
          %get3A_525 = tpu.vector_load %arg7[%get3A_524] {strides = array<i32>} : memref<2000xi32, #tpu.memory_space<vmem>>, vector<16xi32>,
          %gather3A_526 = tpu.vector_load_idx %arg6[%get3A_525] : memref<100000xf32, #tpu.memory_space<vmem>>[vector<16xi32>], vector<16xf32>,
          %swap3A_527 = arith.constant 1296 : index
          %swap3A_528 = tpu.vector_load %arg11[%swap3A_527] {strides = array<i32>} : memref<2000xf32, #tpu.memory_space<vmem>>, vector<16xf32>,
          tpu.vector_store %arg11[%swap3A_527], %gather3A_526 {strides = array<i32>} : memref<2000xf32, #tpu.memory_space<vmem>>, vector<16xf32>,
          %get3A_529 = arith.constant 1312 : index
          %get3A_530 = tpu.vector_load %arg7[%get3A_529] {strides = array<i32>} : memref<2000xi32, #tpu.memory_space<vmem>>, vector<16xi32>,
          %gather3A_531 = tpu.vector_load_idx %arg6[%get3A_530] : memref<100000xf32, #tpu.memory_space<vmem>>[vector<16xi32>], vector<16xf32>,
          %swap3A_532 = arith.constant 1312 : index
          %swap3A_533 = tpu.vector_load %arg11[%swap3A_532] {strides = array<i32>} : memref<2000xf32, #tpu.memory_space<vmem>>, vector<16xf32>,
          tpu.vector_store %arg11[%swap3A_532], %gather3A_531 {strides = array<i32>} : memref<2000xf32, #tpu.memory_space<vmem>>, vector<16xf32>,
          %get3A_534 = arith.constant 1328 : index
          %get3A_535 = tpu.vector_load %arg7[%get3A_534] {strides = array<i32>} : memref<2000xi32, #tpu.memory_space<vmem>>, vector<16xi32>,
          %gather3A_536 = tpu.vector_load_idx %arg6[%get3A_535] : memref<100000xf32, #tpu.memory_space<vmem>>[vector<16xi32>], vector<16xf32>,
          %swap3A_537 = arith.constant 1328 : index
          %swap3A_538 = tpu.vector_load %arg11[%swap3A_537] {strides = array<i32>} : memref<2000xf32, #tpu.memory_space<vmem>>, vector<16xf32>,
          tpu.vector_store %arg11[%swap3A_537], %gather3A_536 {strides = array<i32>} : memref<2000xf32, #tpu.memory_space<vmem>>, vector<16xf32>,
          %get3A_539 = arith.constant 1344 : index
          %get3A_540 = tpu.vector_load %arg7[%get3A_539] {strides = array<i32>} : memref<2000xi32, #tpu.memory_space<vmem>>, vector<16xi32>,
          %gather3A_541 = tpu.vector_load_idx %arg6[%get3A_540] : memref<100000xf32, #tpu.memory_space<vmem>>[vector<16xi32>], vector<16xf32>,
          %swap3A_542 = arith.constant 1344 : index
          %swap3A_543 = tpu.vector_load %arg11[%swap3A_542] {strides = array<i32>} : memref<2000xf32, #tpu.memory_space<vmem>>, vector<16xf32>,
          tpu.vector_store %arg11[%swap3A_542], %gather3A_541 {strides = array<i32>} : memref<2000xf32, #tpu.memory_space<vmem>>, vector<16xf32>,
          %get3A_544 = arith.constant 1360 : index
          %get3A_545 = tpu.vector_load %arg7[%get3A_544] {strides = array<i32>} : memref<2000xi32, #tpu.memory_space<vmem>>, vector<16xi32>,
          %gather3A_546 = tpu.vector_load_idx %arg6[%get3A_545] : memref<100000xf32, #tpu.memory_space<vmem>>[vector<16xi32>], vector<16xf32>,
          %swap3A_547 = arith.constant 1360 : index
          %swap3A_548 = tpu.vector_load %arg11[%swap3A_547] {strides = array<i32>} : memref<2000xf32, #tpu.memory_space<vmem>>, vector<16xf32>,
          tpu.vector_store %arg11[%swap3A_547], %gather3A_546 {strides = array<i32>} : memref<2000xf32, #tpu.memory_space<vmem>>, vector<16xf32>,
          %get3A_549 = arith.constant 1376 : index
          %get3A_550 = tpu.vector_load %arg7[%get3A_549] {strides = array<i32>} : memref<2000xi32, #tpu.memory_space<vmem>>, vector<16xi32>,
          %gather3A_551 = tpu.vector_load_idx %arg6[%get3A_550] : memref<100000xf32, #tpu.memory_space<vmem>>[vector<16xi32>], vector<16xf32>,
          %swap3A_552 = arith.constant 1376 : index
          %swap3A_553 = tpu.vector_load %arg11[%swap3A_552] {strides = array<i32>} : memref<2000xf32, #tpu.memory_space<vmem>>, vector<16xf32>,
          tpu.vector_store %arg11[%swap3A_552], %gather3A_551 {strides = array<i32>} : memref<2000xf32, #tpu.memory_space<vmem>>, vector<16xf32>,
          %get3A_554 = arith.constant 1392 : index
          %get3A_555 = tpu.vector_load %arg7[%get3A_554] {strides = array<i32>} : memref<2000xi32, #tpu.memory_space<vmem>>, vector<16xi32>,
          %gather3A_556 = tpu.vector_load_idx %arg6[%get3A_555] : memref<100000xf32, #tpu.memory_space<vmem>>[vector<16xi32>], vector<16xf32>,
          %swap3A_557 = arith.constant 1392 : index
          %swap3A_558 = tpu.vector_load %arg11[%swap3A_557] {strides = array<i32>} : memref<2000xf32, #tpu.memory_space<vmem>>, vector<16xf32>,
          tpu.vector_store %arg11[%swap3A_557], %gather3A_556 {strides = array<i32>} : memref<2000xf32, #tpu.memory_space<vmem>>, vector<16xf32>,
          %get3A_559 = arith.constant 1408 : index
          %get3A_560 = tpu.vector_load %arg7[%get3A_559] {strides = array<i32>} : memref<2000xi32, #tpu.memory_space<vmem>>, vector<16xi32>,
          %gather3A_561 = tpu.vector_load_idx %arg6[%get3A_560] : memref<100000xf32, #tpu.memory_space<vmem>>[vector<16xi32>], vector<16xf32>,
          %swap3A_562 = arith.constant 1408 : index
          %swap3A_563 = tpu.vector_load %arg11[%swap3A_562] {strides = array<i32>} : memref<2000xf32, #tpu.memory_space<vmem>>, vector<16xf32>,
          tpu.vector_store %arg11[%swap3A_562], %gather3A_561 {strides = array<i32>} : memref<2000xf32, #tpu.memory_space<vmem>>, vector<16xf32>,
          %get3A_564 = arith.constant 1424 : index
          %get3A_565 = tpu.vector_load %arg7[%get3A_564] {strides = array<i32>} : memref<2000xi32, #tpu.memory_space<vmem>>, vector<16xi32>,
          %gather3A_566 = tpu.vector_load_idx %arg6[%get3A_565] : memref<100000xf32, #tpu.memory_space<vmem>>[vector<16xi32>], vector<16xf32>,
          %swap3A_567 = arith.constant 1424 : index
          %swap3A_568 = tpu.vector_load %arg11[%swap3A_567] {strides = array<i32>} : memref<2000xf32, #tpu.memory_space<vmem>>, vector<16xf32>,
          tpu.vector_store %arg11[%swap3A_567], %gather3A_566 {strides = array<i32>} : memref<2000xf32, #tpu.memory_space<vmem>>, vector<16xf32>,
          %get3A_569 = arith.constant 1440 : index
          %get3A_570 = tpu.vector_load %arg7[%get3A_569] {strides = array<i32>} : memref<2000xi32, #tpu.memory_space<vmem>>, vector<16xi32>,
          %gather3A_571 = tpu.vector_load_idx %arg6[%get3A_570] : memref<100000xf32, #tpu.memory_space<vmem>>[vector<16xi32>], vector<16xf32>,
          %swap3A_572 = arith.constant 1440 : index
          %swap3A_573 = tpu.vector_load %arg11[%swap3A_572] {strides = array<i32>} : memref<2000xf32, #tpu.memory_space<vmem>>, vector<16xf32>,
          tpu.vector_store %arg11[%swap3A_572], %gather3A_571 {strides = array<i32>} : memref<2000xf32, #tpu.memory_space<vmem>>, vector<16xf32>,
          %get3A_574 = arith.constant 1456 : index
          %get3A_575 = tpu.vector_load %arg7[%get3A_574] {strides = array<i32>} : memref<2000xi32, #tpu.memory_space<vmem>>, vector<16xi32>,
          %gather3A_576 = tpu.vector_load_idx %arg6[%get3A_575] : memref<100000xf32, #tpu.memory_space<vmem>>[vector<16xi32>], vector<16xf32>,
          %swap3A_577 = arith.constant 1456 : index
          %swap3A_578 = tpu.vector_load %arg11[%swap3A_577] {strides = array<i32>} : memref<2000xf32, #tpu.memory_space<vmem>>, vector<16xf32>,
          tpu.vector_store %arg11[%swap3A_577], %gather3A_576 {strides = array<i32>} : memref<2000xf32, #tpu.memory_space<vmem>>, vector<16xf32>,
          %get3A_579 = arith.constant 1472 : index
          %get3A_580 = tpu.vector_load %arg7[%get3A_579] {strides = array<i32>} : memref<2000xi32, #tpu.memory_space<vmem>>, vector<16xi32>,
          %gather3A_581 = tpu.vector_load_idx %arg6[%get3A_580] : memref<100000xf32, #tpu.memory_space<vmem>>[vector<16xi32>], vector<16xf32>,
          %swap3A_582 = arith.constant 1472 : index
          %swap3A_583 = tpu.vector_load %arg11[%swap3A_582] {strides = array<i32>} : memref<2000xf32, #tpu.memory_space<vmem>>, vector<16xf32>,
          tpu.vector_store %arg11[%swap3A_582], %gather3A_581 {strides = array<i32>} : memref<2000xf32, #tpu.memory_space<vmem>>, vector<16xf32>,
          %get3A_584 = arith.constant 1488 : index
          %get3A_585 = tpu.vector_load %arg7[%get3A_584] {strides = array<i32>} : memref<2000xi32, #tpu.memory_space<vmem>>, vector<16xi32>,
          %gather3A_586 = tpu.vector_load_idx %arg6[%get3A_585] : memref<100000xf32, #tpu.memory_space<vmem>>[vector<16xi32>], vector<16xf32>,
          %swap3A_587 = arith.constant 1488 : index
          %swap3A_588 = tpu.vector_load %arg11[%swap3A_587] {strides = array<i32>} : memref<2000xf32, #tpu.memory_space<vmem>>, vector<16xf32>,
          tpu.vector_store %arg11[%swap3A_587], %gather3A_586 {strides = array<i32>} : memref<2000xf32, #tpu.memory_space<vmem>>, vector<16xf32>,
          %get3A_589 = arith.constant 1504 : index
          %get3A_590 = tpu.vector_load %arg7[%get3A_589] {strides = array<i32>} : memref<2000xi32, #tpu.memory_space<vmem>>, vector<16xi32>,
          %gather3A_591 = tpu.vector_load_idx %arg6[%get3A_590] : memref<100000xf32, #tpu.memory_space<vmem>>[vector<16xi32>], vector<16xf32>,
          %swap3A_592 = arith.constant 1504 : index
          %swap3A_593 = tpu.vector_load %arg11[%swap3A_592] {strides = array<i32>} : memref<2000xf32, #tpu.memory_space<vmem>>, vector<16xf32>,
          tpu.vector_store %arg11[%swap3A_592], %gather3A_591 {strides = array<i32>} : memref<2000xf32, #tpu.memory_space<vmem>>, vector<16xf32>,
          %get3A_594 = arith.constant 1520 : index
          %get3A_595 = tpu.vector_load %arg7[%get3A_594] {strides = array<i32>} : memref<2000xi32, #tpu.memory_space<vmem>>, vector<16xi32>,
          %gather3A_596 = tpu.vector_load_idx %arg6[%get3A_595] : memref<100000xf32, #tpu.memory_space<vmem>>[vector<16xi32>], vector<16xf32>,
          %swap3A_597 = arith.constant 1520 : index
          %swap3A_598 = tpu.vector_load %arg11[%swap3A_597] {strides = array<i32>} : memref<2000xf32, #tpu.memory_space<vmem>>, vector<16xf32>,
          tpu.vector_store %arg11[%swap3A_597], %gather3A_596 {strides = array<i32>} : memref<2000xf32, #tpu.memory_space<vmem>>, vector<16xf32>,
          %get3A_599 = arith.constant 1536 : index
          %get3A_600 = tpu.vector_load %arg7[%get3A_599] {strides = array<i32>} : memref<2000xi32, #tpu.memory_space<vmem>>, vector<16xi32>,
          %gather3A_601 = tpu.vector_load_idx %arg6[%get3A_600] : memref<100000xf32, #tpu.memory_space<vmem>>[vector<16xi32>], vector<16xf32>,
          %swap3A_602 = arith.constant 1536 : index
          %swap3A_603 = tpu.vector_load %arg11[%swap3A_602] {strides = array<i32>} : memref<2000xf32, #tpu.memory_space<vmem>>, vector<16xf32>,
          tpu.vector_store %arg11[%swap3A_602], %gather3A_601 {strides = array<i32>} : memref<2000xf32, #tpu.memory_space<vmem>>, vector<16xf32>,
          %get3A_604 = arith.constant 1552 : index
          %get3A_605 = tpu.vector_load %arg7[%get3A_604] {strides = array<i32>} : memref<2000xi32, #tpu.memory_space<vmem>>, vector<16xi32>,
          %gather3A_606 = tpu.vector_load_idx %arg6[%get3A_605] : memref<100000xf32, #tpu.memory_space<vmem>>[vector<16xi32>], vector<16xf32>,
          %swap3A_607 = arith.constant 1552 : index
          %swap3A_608 = tpu.vector_load %arg11[%swap3A_607] {strides = array<i32>} : memref<2000xf32, #tpu.memory_space<vmem>>, vector<16xf32>,
          tpu.vector_store %arg11[%swap3A_607], %gather3A_606 {strides = array<i32>} : memref<2000xf32, #tpu.memory_space<vmem>>, vector<16xf32>,
          %get3A_609 = arith.constant 1568 : index
          %get3A_610 = tpu.vector_load %arg7[%get3A_609] {strides = array<i32>} : memref<2000xi32, #tpu.memory_space<vmem>>, vector<16xi32>,
          %gather3A_611 = tpu.vector_load_idx %arg6[%get3A_610] : memref<100000xf32, #tpu.memory_space<vmem>>[vector<16xi32>], vector<16xf32>,
          %swap3A_612 = arith.constant 1568 : index
          %swap3A_613 = tpu.vector_load %arg11[%swap3A_612] {strides = array<i32>} : memref<2000xf32, #tpu.memory_space<vmem>>, vector<16xf32>,
          tpu.vector_store %arg11[%swap3A_612], %gather3A_611 {strides = array<i32>} : memref<2000xf32, #tpu.memory_space<vmem>>, vector<16xf32>,
          %get3A_614 = arith.constant 1584 : index
          %get3A_615 = tpu.vector_load %arg7[%get3A_614] {strides = array<i32>} : memref<2000xi32, #tpu.memory_space<vmem>>, vector<16xi32>,
          %gather3A_616 = tpu.vector_load_idx %arg6[%get3A_615] : memref<100000xf32, #tpu.memory_space<vmem>>[vector<16xi32>], vector<16xf32>,
          %swap3A_617 = arith.constant 1584 : index
          %swap3A_618 = tpu.vector_load %arg11[%swap3A_617] {strides = array<i32>} : memref<2000xf32, #tpu.memory_space<vmem>>, vector<16xf32>,
          tpu.vector_store %arg11[%swap3A_617], %gather3A_616 {strides = array<i32>} : memref<2000xf32, #tpu.memory_space<vmem>>, vector<16xf32>,
          %get3A_619 = arith.constant 1600 : index
          %get3A_620 = tpu.vector_load %arg7[%get3A_619] {strides = array<i32>} : memref<2000xi32, #tpu.memory_space<vmem>>, vector<16xi32>,
          %gather3A_621 = tpu.vector_load_idx %arg6[%get3A_620] : memref<100000xf32, #tpu.memory_space<vmem>>[vector<16xi32>], vector<16xf32>,
          %swap3A_622 = arith.constant 1600 : index
          %swap3A_623 = tpu.vector_load %arg11[%swap3A_622] {strides = array<i32>} : memref<2000xf32, #tpu.memory_space<vmem>>, vector<16xf32>,
          tpu.vector_store %arg11[%swap3A_622], %gather3A_621 {strides = array<i32>} : memref<2000xf32, #tpu.memory_space<vmem>>, vector<16xf32>,
          %get3A_624 = arith.constant 1616 : index
          %get3A_625 = tpu.vector_load %arg7[%get3A_624] {strides = array<i32>} : memref<2000xi32, #tpu.memory_space<vmem>>, vector<16xi32>,
          %gather3A_626 = tpu.vector_load_idx %arg6[%get3A_625] : memref<100000xf32, #tpu.memory_space<vmem>>[vector<16xi32>], vector<16xf32>,
          %swap3A_627 = arith.constant 1616 : index
          %swap3A_628 = tpu.vector_load %arg11[%swap3A_627] {strides = array<i32>} : memref<2000xf32, #tpu.memory_space<vmem>>, vector<16xf32>,
          tpu.vector_store %arg11[%swap3A_627], %gather3A_626 {strides = array<i32>} : memref<2000xf32, #tpu.memory_space<vmem>>, vector<16xf32>,
          %get3A_629 = arith.constant 1632 : index
          %get3A_630 = tpu.vector_load %arg7[%get3A_629] {strides = array<i32>} : memref<2000xi32, #tpu.memory_space<vmem>>, vector<16xi32>,
          %gather3A_631 = tpu.vector_load_idx %arg6[%get3A_630] : memref<100000xf32, #tpu.memory_space<vmem>>[vector<16xi32>], vector<16xf32>,
          %swap3A_632 = arith.constant 1632 : index
          %swap3A_633 = tpu.vector_load %arg11[%swap3A_632] {strides = array<i32>} : memref<2000xf32, #tpu.memory_space<vmem>>, vector<16xf32>,
          tpu.vector_store %arg11[%swap3A_632], %gather3A_631 {strides = array<i32>} : memref<2000xf32, #tpu.memory_space<vmem>>, vector<16xf32>,
          %get3A_634 = arith.constant 1648 : index
          %get3A_635 = tpu.vector_load %arg7[%get3A_634] {strides = array<i32>} : memref<2000xi32, #tpu.memory_space<vmem>>, vector<16xi32>,
          %gather3A_636 = tpu.vector_load_idx %arg6[%get3A_635] : memref<100000xf32, #tpu.memory_space<vmem>>[vector<16xi32>], vector<16xf32>,
          %swap3A_637 = arith.constant 1648 : index
          %swap3A_638 = tpu.vector_load %arg11[%swap3A_637] {strides = array<i32>} : memref<2000xf32, #tpu.memory_space<vmem>>, vector<16xf32>,
          tpu.vector_store %arg11[%swap3A_637], %gather3A_636 {strides = array<i32>} : memref<2000xf32, #tpu.memory_space<vmem>>, vector<16xf32>,
          %get3A_639 = arith.constant 1664 : index
          %get3A_640 = tpu.vector_load %arg7[%get3A_639] {strides = array<i32>} : memref<2000xi32, #tpu.memory_space<vmem>>, vector<16xi32>,
          %gather3A_641 = tpu.vector_load_idx %arg6[%get3A_640] : memref<100000xf32, #tpu.memory_space<vmem>>[vector<16xi32>], vector<16xf32>,
          %swap3A_642 = arith.constant 1664 : index
          %swap3A_643 = tpu.vector_load %arg11[%swap3A_642] {strides = array<i32>} : memref<2000xf32, #tpu.memory_space<vmem>>, vector<16xf32>,
          tpu.vector_store %arg11[%swap3A_642], %gather3A_641 {strides = array<i32>} : memref<2000xf32, #tpu.memory_space<vmem>>, vector<16xf32>,
          %get3A_644 = arith.constant 1680 : index
          %get3A_645 = tpu.vector_load %arg7[%get3A_644] {strides = array<i32>} : memref<2000xi32, #tpu.memory_space<vmem>>, vector<16xi32>,
          %gather3A_646 = tpu.vector_load_idx %arg6[%get3A_645] : memref<100000xf32, #tpu.memory_space<vmem>>[vector<16xi32>], vector<16xf32>,
          %swap3A_647 = arith.constant 1680 : index
          %swap3A_648 = tpu.vector_load %arg11[%swap3A_647] {strides = array<i32>} : memref<2000xf32, #tpu.memory_space<vmem>>, vector<16xf32>,
          tpu.vector_store %arg11[%swap3A_647], %gather3A_646 {strides = array<i32>} : memref<2000xf32, #tpu.memory_space<vmem>>, vector<16xf32>,
          %get3A_649 = arith.constant 1696 : index
          %get3A_650 = tpu.vector_load %arg7[%get3A_649] {strides = array<i32>} : memref<2000xi32, #tpu.memory_space<vmem>>, vector<16xi32>,
          %gather3A_651 = tpu.vector_load_idx %arg6[%get3A_650] : memref<100000xf32, #tpu.memory_space<vmem>>[vector<16xi32>], vector<16xf32>,
          %swap3A_652 = arith.constant 1696 : index
          %swap3A_653 = tpu.vector_load %arg11[%swap3A_652] {strides = array<i32>} : memref<2000xf32, #tpu.memory_space<vmem>>, vector<16xf32>,
          tpu.vector_store %arg11[%swap3A_652], %gather3A_651 {strides = array<i32>} : memref<2000xf32, #tpu.memory_space<vmem>>, vector<16xf32>,
          %get3A_654 = arith.constant 1712 : index
          %get3A_655 = tpu.vector_load %arg7[%get3A_654] {strides = array<i32>} : memref<2000xi32, #tpu.memory_space<vmem>>, vector<16xi32>,
          %gather3A_656 = tpu.vector_load_idx %arg6[%get3A_655] : memref<100000xf32, #tpu.memory_space<vmem>>[vector<16xi32>], vector<16xf32>,
          %swap3A_657 = arith.constant 1712 : index
          %swap3A_658 = tpu.vector_load %arg11[%swap3A_657] {strides = array<i32>} : memref<2000xf32, #tpu.memory_space<vmem>>, vector<16xf32>,
          tpu.vector_store %arg11[%swap3A_657], %gather3A_656 {strides = array<i32>} : memref<2000xf32, #tpu.memory_space<vmem>>, vector<16xf32>,
          %get3A_659 = arith.constant 1728 : index
          %get3A_660 = tpu.vector_load %arg7[%get3A_659] {strides = array<i32>} : memref<2000xi32, #tpu.memory_space<vmem>>, vector<16xi32>,
          %gather3A_661 = tpu.vector_load_idx %arg6[%get3A_660] : memref<100000xf32, #tpu.memory_space<vmem>>[vector<16xi32>], vector<16xf32>,
          %swap3A_662 = arith.constant 1728 : index
          %swap3A_663 = tpu.vector_load %arg11[%swap3A_662] {strides = array<i32>} : memref<2000xf32, #tpu.memory_space<vmem>>, vector<16xf32>,
          tpu.vector_store %arg11[%swap3A_662], %gather3A_661 {strides = array<i32>} : memref<2000xf32, #tpu.memory_space<vmem>>, vector<16xf32>,
          %get3A_664 = arith.constant 1744 : index
          %get3A_665 = tpu.vector_load %arg7[%get3A_664] {strides = array<i32>} : memref<2000xi32, #tpu.memory_space<vmem>>, vector<16xi32>,
          %gather3A_666 = tpu.vector_load_idx %arg6[%get3A_665] : memref<100000xf32, #tpu.memory_space<vmem>>[vector<16xi32>], vector<16xf32>,
          %swap3A_667 = arith.constant 1744 : index
          %swap3A_668 = tpu.vector_load %arg11[%swap3A_667] {strides = array<i32>} : memref<2000xf32, #tpu.memory_space<vmem>>, vector<16xf32>,
          tpu.vector_store %arg11[%swap3A_667], %gather3A_666 {strides = array<i32>} : memref<2000xf32, #tpu.memory_space<vmem>>, vector<16xf32>,
          %get3A_669 = arith.constant 1760 : index
          %get3A_670 = tpu.vector_load %arg7[%get3A_669] {strides = array<i32>} : memref<2000xi32, #tpu.memory_space<vmem>>, vector<16xi32>,
          %gather3A_671 = tpu.vector_load_idx %arg6[%get3A_670] : memref<100000xf32, #tpu.memory_space<vmem>>[vector<16xi32>], vector<16xf32>,
          %swap3A_672 = arith.constant 1760 : index
          %swap3A_673 = tpu.vector_load %arg11[%swap3A_672] {strides = array<i32>} : memref<2000xf32, #tpu.memory_space<vmem>>, vector<16xf32>,
          tpu.vector_store %arg11[%swap3A_672], %gather3A_671 {strides = array<i32>} : memref<2000xf32, #tpu.memory_space<vmem>>, vector<16xf32>,
          %get3A_674 = arith.constant 1776 : index
          %get3A_675 = tpu.vector_load %arg7[%get3A_674] {strides = array<i32>} : memref<2000xi32, #tpu.memory_space<vmem>>, vector<16xi32>,
          %gather3A_676 = tpu.vector_load_idx %arg6[%get3A_675] : memref<100000xf32, #tpu.memory_space<vmem>>[vector<16xi32>], vector<16xf32>,
          %swap3A_677 = arith.constant 1776 : index
          %swap3A_678 = tpu.vector_load %arg11[%swap3A_677] {strides = array<i32>} : memref<2000xf32, #tpu.memory_space<vmem>>, vector<16xf32>,
          tpu.vector_store %arg11[%swap3A_677], %gather3A_676 {strides = array<i32>} : memref<2000xf32, #tpu.memory_space<vmem>>, vector<16xf32>,
          %get3A_679 = arith.constant 1792 : index
          %get3A_680 = tpu.vector_load %arg7[%get3A_679] {strides = array<i32>} : memref<2000xi32, #tpu.memory_space<vmem>>, vector<16xi32>,
          %gather3A_681 = tpu.vector_load_idx %arg6[%get3A_680] : memref<100000xf32, #tpu.memory_space<vmem>>[vector<16xi32>], vector<16xf32>,
          %swap3A_682 = arith.constant 1792 : index
          %swap3A_683 = tpu.vector_load %arg11[%swap3A_682] {strides = array<i32>} : memref<2000xf32, #tpu.memory_space<vmem>>, vector<16xf32>,
          tpu.vector_store %arg11[%swap3A_682], %gather3A_681 {strides = array<i32>} : memref<2000xf32, #tpu.memory_space<vmem>>, vector<16xf32>,
          %get3A_684 = arith.constant 1808 : index
          %get3A_685 = tpu.vector_load %arg7[%get3A_684] {strides = array<i32>} : memref<2000xi32, #tpu.memory_space<vmem>>, vector<16xi32>,
          %gather3A_686 = tpu.vector_load_idx %arg6[%get3A_685] : memref<100000xf32, #tpu.memory_space<vmem>>[vector<16xi32>], vector<16xf32>,
          %swap3A_687 = arith.constant 1808 : index
          %swap3A_688 = tpu.vector_load %arg11[%swap3A_687] {strides = array<i32>} : memref<2000xf32, #tpu.memory_space<vmem>>, vector<16xf32>,
          tpu.vector_store %arg11[%swap3A_687], %gather3A_686 {strides = array<i32>} : memref<2000xf32, #tpu.memory_space<vmem>>, vector<16xf32>,
          %get3A_689 = arith.constant 1824 : index
          %get3A_690 = tpu.vector_load %arg7[%get3A_689] {strides = array<i32>} : memref<2000xi32, #tpu.memory_space<vmem>>, vector<16xi32>,
          %gather3A_691 = tpu.vector_load_idx %arg6[%get3A_690] : memref<100000xf32, #tpu.memory_space<vmem>>[vector<16xi32>], vector<16xf32>,
          %swap3A_692 = arith.constant 1824 : index
          %swap3A_693 = tpu.vector_load %arg11[%swap3A_692] {strides = array<i32>} : memref<2000xf32, #tpu.memory_space<vmem>>, vector<16xf32>,
          tpu.vector_store %arg11[%swap3A_692], %gather3A_691 {strides = array<i32>} : memref<2000xf32, #tpu.memory_space<vmem>>, vector<16xf32>,
          %get3A_694 = arith.constant 1840 : index
          %get3A_695 = tpu.vector_load %arg7[%get3A_694] {strides = array<i32>} : memref<2000xi32, #tpu.memory_space<vmem>>, vector<16xi32>,
          %gather3A_696 = tpu.vector_load_idx %arg6[%get3A_695] : memref<100000xf32, #tpu.memory_space<vmem>>[vector<16xi32>], vector<16xf32>,
          %swap3A_697 = arith.constant 1840 : index
          %swap3A_698 = tpu.vector_load %arg11[%swap3A_697] {strides = array<i32>} : memref<2000xf32, #tpu.memory_space<vmem>>, vector<16xf32>,
          tpu.vector_store %arg11[%swap3A_697], %gather3A_696 {strides = array<i32>} : memref<2000xf32, #tpu.memory_space<vmem>>, vector<16xf32>,
          %get3A_699 = arith.constant 1856 : index
          %get3A_700 = tpu.vector_load %arg7[%get3A_699] {strides = array<i32>} : memref<2000xi32, #tpu.memory_space<vmem>>, vector<16xi32>,
          %gather3A_701 = tpu.vector_load_idx %arg6[%get3A_700] : memref<100000xf32, #tpu.memory_space<vmem>>[vector<16xi32>], vector<16xf32>,
          %swap3A_702 = arith.constant 1856 : index
          %swap3A_703 = tpu.vector_load %arg11[%swap3A_702] {strides = array<i32>} : memref<2000xf32, #tpu.memory_space<vmem>>, vector<16xf32>,
          tpu.vector_store %arg11[%swap3A_702], %gather3A_701 {strides = array<i32>} : memref<2000xf32, #tpu.memory_space<vmem>>, vector<16xf32>,
          %get3A_704 = arith.constant 1872 : index
          %get3A_705 = tpu.vector_load %arg7[%get3A_704] {strides = array<i32>} : memref<2000xi32, #tpu.memory_space<vmem>>, vector<16xi32>,
          %gather3A_706 = tpu.vector_load_idx %arg6[%get3A_705] : memref<100000xf32, #tpu.memory_space<vmem>>[vector<16xi32>], vector<16xf32>,
          %swap3A_707 = arith.constant 1872 : index
          %swap3A_708 = tpu.vector_load %arg11[%swap3A_707] {strides = array<i32>} : memref<2000xf32, #tpu.memory_space<vmem>>, vector<16xf32>,
          tpu.vector_store %arg11[%swap3A_707], %gather3A_706 {strides = array<i32>} : memref<2000xf32, #tpu.memory_space<vmem>>, vector<16xf32>,
          %get3A_709 = arith.constant 1888 : index
          %get3A_710 = tpu.vector_load %arg7[%get3A_709] {strides = array<i32>} : memref<2000xi32, #tpu.memory_space<vmem>>, vector<16xi32>,
          %gather3A_711 = tpu.vector_load_idx %arg6[%get3A_710] : memref<100000xf32, #tpu.memory_space<vmem>>[vector<16xi32>], vector<16xf32>,
          %swap3A_712 = arith.constant 1888 : index
          %swap3A_713 = tpu.vector_load %arg11[%swap3A_712] {strides = array<i32>} : memref<2000xf32, #tpu.memory_space<vmem>>, vector<16xf32>,
          tpu.vector_store %arg11[%swap3A_712], %gather3A_711 {strides = array<i32>} : memref<2000xf32, #tpu.memory_space<vmem>>, vector<16xf32>,
          %get3A_714 = arith.constant 1904 : index
          %get3A_715 = tpu.vector_load %arg7[%get3A_714] {strides = array<i32>} : memref<2000xi32, #tpu.memory_space<vmem>>, vector<16xi32>,
          %gather3A_716 = tpu.vector_load_idx %arg6[%get3A_715] : memref<100000xf32, #tpu.memory_space<vmem>>[vector<16xi32>], vector<16xf32>,
          %swap3A_717 = arith.constant 1904 : index
          %swap3A_718 = tpu.vector_load %arg11[%swap3A_717] {strides = array<i32>} : memref<2000xf32, #tpu.memory_space<vmem>>, vector<16xf32>,
          tpu.vector_store %arg11[%swap3A_717], %gather3A_716 {strides = array<i32>} : memref<2000xf32, #tpu.memory_space<vmem>>, vector<16xf32>,
          %get3A_719 = arith.constant 1920 : index
          %get3A_720 = tpu.vector_load %arg7[%get3A_719] {strides = array<i32>} : memref<2000xi32, #tpu.memory_space<vmem>>, vector<16xi32>,
          %gather3A_721 = tpu.vector_load_idx %arg6[%get3A_720] : memref<100000xf32, #tpu.memory_space<vmem>>[vector<16xi32>], vector<16xf32>,
          %swap3A_722 = arith.constant 1920 : index
          %swap3A_723 = tpu.vector_load %arg11[%swap3A_722] {strides = array<i32>} : memref<2000xf32, #tpu.memory_space<vmem>>, vector<16xf32>,
          tpu.vector_store %arg11[%swap3A_722], %gather3A_721 {strides = array<i32>} : memref<2000xf32, #tpu.memory_space<vmem>>, vector<16xf32>,
          %get3A_724 = arith.constant 1936 : index
          %get3A_725 = tpu.vector_load %arg7[%get3A_724] {strides = array<i32>} : memref<2000xi32, #tpu.memory_space<vmem>>, vector<16xi32>,
          %gather3A_726 = tpu.vector_load_idx %arg6[%get3A_725] : memref<100000xf32, #tpu.memory_space<vmem>>[vector<16xi32>], vector<16xf32>,
          %swap3A_727 = arith.constant 1936 : index
          %swap3A_728 = tpu.vector_load %arg11[%swap3A_727] {strides = array<i32>} : memref<2000xf32, #tpu.memory_space<vmem>>, vector<16xf32>,
          tpu.vector_store %arg11[%swap3A_727], %gather3A_726 {strides = array<i32>} : memref<2000xf32, #tpu.memory_space<vmem>>, vector<16xf32>,
          %get3A_729 = arith.constant 1952 : index
          %get3A_730 = tpu.vector_load %arg7[%get3A_729] {strides = array<i32>} : memref<2000xi32, #tpu.memory_space<vmem>>, vector<16xi32>,
          %gather3A_731 = tpu.vector_load_idx %arg6[%get3A_730] : memref<100000xf32, #tpu.memory_space<vmem>>[vector<16xi32>], vector<16xf32>,
          %swap3A_732 = arith.constant 1952 : index
          %swap3A_733 = tpu.vector_load %arg11[%swap3A_732] {strides = array<i32>} : memref<2000xf32, #tpu.memory_space<vmem>>, vector<16xf32>,
          tpu.vector_store %arg11[%swap3A_732], %gather3A_731 {strides = array<i32>} : memref<2000xf32, #tpu.memory_space<vmem>>, vector<16xf32>,
          %get3A_734 = arith.constant 1968 : index
          %get3A_735 = tpu.vector_load %arg7[%get3A_734] {strides = array<i32>} : memref<2000xi32, #tpu.memory_space<vmem>>, vector<16xi32>,
          %gather3A_736 = tpu.vector_load_idx %arg6[%get3A_735] : memref<100000xf32, #tpu.memory_space<vmem>>[vector<16xi32>], vector<16xf32>,
          %swap3A_737 = arith.constant 1968 : index
          %swap3A_738 = tpu.vector_load %arg11[%swap3A_737] {strides = array<i32>} : memref<2000xf32, #tpu.memory_space<vmem>>, vector<16xf32>,
          tpu.vector_store %arg11[%swap3A_737], %gather3A_736 {strides = array<i32>} : memref<2000xf32, #tpu.memory_space<vmem>>, vector<16xf32>,
          %get3A_739 = arith.constant 1984 : index
          %get3A_740 = tpu.vector_load %arg7[%get3A_739] {strides = array<i32>} : memref<2000xi32, #tpu.memory_space<vmem>>, vector<16xi32>,
          %gather3A_741 = tpu.vector_load_idx %arg6[%get3A_740] : memref<100000xf32, #tpu.memory_space<vmem>>[vector<16xi32>], vector<16xf32>,
          %swap3A_742 = arith.constant 1984 : index
          %swap3A_743 = tpu.vector_load %arg11[%swap3A_742] {strides = array<i32>} : memref<2000xf32, #tpu.memory_space<vmem>>, vector<16xf32>,
          tpu.vector_store %arg11[%swap3A_742], %gather3A_741 {strides = array<i32>} : memref<2000xf32, #tpu.memory_space<vmem>>, vector<16xf32>,
          %add3A_744 = arith.constant 0 : i32
          %add3A_745 = arith.addi %mul3A_108, %add3A_744 : i32
          %mul3A_746 = arith.constant 2000 : i32
          %mul3A_747 = arith.muli %add3A_745, %mul3A_746 : i32
          %mul3A_748 = arith.constant 200000 : i32
          %mul3A_749 = arith.muli %add3A_9, %mul3A_748 : i32
          %add3A_750 = arith.addi %mul3A_749, %mul3A_747 : i32
          %dma_start3A_751 = tpu.memref_slice %arg5[%add3A_750] : memref<78600000xf32, #tpu.memory_space<hbm>> -> memref<2000xf32, #tpu.memory_space<hbm>>
          %dma_start3A_752 = tpu.memref_slice %arg5[%add3A_750] : memref<78600000xf32, #tpu.memory_space<hbm>> -> memref<2000xf32, #tpu.memory_space<hbm>>
          tpu.enqueue_dma source(%arg11 : memref<2000xf32, #tpu.memory_space<vmem>>) target(%dma_start3A_752 : memref<2000xf32, #tpu.memory_space<hbm>>) target_semaphore(%arg16 : memref<!tpu.dma_semaphore, #tpu.memory_space<semaphore_mem>>)
          %lt3A_753 = arith.constant 24 : i32
          %lt3A_754 = arith.cmpi slt, %scan3A_106, %lt3A_753 : i32
          %convert_element_type3A_755 = arith.extui %lt3A_754 : i1 to i32
          %cond3A_756 = arith.constant 0 : i32
          %cond3A_757 = arith.cmpi ne, %convert_element_type3A_755, %cond3A_756 : i32
          scf.if %cond3A_757 {
            %add3A_2717 = arith.constant 4 : i32
            %add3A_2718 = arith.addi %mul3A_108, %add3A_2717 : i32
            %add3A_2719 = arith.constant 0 : i32
            %add3A_2720 = arith.addi %add3A_2718, %add3A_2719 : i32
            %mul3A_2721 = arith.constant 2000 : i32
            %mul3A_2722 = arith.muli %add3A_2720, %mul3A_2721 : i32
            %mul3A_2723 = arith.constant 200000 : i32
            %mul3A_2724 = arith.muli %select_n3A, %mul3A_2723 : i32
            %add3A_2725 = arith.addi %mul3A_2724, %mul3A_2722 : i32
            %dma_start3A_2726 = tpu.memref_slice %arg3[%add3A_2725] : memref<600000xi32, #tpu.memory_space<hbm>> -> memref<2000xi32, #tpu.memory_space<hbm>>
            %dma_start3A_2727 = tpu.memref_slice %arg3[%add3A_2725] : memref<600000xi32, #tpu.memory_space<hbm>> -> memref<2000xi32, #tpu.memory_space<hbm>>
            tpu.enqueue_dma source(%dma_start3A_2727 : memref<2000xi32, #tpu.memory_space<hbm>>) target(%arg7 : memref<2000xi32, #tpu.memory_space<vmem>>) target_semaphore(%arg15 : memref<!tpu.dma_semaphore, #tpu.memory_space<semaphore_mem>>)
          } else {
          }
          %add3A_758 = arith.constant 1 : i32
          %add3A_759 = arith.addi %mul3A_108, %add3A_758 : i32
          %mul3A_760 = arith.constant 2000 : i32
          %mul3A_761 = arith.muli %add3A_759, %mul3A_760 : i32
          %mul3A_762 = arith.constant 200000 : i32
          %mul3A_763 = arith.muli %select_n3A, %mul3A_762 : i32
          %add3A_764 = arith.addi %mul3A_763, %mul3A_761 : i32
          %dma_wait3A_765 = tpu.memref_slice %arg3[%add3A_764] : memref<600000xi32, #tpu.memory_space<hbm>> -> memref<2000xi32, #tpu.memory_space<hbm>>
          %dma_wait3A_766 = tpu.memref_slice %arg3[%add3A_764] : memref<600000xi32, #tpu.memory_space<hbm>> -> memref<2000xi32, #tpu.memory_space<hbm>>
          tpu.wait_dma2 semaphore(%arg15 : memref<!tpu.dma_semaphore, #tpu.memory_space<semaphore_mem>>) src(%dma_wait3A_766 : memref<2000xi32, #tpu.memory_space<hbm>>) dst(%arg8 : memref<2000xi32, #tpu.memory_space<vmem>>)
          %gt3A_767 = arith.constant 0 : i32
          %gt3A_768 = arith.cmpi sgt, %scan3A_106, %gt3A_767 : i32
          %convert_element_type3A_769 = arith.extui %gt3A_768 : i1 to i32
          %cond3A_770 = arith.constant 0 : i32
          %cond3A_771 = arith.cmpi ne, %convert_element_type3A_769, %cond3A_770 : i32
          scf.if %cond3A_771 {
            %mul3A_2717 = arith.constant 200000 : i32
            %mul3A_2718 = arith.muli %add3A_9, %mul3A_2717 : i32
            %add3A_2719 = arith.constant 0 : i32
            %add3A_2720 = arith.addi %mul3A_2718, %add3A_2719 : i32
            %dma_wait3A_2721 = tpu.memref_slice %arg5[%add3A_2720] : memref<78600000xf32, #tpu.memory_space<hbm>> -> memref<2000xf32, #tpu.memory_space<hbm>>
            %dma_wait3A_2722 = tpu.memref_slice %arg5[%add3A_2720] : memref<78600000xf32, #tpu.memory_space<hbm>> -> memref<2000xf32, #tpu.memory_space<hbm>>
            tpu.wait_dma2 semaphore(%arg16 : memref<!tpu.dma_semaphore, #tpu.memory_space<semaphore_mem>>) src(%arg12 : memref<2000xf32, #tpu.memory_space<vmem>>) dst(%dma_wait3A_2722 : memref<2000xf32, #tpu.memory_space<hbm>>)
          } else {
          }
          %get3A_772 = arith.constant 0 : index
          %get3A_773 = tpu.vector_load %arg8[%get3A_772] {strides = array<i32>} : memref<2000xi32, #tpu.memory_space<vmem>>, vector<16xi32>,
          %gather3A_774 = tpu.vector_load_idx %arg6[%get3A_773] : memref<100000xf32, #tpu.memory_space<vmem>>[vector<16xi32>], vector<16xf32>,
          %swap3A_775 = arith.constant 0 : index
          %swap3A_776 = tpu.vector_load %arg12[%swap3A_775] {strides = array<i32>} : memref<2000xf32, #tpu.memory_space<vmem>>, vector<16xf32>,
          tpu.vector_store %arg12[%swap3A_775], %gather3A_774 {strides = array<i32>} : memref<2000xf32, #tpu.memory_space<vmem>>, vector<16xf32>,
          %get3A_777 = arith.constant 16 : index
          %get3A_778 = tpu.vector_load %arg8[%get3A_777] {strides = array<i32>} : memref<2000xi32, #tpu.memory_space<vmem>>, vector<16xi32>,
          %gather3A_779 = tpu.vector_load_idx %arg6[%get3A_778] : memref<100000xf32, #tpu.memory_space<vmem>>[vector<16xi32>], vector<16xf32>,
          %swap3A_780 = arith.constant 16 : index
          %swap3A_781 = tpu.vector_load %arg12[%swap3A_780] {strides = array<i32>} : memref<2000xf32, #tpu.memory_space<vmem>>, vector<16xf32>,
          tpu.vector_store %arg12[%swap3A_780], %gather3A_779 {strides = array<i32>} : memref<2000xf32, #tpu.memory_space<vmem>>, vector<16xf32>,
          %get3A_782 = arith.constant 32 : index
          %get3A_783 = tpu.vector_load %arg8[%get3A_782] {strides = array<i32>} : memref<2000xi32, #tpu.memory_space<vmem>>, vector<16xi32>,
          %gather3A_784 = tpu.vector_load_idx %arg6[%get3A_783] : memref<100000xf32, #tpu.memory_space<vmem>>[vector<16xi32>], vector<16xf32>,
          %swap3A_785 = arith.constant 32 : index
          %swap3A_786 = tpu.vector_load %arg12[%swap3A_785] {strides = array<i32>} : memref<2000xf32, #tpu.memory_space<vmem>>, vector<16xf32>,
          tpu.vector_store %arg12[%swap3A_785], %gather3A_784 {strides = array<i32>} : memref<2000xf32, #tpu.memory_space<vmem>>, vector<16xf32>,
          %get3A_787 = arith.constant 48 : index
          %get3A_788 = tpu.vector_load %arg8[%get3A_787] {strides = array<i32>} : memref<2000xi32, #tpu.memory_space<vmem>>, vector<16xi32>,
          %gather3A_789 = tpu.vector_load_idx %arg6[%get3A_788] : memref<100000xf32, #tpu.memory_space<vmem>>[vector<16xi32>], vector<16xf32>,
          %swap3A_790 = arith.constant 48 : index
          %swap3A_791 = tpu.vector_load %arg12[%swap3A_790] {strides = array<i32>} : memref<2000xf32, #tpu.memory_space<vmem>>, vector<16xf32>,
          tpu.vector_store %arg12[%swap3A_790], %gather3A_789 {strides = array<i32>} : memref<2000xf32, #tpu.memory_space<vmem>>, vector<16xf32>,
          %get3A_792 = arith.constant 64 : index
          %get3A_793 = tpu.vector_load %arg8[%get3A_792] {strides = array<i32>} : memref<2000xi32, #tpu.memory_space<vmem>>, vector<16xi32>,
          %gather3A_794 = tpu.vector_load_idx %arg6[%get3A_793] : memref<100000xf32, #tpu.memory_space<vmem>>[vector<16xi32>], vector<16xf32>,
          %swap3A_795 = arith.constant 64 : index
          %swap3A_796 = tpu.vector_load %arg12[%swap3A_795] {strides = array<i32>} : memref<2000xf32, #tpu.memory_space<vmem>>, vector<16xf32>,
          tpu.vector_store %arg12[%swap3A_795], %gather3A_794 {strides = array<i32>} : memref<2000xf32, #tpu.memory_space<vmem>>, vector<16xf32>,
          %get3A_797 = arith.constant 80 : index
          %get3A_798 = tpu.vector_load %arg8[%get3A_797] {strides = array<i32>} : memref<2000xi32, #tpu.memory_space<vmem>>, vector<16xi32>,
          %gather3A_799 = tpu.vector_load_idx %arg6[%get3A_798] : memref<100000xf32, #tpu.memory_space<vmem>>[vector<16xi32>], vector<16xf32>,
          %swap3A_800 = arith.constant 80 : index
          %swap3A_801 = tpu.vector_load %arg12[%swap3A_800] {strides = array<i32>} : memref<2000xf32, #tpu.memory_space<vmem>>, vector<16xf32>,
          tpu.vector_store %arg12[%swap3A_800], %gather3A_799 {strides = array<i32>} : memref<2000xf32, #tpu.memory_space<vmem>>, vector<16xf32>,
          %get3A_802 = arith.constant 96 : index
          %get3A_803 = tpu.vector_load %arg8[%get3A_802] {strides = array<i32>} : memref<2000xi32, #tpu.memory_space<vmem>>, vector<16xi32>,
          %gather3A_804 = tpu.vector_load_idx %arg6[%get3A_803] : memref<100000xf32, #tpu.memory_space<vmem>>[vector<16xi32>], vector<16xf32>,
          %swap3A_805 = arith.constant 96 : index
          %swap3A_806 = tpu.vector_load %arg12[%swap3A_805] {strides = array<i32>} : memref<2000xf32, #tpu.memory_space<vmem>>, vector<16xf32>,
          tpu.vector_store %arg12[%swap3A_805], %gather3A_804 {strides = array<i32>} : memref<2000xf32, #tpu.memory_space<vmem>>, vector<16xf32>,
          %get3A_807 = arith.constant 112 : index
          %get3A_808 = tpu.vector_load %arg8[%get3A_807] {strides = array<i32>} : memref<2000xi32, #tpu.memory_space<vmem>>, vector<16xi32>,
          %gather3A_809 = tpu.vector_load_idx %arg6[%get3A_808] : memref<100000xf32, #tpu.memory_space<vmem>>[vector<16xi32>], vector<16xf32>,
          %swap3A_810 = arith.constant 112 : index
          %swap3A_811 = tpu.vector_load %arg12[%swap3A_810] {strides = array<i32>} : memref<2000xf32, #tpu.memory_space<vmem>>, vector<16xf32>,
          tpu.vector_store %arg12[%swap3A_810], %gather3A_809 {strides = array<i32>} : memref<2000xf32, #tpu.memory_space<vmem>>, vector<16xf32>,
          %get3A_812 = arith.constant 128 : index
          %get3A_813 = tpu.vector_load %arg8[%get3A_812] {strides = array<i32>} : memref<2000xi32, #tpu.memory_space<vmem>>, vector<16xi32>,
          %gather3A_814 = tpu.vector_load_idx %arg6[%get3A_813] : memref<100000xf32, #tpu.memory_space<vmem>>[vector<16xi32>], vector<16xf32>,
          %swap3A_815 = arith.constant 128 : index
          %swap3A_816 = tpu.vector_load %arg12[%swap3A_815] {strides = array<i32>} : memref<2000xf32, #tpu.memory_space<vmem>>, vector<16xf32>,
          tpu.vector_store %arg12[%swap3A_815], %gather3A_814 {strides = array<i32>} : memref<2000xf32, #tpu.memory_space<vmem>>, vector<16xf32>,
          %get3A_817 = arith.constant 144 : index
          %get3A_818 = tpu.vector_load %arg8[%get3A_817] {strides = array<i32>} : memref<2000xi32, #tpu.memory_space<vmem>>, vector<16xi32>,
          %gather3A_819 = tpu.vector_load_idx %arg6[%get3A_818] : memref<100000xf32, #tpu.memory_space<vmem>>[vector<16xi32>], vector<16xf32>,
          %swap3A_820 = arith.constant 144 : index
          %swap3A_821 = tpu.vector_load %arg12[%swap3A_820] {strides = array<i32>} : memref<2000xf32, #tpu.memory_space<vmem>>, vector<16xf32>,
          tpu.vector_store %arg12[%swap3A_820], %gather3A_819 {strides = array<i32>} : memref<2000xf32, #tpu.memory_space<vmem>>, vector<16xf32>,
          %get3A_822 = arith.constant 160 : index
          %get3A_823 = tpu.vector_load %arg8[%get3A_822] {strides = array<i32>} : memref<2000xi32, #tpu.memory_space<vmem>>, vector<16xi32>,
          %gather3A_824 = tpu.vector_load_idx %arg6[%get3A_823] : memref<100000xf32, #tpu.memory_space<vmem>>[vector<16xi32>], vector<16xf32>,
          %swap3A_825 = arith.constant 160 : index
          %swap3A_826 = tpu.vector_load %arg12[%swap3A_825] {strides = array<i32>} : memref<2000xf32, #tpu.memory_space<vmem>>, vector<16xf32>,
          tpu.vector_store %arg12[%swap3A_825], %gather3A_824 {strides = array<i32>} : memref<2000xf32, #tpu.memory_space<vmem>>, vector<16xf32>,
          %get3A_827 = arith.constant 176 : index
          %get3A_828 = tpu.vector_load %arg8[%get3A_827] {strides = array<i32>} : memref<2000xi32, #tpu.memory_space<vmem>>, vector<16xi32>,
          %gather3A_829 = tpu.vector_load_idx %arg6[%get3A_828] : memref<100000xf32, #tpu.memory_space<vmem>>[vector<16xi32>], vector<16xf32>,
          %swap3A_830 = arith.constant 176 : index
          %swap3A_831 = tpu.vector_load %arg12[%swap3A_830] {strides = array<i32>} : memref<2000xf32, #tpu.memory_space<vmem>>, vector<16xf32>,
          tpu.vector_store %arg12[%swap3A_830], %gather3A_829 {strides = array<i32>} : memref<2000xf32, #tpu.memory_space<vmem>>, vector<16xf32>,
          %get3A_832 = arith.constant 192 : index
          %get3A_833 = tpu.vector_load %arg8[%get3A_832] {strides = array<i32>} : memref<2000xi32, #tpu.memory_space<vmem>>, vector<16xi32>,
          %gather3A_834 = tpu.vector_load_idx %arg6[%get3A_833] : memref<100000xf32, #tpu.memory_space<vmem>>[vector<16xi32>], vector<16xf32>,
          %swap3A_835 = arith.constant 192 : index
          %swap3A_836 = tpu.vector_load %arg12[%swap3A_835] {strides = array<i32>} : memref<2000xf32, #tpu.memory_space<vmem>>, vector<16xf32>,
          tpu.vector_store %arg12[%swap3A_835], %gather3A_834 {strides = array<i32>} : memref<2000xf32, #tpu.memory_space<vmem>>, vector<16xf32>,
          %get3A_837 = arith.constant 208 : index
          %get3A_838 = tpu.vector_load %arg8[%get3A_837] {strides = array<i32>} : memref<2000xi32, #tpu.memory_space<vmem>>, vector<16xi32>,
          %gather3A_839 = tpu.vector_load_idx %arg6[%get3A_838] : memref<100000xf32, #tpu.memory_space<vmem>>[vector<16xi32>], vector<16xf32>,
          %swap3A_840 = arith.constant 208 : index
          %swap3A_841 = tpu.vector_load %arg12[%swap3A_840] {strides = array<i32>} : memref<2000xf32, #tpu.memory_space<vmem>>, vector<16xf32>,
          tpu.vector_store %arg12[%swap3A_840], %gather3A_839 {strides = array<i32>} : memref<2000xf32, #tpu.memory_space<vmem>>, vector<16xf32>,
          %get3A_842 = arith.constant 224 : index
          %get3A_843 = tpu.vector_load %arg8[%get3A_842] {strides = array<i32>} : memref<2000xi32, #tpu.memory_space<vmem>>, vector<16xi32>,
          %gather3A_844 = tpu.vector_load_idx %arg6[%get3A_843] : memref<100000xf32, #tpu.memory_space<vmem>>[vector<16xi32>], vector<16xf32>,
          %swap3A_845 = arith.constant 224 : index
          %swap3A_846 = tpu.vector_load %arg12[%swap3A_845] {strides = array<i32>} : memref<2000xf32, #tpu.memory_space<vmem>>, vector<16xf32>,
          tpu.vector_store %arg12[%swap3A_845], %gather3A_844 {strides = array<i32>} : memref<2000xf32, #tpu.memory_space<vmem>>, vector<16xf32>,
          %get3A_847 = arith.constant 240 : index
          %get3A_848 = tpu.vector_load %arg8[%get3A_847] {strides = array<i32>} : memref<2000xi32, #tpu.memory_space<vmem>>, vector<16xi32>,
          %gather3A_849 = tpu.vector_load_idx %arg6[%get3A_848] : memref<100000xf32, #tpu.memory_space<vmem>>[vector<16xi32>], vector<16xf32>,
          %swap3A_850 = arith.constant 240 : index
          %swap3A_851 = tpu.vector_load %arg12[%swap3A_850] {strides = array<i32>} : memref<2000xf32, #tpu.memory_space<vmem>>, vector<16xf32>,
          tpu.vector_store %arg12[%swap3A_850], %gather3A_849 {strides = array<i32>} : memref<2000xf32, #tpu.memory_space<vmem>>, vector<16xf32>,
          %get3A_852 = arith.constant 256 : index
          %get3A_853 = tpu.vector_load %arg8[%get3A_852] {strides = array<i32>} : memref<2000xi32, #tpu.memory_space<vmem>>, vector<16xi32>,
          %gather3A_854 = tpu.vector_load_idx %arg6[%get3A_853] : memref<100000xf32, #tpu.memory_space<vmem>>[vector<16xi32>], vector<16xf32>,
          %swap3A_855 = arith.constant 256 : index
          %swap3A_856 = tpu.vector_load %arg12[%swap3A_855] {strides = array<i32>} : memref<2000xf32, #tpu.memory_space<vmem>>, vector<16xf32>,
          tpu.vector_store %arg12[%swap3A_855], %gather3A_854 {strides = array<i32>} : memref<2000xf32, #tpu.memory_space<vmem>>, vector<16xf32>,
          %get3A_857 = arith.constant 272 : index
          %get3A_858 = tpu.vector_load %arg8[%get3A_857] {strides = array<i32>} : memref<2000xi32, #tpu.memory_space<vmem>>, vector<16xi32>,
          %gather3A_859 = tpu.vector_load_idx %arg6[%get3A_858] : memref<100000xf32, #tpu.memory_space<vmem>>[vector<16xi32>], vector<16xf32>,
          %swap3A_860 = arith.constant 272 : index
          %swap3A_861 = tpu.vector_load %arg12[%swap3A_860] {strides = array<i32>} : memref<2000xf32, #tpu.memory_space<vmem>>, vector<16xf32>,
          tpu.vector_store %arg12[%swap3A_860], %gather3A_859 {strides = array<i32>} : memref<2000xf32, #tpu.memory_space<vmem>>, vector<16xf32>,
          %get3A_862 = arith.constant 288 : index
          %get3A_863 = tpu.vector_load %arg8[%get3A_862] {strides = array<i32>} : memref<2000xi32, #tpu.memory_space<vmem>>, vector<16xi32>,
          %gather3A_864 = tpu.vector_load_idx %arg6[%get3A_863] : memref<100000xf32, #tpu.memory_space<vmem>>[vector<16xi32>], vector<16xf32>,
          %swap3A_865 = arith.constant 288 : index
          %swap3A_866 = tpu.vector_load %arg12[%swap3A_865] {strides = array<i32>} : memref<2000xf32, #tpu.memory_space<vmem>>, vector<16xf32>,
          tpu.vector_store %arg12[%swap3A_865], %gather3A_864 {strides = array<i32>} : memref<2000xf32, #tpu.memory_space<vmem>>, vector<16xf32>,
          %get3A_867 = arith.constant 304 : index
          %get3A_868 = tpu.vector_load %arg8[%get3A_867] {strides = array<i32>} : memref<2000xi32, #tpu.memory_space<vmem>>, vector<16xi32>,
          %gather3A_869 = tpu.vector_load_idx %arg6[%get3A_868] : memref<100000xf32, #tpu.memory_space<vmem>>[vector<16xi32>], vector<16xf32>,
          %swap3A_870 = arith.constant 304 : index
          %swap3A_871 = tpu.vector_load %arg12[%swap3A_870] {strides = array<i32>} : memref<2000xf32, #tpu.memory_space<vmem>>, vector<16xf32>,
          tpu.vector_store %arg12[%swap3A_870], %gather3A_869 {strides = array<i32>} : memref<2000xf32, #tpu.memory_space<vmem>>, vector<16xf32>,
          %get3A_872 = arith.constant 320 : index
          %get3A_873 = tpu.vector_load %arg8[%get3A_872] {strides = array<i32>} : memref<2000xi32, #tpu.memory_space<vmem>>, vector<16xi32>,
          %gather3A_874 = tpu.vector_load_idx %arg6[%get3A_873] : memref<100000xf32, #tpu.memory_space<vmem>>[vector<16xi32>], vector<16xf32>,
          %swap3A_875 = arith.constant 320 : index
          %swap3A_876 = tpu.vector_load %arg12[%swap3A_875] {strides = array<i32>} : memref<2000xf32, #tpu.memory_space<vmem>>, vector<16xf32>,
          tpu.vector_store %arg12[%swap3A_875], %gather3A_874 {strides = array<i32>} : memref<2000xf32, #tpu.memory_space<vmem>>, vector<16xf32>,
          %get3A_877 = arith.constant 336 : index
          %get3A_878 = tpu.vector_load %arg8[%get3A_877] {strides = array<i32>} : memref<2000xi32, #tpu.memory_space<vmem>>, vector<16xi32>,
          %gather3A_879 = tpu.vector_load_idx %arg6[%get3A_878] : memref<100000xf32, #tpu.memory_space<vmem>>[vector<16xi32>], vector<16xf32>,
          %swap3A_880 = arith.constant 336 : index
          %swap3A_881 = tpu.vector_load %arg12[%swap3A_880] {strides = array<i32>} : memref<2000xf32, #tpu.memory_space<vmem>>, vector<16xf32>,
          tpu.vector_store %arg12[%swap3A_880], %gather3A_879 {strides = array<i32>} : memref<2000xf32, #tpu.memory_space<vmem>>, vector<16xf32>,
          %get3A_882 = arith.constant 352 : index
          %get3A_883 = tpu.vector_load %arg8[%get3A_882] {strides = array<i32>} : memref<2000xi32, #tpu.memory_space<vmem>>, vector<16xi32>,
          %gather3A_884 = tpu.vector_load_idx %arg6[%get3A_883] : memref<100000xf32, #tpu.memory_space<vmem>>[vector<16xi32>], vector<16xf32>,
          %swap3A_885 = arith.constant 352 : index
          %swap3A_886 = tpu.vector_load %arg12[%swap3A_885] {strides = array<i32>} : memref<2000xf32, #tpu.memory_space<vmem>>, vector<16xf32>,
          tpu.vector_store %arg12[%swap3A_885], %gather3A_884 {strides = array<i32>} : memref<2000xf32, #tpu.memory_space<vmem>>, vector<16xf32>,
          %get3A_887 = arith.constant 368 : index
          %get3A_888 = tpu.vector_load %arg8[%get3A_887] {strides = array<i32>} : memref<2000xi32, #tpu.memory_space<vmem>>, vector<16xi32>,
          %gather3A_889 = tpu.vector_load_idx %arg6[%get3A_888] : memref<100000xf32, #tpu.memory_space<vmem>>[vector<16xi32>], vector<16xf32>,
          %swap3A_890 = arith.constant 368 : index
          %swap3A_891 = tpu.vector_load %arg12[%swap3A_890] {strides = array<i32>} : memref<2000xf32, #tpu.memory_space<vmem>>, vector<16xf32>,
          tpu.vector_store %arg12[%swap3A_890], %gather3A_889 {strides = array<i32>} : memref<2000xf32, #tpu.memory_space<vmem>>, vector<16xf32>,
          %get3A_892 = arith.constant 384 : index
          %get3A_893 = tpu.vector_load %arg8[%get3A_892] {strides = array<i32>} : memref<2000xi32, #tpu.memory_space<vmem>>, vector<16xi32>,
          %gather3A_894 = tpu.vector_load_idx %arg6[%get3A_893] : memref<100000xf32, #tpu.memory_space<vmem>>[vector<16xi32>], vector<16xf32>,
          %swap3A_895 = arith.constant 384 : index
          %swap3A_896 = tpu.vector_load %arg12[%swap3A_895] {strides = array<i32>} : memref<2000xf32, #tpu.memory_space<vmem>>, vector<16xf32>,
          tpu.vector_store %arg12[%swap3A_895], %gather3A_894 {strides = array<i32>} : memref<2000xf32, #tpu.memory_space<vmem>>, vector<16xf32>,
          %get3A_897 = arith.constant 400 : index
          %get3A_898 = tpu.vector_load %arg8[%get3A_897] {strides = array<i32>} : memref<2000xi32, #tpu.memory_space<vmem>>, vector<16xi32>,
          %gather3A_899 = tpu.vector_load_idx %arg6[%get3A_898] : memref<100000xf32, #tpu.memory_space<vmem>>[vector<16xi32>], vector<16xf32>,
          %swap3A_900 = arith.constant 400 : index
          %swap3A_901 = tpu.vector_load %arg12[%swap3A_900] {strides = array<i32>} : memref<2000xf32, #tpu.memory_space<vmem>>, vector<16xf32>,
          tpu.vector_store %arg12[%swap3A_900], %gather3A_899 {strides = array<i32>} : memref<2000xf32, #tpu.memory_space<vmem>>, vector<16xf32>,
          %get3A_902 = arith.constant 416 : index
          %get3A_903 = tpu.vector_load %arg8[%get3A_902] {strides = array<i32>} : memref<2000xi32, #tpu.memory_space<vmem>>, vector<16xi32>,
          %gather3A_904 = tpu.vector_load_idx %arg6[%get3A_903] : memref<100000xf32, #tpu.memory_space<vmem>>[vector<16xi32>], vector<16xf32>,
          %swap3A_905 = arith.constant 416 : index
          %swap3A_906 = tpu.vector_load %arg12[%swap3A_905] {strides = array<i32>} : memref<2000xf32, #tpu.memory_space<vmem>>, vector<16xf32>,
          tpu.vector_store %arg12[%swap3A_905], %gather3A_904 {strides = array<i32>} : memref<2000xf32, #tpu.memory_space<vmem>>, vector<16xf32>,
          %get3A_907 = arith.constant 432 : index
          %get3A_908 = tpu.vector_load %arg8[%get3A_907] {strides = array<i32>} : memref<2000xi32, #tpu.memory_space<vmem>>, vector<16xi32>,
          %gather3A_909 = tpu.vector_load_idx %arg6[%get3A_908] : memref<100000xf32, #tpu.memory_space<vmem>>[vector<16xi32>], vector<16xf32>,
          %swap3A_910 = arith.constant 432 : index
          %swap3A_911 = tpu.vector_load %arg12[%swap3A_910] {strides = array<i32>} : memref<2000xf32, #tpu.memory_space<vmem>>, vector<16xf32>,
          tpu.vector_store %arg12[%swap3A_910], %gather3A_909 {strides = array<i32>} : memref<2000xf32, #tpu.memory_space<vmem>>, vector<16xf32>,
          %get3A_912 = arith.constant 448 : index
          %get3A_913 = tpu.vector_load %arg8[%get3A_912] {strides = array<i32>} : memref<2000xi32, #tpu.memory_space<vmem>>, vector<16xi32>,
          %gather3A_914 = tpu.vector_load_idx %arg6[%get3A_913] : memref<100000xf32, #tpu.memory_space<vmem>>[vector<16xi32>], vector<16xf32>,
          %swap3A_915 = arith.constant 448 : index
          %swap3A_916 = tpu.vector_load %arg12[%swap3A_915] {strides = array<i32>} : memref<2000xf32, #tpu.memory_space<vmem>>, vector<16xf32>,
          tpu.vector_store %arg12[%swap3A_915], %gather3A_914 {strides = array<i32>} : memref<2000xf32, #tpu.memory_space<vmem>>, vector<16xf32>,
          %get3A_917 = arith.constant 464 : index
          %get3A_918 = tpu.vector_load %arg8[%get3A_917] {strides = array<i32>} : memref<2000xi32, #tpu.memory_space<vmem>>, vector<16xi32>,
          %gather3A_919 = tpu.vector_load_idx %arg6[%get3A_918] : memref<100000xf32, #tpu.memory_space<vmem>>[vector<16xi32>], vector<16xf32>,
          %swap3A_920 = arith.constant 464 : index
          %swap3A_921 = tpu.vector_load %arg12[%swap3A_920] {strides = array<i32>} : memref<2000xf32, #tpu.memory_space<vmem>>, vector<16xf32>,
          tpu.vector_store %arg12[%swap3A_920], %gather3A_919 {strides = array<i32>} : memref<2000xf32, #tpu.memory_space<vmem>>, vector<16xf32>,
          %get3A_922 = arith.constant 480 : index
          %get3A_923 = tpu.vector_load %arg8[%get3A_922] {strides = array<i32>} : memref<2000xi32, #tpu.memory_space<vmem>>, vector<16xi32>,
          %gather3A_924 = tpu.vector_load_idx %arg6[%get3A_923] : memref<100000xf32, #tpu.memory_space<vmem>>[vector<16xi32>], vector<16xf32>,
          %swap3A_925 = arith.constant 480 : index
          %swap3A_926 = tpu.vector_load %arg12[%swap3A_925] {strides = array<i32>} : memref<2000xf32, #tpu.memory_space<vmem>>, vector<16xf32>,
          tpu.vector_store %arg12[%swap3A_925], %gather3A_924 {strides = array<i32>} : memref<2000xf32, #tpu.memory_space<vmem>>, vector<16xf32>,
          %get3A_927 = arith.constant 496 : index
          %get3A_928 = tpu.vector_load %arg8[%get3A_927] {strides = array<i32>} : memref<2000xi32, #tpu.memory_space<vmem>>, vector<16xi32>,
          %gather3A_929 = tpu.vector_load_idx %arg6[%get3A_928] : memref<100000xf32, #tpu.memory_space<vmem>>[vector<16xi32>], vector<16xf32>,
          %swap3A_930 = arith.constant 496 : index
          %swap3A_931 = tpu.vector_load %arg12[%swap3A_930] {strides = array<i32>} : memref<2000xf32, #tpu.memory_space<vmem>>, vector<16xf32>,
          tpu.vector_store %arg12[%swap3A_930], %gather3A_929 {strides = array<i32>} : memref<2000xf32, #tpu.memory_space<vmem>>, vector<16xf32>,
          %get3A_932 = arith.constant 512 : index
          %get3A_933 = tpu.vector_load %arg8[%get3A_932] {strides = array<i32>} : memref<2000xi32, #tpu.memory_space<vmem>>, vector<16xi32>,
          %gather3A_934 = tpu.vector_load_idx %arg6[%get3A_933] : memref<100000xf32, #tpu.memory_space<vmem>>[vector<16xi32>], vector<16xf32>,
          %swap3A_935 = arith.constant 512 : index
          %swap3A_936 = tpu.vector_load %arg12[%swap3A_935] {strides = array<i32>} : memref<2000xf32, #tpu.memory_space<vmem>>, vector<16xf32>,
          tpu.vector_store %arg12[%swap3A_935], %gather3A_934 {strides = array<i32>} : memref<2000xf32, #tpu.memory_space<vmem>>, vector<16xf32>,
          %get3A_937 = arith.constant 528 : index
          %get3A_938 = tpu.vector_load %arg8[%get3A_937] {strides = array<i32>} : memref<2000xi32, #tpu.memory_space<vmem>>, vector<16xi32>,
          %gather3A_939 = tpu.vector_load_idx %arg6[%get3A_938] : memref<100000xf32, #tpu.memory_space<vmem>>[vector<16xi32>], vector<16xf32>,
          %swap3A_940 = arith.constant 528 : index
          %swap3A_941 = tpu.vector_load %arg12[%swap3A_940] {strides = array<i32>} : memref<2000xf32, #tpu.memory_space<vmem>>, vector<16xf32>,
          tpu.vector_store %arg12[%swap3A_940], %gather3A_939 {strides = array<i32>} : memref<2000xf32, #tpu.memory_space<vmem>>, vector<16xf32>,
          %get3A_942 = arith.constant 544 : index
          %get3A_943 = tpu.vector_load %arg8[%get3A_942] {strides = array<i32>} : memref<2000xi32, #tpu.memory_space<vmem>>, vector<16xi32>,
          %gather3A_944 = tpu.vector_load_idx %arg6[%get3A_943] : memref<100000xf32, #tpu.memory_space<vmem>>[vector<16xi32>], vector<16xf32>,
          %swap3A_945 = arith.constant 544 : index
          %swap3A_946 = tpu.vector_load %arg12[%swap3A_945] {strides = array<i32>} : memref<2000xf32, #tpu.memory_space<vmem>>, vector<16xf32>,
          tpu.vector_store %arg12[%swap3A_945], %gather3A_944 {strides = array<i32>} : memref<2000xf32, #tpu.memory_space<vmem>>, vector<16xf32>,
          %get3A_947 = arith.constant 560 : index
          %get3A_948 = tpu.vector_load %arg8[%get3A_947] {strides = array<i32>} : memref<2000xi32, #tpu.memory_space<vmem>>, vector<16xi32>,
          %gather3A_949 = tpu.vector_load_idx %arg6[%get3A_948] : memref<100000xf32, #tpu.memory_space<vmem>>[vector<16xi32>], vector<16xf32>,
          %swap3A_950 = arith.constant 560 : index
          %swap3A_951 = tpu.vector_load %arg12[%swap3A_950] {strides = array<i32>} : memref<2000xf32, #tpu.memory_space<vmem>>, vector<16xf32>,
          tpu.vector_store %arg12[%swap3A_950], %gather3A_949 {strides = array<i32>} : memref<2000xf32, #tpu.memory_space<vmem>>, vector<16xf32>,
          %get3A_952 = arith.constant 576 : index
          %get3A_953 = tpu.vector_load %arg8[%get3A_952] {strides = array<i32>} : memref<2000xi32, #tpu.memory_space<vmem>>, vector<16xi32>,
          %gather3A_954 = tpu.vector_load_idx %arg6[%get3A_953] : memref<100000xf32, #tpu.memory_space<vmem>>[vector<16xi32>], vector<16xf32>,
          %swap3A_955 = arith.constant 576 : index
          %swap3A_956 = tpu.vector_load %arg12[%swap3A_955] {strides = array<i32>} : memref<2000xf32, #tpu.memory_space<vmem>>, vector<16xf32>,
          tpu.vector_store %arg12[%swap3A_955], %gather3A_954 {strides = array<i32>} : memref<2000xf32, #tpu.memory_space<vmem>>, vector<16xf32>,
          %get3A_957 = arith.constant 592 : index
          %get3A_958 = tpu.vector_load %arg8[%get3A_957] {strides = array<i32>} : memref<2000xi32, #tpu.memory_space<vmem>>, vector<16xi32>,
          %gather3A_959 = tpu.vector_load_idx %arg6[%get3A_958] : memref<100000xf32, #tpu.memory_space<vmem>>[vector<16xi32>], vector<16xf32>,
          %swap3A_960 = arith.constant 592 : index
          %swap3A_961 = tpu.vector_load %arg12[%swap3A_960] {strides = array<i32>} : memref<2000xf32, #tpu.memory_space<vmem>>, vector<16xf32>,
          tpu.vector_store %arg12[%swap3A_960], %gather3A_959 {strides = array<i32>} : memref<2000xf32, #tpu.memory_space<vmem>>, vector<16xf32>,
          %get3A_962 = arith.constant 608 : index
          %get3A_963 = tpu.vector_load %arg8[%get3A_962] {strides = array<i32>} : memref<2000xi32, #tpu.memory_space<vmem>>, vector<16xi32>,
          %gather3A_964 = tpu.vector_load_idx %arg6[%get3A_963] : memref<100000xf32, #tpu.memory_space<vmem>>[vector<16xi32>], vector<16xf32>,
          %swap3A_965 = arith.constant 608 : index
          %swap3A_966 = tpu.vector_load %arg12[%swap3A_965] {strides = array<i32>} : memref<2000xf32, #tpu.memory_space<vmem>>, vector<16xf32>,
          tpu.vector_store %arg12[%swap3A_965], %gather3A_964 {strides = array<i32>} : memref<2000xf32, #tpu.memory_space<vmem>>, vector<16xf32>,
          %get3A_967 = arith.constant 624 : index
          %get3A_968 = tpu.vector_load %arg8[%get3A_967] {strides = array<i32>} : memref<2000xi32, #tpu.memory_space<vmem>>, vector<16xi32>,
          %gather3A_969 = tpu.vector_load_idx %arg6[%get3A_968] : memref<100000xf32, #tpu.memory_space<vmem>>[vector<16xi32>], vector<16xf32>,
          %swap3A_970 = arith.constant 624 : index
          %swap3A_971 = tpu.vector_load %arg12[%swap3A_970] {strides = array<i32>} : memref<2000xf32, #tpu.memory_space<vmem>>, vector<16xf32>,
          tpu.vector_store %arg12[%swap3A_970], %gather3A_969 {strides = array<i32>} : memref<2000xf32, #tpu.memory_space<vmem>>, vector<16xf32>,
          %get3A_972 = arith.constant 640 : index
          %get3A_973 = tpu.vector_load %arg8[%get3A_972] {strides = array<i32>} : memref<2000xi32, #tpu.memory_space<vmem>>, vector<16xi32>,
          %gather3A_974 = tpu.vector_load_idx %arg6[%get3A_973] : memref<100000xf32, #tpu.memory_space<vmem>>[vector<16xi32>], vector<16xf32>,
          %swap3A_975 = arith.constant 640 : index
          %swap3A_976 = tpu.vector_load %arg12[%swap3A_975] {strides = array<i32>} : memref<2000xf32, #tpu.memory_space<vmem>>, vector<16xf32>,
          tpu.vector_store %arg12[%swap3A_975], %gather3A_974 {strides = array<i32>} : memref<2000xf32, #tpu.memory_space<vmem>>, vector<16xf32>,
          %get3A_977 = arith.constant 656 : index
          %get3A_978 = tpu.vector_load %arg8[%get3A_977] {strides = array<i32>} : memref<2000xi32, #tpu.memory_space<vmem>>, vector<16xi32>,
          %gather3A_979 = tpu.vector_load_idx %arg6[%get3A_978] : memref<100000xf32, #tpu.memory_space<vmem>>[vector<16xi32>], vector<16xf32>,
          %swap3A_980 = arith.constant 656 : index
          %swap3A_981 = tpu.vector_load %arg12[%swap3A_980] {strides = array<i32>} : memref<2000xf32, #tpu.memory_space<vmem>>, vector<16xf32>,
          tpu.vector_store %arg12[%swap3A_980], %gather3A_979 {strides = array<i32>} : memref<2000xf32, #tpu.memory_space<vmem>>, vector<16xf32>,
          %get3A_982 = arith.constant 672 : index
          %get3A_983 = tpu.vector_load %arg8[%get3A_982] {strides = array<i32>} : memref<2000xi32, #tpu.memory_space<vmem>>, vector<16xi32>,
          %gather3A_984 = tpu.vector_load_idx %arg6[%get3A_983] : memref<100000xf32, #tpu.memory_space<vmem>>[vector<16xi32>], vector<16xf32>,
          %swap3A_985 = arith.constant 672 : index
          %swap3A_986 = tpu.vector_load %arg12[%swap3A_985] {strides = array<i32>} : memref<2000xf32, #tpu.memory_space<vmem>>, vector<16xf32>,
          tpu.vector_store %arg12[%swap3A_985], %gather3A_984 {strides = array<i32>} : memref<2000xf32, #tpu.memory_space<vmem>>, vector<16xf32>,
          %get3A_987 = arith.constant 688 : index
          %get3A_988 = tpu.vector_load %arg8[%get3A_987] {strides = array<i32>} : memref<2000xi32, #tpu.memory_space<vmem>>, vector<16xi32>,
          %gather3A_989 = tpu.vector_load_idx %arg6[%get3A_988] : memref<100000xf32, #tpu.memory_space<vmem>>[vector<16xi32>], vector<16xf32>,
          %swap3A_990 = arith.constant 688 : index
          %swap3A_991 = tpu.vector_load %arg12[%swap3A_990] {strides = array<i32>} : memref<2000xf32, #tpu.memory_space<vmem>>, vector<16xf32>,
          tpu.vector_store %arg12[%swap3A_990], %gather3A_989 {strides = array<i32>} : memref<2000xf32, #tpu.memory_space<vmem>>, vector<16xf32>,
          %get3A_992 = arith.constant 704 : index
          %get3A_993 = tpu.vector_load %arg8[%get3A_992] {strides = array<i32>} : memref<2000xi32, #tpu.memory_space<vmem>>, vector<16xi32>,
          %gather3A_994 = tpu.vector_load_idx %arg6[%get3A_993] : memref<100000xf32, #tpu.memory_space<vmem>>[vector<16xi32>], vector<16xf32>,
          %swap3A_995 = arith.constant 704 : index
          %swap3A_996 = tpu.vector_load %arg12[%swap3A_995] {strides = array<i32>} : memref<2000xf32, #tpu.memory_space<vmem>>, vector<16xf32>,
          tpu.vector_store %arg12[%swap3A_995], %gather3A_994 {strides = array<i32>} : memref<2000xf32, #tpu.memory_space<vmem>>, vector<16xf32>,
          %get3A_997 = arith.constant 720 : index
          %get3A_998 = tpu.vector_load %arg8[%get3A_997] {strides = array<i32>} : memref<2000xi32, #tpu.memory_space<vmem>>, vector<16xi32>,
          %gather3A_999 = tpu.vector_load_idx %arg6[%get3A_998] : memref<100000xf32, #tpu.memory_space<vmem>>[vector<16xi32>], vector<16xf32>,
          %swap3A_1000 = arith.constant 720 : index
          %swap3A_1001 = tpu.vector_load %arg12[%swap3A_1000] {strides = array<i32>} : memref<2000xf32, #tpu.memory_space<vmem>>, vector<16xf32>,
          tpu.vector_store %arg12[%swap3A_1000], %gather3A_999 {strides = array<i32>} : memref<2000xf32, #tpu.memory_space<vmem>>, vector<16xf32>,
          %get3A_1002 = arith.constant 736 : index
          %get3A_1003 = tpu.vector_load %arg8[%get3A_1002] {strides = array<i32>} : memref<2000xi32, #tpu.memory_space<vmem>>, vector<16xi32>,
          %gather3A_1004 = tpu.vector_load_idx %arg6[%get3A_1003] : memref<100000xf32, #tpu.memory_space<vmem>>[vector<16xi32>], vector<16xf32>,
          %swap3A_1005 = arith.constant 736 : index
          %swap3A_1006 = tpu.vector_load %arg12[%swap3A_1005] {strides = array<i32>} : memref<2000xf32, #tpu.memory_space<vmem>>, vector<16xf32>,
          tpu.vector_store %arg12[%swap3A_1005], %gather3A_1004 {strides = array<i32>} : memref<2000xf32, #tpu.memory_space<vmem>>, vector<16xf32>,
          %get3A_1007 = arith.constant 752 : index
          %get3A_1008 = tpu.vector_load %arg8[%get3A_1007] {strides = array<i32>} : memref<2000xi32, #tpu.memory_space<vmem>>, vector<16xi32>,
          %gather3A_1009 = tpu.vector_load_idx %arg6[%get3A_1008] : memref<100000xf32, #tpu.memory_space<vmem>>[vector<16xi32>], vector<16xf32>,
          %swap3A_1010 = arith.constant 752 : index
          %swap3A_1011 = tpu.vector_load %arg12[%swap3A_1010] {strides = array<i32>} : memref<2000xf32, #tpu.memory_space<vmem>>, vector<16xf32>,
          tpu.vector_store %arg12[%swap3A_1010], %gather3A_1009 {strides = array<i32>} : memref<2000xf32, #tpu.memory_space<vmem>>, vector<16xf32>,
          %get3A_1012 = arith.constant 768 : index
          %get3A_1013 = tpu.vector_load %arg8[%get3A_1012] {strides = array<i32>} : memref<2000xi32, #tpu.memory_space<vmem>>, vector<16xi32>,
          %gather3A_1014 = tpu.vector_load_idx %arg6[%get3A_1013] : memref<100000xf32, #tpu.memory_space<vmem>>[vector<16xi32>], vector<16xf32>,
          %swap3A_1015 = arith.constant 768 : index
          %swap3A_1016 = tpu.vector_load %arg12[%swap3A_1015] {strides = array<i32>} : memref<2000xf32, #tpu.memory_space<vmem>>, vector<16xf32>,
          tpu.vector_store %arg12[%swap3A_1015], %gather3A_1014 {strides = array<i32>} : memref<2000xf32, #tpu.memory_space<vmem>>, vector<16xf32>,
          %get3A_1017 = arith.constant 784 : index
          %get3A_1018 = tpu.vector_load %arg8[%get3A_1017] {strides = array<i32>} : memref<2000xi32, #tpu.memory_space<vmem>>, vector<16xi32>,
          %gather3A_1019 = tpu.vector_load_idx %arg6[%get3A_1018] : memref<100000xf32, #tpu.memory_space<vmem>>[vector<16xi32>], vector<16xf32>,
          %swap3A_1020 = arith.constant 784 : index
          %swap3A_1021 = tpu.vector_load %arg12[%swap3A_1020] {strides = array<i32>} : memref<2000xf32, #tpu.memory_space<vmem>>, vector<16xf32>,
          tpu.vector_store %arg12[%swap3A_1020], %gather3A_1019 {strides = array<i32>} : memref<2000xf32, #tpu.memory_space<vmem>>, vector<16xf32>,
          %get3A_1022 = arith.constant 800 : index
          %get3A_1023 = tpu.vector_load %arg8[%get3A_1022] {strides = array<i32>} : memref<2000xi32, #tpu.memory_space<vmem>>, vector<16xi32>,
          %gather3A_1024 = tpu.vector_load_idx %arg6[%get3A_1023] : memref<100000xf32, #tpu.memory_space<vmem>>[vector<16xi32>], vector<16xf32>,
          %swap3A_1025 = arith.constant 800 : index
          %swap3A_1026 = tpu.vector_load %arg12[%swap3A_1025] {strides = array<i32>} : memref<2000xf32, #tpu.memory_space<vmem>>, vector<16xf32>,
          tpu.vector_store %arg12[%swap3A_1025], %gather3A_1024 {strides = array<i32>} : memref<2000xf32, #tpu.memory_space<vmem>>, vector<16xf32>,
          %get3A_1027 = arith.constant 816 : index
          %get3A_1028 = tpu.vector_load %arg8[%get3A_1027] {strides = array<i32>} : memref<2000xi32, #tpu.memory_space<vmem>>, vector<16xi32>,
          %gather3A_1029 = tpu.vector_load_idx %arg6[%get3A_1028] : memref<100000xf32, #tpu.memory_space<vmem>>[vector<16xi32>], vector<16xf32>,
          %swap3A_1030 = arith.constant 816 : index
          %swap3A_1031 = tpu.vector_load %arg12[%swap3A_1030] {strides = array<i32>} : memref<2000xf32, #tpu.memory_space<vmem>>, vector<16xf32>,
          tpu.vector_store %arg12[%swap3A_1030], %gather3A_1029 {strides = array<i32>} : memref<2000xf32, #tpu.memory_space<vmem>>, vector<16xf32>,
          %get3A_1032 = arith.constant 832 : index
          %get3A_1033 = tpu.vector_load %arg8[%get3A_1032] {strides = array<i32>} : memref<2000xi32, #tpu.memory_space<vmem>>, vector<16xi32>,
          %gather3A_1034 = tpu.vector_load_idx %arg6[%get3A_1033] : memref<100000xf32, #tpu.memory_space<vmem>>[vector<16xi32>], vector<16xf32>,
          %swap3A_1035 = arith.constant 832 : index
          %swap3A_1036 = tpu.vector_load %arg12[%swap3A_1035] {strides = array<i32>} : memref<2000xf32, #tpu.memory_space<vmem>>, vector<16xf32>,
          tpu.vector_store %arg12[%swap3A_1035], %gather3A_1034 {strides = array<i32>} : memref<2000xf32, #tpu.memory_space<vmem>>, vector<16xf32>,
          %get3A_1037 = arith.constant 848 : index
          %get3A_1038 = tpu.vector_load %arg8[%get3A_1037] {strides = array<i32>} : memref<2000xi32, #tpu.memory_space<vmem>>, vector<16xi32>,
          %gather3A_1039 = tpu.vector_load_idx %arg6[%get3A_1038] : memref<100000xf32, #tpu.memory_space<vmem>>[vector<16xi32>], vector<16xf32>,
          %swap3A_1040 = arith.constant 848 : index
          %swap3A_1041 = tpu.vector_load %arg12[%swap3A_1040] {strides = array<i32>} : memref<2000xf32, #tpu.memory_space<vmem>>, vector<16xf32>,
          tpu.vector_store %arg12[%swap3A_1040], %gather3A_1039 {strides = array<i32>} : memref<2000xf32, #tpu.memory_space<vmem>>, vector<16xf32>,
          %get3A_1042 = arith.constant 864 : index
          %get3A_1043 = tpu.vector_load %arg8[%get3A_1042] {strides = array<i32>} : memref<2000xi32, #tpu.memory_space<vmem>>, vector<16xi32>,
          %gather3A_1044 = tpu.vector_load_idx %arg6[%get3A_1043] : memref<100000xf32, #tpu.memory_space<vmem>>[vector<16xi32>], vector<16xf32>,
          %swap3A_1045 = arith.constant 864 : index
          %swap3A_1046 = tpu.vector_load %arg12[%swap3A_1045] {strides = array<i32>} : memref<2000xf32, #tpu.memory_space<vmem>>, vector<16xf32>,
          tpu.vector_store %arg12[%swap3A_1045], %gather3A_1044 {strides = array<i32>} : memref<2000xf32, #tpu.memory_space<vmem>>, vector<16xf32>,
          %get3A_1047 = arith.constant 880 : index
          %get3A_1048 = tpu.vector_load %arg8[%get3A_1047] {strides = array<i32>} : memref<2000xi32, #tpu.memory_space<vmem>>, vector<16xi32>,
          %gather3A_1049 = tpu.vector_load_idx %arg6[%get3A_1048] : memref<100000xf32, #tpu.memory_space<vmem>>[vector<16xi32>], vector<16xf32>,
          %swap3A_1050 = arith.constant 880 : index
          %swap3A_1051 = tpu.vector_load %arg12[%swap3A_1050] {strides = array<i32>} : memref<2000xf32, #tpu.memory_space<vmem>>, vector<16xf32>,
          tpu.vector_store %arg12[%swap3A_1050], %gather3A_1049 {strides = array<i32>} : memref<2000xf32, #tpu.memory_space<vmem>>, vector<16xf32>,
          %get3A_1052 = arith.constant 896 : index
          %get3A_1053 = tpu.vector_load %arg8[%get3A_1052] {strides = array<i32>} : memref<2000xi32, #tpu.memory_space<vmem>>, vector<16xi32>,
          %gather3A_1054 = tpu.vector_load_idx %arg6[%get3A_1053] : memref<100000xf32, #tpu.memory_space<vmem>>[vector<16xi32>], vector<16xf32>,
          %swap3A_1055 = arith.constant 896 : index
          %swap3A_1056 = tpu.vector_load %arg12[%swap3A_1055] {strides = array<i32>} : memref<2000xf32, #tpu.memory_space<vmem>>, vector<16xf32>,
          tpu.vector_store %arg12[%swap3A_1055], %gather3A_1054 {strides = array<i32>} : memref<2000xf32, #tpu.memory_space<vmem>>, vector<16xf32>,
          %get3A_1057 = arith.constant 912 : index
          %get3A_1058 = tpu.vector_load %arg8[%get3A_1057] {strides = array<i32>} : memref<2000xi32, #tpu.memory_space<vmem>>, vector<16xi32>,
          %gather3A_1059 = tpu.vector_load_idx %arg6[%get3A_1058] : memref<100000xf32, #tpu.memory_space<vmem>>[vector<16xi32>], vector<16xf32>,
          %swap3A_1060 = arith.constant 912 : index
          %swap3A_1061 = tpu.vector_load %arg12[%swap3A_1060] {strides = array<i32>} : memref<2000xf32, #tpu.memory_space<vmem>>, vector<16xf32>,
          tpu.vector_store %arg12[%swap3A_1060], %gather3A_1059 {strides = array<i32>} : memref<2000xf32, #tpu.memory_space<vmem>>, vector<16xf32>,
          %get3A_1062 = arith.constant 928 : index
          %get3A_1063 = tpu.vector_load %arg8[%get3A_1062] {strides = array<i32>} : memref<2000xi32, #tpu.memory_space<vmem>>, vector<16xi32>,
          %gather3A_1064 = tpu.vector_load_idx %arg6[%get3A_1063] : memref<100000xf32, #tpu.memory_space<vmem>>[vector<16xi32>], vector<16xf32>,
          %swap3A_1065 = arith.constant 928 : index
          %swap3A_1066 = tpu.vector_load %arg12[%swap3A_1065] {strides = array<i32>} : memref<2000xf32, #tpu.memory_space<vmem>>, vector<16xf32>,
          tpu.vector_store %arg12[%swap3A_1065], %gather3A_1064 {strides = array<i32>} : memref<2000xf32, #tpu.memory_space<vmem>>, vector<16xf32>,
          %get3A_1067 = arith.constant 944 : index
          %get3A_1068 = tpu.vector_load %arg8[%get3A_1067] {strides = array<i32>} : memref<2000xi32, #tpu.memory_space<vmem>>, vector<16xi32>,
          %gather3A_1069 = tpu.vector_load_idx %arg6[%get3A_1068] : memref<100000xf32, #tpu.memory_space<vmem>>[vector<16xi32>], vector<16xf32>,
          %swap3A_1070 = arith.constant 944 : index
          %swap3A_1071 = tpu.vector_load %arg12[%swap3A_1070] {strides = array<i32>} : memref<2000xf32, #tpu.memory_space<vmem>>, vector<16xf32>,
          tpu.vector_store %arg12[%swap3A_1070], %gather3A_1069 {strides = array<i32>} : memref<2000xf32, #tpu.memory_space<vmem>>, vector<16xf32>,
          %get3A_1072 = arith.constant 960 : index
          %get3A_1073 = tpu.vector_load %arg8[%get3A_1072] {strides = array<i32>} : memref<2000xi32, #tpu.memory_space<vmem>>, vector<16xi32>,
          %gather3A_1074 = tpu.vector_load_idx %arg6[%get3A_1073] : memref<100000xf32, #tpu.memory_space<vmem>>[vector<16xi32>], vector<16xf32>,
          %swap3A_1075 = arith.constant 960 : index
          %swap3A_1076 = tpu.vector_load %arg12[%swap3A_1075] {strides = array<i32>} : memref<2000xf32, #tpu.memory_space<vmem>>, vector<16xf32>,
          tpu.vector_store %arg12[%swap3A_1075], %gather3A_1074 {strides = array<i32>} : memref<2000xf32, #tpu.memory_space<vmem>>, vector<16xf32>,
          %get3A_1077 = arith.constant 976 : index
          %get3A_1078 = tpu.vector_load %arg8[%get3A_1077] {strides = array<i32>} : memref<2000xi32, #tpu.memory_space<vmem>>, vector<16xi32>,
          %gather3A_1079 = tpu.vector_load_idx %arg6[%get3A_1078] : memref<100000xf32, #tpu.memory_space<vmem>>[vector<16xi32>], vector<16xf32>,
          %swap3A_1080 = arith.constant 976 : index
          %swap3A_1081 = tpu.vector_load %arg12[%swap3A_1080] {strides = array<i32>} : memref<2000xf32, #tpu.memory_space<vmem>>, vector<16xf32>,
          tpu.vector_store %arg12[%swap3A_1080], %gather3A_1079 {strides = array<i32>} : memref<2000xf32, #tpu.memory_space<vmem>>, vector<16xf32>,
          %get3A_1082 = arith.constant 992 : index
          %get3A_1083 = tpu.vector_load %arg8[%get3A_1082] {strides = array<i32>} : memref<2000xi32, #tpu.memory_space<vmem>>, vector<16xi32>,
          %gather3A_1084 = tpu.vector_load_idx %arg6[%get3A_1083] : memref<100000xf32, #tpu.memory_space<vmem>>[vector<16xi32>], vector<16xf32>,
          %swap3A_1085 = arith.constant 992 : index
          %swap3A_1086 = tpu.vector_load %arg12[%swap3A_1085] {strides = array<i32>} : memref<2000xf32, #tpu.memory_space<vmem>>, vector<16xf32>,
          tpu.vector_store %arg12[%swap3A_1085], %gather3A_1084 {strides = array<i32>} : memref<2000xf32, #tpu.memory_space<vmem>>, vector<16xf32>,
          %get3A_1087 = arith.constant 1008 : index
          %get3A_1088 = tpu.vector_load %arg8[%get3A_1087] {strides = array<i32>} : memref<2000xi32, #tpu.memory_space<vmem>>, vector<16xi32>,
          %gather3A_1089 = tpu.vector_load_idx %arg6[%get3A_1088] : memref<100000xf32, #tpu.memory_space<vmem>>[vector<16xi32>], vector<16xf32>,
          %swap3A_1090 = arith.constant 1008 : index
          %swap3A_1091 = tpu.vector_load %arg12[%swap3A_1090] {strides = array<i32>} : memref<2000xf32, #tpu.memory_space<vmem>>, vector<16xf32>,
          tpu.vector_store %arg12[%swap3A_1090], %gather3A_1089 {strides = array<i32>} : memref<2000xf32, #tpu.memory_space<vmem>>, vector<16xf32>,
          %get3A_1092 = arith.constant 1024 : index
          %get3A_1093 = tpu.vector_load %arg8[%get3A_1092] {strides = array<i32>} : memref<2000xi32, #tpu.memory_space<vmem>>, vector<16xi32>,
          %gather3A_1094 = tpu.vector_load_idx %arg6[%get3A_1093] : memref<100000xf32, #tpu.memory_space<vmem>>[vector<16xi32>], vector<16xf32>,
          %swap3A_1095 = arith.constant 1024 : index
          %swap3A_1096 = tpu.vector_load %arg12[%swap3A_1095] {strides = array<i32>} : memref<2000xf32, #tpu.memory_space<vmem>>, vector<16xf32>,
          tpu.vector_store %arg12[%swap3A_1095], %gather3A_1094 {strides = array<i32>} : memref<2000xf32, #tpu.memory_space<vmem>>, vector<16xf32>,
          %get3A_1097 = arith.constant 1040 : index
          %get3A_1098 = tpu.vector_load %arg8[%get3A_1097] {strides = array<i32>} : memref<2000xi32, #tpu.memory_space<vmem>>, vector<16xi32>,
          %gather3A_1099 = tpu.vector_load_idx %arg6[%get3A_1098] : memref<100000xf32, #tpu.memory_space<vmem>>[vector<16xi32>], vector<16xf32>,
          %swap3A_1100 = arith.constant 1040 : index
          %swap3A_1101 = tpu.vector_load %arg12[%swap3A_1100] {strides = array<i32>} : memref<2000xf32, #tpu.memory_space<vmem>>, vector<16xf32>,
          tpu.vector_store %arg12[%swap3A_1100], %gather3A_1099 {strides = array<i32>} : memref<2000xf32, #tpu.memory_space<vmem>>, vector<16xf32>,
          %get3A_1102 = arith.constant 1056 : index
          %get3A_1103 = tpu.vector_load %arg8[%get3A_1102] {strides = array<i32>} : memref<2000xi32, #tpu.memory_space<vmem>>, vector<16xi32>,
          %gather3A_1104 = tpu.vector_load_idx %arg6[%get3A_1103] : memref<100000xf32, #tpu.memory_space<vmem>>[vector<16xi32>], vector<16xf32>,
          %swap3A_1105 = arith.constant 1056 : index
          %swap3A_1106 = tpu.vector_load %arg12[%swap3A_1105] {strides = array<i32>} : memref<2000xf32, #tpu.memory_space<vmem>>, vector<16xf32>,
          tpu.vector_store %arg12[%swap3A_1105], %gather3A_1104 {strides = array<i32>} : memref<2000xf32, #tpu.memory_space<vmem>>, vector<16xf32>,
          %get3A_1107 = arith.constant 1072 : index
          %get3A_1108 = tpu.vector_load %arg8[%get3A_1107] {strides = array<i32>} : memref<2000xi32, #tpu.memory_space<vmem>>, vector<16xi32>,
          %gather3A_1109 = tpu.vector_load_idx %arg6[%get3A_1108] : memref<100000xf32, #tpu.memory_space<vmem>>[vector<16xi32>], vector<16xf32>,
          %swap3A_1110 = arith.constant 1072 : index
          %swap3A_1111 = tpu.vector_load %arg12[%swap3A_1110] {strides = array<i32>} : memref<2000xf32, #tpu.memory_space<vmem>>, vector<16xf32>,
          tpu.vector_store %arg12[%swap3A_1110], %gather3A_1109 {strides = array<i32>} : memref<2000xf32, #tpu.memory_space<vmem>>, vector<16xf32>,
          %get3A_1112 = arith.constant 1088 : index
          %get3A_1113 = tpu.vector_load %arg8[%get3A_1112] {strides = array<i32>} : memref<2000xi32, #tpu.memory_space<vmem>>, vector<16xi32>,
          %gather3A_1114 = tpu.vector_load_idx %arg6[%get3A_1113] : memref<100000xf32, #tpu.memory_space<vmem>>[vector<16xi32>], vector<16xf32>,
          %swap3A_1115 = arith.constant 1088 : index
          %swap3A_1116 = tpu.vector_load %arg12[%swap3A_1115] {strides = array<i32>} : memref<2000xf32, #tpu.memory_space<vmem>>, vector<16xf32>,
          tpu.vector_store %arg12[%swap3A_1115], %gather3A_1114 {strides = array<i32>} : memref<2000xf32, #tpu.memory_space<vmem>>, vector<16xf32>,
          %get3A_1117 = arith.constant 1104 : index
          %get3A_1118 = tpu.vector_load %arg8[%get3A_1117] {strides = array<i32>} : memref<2000xi32, #tpu.memory_space<vmem>>, vector<16xi32>,
          %gather3A_1119 = tpu.vector_load_idx %arg6[%get3A_1118] : memref<100000xf32, #tpu.memory_space<vmem>>[vector<16xi32>], vector<16xf32>,
          %swap3A_1120 = arith.constant 1104 : index
          %swap3A_1121 = tpu.vector_load %arg12[%swap3A_1120] {strides = array<i32>} : memref<2000xf32, #tpu.memory_space<vmem>>, vector<16xf32>,
          tpu.vector_store %arg12[%swap3A_1120], %gather3A_1119 {strides = array<i32>} : memref<2000xf32, #tpu.memory_space<vmem>>, vector<16xf32>,
          %get3A_1122 = arith.constant 1120 : index
          %get3A_1123 = tpu.vector_load %arg8[%get3A_1122] {strides = array<i32>} : memref<2000xi32, #tpu.memory_space<vmem>>, vector<16xi32>,
          %gather3A_1124 = tpu.vector_load_idx %arg6[%get3A_1123] : memref<100000xf32, #tpu.memory_space<vmem>>[vector<16xi32>], vector<16xf32>,
          %swap3A_1125 = arith.constant 1120 : index
          %swap3A_1126 = tpu.vector_load %arg12[%swap3A_1125] {strides = array<i32>} : memref<2000xf32, #tpu.memory_space<vmem>>, vector<16xf32>,
          tpu.vector_store %arg12[%swap3A_1125], %gather3A_1124 {strides = array<i32>} : memref<2000xf32, #tpu.memory_space<vmem>>, vector<16xf32>,
          %get3A_1127 = arith.constant 1136 : index
          %get3A_1128 = tpu.vector_load %arg8[%get3A_1127] {strides = array<i32>} : memref<2000xi32, #tpu.memory_space<vmem>>, vector<16xi32>,
          %gather3A_1129 = tpu.vector_load_idx %arg6[%get3A_1128] : memref<100000xf32, #tpu.memory_space<vmem>>[vector<16xi32>], vector<16xf32>,
          %swap3A_1130 = arith.constant 1136 : index
          %swap3A_1131 = tpu.vector_load %arg12[%swap3A_1130] {strides = array<i32>} : memref<2000xf32, #tpu.memory_space<vmem>>, vector<16xf32>,
          tpu.vector_store %arg12[%swap3A_1130], %gather3A_1129 {strides = array<i32>} : memref<2000xf32, #tpu.memory_space<vmem>>, vector<16xf32>,
          %get3A_1132 = arith.constant 1152 : index
          %get3A_1133 = tpu.vector_load %arg8[%get3A_1132] {strides = array<i32>} : memref<2000xi32, #tpu.memory_space<vmem>>, vector<16xi32>,
          %gather3A_1134 = tpu.vector_load_idx %arg6[%get3A_1133] : memref<100000xf32, #tpu.memory_space<vmem>>[vector<16xi32>], vector<16xf32>,
          %swap3A_1135 = arith.constant 1152 : index
          %swap3A_1136 = tpu.vector_load %arg12[%swap3A_1135] {strides = array<i32>} : memref<2000xf32, #tpu.memory_space<vmem>>, vector<16xf32>,
          tpu.vector_store %arg12[%swap3A_1135], %gather3A_1134 {strides = array<i32>} : memref<2000xf32, #tpu.memory_space<vmem>>, vector<16xf32>,
          %get3A_1137 = arith.constant 1168 : index
          %get3A_1138 = tpu.vector_load %arg8[%get3A_1137] {strides = array<i32>} : memref<2000xi32, #tpu.memory_space<vmem>>, vector<16xi32>,
          %gather3A_1139 = tpu.vector_load_idx %arg6[%get3A_1138] : memref<100000xf32, #tpu.memory_space<vmem>>[vector<16xi32>], vector<16xf32>,
          %swap3A_1140 = arith.constant 1168 : index
          %swap3A_1141 = tpu.vector_load %arg12[%swap3A_1140] {strides = array<i32>} : memref<2000xf32, #tpu.memory_space<vmem>>, vector<16xf32>,
          tpu.vector_store %arg12[%swap3A_1140], %gather3A_1139 {strides = array<i32>} : memref<2000xf32, #tpu.memory_space<vmem>>, vector<16xf32>,
          %get3A_1142 = arith.constant 1184 : index
          %get3A_1143 = tpu.vector_load %arg8[%get3A_1142] {strides = array<i32>} : memref<2000xi32, #tpu.memory_space<vmem>>, vector<16xi32>,
          %gather3A_1144 = tpu.vector_load_idx %arg6[%get3A_1143] : memref<100000xf32, #tpu.memory_space<vmem>>[vector<16xi32>], vector<16xf32>,
          %swap3A_1145 = arith.constant 1184 : index
          %swap3A_1146 = tpu.vector_load %arg12[%swap3A_1145] {strides = array<i32>} : memref<2000xf32, #tpu.memory_space<vmem>>, vector<16xf32>,
          tpu.vector_store %arg12[%swap3A_1145], %gather3A_1144 {strides = array<i32>} : memref<2000xf32, #tpu.memory_space<vmem>>, vector<16xf32>,
          %get3A_1147 = arith.constant 1200 : index
          %get3A_1148 = tpu.vector_load %arg8[%get3A_1147] {strides = array<i32>} : memref<2000xi32, #tpu.memory_space<vmem>>, vector<16xi32>,
          %gather3A_1149 = tpu.vector_load_idx %arg6[%get3A_1148] : memref<100000xf32, #tpu.memory_space<vmem>>[vector<16xi32>], vector<16xf32>,
          %swap3A_1150 = arith.constant 1200 : index
          %swap3A_1151 = tpu.vector_load %arg12[%swap3A_1150] {strides = array<i32>} : memref<2000xf32, #tpu.memory_space<vmem>>, vector<16xf32>,
          tpu.vector_store %arg12[%swap3A_1150], %gather3A_1149 {strides = array<i32>} : memref<2000xf32, #tpu.memory_space<vmem>>, vector<16xf32>,
          %get3A_1152 = arith.constant 1216 : index
          %get3A_1153 = tpu.vector_load %arg8[%get3A_1152] {strides = array<i32>} : memref<2000xi32, #tpu.memory_space<vmem>>, vector<16xi32>,
          %gather3A_1154 = tpu.vector_load_idx %arg6[%get3A_1153] : memref<100000xf32, #tpu.memory_space<vmem>>[vector<16xi32>], vector<16xf32>,
          %swap3A_1155 = arith.constant 1216 : index
          %swap3A_1156 = tpu.vector_load %arg12[%swap3A_1155] {strides = array<i32>} : memref<2000xf32, #tpu.memory_space<vmem>>, vector<16xf32>,
          tpu.vector_store %arg12[%swap3A_1155], %gather3A_1154 {strides = array<i32>} : memref<2000xf32, #tpu.memory_space<vmem>>, vector<16xf32>,
          %get3A_1157 = arith.constant 1232 : index
          %get3A_1158 = tpu.vector_load %arg8[%get3A_1157] {strides = array<i32>} : memref<2000xi32, #tpu.memory_space<vmem>>, vector<16xi32>,
          %gather3A_1159 = tpu.vector_load_idx %arg6[%get3A_1158] : memref<100000xf32, #tpu.memory_space<vmem>>[vector<16xi32>], vector<16xf32>,
          %swap3A_1160 = arith.constant 1232 : index
          %swap3A_1161 = tpu.vector_load %arg12[%swap3A_1160] {strides = array<i32>} : memref<2000xf32, #tpu.memory_space<vmem>>, vector<16xf32>,
          tpu.vector_store %arg12[%swap3A_1160], %gather3A_1159 {strides = array<i32>} : memref<2000xf32, #tpu.memory_space<vmem>>, vector<16xf32>,
          %get3A_1162 = arith.constant 1248 : index
          %get3A_1163 = tpu.vector_load %arg8[%get3A_1162] {strides = array<i32>} : memref<2000xi32, #tpu.memory_space<vmem>>, vector<16xi32>,
          %gather3A_1164 = tpu.vector_load_idx %arg6[%get3A_1163] : memref<100000xf32, #tpu.memory_space<vmem>>[vector<16xi32>], vector<16xf32>,
          %swap3A_1165 = arith.constant 1248 : index
          %swap3A_1166 = tpu.vector_load %arg12[%swap3A_1165] {strides = array<i32>} : memref<2000xf32, #tpu.memory_space<vmem>>, vector<16xf32>,
          tpu.vector_store %arg12[%swap3A_1165], %gather3A_1164 {strides = array<i32>} : memref<2000xf32, #tpu.memory_space<vmem>>, vector<16xf32>,
          %get3A_1167 = arith.constant 1264 : index
          %get3A_1168 = tpu.vector_load %arg8[%get3A_1167] {strides = array<i32>} : memref<2000xi32, #tpu.memory_space<vmem>>, vector<16xi32>,
          %gather3A_1169 = tpu.vector_load_idx %arg6[%get3A_1168] : memref<100000xf32, #tpu.memory_space<vmem>>[vector<16xi32>], vector<16xf32>,
          %swap3A_1170 = arith.constant 1264 : index
          %swap3A_1171 = tpu.vector_load %arg12[%swap3A_1170] {strides = array<i32>} : memref<2000xf32, #tpu.memory_space<vmem>>, vector<16xf32>,
          tpu.vector_store %arg12[%swap3A_1170], %gather3A_1169 {strides = array<i32>} : memref<2000xf32, #tpu.memory_space<vmem>>, vector<16xf32>,
          %get3A_1172 = arith.constant 1280 : index
          %get3A_1173 = tpu.vector_load %arg8[%get3A_1172] {strides = array<i32>} : memref<2000xi32, #tpu.memory_space<vmem>>, vector<16xi32>,
          %gather3A_1174 = tpu.vector_load_idx %arg6[%get3A_1173] : memref<100000xf32, #tpu.memory_space<vmem>>[vector<16xi32>], vector<16xf32>,
          %swap3A_1175 = arith.constant 1280 : index
          %swap3A_1176 = tpu.vector_load %arg12[%swap3A_1175] {strides = array<i32>} : memref<2000xf32, #tpu.memory_space<vmem>>, vector<16xf32>,
          tpu.vector_store %arg12[%swap3A_1175], %gather3A_1174 {strides = array<i32>} : memref<2000xf32, #tpu.memory_space<vmem>>, vector<16xf32>,
          %get3A_1177 = arith.constant 1296 : index
          %get3A_1178 = tpu.vector_load %arg8[%get3A_1177] {strides = array<i32>} : memref<2000xi32, #tpu.memory_space<vmem>>, vector<16xi32>,
          %gather3A_1179 = tpu.vector_load_idx %arg6[%get3A_1178] : memref<100000xf32, #tpu.memory_space<vmem>>[vector<16xi32>], vector<16xf32>,
          %swap3A_1180 = arith.constant 1296 : index
          %swap3A_1181 = tpu.vector_load %arg12[%swap3A_1180] {strides = array<i32>} : memref<2000xf32, #tpu.memory_space<vmem>>, vector<16xf32>,
          tpu.vector_store %arg12[%swap3A_1180], %gather3A_1179 {strides = array<i32>} : memref<2000xf32, #tpu.memory_space<vmem>>, vector<16xf32>,
          %get3A_1182 = arith.constant 1312 : index
          %get3A_1183 = tpu.vector_load %arg8[%get3A_1182] {strides = array<i32>} : memref<2000xi32, #tpu.memory_space<vmem>>, vector<16xi32>,
          %gather3A_1184 = tpu.vector_load_idx %arg6[%get3A_1183] : memref<100000xf32, #tpu.memory_space<vmem>>[vector<16xi32>], vector<16xf32>,
          %swap3A_1185 = arith.constant 1312 : index
          %swap3A_1186 = tpu.vector_load %arg12[%swap3A_1185] {strides = array<i32>} : memref<2000xf32, #tpu.memory_space<vmem>>, vector<16xf32>,
          tpu.vector_store %arg12[%swap3A_1185], %gather3A_1184 {strides = array<i32>} : memref<2000xf32, #tpu.memory_space<vmem>>, vector<16xf32>,
          %get3A_1187 = arith.constant 1328 : index
          %get3A_1188 = tpu.vector_load %arg8[%get3A_1187] {strides = array<i32>} : memref<2000xi32, #tpu.memory_space<vmem>>, vector<16xi32>,
          %gather3A_1189 = tpu.vector_load_idx %arg6[%get3A_1188] : memref<100000xf32, #tpu.memory_space<vmem>>[vector<16xi32>], vector<16xf32>,
          %swap3A_1190 = arith.constant 1328 : index
          %swap3A_1191 = tpu.vector_load %arg12[%swap3A_1190] {strides = array<i32>} : memref<2000xf32, #tpu.memory_space<vmem>>, vector<16xf32>,
          tpu.vector_store %arg12[%swap3A_1190], %gather3A_1189 {strides = array<i32>} : memref<2000xf32, #tpu.memory_space<vmem>>, vector<16xf32>,
          %get3A_1192 = arith.constant 1344 : index
          %get3A_1193 = tpu.vector_load %arg8[%get3A_1192] {strides = array<i32>} : memref<2000xi32, #tpu.memory_space<vmem>>, vector<16xi32>,
          %gather3A_1194 = tpu.vector_load_idx %arg6[%get3A_1193] : memref<100000xf32, #tpu.memory_space<vmem>>[vector<16xi32>], vector<16xf32>,
          %swap3A_1195 = arith.constant 1344 : index
          %swap3A_1196 = tpu.vector_load %arg12[%swap3A_1195] {strides = array<i32>} : memref<2000xf32, #tpu.memory_space<vmem>>, vector<16xf32>,
          tpu.vector_store %arg12[%swap3A_1195], %gather3A_1194 {strides = array<i32>} : memref<2000xf32, #tpu.memory_space<vmem>>, vector<16xf32>,
          %get3A_1197 = arith.constant 1360 : index
          %get3A_1198 = tpu.vector_load %arg8[%get3A_1197] {strides = array<i32>} : memref<2000xi32, #tpu.memory_space<vmem>>, vector<16xi32>,
          %gather3A_1199 = tpu.vector_load_idx %arg6[%get3A_1198] : memref<100000xf32, #tpu.memory_space<vmem>>[vector<16xi32>], vector<16xf32>,
          %swap3A_1200 = arith.constant 1360 : index
          %swap3A_1201 = tpu.vector_load %arg12[%swap3A_1200] {strides = array<i32>} : memref<2000xf32, #tpu.memory_space<vmem>>, vector<16xf32>,
          tpu.vector_store %arg12[%swap3A_1200], %gather3A_1199 {strides = array<i32>} : memref<2000xf32, #tpu.memory_space<vmem>>, vector<16xf32>,
          %get3A_1202 = arith.constant 1376 : index
          %get3A_1203 = tpu.vector_load %arg8[%get3A_1202] {strides = array<i32>} : memref<2000xi32, #tpu.memory_space<vmem>>, vector<16xi32>,
          %gather3A_1204 = tpu.vector_load_idx %arg6[%get3A_1203] : memref<100000xf32, #tpu.memory_space<vmem>>[vector<16xi32>], vector<16xf32>,
          %swap3A_1205 = arith.constant 1376 : index
          %swap3A_1206 = tpu.vector_load %arg12[%swap3A_1205] {strides = array<i32>} : memref<2000xf32, #tpu.memory_space<vmem>>, vector<16xf32>,
          tpu.vector_store %arg12[%swap3A_1205], %gather3A_1204 {strides = array<i32>} : memref<2000xf32, #tpu.memory_space<vmem>>, vector<16xf32>,
          %get3A_1207 = arith.constant 1392 : index
          %get3A_1208 = tpu.vector_load %arg8[%get3A_1207] {strides = array<i32>} : memref<2000xi32, #tpu.memory_space<vmem>>, vector<16xi32>,
          %gather3A_1209 = tpu.vector_load_idx %arg6[%get3A_1208] : memref<100000xf32, #tpu.memory_space<vmem>>[vector<16xi32>], vector<16xf32>,
          %swap3A_1210 = arith.constant 1392 : index
          %swap3A_1211 = tpu.vector_load %arg12[%swap3A_1210] {strides = array<i32>} : memref<2000xf32, #tpu.memory_space<vmem>>, vector<16xf32>,
          tpu.vector_store %arg12[%swap3A_1210], %gather3A_1209 {strides = array<i32>} : memref<2000xf32, #tpu.memory_space<vmem>>, vector<16xf32>,
          %get3A_1212 = arith.constant 1408 : index
          %get3A_1213 = tpu.vector_load %arg8[%get3A_1212] {strides = array<i32>} : memref<2000xi32, #tpu.memory_space<vmem>>, vector<16xi32>,
          %gather3A_1214 = tpu.vector_load_idx %arg6[%get3A_1213] : memref<100000xf32, #tpu.memory_space<vmem>>[vector<16xi32>], vector<16xf32>,
          %swap3A_1215 = arith.constant 1408 : index
          %swap3A_1216 = tpu.vector_load %arg12[%swap3A_1215] {strides = array<i32>} : memref<2000xf32, #tpu.memory_space<vmem>>, vector<16xf32>,
          tpu.vector_store %arg12[%swap3A_1215], %gather3A_1214 {strides = array<i32>} : memref<2000xf32, #tpu.memory_space<vmem>>, vector<16xf32>,
          %get3A_1217 = arith.constant 1424 : index
          %get3A_1218 = tpu.vector_load %arg8[%get3A_1217] {strides = array<i32>} : memref<2000xi32, #tpu.memory_space<vmem>>, vector<16xi32>,
          %gather3A_1219 = tpu.vector_load_idx %arg6[%get3A_1218] : memref<100000xf32, #tpu.memory_space<vmem>>[vector<16xi32>], vector<16xf32>,
          %swap3A_1220 = arith.constant 1424 : index
          %swap3A_1221 = tpu.vector_load %arg12[%swap3A_1220] {strides = array<i32>} : memref<2000xf32, #tpu.memory_space<vmem>>, vector<16xf32>,
          tpu.vector_store %arg12[%swap3A_1220], %gather3A_1219 {strides = array<i32>} : memref<2000xf32, #tpu.memory_space<vmem>>, vector<16xf32>,
          %get3A_1222 = arith.constant 1440 : index
          %get3A_1223 = tpu.vector_load %arg8[%get3A_1222] {strides = array<i32>} : memref<2000xi32, #tpu.memory_space<vmem>>, vector<16xi32>,
          %gather3A_1224 = tpu.vector_load_idx %arg6[%get3A_1223] : memref<100000xf32, #tpu.memory_space<vmem>>[vector<16xi32>], vector<16xf32>,
          %swap3A_1225 = arith.constant 1440 : index
          %swap3A_1226 = tpu.vector_load %arg12[%swap3A_1225] {strides = array<i32>} : memref<2000xf32, #tpu.memory_space<vmem>>, vector<16xf32>,
          tpu.vector_store %arg12[%swap3A_1225], %gather3A_1224 {strides = array<i32>} : memref<2000xf32, #tpu.memory_space<vmem>>, vector<16xf32>,
          %get3A_1227 = arith.constant 1456 : index
          %get3A_1228 = tpu.vector_load %arg8[%get3A_1227] {strides = array<i32>} : memref<2000xi32, #tpu.memory_space<vmem>>, vector<16xi32>,
          %gather3A_1229 = tpu.vector_load_idx %arg6[%get3A_1228] : memref<100000xf32, #tpu.memory_space<vmem>>[vector<16xi32>], vector<16xf32>,
          %swap3A_1230 = arith.constant 1456 : index
          %swap3A_1231 = tpu.vector_load %arg12[%swap3A_1230] {strides = array<i32>} : memref<2000xf32, #tpu.memory_space<vmem>>, vector<16xf32>,
          tpu.vector_store %arg12[%swap3A_1230], %gather3A_1229 {strides = array<i32>} : memref<2000xf32, #tpu.memory_space<vmem>>, vector<16xf32>,
          %get3A_1232 = arith.constant 1472 : index
          %get3A_1233 = tpu.vector_load %arg8[%get3A_1232] {strides = array<i32>} : memref<2000xi32, #tpu.memory_space<vmem>>, vector<16xi32>,
          %gather3A_1234 = tpu.vector_load_idx %arg6[%get3A_1233] : memref<100000xf32, #tpu.memory_space<vmem>>[vector<16xi32>], vector<16xf32>,
          %swap3A_1235 = arith.constant 1472 : index
          %swap3A_1236 = tpu.vector_load %arg12[%swap3A_1235] {strides = array<i32>} : memref<2000xf32, #tpu.memory_space<vmem>>, vector<16xf32>,
          tpu.vector_store %arg12[%swap3A_1235], %gather3A_1234 {strides = array<i32>} : memref<2000xf32, #tpu.memory_space<vmem>>, vector<16xf32>,
          %get3A_1237 = arith.constant 1488 : index
          %get3A_1238 = tpu.vector_load %arg8[%get3A_1237] {strides = array<i32>} : memref<2000xi32, #tpu.memory_space<vmem>>, vector<16xi32>,
          %gather3A_1239 = tpu.vector_load_idx %arg6[%get3A_1238] : memref<100000xf32, #tpu.memory_space<vmem>>[vector<16xi32>], vector<16xf32>,
          %swap3A_1240 = arith.constant 1488 : index
          %swap3A_1241 = tpu.vector_load %arg12[%swap3A_1240] {strides = array<i32>} : memref<2000xf32, #tpu.memory_space<vmem>>, vector<16xf32>,
          tpu.vector_store %arg12[%swap3A_1240], %gather3A_1239 {strides = array<i32>} : memref<2000xf32, #tpu.memory_space<vmem>>, vector<16xf32>,
          %get3A_1242 = arith.constant 1504 : index
          %get3A_1243 = tpu.vector_load %arg8[%get3A_1242] {strides = array<i32>} : memref<2000xi32, #tpu.memory_space<vmem>>, vector<16xi32>,
          %gather3A_1244 = tpu.vector_load_idx %arg6[%get3A_1243] : memref<100000xf32, #tpu.memory_space<vmem>>[vector<16xi32>], vector<16xf32>,
          %swap3A_1245 = arith.constant 1504 : index
          %swap3A_1246 = tpu.vector_load %arg12[%swap3A_1245] {strides = array<i32>} : memref<2000xf32, #tpu.memory_space<vmem>>, vector<16xf32>,
          tpu.vector_store %arg12[%swap3A_1245], %gather3A_1244 {strides = array<i32>} : memref<2000xf32, #tpu.memory_space<vmem>>, vector<16xf32>,
          %get3A_1247 = arith.constant 1520 : index
          %get3A_1248 = tpu.vector_load %arg8[%get3A_1247] {strides = array<i32>} : memref<2000xi32, #tpu.memory_space<vmem>>, vector<16xi32>,
          %gather3A_1249 = tpu.vector_load_idx %arg6[%get3A_1248] : memref<100000xf32, #tpu.memory_space<vmem>>[vector<16xi32>], vector<16xf32>,
          %swap3A_1250 = arith.constant 1520 : index
          %swap3A_1251 = tpu.vector_load %arg12[%swap3A_1250] {strides = array<i32>} : memref<2000xf32, #tpu.memory_space<vmem>>, vector<16xf32>,
          tpu.vector_store %arg12[%swap3A_1250], %gather3A_1249 {strides = array<i32>} : memref<2000xf32, #tpu.memory_space<vmem>>, vector<16xf32>,
          %get3A_1252 = arith.constant 1536 : index
          %get3A_1253 = tpu.vector_load %arg8[%get3A_1252] {strides = array<i32>} : memref<2000xi32, #tpu.memory_space<vmem>>, vector<16xi32>,
          %gather3A_1254 = tpu.vector_load_idx %arg6[%get3A_1253] : memref<100000xf32, #tpu.memory_space<vmem>>[vector<16xi32>], vector<16xf32>,
          %swap3A_1255 = arith.constant 1536 : index
          %swap3A_1256 = tpu.vector_load %arg12[%swap3A_1255] {strides = array<i32>} : memref<2000xf32, #tpu.memory_space<vmem>>, vector<16xf32>,
          tpu.vector_store %arg12[%swap3A_1255], %gather3A_1254 {strides = array<i32>} : memref<2000xf32, #tpu.memory_space<vmem>>, vector<16xf32>,
          %get3A_1257 = arith.constant 1552 : index
          %get3A_1258 = tpu.vector_load %arg8[%get3A_1257] {strides = array<i32>} : memref<2000xi32, #tpu.memory_space<vmem>>, vector<16xi32>,
          %gather3A_1259 = tpu.vector_load_idx %arg6[%get3A_1258] : memref<100000xf32, #tpu.memory_space<vmem>>[vector<16xi32>], vector<16xf32>,
          %swap3A_1260 = arith.constant 1552 : index
          %swap3A_1261 = tpu.vector_load %arg12[%swap3A_1260] {strides = array<i32>} : memref<2000xf32, #tpu.memory_space<vmem>>, vector<16xf32>,
          tpu.vector_store %arg12[%swap3A_1260], %gather3A_1259 {strides = array<i32>} : memref<2000xf32, #tpu.memory_space<vmem>>, vector<16xf32>,
          %get3A_1262 = arith.constant 1568 : index
          %get3A_1263 = tpu.vector_load %arg8[%get3A_1262] {strides = array<i32>} : memref<2000xi32, #tpu.memory_space<vmem>>, vector<16xi32>,
          %gather3A_1264 = tpu.vector_load_idx %arg6[%get3A_1263] : memref<100000xf32, #tpu.memory_space<vmem>>[vector<16xi32>], vector<16xf32>,
          %swap3A_1265 = arith.constant 1568 : index
          %swap3A_1266 = tpu.vector_load %arg12[%swap3A_1265] {strides = array<i32>} : memref<2000xf32, #tpu.memory_space<vmem>>, vector<16xf32>,
          tpu.vector_store %arg12[%swap3A_1265], %gather3A_1264 {strides = array<i32>} : memref<2000xf32, #tpu.memory_space<vmem>>, vector<16xf32>,
          %get3A_1267 = arith.constant 1584 : index
          %get3A_1268 = tpu.vector_load %arg8[%get3A_1267] {strides = array<i32>} : memref<2000xi32, #tpu.memory_space<vmem>>, vector<16xi32>,
          %gather3A_1269 = tpu.vector_load_idx %arg6[%get3A_1268] : memref<100000xf32, #tpu.memory_space<vmem>>[vector<16xi32>], vector<16xf32>,
          %swap3A_1270 = arith.constant 1584 : index
          %swap3A_1271 = tpu.vector_load %arg12[%swap3A_1270] {strides = array<i32>} : memref<2000xf32, #tpu.memory_space<vmem>>, vector<16xf32>,
          tpu.vector_store %arg12[%swap3A_1270], %gather3A_1269 {strides = array<i32>} : memref<2000xf32, #tpu.memory_space<vmem>>, vector<16xf32>,
          %get3A_1272 = arith.constant 1600 : index
          %get3A_1273 = tpu.vector_load %arg8[%get3A_1272] {strides = array<i32>} : memref<2000xi32, #tpu.memory_space<vmem>>, vector<16xi32>,
          %gather3A_1274 = tpu.vector_load_idx %arg6[%get3A_1273] : memref<100000xf32, #tpu.memory_space<vmem>>[vector<16xi32>], vector<16xf32>,
          %swap3A_1275 = arith.constant 1600 : index
          %swap3A_1276 = tpu.vector_load %arg12[%swap3A_1275] {strides = array<i32>} : memref<2000xf32, #tpu.memory_space<vmem>>, vector<16xf32>,
          tpu.vector_store %arg12[%swap3A_1275], %gather3A_1274 {strides = array<i32>} : memref<2000xf32, #tpu.memory_space<vmem>>, vector<16xf32>,
          %get3A_1277 = arith.constant 1616 : index
          %get3A_1278 = tpu.vector_load %arg8[%get3A_1277] {strides = array<i32>} : memref<2000xi32, #tpu.memory_space<vmem>>, vector<16xi32>,
          %gather3A_1279 = tpu.vector_load_idx %arg6[%get3A_1278] : memref<100000xf32, #tpu.memory_space<vmem>>[vector<16xi32>], vector<16xf32>,
          %swap3A_1280 = arith.constant 1616 : index
          %swap3A_1281 = tpu.vector_load %arg12[%swap3A_1280] {strides = array<i32>} : memref<2000xf32, #tpu.memory_space<vmem>>, vector<16xf32>,
          tpu.vector_store %arg12[%swap3A_1280], %gather3A_1279 {strides = array<i32>} : memref<2000xf32, #tpu.memory_space<vmem>>, vector<16xf32>,
          %get3A_1282 = arith.constant 1632 : index
          %get3A_1283 = tpu.vector_load %arg8[%get3A_1282] {strides = array<i32>} : memref<2000xi32, #tpu.memory_space<vmem>>, vector<16xi32>,
          %gather3A_1284 = tpu.vector_load_idx %arg6[%get3A_1283] : memref<100000xf32, #tpu.memory_space<vmem>>[vector<16xi32>], vector<16xf32>,
          %swap3A_1285 = arith.constant 1632 : index
          %swap3A_1286 = tpu.vector_load %arg12[%swap3A_1285] {strides = array<i32>} : memref<2000xf32, #tpu.memory_space<vmem>>, vector<16xf32>,
          tpu.vector_store %arg12[%swap3A_1285], %gather3A_1284 {strides = array<i32>} : memref<2000xf32, #tpu.memory_space<vmem>>, vector<16xf32>,
          %get3A_1287 = arith.constant 1648 : index
          %get3A_1288 = tpu.vector_load %arg8[%get3A_1287] {strides = array<i32>} : memref<2000xi32, #tpu.memory_space<vmem>>, vector<16xi32>,
          %gather3A_1289 = tpu.vector_load_idx %arg6[%get3A_1288] : memref<100000xf32, #tpu.memory_space<vmem>>[vector<16xi32>], vector<16xf32>,
          %swap3A_1290 = arith.constant 1648 : index
          %swap3A_1291 = tpu.vector_load %arg12[%swap3A_1290] {strides = array<i32>} : memref<2000xf32, #tpu.memory_space<vmem>>, vector<16xf32>,
          tpu.vector_store %arg12[%swap3A_1290], %gather3A_1289 {strides = array<i32>} : memref<2000xf32, #tpu.memory_space<vmem>>, vector<16xf32>,
          %get3A_1292 = arith.constant 1664 : index
          %get3A_1293 = tpu.vector_load %arg8[%get3A_1292] {strides = array<i32>} : memref<2000xi32, #tpu.memory_space<vmem>>, vector<16xi32>,
          %gather3A_1294 = tpu.vector_load_idx %arg6[%get3A_1293] : memref<100000xf32, #tpu.memory_space<vmem>>[vector<16xi32>], vector<16xf32>,
          %swap3A_1295 = arith.constant 1664 : index
          %swap3A_1296 = tpu.vector_load %arg12[%swap3A_1295] {strides = array<i32>} : memref<2000xf32, #tpu.memory_space<vmem>>, vector<16xf32>,
          tpu.vector_store %arg12[%swap3A_1295], %gather3A_1294 {strides = array<i32>} : memref<2000xf32, #tpu.memory_space<vmem>>, vector<16xf32>,
          %get3A_1297 = arith.constant 1680 : index
          %get3A_1298 = tpu.vector_load %arg8[%get3A_1297] {strides = array<i32>} : memref<2000xi32, #tpu.memory_space<vmem>>, vector<16xi32>,
          %gather3A_1299 = tpu.vector_load_idx %arg6[%get3A_1298] : memref<100000xf32, #tpu.memory_space<vmem>>[vector<16xi32>], vector<16xf32>,
          %swap3A_1300 = arith.constant 1680 : index
          %swap3A_1301 = tpu.vector_load %arg12[%swap3A_1300] {strides = array<i32>} : memref<2000xf32, #tpu.memory_space<vmem>>, vector<16xf32>,
          tpu.vector_store %arg12[%swap3A_1300], %gather3A_1299 {strides = array<i32>} : memref<2000xf32, #tpu.memory_space<vmem>>, vector<16xf32>,
          %get3A_1302 = arith.constant 1696 : index
          %get3A_1303 = tpu.vector_load %arg8[%get3A_1302] {strides = array<i32>} : memref<2000xi32, #tpu.memory_space<vmem>>, vector<16xi32>,
          %gather3A_1304 = tpu.vector_load_idx %arg6[%get3A_1303] : memref<100000xf32, #tpu.memory_space<vmem>>[vector<16xi32>], vector<16xf32>,
          %swap3A_1305 = arith.constant 1696 : index
          %swap3A_1306 = tpu.vector_load %arg12[%swap3A_1305] {strides = array<i32>} : memref<2000xf32, #tpu.memory_space<vmem>>, vector<16xf32>,
          tpu.vector_store %arg12[%swap3A_1305], %gather3A_1304 {strides = array<i32>} : memref<2000xf32, #tpu.memory_space<vmem>>, vector<16xf32>,
          %get3A_1307 = arith.constant 1712 : index
          %get3A_1308 = tpu.vector_load %arg8[%get3A_1307] {strides = array<i32>} : memref<2000xi32, #tpu.memory_space<vmem>>, vector<16xi32>,
          %gather3A_1309 = tpu.vector_load_idx %arg6[%get3A_1308] : memref<100000xf32, #tpu.memory_space<vmem>>[vector<16xi32>], vector<16xf32>,
          %swap3A_1310 = arith.constant 1712 : index
          %swap3A_1311 = tpu.vector_load %arg12[%swap3A_1310] {strides = array<i32>} : memref<2000xf32, #tpu.memory_space<vmem>>, vector<16xf32>,
          tpu.vector_store %arg12[%swap3A_1310], %gather3A_1309 {strides = array<i32>} : memref<2000xf32, #tpu.memory_space<vmem>>, vector<16xf32>,
          %get3A_1312 = arith.constant 1728 : index
          %get3A_1313 = tpu.vector_load %arg8[%get3A_1312] {strides = array<i32>} : memref<2000xi32, #tpu.memory_space<vmem>>, vector<16xi32>,
          %gather3A_1314 = tpu.vector_load_idx %arg6[%get3A_1313] : memref<100000xf32, #tpu.memory_space<vmem>>[vector<16xi32>], vector<16xf32>,
          %swap3A_1315 = arith.constant 1728 : index
          %swap3A_1316 = tpu.vector_load %arg12[%swap3A_1315] {strides = array<i32>} : memref<2000xf32, #tpu.memory_space<vmem>>, vector<16xf32>,
          tpu.vector_store %arg12[%swap3A_1315], %gather3A_1314 {strides = array<i32>} : memref<2000xf32, #tpu.memory_space<vmem>>, vector<16xf32>,
          %get3A_1317 = arith.constant 1744 : index
          %get3A_1318 = tpu.vector_load %arg8[%get3A_1317] {strides = array<i32>} : memref<2000xi32, #tpu.memory_space<vmem>>, vector<16xi32>,
          %gather3A_1319 = tpu.vector_load_idx %arg6[%get3A_1318] : memref<100000xf32, #tpu.memory_space<vmem>>[vector<16xi32>], vector<16xf32>,
          %swap3A_1320 = arith.constant 1744 : index
          %swap3A_1321 = tpu.vector_load %arg12[%swap3A_1320] {strides = array<i32>} : memref<2000xf32, #tpu.memory_space<vmem>>, vector<16xf32>,
          tpu.vector_store %arg12[%swap3A_1320], %gather3A_1319 {strides = array<i32>} : memref<2000xf32, #tpu.memory_space<vmem>>, vector<16xf32>,
          %get3A_1322 = arith.constant 1760 : index
          %get3A_1323 = tpu.vector_load %arg8[%get3A_1322] {strides = array<i32>} : memref<2000xi32, #tpu.memory_space<vmem>>, vector<16xi32>,
          %gather3A_1324 = tpu.vector_load_idx %arg6[%get3A_1323] : memref<100000xf32, #tpu.memory_space<vmem>>[vector<16xi32>], vector<16xf32>,
          %swap3A_1325 = arith.constant 1760 : index
          %swap3A_1326 = tpu.vector_load %arg12[%swap3A_1325] {strides = array<i32>} : memref<2000xf32, #tpu.memory_space<vmem>>, vector<16xf32>,
          tpu.vector_store %arg12[%swap3A_1325], %gather3A_1324 {strides = array<i32>} : memref<2000xf32, #tpu.memory_space<vmem>>, vector<16xf32>,
          %get3A_1327 = arith.constant 1776 : index
          %get3A_1328 = tpu.vector_load %arg8[%get3A_1327] {strides = array<i32>} : memref<2000xi32, #tpu.memory_space<vmem>>, vector<16xi32>,
          %gather3A_1329 = tpu.vector_load_idx %arg6[%get3A_1328] : memref<100000xf32, #tpu.memory_space<vmem>>[vector<16xi32>], vector<16xf32>,
          %swap3A_1330 = arith.constant 1776 : index
          %swap3A_1331 = tpu.vector_load %arg12[%swap3A_1330] {strides = array<i32>} : memref<2000xf32, #tpu.memory_space<vmem>>, vector<16xf32>,
          tpu.vector_store %arg12[%swap3A_1330], %gather3A_1329 {strides = array<i32>} : memref<2000xf32, #tpu.memory_space<vmem>>, vector<16xf32>,
          %get3A_1332 = arith.constant 1792 : index
          %get3A_1333 = tpu.vector_load %arg8[%get3A_1332] {strides = array<i32>} : memref<2000xi32, #tpu.memory_space<vmem>>, vector<16xi32>,
          %gather3A_1334 = tpu.vector_load_idx %arg6[%get3A_1333] : memref<100000xf32, #tpu.memory_space<vmem>>[vector<16xi32>], vector<16xf32>,
          %swap3A_1335 = arith.constant 1792 : index
          %swap3A_1336 = tpu.vector_load %arg12[%swap3A_1335] {strides = array<i32>} : memref<2000xf32, #tpu.memory_space<vmem>>, vector<16xf32>,
          tpu.vector_store %arg12[%swap3A_1335], %gather3A_1334 {strides = array<i32>} : memref<2000xf32, #tpu.memory_space<vmem>>, vector<16xf32>,
          %get3A_1337 = arith.constant 1808 : index
          %get3A_1338 = tpu.vector_load %arg8[%get3A_1337] {strides = array<i32>} : memref<2000xi32, #tpu.memory_space<vmem>>, vector<16xi32>,
          %gather3A_1339 = tpu.vector_load_idx %arg6[%get3A_1338] : memref<100000xf32, #tpu.memory_space<vmem>>[vector<16xi32>], vector<16xf32>,
          %swap3A_1340 = arith.constant 1808 : index
          %swap3A_1341 = tpu.vector_load %arg12[%swap3A_1340] {strides = array<i32>} : memref<2000xf32, #tpu.memory_space<vmem>>, vector<16xf32>,
          tpu.vector_store %arg12[%swap3A_1340], %gather3A_1339 {strides = array<i32>} : memref<2000xf32, #tpu.memory_space<vmem>>, vector<16xf32>,
          %get3A_1342 = arith.constant 1824 : index
          %get3A_1343 = tpu.vector_load %arg8[%get3A_1342] {strides = array<i32>} : memref<2000xi32, #tpu.memory_space<vmem>>, vector<16xi32>,
          %gather3A_1344 = tpu.vector_load_idx %arg6[%get3A_1343] : memref<100000xf32, #tpu.memory_space<vmem>>[vector<16xi32>], vector<16xf32>,
          %swap3A_1345 = arith.constant 1824 : index
          %swap3A_1346 = tpu.vector_load %arg12[%swap3A_1345] {strides = array<i32>} : memref<2000xf32, #tpu.memory_space<vmem>>, vector<16xf32>,
          tpu.vector_store %arg12[%swap3A_1345], %gather3A_1344 {strides = array<i32>} : memref<2000xf32, #tpu.memory_space<vmem>>, vector<16xf32>,
          %get3A_1347 = arith.constant 1840 : index
          %get3A_1348 = tpu.vector_load %arg8[%get3A_1347] {strides = array<i32>} : memref<2000xi32, #tpu.memory_space<vmem>>, vector<16xi32>,
          %gather3A_1349 = tpu.vector_load_idx %arg6[%get3A_1348] : memref<100000xf32, #tpu.memory_space<vmem>>[vector<16xi32>], vector<16xf32>,
          %swap3A_1350 = arith.constant 1840 : index
          %swap3A_1351 = tpu.vector_load %arg12[%swap3A_1350] {strides = array<i32>} : memref<2000xf32, #tpu.memory_space<vmem>>, vector<16xf32>,
          tpu.vector_store %arg12[%swap3A_1350], %gather3A_1349 {strides = array<i32>} : memref<2000xf32, #tpu.memory_space<vmem>>, vector<16xf32>,
          %get3A_1352 = arith.constant 1856 : index
          %get3A_1353 = tpu.vector_load %arg8[%get3A_1352] {strides = array<i32>} : memref<2000xi32, #tpu.memory_space<vmem>>, vector<16xi32>,
          %gather3A_1354 = tpu.vector_load_idx %arg6[%get3A_1353] : memref<100000xf32, #tpu.memory_space<vmem>>[vector<16xi32>], vector<16xf32>,
          %swap3A_1355 = arith.constant 1856 : index
          %swap3A_1356 = tpu.vector_load %arg12[%swap3A_1355] {strides = array<i32>} : memref<2000xf32, #tpu.memory_space<vmem>>, vector<16xf32>,
          tpu.vector_store %arg12[%swap3A_1355], %gather3A_1354 {strides = array<i32>} : memref<2000xf32, #tpu.memory_space<vmem>>, vector<16xf32>,
          %get3A_1357 = arith.constant 1872 : index
          %get3A_1358 = tpu.vector_load %arg8[%get3A_1357] {strides = array<i32>} : memref<2000xi32, #tpu.memory_space<vmem>>, vector<16xi32>,
          %gather3A_1359 = tpu.vector_load_idx %arg6[%get3A_1358] : memref<100000xf32, #tpu.memory_space<vmem>>[vector<16xi32>], vector<16xf32>,
          %swap3A_1360 = arith.constant 1872 : index
          %swap3A_1361 = tpu.vector_load %arg12[%swap3A_1360] {strides = array<i32>} : memref<2000xf32, #tpu.memory_space<vmem>>, vector<16xf32>,
          tpu.vector_store %arg12[%swap3A_1360], %gather3A_1359 {strides = array<i32>} : memref<2000xf32, #tpu.memory_space<vmem>>, vector<16xf32>,
          %get3A_1362 = arith.constant 1888 : index
          %get3A_1363 = tpu.vector_load %arg8[%get3A_1362] {strides = array<i32>} : memref<2000xi32, #tpu.memory_space<vmem>>, vector<16xi32>,
          %gather3A_1364 = tpu.vector_load_idx %arg6[%get3A_1363] : memref<100000xf32, #tpu.memory_space<vmem>>[vector<16xi32>], vector<16xf32>,
          %swap3A_1365 = arith.constant 1888 : index
          %swap3A_1366 = tpu.vector_load %arg12[%swap3A_1365] {strides = array<i32>} : memref<2000xf32, #tpu.memory_space<vmem>>, vector<16xf32>,
          tpu.vector_store %arg12[%swap3A_1365], %gather3A_1364 {strides = array<i32>} : memref<2000xf32, #tpu.memory_space<vmem>>, vector<16xf32>,
          %get3A_1367 = arith.constant 1904 : index
          %get3A_1368 = tpu.vector_load %arg8[%get3A_1367] {strides = array<i32>} : memref<2000xi32, #tpu.memory_space<vmem>>, vector<16xi32>,
          %gather3A_1369 = tpu.vector_load_idx %arg6[%get3A_1368] : memref<100000xf32, #tpu.memory_space<vmem>>[vector<16xi32>], vector<16xf32>,
          %swap3A_1370 = arith.constant 1904 : index
          %swap3A_1371 = tpu.vector_load %arg12[%swap3A_1370] {strides = array<i32>} : memref<2000xf32, #tpu.memory_space<vmem>>, vector<16xf32>,
          tpu.vector_store %arg12[%swap3A_1370], %gather3A_1369 {strides = array<i32>} : memref<2000xf32, #tpu.memory_space<vmem>>, vector<16xf32>,
          %get3A_1372 = arith.constant 1920 : index
          %get3A_1373 = tpu.vector_load %arg8[%get3A_1372] {strides = array<i32>} : memref<2000xi32, #tpu.memory_space<vmem>>, vector<16xi32>,
          %gather3A_1374 = tpu.vector_load_idx %arg6[%get3A_1373] : memref<100000xf32, #tpu.memory_space<vmem>>[vector<16xi32>], vector<16xf32>,
          %swap3A_1375 = arith.constant 1920 : index
          %swap3A_1376 = tpu.vector_load %arg12[%swap3A_1375] {strides = array<i32>} : memref<2000xf32, #tpu.memory_space<vmem>>, vector<16xf32>,
          tpu.vector_store %arg12[%swap3A_1375], %gather3A_1374 {strides = array<i32>} : memref<2000xf32, #tpu.memory_space<vmem>>, vector<16xf32>,
          %get3A_1377 = arith.constant 1936 : index
          %get3A_1378 = tpu.vector_load %arg8[%get3A_1377] {strides = array<i32>} : memref<2000xi32, #tpu.memory_space<vmem>>, vector<16xi32>,
          %gather3A_1379 = tpu.vector_load_idx %arg6[%get3A_1378] : memref<100000xf32, #tpu.memory_space<vmem>>[vector<16xi32>], vector<16xf32>,
          %swap3A_1380 = arith.constant 1936 : index
          %swap3A_1381 = tpu.vector_load %arg12[%swap3A_1380] {strides = array<i32>} : memref<2000xf32, #tpu.memory_space<vmem>>, vector<16xf32>,
          tpu.vector_store %arg12[%swap3A_1380], %gather3A_1379 {strides = array<i32>} : memref<2000xf32, #tpu.memory_space<vmem>>, vector<16xf32>,
          %get3A_1382 = arith.constant 1952 : index
          %get3A_1383 = tpu.vector_load %arg8[%get3A_1382] {strides = array<i32>} : memref<2000xi32, #tpu.memory_space<vmem>>, vector<16xi32>,
          %gather3A_1384 = tpu.vector_load_idx %arg6[%get3A_1383] : memref<100000xf32, #tpu.memory_space<vmem>>[vector<16xi32>], vector<16xf32>,
          %swap3A_1385 = arith.constant 1952 : index
          %swap3A_1386 = tpu.vector_load %arg12[%swap3A_1385] {strides = array<i32>} : memref<2000xf32, #tpu.memory_space<vmem>>, vector<16xf32>,
          tpu.vector_store %arg12[%swap3A_1385], %gather3A_1384 {strides = array<i32>} : memref<2000xf32, #tpu.memory_space<vmem>>, vector<16xf32>,
          %get3A_1387 = arith.constant 1968 : index
          %get3A_1388 = tpu.vector_load %arg8[%get3A_1387] {strides = array<i32>} : memref<2000xi32, #tpu.memory_space<vmem>>, vector<16xi32>,
          %gather3A_1389 = tpu.vector_load_idx %arg6[%get3A_1388] : memref<100000xf32, #tpu.memory_space<vmem>>[vector<16xi32>], vector<16xf32>,
          %swap3A_1390 = arith.constant 1968 : index
          %swap3A_1391 = tpu.vector_load %arg12[%swap3A_1390] {strides = array<i32>} : memref<2000xf32, #tpu.memory_space<vmem>>, vector<16xf32>,
          tpu.vector_store %arg12[%swap3A_1390], %gather3A_1389 {strides = array<i32>} : memref<2000xf32, #tpu.memory_space<vmem>>, vector<16xf32>,
          %get3A_1392 = arith.constant 1984 : index
          %get3A_1393 = tpu.vector_load %arg8[%get3A_1392] {strides = array<i32>} : memref<2000xi32, #tpu.memory_space<vmem>>, vector<16xi32>,
          %gather3A_1394 = tpu.vector_load_idx %arg6[%get3A_1393] : memref<100000xf32, #tpu.memory_space<vmem>>[vector<16xi32>], vector<16xf32>,
          %swap3A_1395 = arith.constant 1984 : index
          %swap3A_1396 = tpu.vector_load %arg12[%swap3A_1395] {strides = array<i32>} : memref<2000xf32, #tpu.memory_space<vmem>>, vector<16xf32>,
          tpu.vector_store %arg12[%swap3A_1395], %gather3A_1394 {strides = array<i32>} : memref<2000xf32, #tpu.memory_space<vmem>>, vector<16xf32>,
          %add3A_1397 = arith.constant 1 : i32
          %add3A_1398 = arith.addi %mul3A_108, %add3A_1397 : i32
          %mul3A_1399 = arith.constant 2000 : i32
          %mul3A_1400 = arith.muli %add3A_1398, %mul3A_1399 : i32
          %mul3A_1401 = arith.constant 200000 : i32
          %mul3A_1402 = arith.muli %add3A_9, %mul3A_1401 : i32
          %add3A_1403 = arith.addi %mul3A_1402, %mul3A_1400 : i32
          %dma_start3A_1404 = tpu.memref_slice %arg5[%add3A_1403] : memref<78600000xf32, #tpu.memory_space<hbm>> -> memref<2000xf32, #tpu.memory_space<hbm>>
          %dma_start3A_1405 = tpu.memref_slice %arg5[%add3A_1403] : memref<78600000xf32, #tpu.memory_space<hbm>> -> memref<2000xf32, #tpu.memory_space<hbm>>
          tpu.enqueue_dma source(%arg12 : memref<2000xf32, #tpu.memory_space<vmem>>) target(%dma_start3A_1405 : memref<2000xf32, #tpu.memory_space<hbm>>) target_semaphore(%arg16 : memref<!tpu.dma_semaphore, #tpu.memory_space<semaphore_mem>>)
          %lt3A_1406 = arith.constant 24 : i32
          %lt3A_1407 = arith.cmpi slt, %scan3A_106, %lt3A_1406 : i32
          %convert_element_type3A_1408 = arith.extui %lt3A_1407 : i1 to i32
          %cond3A_1409 = arith.constant 0 : i32
          %cond3A_1410 = arith.cmpi ne, %convert_element_type3A_1408, %cond3A_1409 : i32
          scf.if %cond3A_1410 {
            %add3A_2717 = arith.constant 4 : i32
            %add3A_2718 = arith.addi %mul3A_108, %add3A_2717 : i32
            %add3A_2719 = arith.constant 1 : i32
            %add3A_2720 = arith.addi %add3A_2718, %add3A_2719 : i32
            %mul3A_2721 = arith.constant 2000 : i32
            %mul3A_2722 = arith.muli %add3A_2720, %mul3A_2721 : i32
            %mul3A_2723 = arith.constant 200000 : i32
            %mul3A_2724 = arith.muli %select_n3A, %mul3A_2723 : i32
            %add3A_2725 = arith.addi %mul3A_2724, %mul3A_2722 : i32
            %dma_start3A_2726 = tpu.memref_slice %arg3[%add3A_2725] : memref<600000xi32, #tpu.memory_space<hbm>> -> memref<2000xi32, #tpu.memory_space<hbm>>
            %dma_start3A_2727 = tpu.memref_slice %arg3[%add3A_2725] : memref<600000xi32, #tpu.memory_space<hbm>> -> memref<2000xi32, #tpu.memory_space<hbm>>
            tpu.enqueue_dma source(%dma_start3A_2727 : memref<2000xi32, #tpu.memory_space<hbm>>) target(%arg8 : memref<2000xi32, #tpu.memory_space<vmem>>) target_semaphore(%arg15 : memref<!tpu.dma_semaphore, #tpu.memory_space<semaphore_mem>>)
          } else {
          }
          %add3A_1411 = arith.constant 2 : i32
          %add3A_1412 = arith.addi %mul3A_108, %add3A_1411 : i32
          %mul3A_1413 = arith.constant 2000 : i32
          %mul3A_1414 = arith.muli %add3A_1412, %mul3A_1413 : i32
          %mul3A_1415 = arith.constant 200000 : i32
          %mul3A_1416 = arith.muli %select_n3A, %mul3A_1415 : i32
          %add3A_1417 = arith.addi %mul3A_1416, %mul3A_1414 : i32
          %dma_wait3A_1418 = tpu.memref_slice %arg3[%add3A_1417] : memref<600000xi32, #tpu.memory_space<hbm>> -> memref<2000xi32, #tpu.memory_space<hbm>>
          %dma_wait3A_1419 = tpu.memref_slice %arg3[%add3A_1417] : memref<600000xi32, #tpu.memory_space<hbm>> -> memref<2000xi32, #tpu.memory_space<hbm>>
          tpu.wait_dma2 semaphore(%arg15 : memref<!tpu.dma_semaphore, #tpu.memory_space<semaphore_mem>>) src(%dma_wait3A_1419 : memref<2000xi32, #tpu.memory_space<hbm>>) dst(%arg9 : memref<2000xi32, #tpu.memory_space<vmem>>)
          %gt3A_1420 = arith.constant 0 : i32
          %gt3A_1421 = arith.cmpi sgt, %scan3A_106, %gt3A_1420 : i32
          %convert_element_type3A_1422 = arith.extui %gt3A_1421 : i1 to i32
          %cond3A_1423 = arith.constant 0 : i32
          %cond3A_1424 = arith.cmpi ne, %convert_element_type3A_1422, %cond3A_1423 : i32
          scf.if %cond3A_1424 {
            %mul3A_2717 = arith.constant 200000 : i32
            %mul3A_2718 = arith.muli %add3A_9, %mul3A_2717 : i32
            %add3A_2719 = arith.constant 0 : i32
            %add3A_2720 = arith.addi %mul3A_2718, %add3A_2719 : i32
            %dma_wait3A_2721 = tpu.memref_slice %arg5[%add3A_2720] : memref<78600000xf32, #tpu.memory_space<hbm>> -> memref<2000xf32, #tpu.memory_space<hbm>>
            %dma_wait3A_2722 = tpu.memref_slice %arg5[%add3A_2720] : memref<78600000xf32, #tpu.memory_space<hbm>> -> memref<2000xf32, #tpu.memory_space<hbm>>
            tpu.wait_dma2 semaphore(%arg16 : memref<!tpu.dma_semaphore, #tpu.memory_space<semaphore_mem>>) src(%arg13 : memref<2000xf32, #tpu.memory_space<vmem>>) dst(%dma_wait3A_2722 : memref<2000xf32, #tpu.memory_space<hbm>>)
          } else {
          }
          %get3A_1425 = arith.constant 0 : index
          %get3A_1426 = tpu.vector_load %arg9[%get3A_1425] {strides = array<i32>} : memref<2000xi32, #tpu.memory_space<vmem>>, vector<16xi32>,
          %gather3A_1427 = tpu.vector_load_idx %arg6[%get3A_1426] : memref<100000xf32, #tpu.memory_space<vmem>>[vector<16xi32>], vector<16xf32>,
          %swap3A_1428 = arith.constant 0 : index
          %swap3A_1429 = tpu.vector_load %arg13[%swap3A_1428] {strides = array<i32>} : memref<2000xf32, #tpu.memory_space<vmem>>, vector<16xf32>,
          tpu.vector_store %arg13[%swap3A_1428], %gather3A_1427 {strides = array<i32>} : memref<2000xf32, #tpu.memory_space<vmem>>, vector<16xf32>,
          %get3A_1430 = arith.constant 16 : index
          %get3A_1431 = tpu.vector_load %arg9[%get3A_1430] {strides = array<i32>} : memref<2000xi32, #tpu.memory_space<vmem>>, vector<16xi32>,
          %gather3A_1432 = tpu.vector_load_idx %arg6[%get3A_1431] : memref<100000xf32, #tpu.memory_space<vmem>>[vector<16xi32>], vector<16xf32>,
          %swap3A_1433 = arith.constant 16 : index
          %swap3A_1434 = tpu.vector_load %arg13[%swap3A_1433] {strides = array<i32>} : memref<2000xf32, #tpu.memory_space<vmem>>, vector<16xf32>,
          tpu.vector_store %arg13[%swap3A_1433], %gather3A_1432 {strides = array<i32>} : memref<2000xf32, #tpu.memory_space<vmem>>, vector<16xf32>,
          %get3A_1435 = arith.constant 32 : index
          %get3A_1436 = tpu.vector_load %arg9[%get3A_1435] {strides = array<i32>} : memref<2000xi32, #tpu.memory_space<vmem>>, vector<16xi32>,
          %gather3A_1437 = tpu.vector_load_idx %arg6[%get3A_1436] : memref<100000xf32, #tpu.memory_space<vmem>>[vector<16xi32>], vector<16xf32>,
          %swap3A_1438 = arith.constant 32 : index
          %swap3A_1439 = tpu.vector_load %arg13[%swap3A_1438] {strides = array<i32>} : memref<2000xf32, #tpu.memory_space<vmem>>, vector<16xf32>,
          tpu.vector_store %arg13[%swap3A_1438], %gather3A_1437 {strides = array<i32>} : memref<2000xf32, #tpu.memory_space<vmem>>, vector<16xf32>,
          %get3A_1440 = arith.constant 48 : index
          %get3A_1441 = tpu.vector_load %arg9[%get3A_1440] {strides = array<i32>} : memref<2000xi32, #tpu.memory_space<vmem>>, vector<16xi32>,
          %gather3A_1442 = tpu.vector_load_idx %arg6[%get3A_1441] : memref<100000xf32, #tpu.memory_space<vmem>>[vector<16xi32>], vector<16xf32>,
          %swap3A_1443 = arith.constant 48 : index
          %swap3A_1444 = tpu.vector_load %arg13[%swap3A_1443] {strides = array<i32>} : memref<2000xf32, #tpu.memory_space<vmem>>, vector<16xf32>,
          tpu.vector_store %arg13[%swap3A_1443], %gather3A_1442 {strides = array<i32>} : memref<2000xf32, #tpu.memory_space<vmem>>, vector<16xf32>,
          %get3A_1445 = arith.constant 64 : index
          %get3A_1446 = tpu.vector_load %arg9[%get3A_1445] {strides = array<i32>} : memref<2000xi32, #tpu.memory_space<vmem>>, vector<16xi32>,
          %gather3A_1447 = tpu.vector_load_idx %arg6[%get3A_1446] : memref<100000xf32, #tpu.memory_space<vmem>>[vector<16xi32>], vector<16xf32>,
          %swap3A_1448 = arith.constant 64 : index
          %swap3A_1449 = tpu.vector_load %arg13[%swap3A_1448] {strides = array<i32>} : memref<2000xf32, #tpu.memory_space<vmem>>, vector<16xf32>,
          tpu.vector_store %arg13[%swap3A_1448], %gather3A_1447 {strides = array<i32>} : memref<2000xf32, #tpu.memory_space<vmem>>, vector<16xf32>,
          %get3A_1450 = arith.constant 80 : index
          %get3A_1451 = tpu.vector_load %arg9[%get3A_1450] {strides = array<i32>} : memref<2000xi32, #tpu.memory_space<vmem>>, vector<16xi32>,
          %gather3A_1452 = tpu.vector_load_idx %arg6[%get3A_1451] : memref<100000xf32, #tpu.memory_space<vmem>>[vector<16xi32>], vector<16xf32>,
          %swap3A_1453 = arith.constant 80 : index
          %swap3A_1454 = tpu.vector_load %arg13[%swap3A_1453] {strides = array<i32>} : memref<2000xf32, #tpu.memory_space<vmem>>, vector<16xf32>,
          tpu.vector_store %arg13[%swap3A_1453], %gather3A_1452 {strides = array<i32>} : memref<2000xf32, #tpu.memory_space<vmem>>, vector<16xf32>,
          %get3A_1455 = arith.constant 96 : index
          %get3A_1456 = tpu.vector_load %arg9[%get3A_1455] {strides = array<i32>} : memref<2000xi32, #tpu.memory_space<vmem>>, vector<16xi32>,
          %gather3A_1457 = tpu.vector_load_idx %arg6[%get3A_1456] : memref<100000xf32, #tpu.memory_space<vmem>>[vector<16xi32>], vector<16xf32>,
          %swap3A_1458 = arith.constant 96 : index
          %swap3A_1459 = tpu.vector_load %arg13[%swap3A_1458] {strides = array<i32>} : memref<2000xf32, #tpu.memory_space<vmem>>, vector<16xf32>,
          tpu.vector_store %arg13[%swap3A_1458], %gather3A_1457 {strides = array<i32>} : memref<2000xf32, #tpu.memory_space<vmem>>, vector<16xf32>,
          %get3A_1460 = arith.constant 112 : index
          %get3A_1461 = tpu.vector_load %arg9[%get3A_1460] {strides = array<i32>} : memref<2000xi32, #tpu.memory_space<vmem>>, vector<16xi32>,
          %gather3A_1462 = tpu.vector_load_idx %arg6[%get3A_1461] : memref<100000xf32, #tpu.memory_space<vmem>>[vector<16xi32>], vector<16xf32>,
          %swap3A_1463 = arith.constant 112 : index
          %swap3A_1464 = tpu.vector_load %arg13[%swap3A_1463] {strides = array<i32>} : memref<2000xf32, #tpu.memory_space<vmem>>, vector<16xf32>,
          tpu.vector_store %arg13[%swap3A_1463], %gather3A_1462 {strides = array<i32>} : memref<2000xf32, #tpu.memory_space<vmem>>, vector<16xf32>,
          %get3A_1465 = arith.constant 128 : index
          %get3A_1466 = tpu.vector_load %arg9[%get3A_1465] {strides = array<i32>} : memref<2000xi32, #tpu.memory_space<vmem>>, vector<16xi32>,
          %gather3A_1467 = tpu.vector_load_idx %arg6[%get3A_1466] : memref<100000xf32, #tpu.memory_space<vmem>>[vector<16xi32>], vector<16xf32>,
          %swap3A_1468 = arith.constant 128 : index
          %swap3A_1469 = tpu.vector_load %arg13[%swap3A_1468] {strides = array<i32>} : memref<2000xf32, #tpu.memory_space<vmem>>, vector<16xf32>,
          tpu.vector_store %arg13[%swap3A_1468], %gather3A_1467 {strides = array<i32>} : memref<2000xf32, #tpu.memory_space<vmem>>, vector<16xf32>,
          %get3A_1470 = arith.constant 144 : index
          %get3A_1471 = tpu.vector_load %arg9[%get3A_1470] {strides = array<i32>} : memref<2000xi32, #tpu.memory_space<vmem>>, vector<16xi32>,
          %gather3A_1472 = tpu.vector_load_idx %arg6[%get3A_1471] : memref<100000xf32, #tpu.memory_space<vmem>>[vector<16xi32>], vector<16xf32>,
          %swap3A_1473 = arith.constant 144 : index
          %swap3A_1474 = tpu.vector_load %arg13[%swap3A_1473] {strides = array<i32>} : memref<2000xf32, #tpu.memory_space<vmem>>, vector<16xf32>,
          tpu.vector_store %arg13[%swap3A_1473], %gather3A_1472 {strides = array<i32>} : memref<2000xf32, #tpu.memory_space<vmem>>, vector<16xf32>,
          %get3A_1475 = arith.constant 160 : index
          %get3A_1476 = tpu.vector_load %arg9[%get3A_1475] {strides = array<i32>} : memref<2000xi32, #tpu.memory_space<vmem>>, vector<16xi32>,
          %gather3A_1477 = tpu.vector_load_idx %arg6[%get3A_1476] : memref<100000xf32, #tpu.memory_space<vmem>>[vector<16xi32>], vector<16xf32>,
          %swap3A_1478 = arith.constant 160 : index
          %swap3A_1479 = tpu.vector_load %arg13[%swap3A_1478] {strides = array<i32>} : memref<2000xf32, #tpu.memory_space<vmem>>, vector<16xf32>,
          tpu.vector_store %arg13[%swap3A_1478], %gather3A_1477 {strides = array<i32>} : memref<2000xf32, #tpu.memory_space<vmem>>, vector<16xf32>,
          %get3A_1480 = arith.constant 176 : index
          %get3A_1481 = tpu.vector_load %arg9[%get3A_1480] {strides = array<i32>} : memref<2000xi32, #tpu.memory_space<vmem>>, vector<16xi32>,
          %gather3A_1482 = tpu.vector_load_idx %arg6[%get3A_1481] : memref<100000xf32, #tpu.memory_space<vmem>>[vector<16xi32>], vector<16xf32>,
          %swap3A_1483 = arith.constant 176 : index
          %swap3A_1484 = tpu.vector_load %arg13[%swap3A_1483] {strides = array<i32>} : memref<2000xf32, #tpu.memory_space<vmem>>, vector<16xf32>,
          tpu.vector_store %arg13[%swap3A_1483], %gather3A_1482 {strides = array<i32>} : memref<2000xf32, #tpu.memory_space<vmem>>, vector<16xf32>,
          %get3A_1485 = arith.constant 192 : index
          %get3A_1486 = tpu.vector_load %arg9[%get3A_1485] {strides = array<i32>} : memref<2000xi32, #tpu.memory_space<vmem>>, vector<16xi32>,
          %gather3A_1487 = tpu.vector_load_idx %arg6[%get3A_1486] : memref<100000xf32, #tpu.memory_space<vmem>>[vector<16xi32>], vector<16xf32>,
          %swap3A_1488 = arith.constant 192 : index
          %swap3A_1489 = tpu.vector_load %arg13[%swap3A_1488] {strides = array<i32>} : memref<2000xf32, #tpu.memory_space<vmem>>, vector<16xf32>,
          tpu.vector_store %arg13[%swap3A_1488], %gather3A_1487 {strides = array<i32>} : memref<2000xf32, #tpu.memory_space<vmem>>, vector<16xf32>,
          %get3A_1490 = arith.constant 208 : index
          %get3A_1491 = tpu.vector_load %arg9[%get3A_1490] {strides = array<i32>} : memref<2000xi32, #tpu.memory_space<vmem>>, vector<16xi32>,
          %gather3A_1492 = tpu.vector_load_idx %arg6[%get3A_1491] : memref<100000xf32, #tpu.memory_space<vmem>>[vector<16xi32>], vector<16xf32>,
          %swap3A_1493 = arith.constant 208 : index
          %swap3A_1494 = tpu.vector_load %arg13[%swap3A_1493] {strides = array<i32>} : memref<2000xf32, #tpu.memory_space<vmem>>, vector<16xf32>,
          tpu.vector_store %arg13[%swap3A_1493], %gather3A_1492 {strides = array<i32>} : memref<2000xf32, #tpu.memory_space<vmem>>, vector<16xf32>,
          %get3A_1495 = arith.constant 224 : index
          %get3A_1496 = tpu.vector_load %arg9[%get3A_1495] {strides = array<i32>} : memref<2000xi32, #tpu.memory_space<vmem>>, vector<16xi32>,
          %gather3A_1497 = tpu.vector_load_idx %arg6[%get3A_1496] : memref<100000xf32, #tpu.memory_space<vmem>>[vector<16xi32>], vector<16xf32>,
          %swap3A_1498 = arith.constant 224 : index
          %swap3A_1499 = tpu.vector_load %arg13[%swap3A_1498] {strides = array<i32>} : memref<2000xf32, #tpu.memory_space<vmem>>, vector<16xf32>,
          tpu.vector_store %arg13[%swap3A_1498], %gather3A_1497 {strides = array<i32>} : memref<2000xf32, #tpu.memory_space<vmem>>, vector<16xf32>,
          %get3A_1500 = arith.constant 240 : index
          %get3A_1501 = tpu.vector_load %arg9[%get3A_1500] {strides = array<i32>} : memref<2000xi32, #tpu.memory_space<vmem>>, vector<16xi32>,
          %gather3A_1502 = tpu.vector_load_idx %arg6[%get3A_1501] : memref<100000xf32, #tpu.memory_space<vmem>>[vector<16xi32>], vector<16xf32>,
          %swap3A_1503 = arith.constant 240 : index
          %swap3A_1504 = tpu.vector_load %arg13[%swap3A_1503] {strides = array<i32>} : memref<2000xf32, #tpu.memory_space<vmem>>, vector<16xf32>,
          tpu.vector_store %arg13[%swap3A_1503], %gather3A_1502 {strides = array<i32>} : memref<2000xf32, #tpu.memory_space<vmem>>, vector<16xf32>,
          %get3A_1505 = arith.constant 256 : index
          %get3A_1506 = tpu.vector_load %arg9[%get3A_1505] {strides = array<i32>} : memref<2000xi32, #tpu.memory_space<vmem>>, vector<16xi32>,
          %gather3A_1507 = tpu.vector_load_idx %arg6[%get3A_1506] : memref<100000xf32, #tpu.memory_space<vmem>>[vector<16xi32>], vector<16xf32>,
          %swap3A_1508 = arith.constant 256 : index
          %swap3A_1509 = tpu.vector_load %arg13[%swap3A_1508] {strides = array<i32>} : memref<2000xf32, #tpu.memory_space<vmem>>, vector<16xf32>,
          tpu.vector_store %arg13[%swap3A_1508], %gather3A_1507 {strides = array<i32>} : memref<2000xf32, #tpu.memory_space<vmem>>, vector<16xf32>,
          %get3A_1510 = arith.constant 272 : index
          %get3A_1511 = tpu.vector_load %arg9[%get3A_1510] {strides = array<i32>} : memref<2000xi32, #tpu.memory_space<vmem>>, vector<16xi32>,
          %gather3A_1512 = tpu.vector_load_idx %arg6[%get3A_1511] : memref<100000xf32, #tpu.memory_space<vmem>>[vector<16xi32>], vector<16xf32>,
          %swap3A_1513 = arith.constant 272 : index
          %swap3A_1514 = tpu.vector_load %arg13[%swap3A_1513] {strides = array<i32>} : memref<2000xf32, #tpu.memory_space<vmem>>, vector<16xf32>,
          tpu.vector_store %arg13[%swap3A_1513], %gather3A_1512 {strides = array<i32>} : memref<2000xf32, #tpu.memory_space<vmem>>, vector<16xf32>,
          %get3A_1515 = arith.constant 288 : index
          %get3A_1516 = tpu.vector_load %arg9[%get3A_1515] {strides = array<i32>} : memref<2000xi32, #tpu.memory_space<vmem>>, vector<16xi32>,
          %gather3A_1517 = tpu.vector_load_idx %arg6[%get3A_1516] : memref<100000xf32, #tpu.memory_space<vmem>>[vector<16xi32>], vector<16xf32>,
          %swap3A_1518 = arith.constant 288 : index
          %swap3A_1519 = tpu.vector_load %arg13[%swap3A_1518] {strides = array<i32>} : memref<2000xf32, #tpu.memory_space<vmem>>, vector<16xf32>,
          tpu.vector_store %arg13[%swap3A_1518], %gather3A_1517 {strides = array<i32>} : memref<2000xf32, #tpu.memory_space<vmem>>, vector<16xf32>,
          %get3A_1520 = arith.constant 304 : index
          %get3A_1521 = tpu.vector_load %arg9[%get3A_1520] {strides = array<i32>} : memref<2000xi32, #tpu.memory_space<vmem>>, vector<16xi32>,
          %gather3A_1522 = tpu.vector_load_idx %arg6[%get3A_1521] : memref<100000xf32, #tpu.memory_space<vmem>>[vector<16xi32>], vector<16xf32>,
          %swap3A_1523 = arith.constant 304 : index
          %swap3A_1524 = tpu.vector_load %arg13[%swap3A_1523] {strides = array<i32>} : memref<2000xf32, #tpu.memory_space<vmem>>, vector<16xf32>,
          tpu.vector_store %arg13[%swap3A_1523], %gather3A_1522 {strides = array<i32>} : memref<2000xf32, #tpu.memory_space<vmem>>, vector<16xf32>,
          %get3A_1525 = arith.constant 320 : index
          %get3A_1526 = tpu.vector_load %arg9[%get3A_1525] {strides = array<i32>} : memref<2000xi32, #tpu.memory_space<vmem>>, vector<16xi32>,
          %gather3A_1527 = tpu.vector_load_idx %arg6[%get3A_1526] : memref<100000xf32, #tpu.memory_space<vmem>>[vector<16xi32>], vector<16xf32>,
          %swap3A_1528 = arith.constant 320 : index
          %swap3A_1529 = tpu.vector_load %arg13[%swap3A_1528] {strides = array<i32>} : memref<2000xf32, #tpu.memory_space<vmem>>, vector<16xf32>,
          tpu.vector_store %arg13[%swap3A_1528], %gather3A_1527 {strides = array<i32>} : memref<2000xf32, #tpu.memory_space<vmem>>, vector<16xf32>,
          %get3A_1530 = arith.constant 336 : index
          %get3A_1531 = tpu.vector_load %arg9[%get3A_1530] {strides = array<i32>} : memref<2000xi32, #tpu.memory_space<vmem>>, vector<16xi32>,
          %gather3A_1532 = tpu.vector_load_idx %arg6[%get3A_1531] : memref<100000xf32, #tpu.memory_space<vmem>>[vector<16xi32>], vector<16xf32>,
          %swap3A_1533 = arith.constant 336 : index
          %swap3A_1534 = tpu.vector_load %arg13[%swap3A_1533] {strides = array<i32>} : memref<2000xf32, #tpu.memory_space<vmem>>, vector<16xf32>,
          tpu.vector_store %arg13[%swap3A_1533], %gather3A_1532 {strides = array<i32>} : memref<2000xf32, #tpu.memory_space<vmem>>, vector<16xf32>,
          %get3A_1535 = arith.constant 352 : index
          %get3A_1536 = tpu.vector_load %arg9[%get3A_1535] {strides = array<i32>} : memref<2000xi32, #tpu.memory_space<vmem>>, vector<16xi32>,
          %gather3A_1537 = tpu.vector_load_idx %arg6[%get3A_1536] : memref<100000xf32, #tpu.memory_space<vmem>>[vector<16xi32>], vector<16xf32>,
          %swap3A_1538 = arith.constant 352 : index
          %swap3A_1539 = tpu.vector_load %arg13[%swap3A_1538] {strides = array<i32>} : memref<2000xf32, #tpu.memory_space<vmem>>, vector<16xf32>,
          tpu.vector_store %arg13[%swap3A_1538], %gather3A_1537 {strides = array<i32>} : memref<2000xf32, #tpu.memory_space<vmem>>, vector<16xf32>,
          %get3A_1540 = arith.constant 368 : index
          %get3A_1541 = tpu.vector_load %arg9[%get3A_1540] {strides = array<i32>} : memref<2000xi32, #tpu.memory_space<vmem>>, vector<16xi32>,
          %gather3A_1542 = tpu.vector_load_idx %arg6[%get3A_1541] : memref<100000xf32, #tpu.memory_space<vmem>>[vector<16xi32>], vector<16xf32>,
          %swap3A_1543 = arith.constant 368 : index
          %swap3A_1544 = tpu.vector_load %arg13[%swap3A_1543] {strides = array<i32>} : memref<2000xf32, #tpu.memory_space<vmem>>, vector<16xf32>,
          tpu.vector_store %arg13[%swap3A_1543], %gather3A_1542 {strides = array<i32>} : memref<2000xf32, #tpu.memory_space<vmem>>, vector<16xf32>,
          %get3A_1545 = arith.constant 384 : index
          %get3A_1546 = tpu.vector_load %arg9[%get3A_1545] {strides = array<i32>} : memref<2000xi32, #tpu.memory_space<vmem>>, vector<16xi32>,
          %gather3A_1547 = tpu.vector_load_idx %arg6[%get3A_1546] : memref<100000xf32, #tpu.memory_space<vmem>>[vector<16xi32>], vector<16xf32>,
          %swap3A_1548 = arith.constant 384 : index
          %swap3A_1549 = tpu.vector_load %arg13[%swap3A_1548] {strides = array<i32>} : memref<2000xf32, #tpu.memory_space<vmem>>, vector<16xf32>,
          tpu.vector_store %arg13[%swap3A_1548], %gather3A_1547 {strides = array<i32>} : memref<2000xf32, #tpu.memory_space<vmem>>, vector<16xf32>,
          %get3A_1550 = arith.constant 400 : index
          %get3A_1551 = tpu.vector_load %arg9[%get3A_1550] {strides = array<i32>} : memref<2000xi32, #tpu.memory_space<vmem>>, vector<16xi32>,
          %gather3A_1552 = tpu.vector_load_idx %arg6[%get3A_1551] : memref<100000xf32, #tpu.memory_space<vmem>>[vector<16xi32>], vector<16xf32>,
          %swap3A_1553 = arith.constant 400 : index
          %swap3A_1554 = tpu.vector_load %arg13[%swap3A_1553] {strides = array<i32>} : memref<2000xf32, #tpu.memory_space<vmem>>, vector<16xf32>,
          tpu.vector_store %arg13[%swap3A_1553], %gather3A_1552 {strides = array<i32>} : memref<2000xf32, #tpu.memory_space<vmem>>, vector<16xf32>,
          %get3A_1555 = arith.constant 416 : index
          %get3A_1556 = tpu.vector_load %arg9[%get3A_1555] {strides = array<i32>} : memref<2000xi32, #tpu.memory_space<vmem>>, vector<16xi32>,
          %gather3A_1557 = tpu.vector_load_idx %arg6[%get3A_1556] : memref<100000xf32, #tpu.memory_space<vmem>>[vector<16xi32>], vector<16xf32>,
          %swap3A_1558 = arith.constant 416 : index
          %swap3A_1559 = tpu.vector_load %arg13[%swap3A_1558] {strides = array<i32>} : memref<2000xf32, #tpu.memory_space<vmem>>, vector<16xf32>,
          tpu.vector_store %arg13[%swap3A_1558], %gather3A_1557 {strides = array<i32>} : memref<2000xf32, #tpu.memory_space<vmem>>, vector<16xf32>,
          %get3A_1560 = arith.constant 432 : index
          %get3A_1561 = tpu.vector_load %arg9[%get3A_1560] {strides = array<i32>} : memref<2000xi32, #tpu.memory_space<vmem>>, vector<16xi32>,
          %gather3A_1562 = tpu.vector_load_idx %arg6[%get3A_1561] : memref<100000xf32, #tpu.memory_space<vmem>>[vector<16xi32>], vector<16xf32>,
          %swap3A_1563 = arith.constant 432 : index
          %swap3A_1564 = tpu.vector_load %arg13[%swap3A_1563] {strides = array<i32>} : memref<2000xf32, #tpu.memory_space<vmem>>, vector<16xf32>,
          tpu.vector_store %arg13[%swap3A_1563], %gather3A_1562 {strides = array<i32>} : memref<2000xf32, #tpu.memory_space<vmem>>, vector<16xf32>,
          %get3A_1565 = arith.constant 448 : index
          %get3A_1566 = tpu.vector_load %arg9[%get3A_1565] {strides = array<i32>} : memref<2000xi32, #tpu.memory_space<vmem>>, vector<16xi32>,
          %gather3A_1567 = tpu.vector_load_idx %arg6[%get3A_1566] : memref<100000xf32, #tpu.memory_space<vmem>>[vector<16xi32>], vector<16xf32>,
          %swap3A_1568 = arith.constant 448 : index
          %swap3A_1569 = tpu.vector_load %arg13[%swap3A_1568] {strides = array<i32>} : memref<2000xf32, #tpu.memory_space<vmem>>, vector<16xf32>,
          tpu.vector_store %arg13[%swap3A_1568], %gather3A_1567 {strides = array<i32>} : memref<2000xf32, #tpu.memory_space<vmem>>, vector<16xf32>,
          %get3A_1570 = arith.constant 464 : index
          %get3A_1571 = tpu.vector_load %arg9[%get3A_1570] {strides = array<i32>} : memref<2000xi32, #tpu.memory_space<vmem>>, vector<16xi32>,
          %gather3A_1572 = tpu.vector_load_idx %arg6[%get3A_1571] : memref<100000xf32, #tpu.memory_space<vmem>>[vector<16xi32>], vector<16xf32>,
          %swap3A_1573 = arith.constant 464 : index
          %swap3A_1574 = tpu.vector_load %arg13[%swap3A_1573] {strides = array<i32>} : memref<2000xf32, #tpu.memory_space<vmem>>, vector<16xf32>,
          tpu.vector_store %arg13[%swap3A_1573], %gather3A_1572 {strides = array<i32>} : memref<2000xf32, #tpu.memory_space<vmem>>, vector<16xf32>,
          %get3A_1575 = arith.constant 480 : index
          %get3A_1576 = tpu.vector_load %arg9[%get3A_1575] {strides = array<i32>} : memref<2000xi32, #tpu.memory_space<vmem>>, vector<16xi32>,
          %gather3A_1577 = tpu.vector_load_idx %arg6[%get3A_1576] : memref<100000xf32, #tpu.memory_space<vmem>>[vector<16xi32>], vector<16xf32>,
          %swap3A_1578 = arith.constant 480 : index
          %swap3A_1579 = tpu.vector_load %arg13[%swap3A_1578] {strides = array<i32>} : memref<2000xf32, #tpu.memory_space<vmem>>, vector<16xf32>,
          tpu.vector_store %arg13[%swap3A_1578], %gather3A_1577 {strides = array<i32>} : memref<2000xf32, #tpu.memory_space<vmem>>, vector<16xf32>,
          %get3A_1580 = arith.constant 496 : index
          %get3A_1581 = tpu.vector_load %arg9[%get3A_1580] {strides = array<i32>} : memref<2000xi32, #tpu.memory_space<vmem>>, vector<16xi32>,
          %gather3A_1582 = tpu.vector_load_idx %arg6[%get3A_1581] : memref<100000xf32, #tpu.memory_space<vmem>>[vector<16xi32>], vector<16xf32>,
          %swap3A_1583 = arith.constant 496 : index
          %swap3A_1584 = tpu.vector_load %arg13[%swap3A_1583] {strides = array<i32>} : memref<2000xf32, #tpu.memory_space<vmem>>, vector<16xf32>,
          tpu.vector_store %arg13[%swap3A_1583], %gather3A_1582 {strides = array<i32>} : memref<2000xf32, #tpu.memory_space<vmem>>, vector<16xf32>,
          %get3A_1585 = arith.constant 512 : index
          %get3A_1586 = tpu.vector_load %arg9[%get3A_1585] {strides = array<i32>} : memref<2000xi32, #tpu.memory_space<vmem>>, vector<16xi32>,
          %gather3A_1587 = tpu.vector_load_idx %arg6[%get3A_1586] : memref<100000xf32, #tpu.memory_space<vmem>>[vector<16xi32>], vector<16xf32>,
          %swap3A_1588 = arith.constant 512 : index
          %swap3A_1589 = tpu.vector_load %arg13[%swap3A_1588] {strides = array<i32>} : memref<2000xf32, #tpu.memory_space<vmem>>, vector<16xf32>,
          tpu.vector_store %arg13[%swap3A_1588], %gather3A_1587 {strides = array<i32>} : memref<2000xf32, #tpu.memory_space<vmem>>, vector<16xf32>,
          %get3A_1590 = arith.constant 528 : index
          %get3A_1591 = tpu.vector_load %arg9[%get3A_1590] {strides = array<i32>} : memref<2000xi32, #tpu.memory_space<vmem>>, vector<16xi32>,
          %gather3A_1592 = tpu.vector_load_idx %arg6[%get3A_1591] : memref<100000xf32, #tpu.memory_space<vmem>>[vector<16xi32>], vector<16xf32>,
          %swap3A_1593 = arith.constant 528 : index
          %swap3A_1594 = tpu.vector_load %arg13[%swap3A_1593] {strides = array<i32>} : memref<2000xf32, #tpu.memory_space<vmem>>, vector<16xf32>,
          tpu.vector_store %arg13[%swap3A_1593], %gather3A_1592 {strides = array<i32>} : memref<2000xf32, #tpu.memory_space<vmem>>, vector<16xf32>,
          %get3A_1595 = arith.constant 544 : index
          %get3A_1596 = tpu.vector_load %arg9[%get3A_1595] {strides = array<i32>} : memref<2000xi32, #tpu.memory_space<vmem>>, vector<16xi32>,
          %gather3A_1597 = tpu.vector_load_idx %arg6[%get3A_1596] : memref<100000xf32, #tpu.memory_space<vmem>>[vector<16xi32>], vector<16xf32>,
          %swap3A_1598 = arith.constant 544 : index
          %swap3A_1599 = tpu.vector_load %arg13[%swap3A_1598] {strides = array<i32>} : memref<2000xf32, #tpu.memory_space<vmem>>, vector<16xf32>,
          tpu.vector_store %arg13[%swap3A_1598], %gather3A_1597 {strides = array<i32>} : memref<2000xf32, #tpu.memory_space<vmem>>, vector<16xf32>,
          %get3A_1600 = arith.constant 560 : index
          %get3A_1601 = tpu.vector_load %arg9[%get3A_1600] {strides = array<i32>} : memref<2000xi32, #tpu.memory_space<vmem>>, vector<16xi32>,
          %gather3A_1602 = tpu.vector_load_idx %arg6[%get3A_1601] : memref<100000xf32, #tpu.memory_space<vmem>>[vector<16xi32>], vector<16xf32>,
          %swap3A_1603 = arith.constant 560 : index
          %swap3A_1604 = tpu.vector_load %arg13[%swap3A_1603] {strides = array<i32>} : memref<2000xf32, #tpu.memory_space<vmem>>, vector<16xf32>,
          tpu.vector_store %arg13[%swap3A_1603], %gather3A_1602 {strides = array<i32>} : memref<2000xf32, #tpu.memory_space<vmem>>, vector<16xf32>,
          %get3A_1605 = arith.constant 576 : index
          %get3A_1606 = tpu.vector_load %arg9[%get3A_1605] {strides = array<i32>} : memref<2000xi32, #tpu.memory_space<vmem>>, vector<16xi32>,
          %gather3A_1607 = tpu.vector_load_idx %arg6[%get3A_1606] : memref<100000xf32, #tpu.memory_space<vmem>>[vector<16xi32>], vector<16xf32>,
          %swap3A_1608 = arith.constant 576 : index
          %swap3A_1609 = tpu.vector_load %arg13[%swap3A_1608] {strides = array<i32>} : memref<2000xf32, #tpu.memory_space<vmem>>, vector<16xf32>,
          tpu.vector_store %arg13[%swap3A_1608], %gather3A_1607 {strides = array<i32>} : memref<2000xf32, #tpu.memory_space<vmem>>, vector<16xf32>,
          %get3A_1610 = arith.constant 592 : index
          %get3A_1611 = tpu.vector_load %arg9[%get3A_1610] {strides = array<i32>} : memref<2000xi32, #tpu.memory_space<vmem>>, vector<16xi32>,
          %gather3A_1612 = tpu.vector_load_idx %arg6[%get3A_1611] : memref<100000xf32, #tpu.memory_space<vmem>>[vector<16xi32>], vector<16xf32>,
          %swap3A_1613 = arith.constant 592 : index
          %swap3A_1614 = tpu.vector_load %arg13[%swap3A_1613] {strides = array<i32>} : memref<2000xf32, #tpu.memory_space<vmem>>, vector<16xf32>,
          tpu.vector_store %arg13[%swap3A_1613], %gather3A_1612 {strides = array<i32>} : memref<2000xf32, #tpu.memory_space<vmem>>, vector<16xf32>,
          %get3A_1615 = arith.constant 608 : index
          %get3A_1616 = tpu.vector_load %arg9[%get3A_1615] {strides = array<i32>} : memref<2000xi32, #tpu.memory_space<vmem>>, vector<16xi32>,
          %gather3A_1617 = tpu.vector_load_idx %arg6[%get3A_1616] : memref<100000xf32, #tpu.memory_space<vmem>>[vector<16xi32>], vector<16xf32>,
          %swap3A_1618 = arith.constant 608 : index
          %swap3A_1619 = tpu.vector_load %arg13[%swap3A_1618] {strides = array<i32>} : memref<2000xf32, #tpu.memory_space<vmem>>, vector<16xf32>,
          tpu.vector_store %arg13[%swap3A_1618], %gather3A_1617 {strides = array<i32>} : memref<2000xf32, #tpu.memory_space<vmem>>, vector<16xf32>,
          %get3A_1620 = arith.constant 624 : index
          %get3A_1621 = tpu.vector_load %arg9[%get3A_1620] {strides = array<i32>} : memref<2000xi32, #tpu.memory_space<vmem>>, vector<16xi32>,
          %gather3A_1622 = tpu.vector_load_idx %arg6[%get3A_1621] : memref<100000xf32, #tpu.memory_space<vmem>>[vector<16xi32>], vector<16xf32>,
          %swap3A_1623 = arith.constant 624 : index
          %swap3A_1624 = tpu.vector_load %arg13[%swap3A_1623] {strides = array<i32>} : memref<2000xf32, #tpu.memory_space<vmem>>, vector<16xf32>,
          tpu.vector_store %arg13[%swap3A_1623], %gather3A_1622 {strides = array<i32>} : memref<2000xf32, #tpu.memory_space<vmem>>, vector<16xf32>,
          %get3A_1625 = arith.constant 640 : index
          %get3A_1626 = tpu.vector_load %arg9[%get3A_1625] {strides = array<i32>} : memref<2000xi32, #tpu.memory_space<vmem>>, vector<16xi32>,
          %gather3A_1627 = tpu.vector_load_idx %arg6[%get3A_1626] : memref<100000xf32, #tpu.memory_space<vmem>>[vector<16xi32>], vector<16xf32>,
          %swap3A_1628 = arith.constant 640 : index
          %swap3A_1629 = tpu.vector_load %arg13[%swap3A_1628] {strides = array<i32>} : memref<2000xf32, #tpu.memory_space<vmem>>, vector<16xf32>,
          tpu.vector_store %arg13[%swap3A_1628], %gather3A_1627 {strides = array<i32>} : memref<2000xf32, #tpu.memory_space<vmem>>, vector<16xf32>,
          %get3A_1630 = arith.constant 656 : index
          %get3A_1631 = tpu.vector_load %arg9[%get3A_1630] {strides = array<i32>} : memref<2000xi32, #tpu.memory_space<vmem>>, vector<16xi32>,
          %gather3A_1632 = tpu.vector_load_idx %arg6[%get3A_1631] : memref<100000xf32, #tpu.memory_space<vmem>>[vector<16xi32>], vector<16xf32>,
          %swap3A_1633 = arith.constant 656 : index
          %swap3A_1634 = tpu.vector_load %arg13[%swap3A_1633] {strides = array<i32>} : memref<2000xf32, #tpu.memory_space<vmem>>, vector<16xf32>,
          tpu.vector_store %arg13[%swap3A_1633], %gather3A_1632 {strides = array<i32>} : memref<2000xf32, #tpu.memory_space<vmem>>, vector<16xf32>,
          %get3A_1635 = arith.constant 672 : index
          %get3A_1636 = tpu.vector_load %arg9[%get3A_1635] {strides = array<i32>} : memref<2000xi32, #tpu.memory_space<vmem>>, vector<16xi32>,
          %gather3A_1637 = tpu.vector_load_idx %arg6[%get3A_1636] : memref<100000xf32, #tpu.memory_space<vmem>>[vector<16xi32>], vector<16xf32>,
          %swap3A_1638 = arith.constant 672 : index
          %swap3A_1639 = tpu.vector_load %arg13[%swap3A_1638] {strides = array<i32>} : memref<2000xf32, #tpu.memory_space<vmem>>, vector<16xf32>,
          tpu.vector_store %arg13[%swap3A_1638], %gather3A_1637 {strides = array<i32>} : memref<2000xf32, #tpu.memory_space<vmem>>, vector<16xf32>,
          %get3A_1640 = arith.constant 688 : index
          %get3A_1641 = tpu.vector_load %arg9[%get3A_1640] {strides = array<i32>} : memref<2000xi32, #tpu.memory_space<vmem>>, vector<16xi32>,
          %gather3A_1642 = tpu.vector_load_idx %arg6[%get3A_1641] : memref<100000xf32, #tpu.memory_space<vmem>>[vector<16xi32>], vector<16xf32>,
          %swap3A_1643 = arith.constant 688 : index
          %swap3A_1644 = tpu.vector_load %arg13[%swap3A_1643] {strides = array<i32>} : memref<2000xf32, #tpu.memory_space<vmem>>, vector<16xf32>,
          tpu.vector_store %arg13[%swap3A_1643], %gather3A_1642 {strides = array<i32>} : memref<2000xf32, #tpu.memory_space<vmem>>, vector<16xf32>,
          %get3A_1645 = arith.constant 704 : index
          %get3A_1646 = tpu.vector_load %arg9[%get3A_1645] {strides = array<i32>} : memref<2000xi32, #tpu.memory_space<vmem>>, vector<16xi32>,
          %gather3A_1647 = tpu.vector_load_idx %arg6[%get3A_1646] : memref<100000xf32, #tpu.memory_space<vmem>>[vector<16xi32>], vector<16xf32>,
          %swap3A_1648 = arith.constant 704 : index
          %swap3A_1649 = tpu.vector_load %arg13[%swap3A_1648] {strides = array<i32>} : memref<2000xf32, #tpu.memory_space<vmem>>, vector<16xf32>,
          tpu.vector_store %arg13[%swap3A_1648], %gather3A_1647 {strides = array<i32>} : memref<2000xf32, #tpu.memory_space<vmem>>, vector<16xf32>,
          %get3A_1650 = arith.constant 720 : index
          %get3A_1651 = tpu.vector_load %arg9[%get3A_1650] {strides = array<i32>} : memref<2000xi32, #tpu.memory_space<vmem>>, vector<16xi32>,
          %gather3A_1652 = tpu.vector_load_idx %arg6[%get3A_1651] : memref<100000xf32, #tpu.memory_space<vmem>>[vector<16xi32>], vector<16xf32>,
          %swap3A_1653 = arith.constant 720 : index
          %swap3A_1654 = tpu.vector_load %arg13[%swap3A_1653] {strides = array<i32>} : memref<2000xf32, #tpu.memory_space<vmem>>, vector<16xf32>,
          tpu.vector_store %arg13[%swap3A_1653], %gather3A_1652 {strides = array<i32>} : memref<2000xf32, #tpu.memory_space<vmem>>, vector<16xf32>,
          %get3A_1655 = arith.constant 736 : index
          %get3A_1656 = tpu.vector_load %arg9[%get3A_1655] {strides = array<i32>} : memref<2000xi32, #tpu.memory_space<vmem>>, vector<16xi32>,
          %gather3A_1657 = tpu.vector_load_idx %arg6[%get3A_1656] : memref<100000xf32, #tpu.memory_space<vmem>>[vector<16xi32>], vector<16xf32>,
          %swap3A_1658 = arith.constant 736 : index
          %swap3A_1659 = tpu.vector_load %arg13[%swap3A_1658] {strides = array<i32>} : memref<2000xf32, #tpu.memory_space<vmem>>, vector<16xf32>,
          tpu.vector_store %arg13[%swap3A_1658], %gather3A_1657 {strides = array<i32>} : memref<2000xf32, #tpu.memory_space<vmem>>, vector<16xf32>,
          %get3A_1660 = arith.constant 752 : index
          %get3A_1661 = tpu.vector_load %arg9[%get3A_1660] {strides = array<i32>} : memref<2000xi32, #tpu.memory_space<vmem>>, vector<16xi32>,
          %gather3A_1662 = tpu.vector_load_idx %arg6[%get3A_1661] : memref<100000xf32, #tpu.memory_space<vmem>>[vector<16xi32>], vector<16xf32>,
          %swap3A_1663 = arith.constant 752 : index
          %swap3A_1664 = tpu.vector_load %arg13[%swap3A_1663] {strides = array<i32>} : memref<2000xf32, #tpu.memory_space<vmem>>, vector<16xf32>,
          tpu.vector_store %arg13[%swap3A_1663], %gather3A_1662 {strides = array<i32>} : memref<2000xf32, #tpu.memory_space<vmem>>, vector<16xf32>,
          %get3A_1665 = arith.constant 768 : index
          %get3A_1666 = tpu.vector_load %arg9[%get3A_1665] {strides = array<i32>} : memref<2000xi32, #tpu.memory_space<vmem>>, vector<16xi32>,
          %gather3A_1667 = tpu.vector_load_idx %arg6[%get3A_1666] : memref<100000xf32, #tpu.memory_space<vmem>>[vector<16xi32>], vector<16xf32>,
          %swap3A_1668 = arith.constant 768 : index
          %swap3A_1669 = tpu.vector_load %arg13[%swap3A_1668] {strides = array<i32>} : memref<2000xf32, #tpu.memory_space<vmem>>, vector<16xf32>,
          tpu.vector_store %arg13[%swap3A_1668], %gather3A_1667 {strides = array<i32>} : memref<2000xf32, #tpu.memory_space<vmem>>, vector<16xf32>,
          %get3A_1670 = arith.constant 784 : index
          %get3A_1671 = tpu.vector_load %arg9[%get3A_1670] {strides = array<i32>} : memref<2000xi32, #tpu.memory_space<vmem>>, vector<16xi32>,
          %gather3A_1672 = tpu.vector_load_idx %arg6[%get3A_1671] : memref<100000xf32, #tpu.memory_space<vmem>>[vector<16xi32>], vector<16xf32>,
          %swap3A_1673 = arith.constant 784 : index
          %swap3A_1674 = tpu.vector_load %arg13[%swap3A_1673] {strides = array<i32>} : memref<2000xf32, #tpu.memory_space<vmem>>, vector<16xf32>,
          tpu.vector_store %arg13[%swap3A_1673], %gather3A_1672 {strides = array<i32>} : memref<2000xf32, #tpu.memory_space<vmem>>, vector<16xf32>,
          %get3A_1675 = arith.constant 800 : index
          %get3A_1676 = tpu.vector_load %arg9[%get3A_1675] {strides = array<i32>} : memref<2000xi32, #tpu.memory_space<vmem>>, vector<16xi32>,
          %gather3A_1677 = tpu.vector_load_idx %arg6[%get3A_1676] : memref<100000xf32, #tpu.memory_space<vmem>>[vector<16xi32>], vector<16xf32>,
          %swap3A_1678 = arith.constant 800 : index
          %swap3A_1679 = tpu.vector_load %arg13[%swap3A_1678] {strides = array<i32>} : memref<2000xf32, #tpu.memory_space<vmem>>, vector<16xf32>,
          tpu.vector_store %arg13[%swap3A_1678], %gather3A_1677 {strides = array<i32>} : memref<2000xf32, #tpu.memory_space<vmem>>, vector<16xf32>,
          %get3A_1680 = arith.constant 816 : index
          %get3A_1681 = tpu.vector_load %arg9[%get3A_1680] {strides = array<i32>} : memref<2000xi32, #tpu.memory_space<vmem>>, vector<16xi32>,
          %gather3A_1682 = tpu.vector_load_idx %arg6[%get3A_1681] : memref<100000xf32, #tpu.memory_space<vmem>>[vector<16xi32>], vector<16xf32>,
          %swap3A_1683 = arith.constant 816 : index
          %swap3A_1684 = tpu.vector_load %arg13[%swap3A_1683] {strides = array<i32>} : memref<2000xf32, #tpu.memory_space<vmem>>, vector<16xf32>,
          tpu.vector_store %arg13[%swap3A_1683], %gather3A_1682 {strides = array<i32>} : memref<2000xf32, #tpu.memory_space<vmem>>, vector<16xf32>,
          %get3A_1685 = arith.constant 832 : index
          %get3A_1686 = tpu.vector_load %arg9[%get3A_1685] {strides = array<i32>} : memref<2000xi32, #tpu.memory_space<vmem>>, vector<16xi32>,
          %gather3A_1687 = tpu.vector_load_idx %arg6[%get3A_1686] : memref<100000xf32, #tpu.memory_space<vmem>>[vector<16xi32>], vector<16xf32>,
          %swap3A_1688 = arith.constant 832 : index
          %swap3A_1689 = tpu.vector_load %arg13[%swap3A_1688] {strides = array<i32>} : memref<2000xf32, #tpu.memory_space<vmem>>, vector<16xf32>,
          tpu.vector_store %arg13[%swap3A_1688], %gather3A_1687 {strides = array<i32>} : memref<2000xf32, #tpu.memory_space<vmem>>, vector<16xf32>,
          %get3A_1690 = arith.constant 848 : index
          %get3A_1691 = tpu.vector_load %arg9[%get3A_1690] {strides = array<i32>} : memref<2000xi32, #tpu.memory_space<vmem>>, vector<16xi32>,
          %gather3A_1692 = tpu.vector_load_idx %arg6[%get3A_1691] : memref<100000xf32, #tpu.memory_space<vmem>>[vector<16xi32>], vector<16xf32>,
          %swap3A_1693 = arith.constant 848 : index
          %swap3A_1694 = tpu.vector_load %arg13[%swap3A_1693] {strides = array<i32>} : memref<2000xf32, #tpu.memory_space<vmem>>, vector<16xf32>,
          tpu.vector_store %arg13[%swap3A_1693], %gather3A_1692 {strides = array<i32>} : memref<2000xf32, #tpu.memory_space<vmem>>, vector<16xf32>,
          %get3A_1695 = arith.constant 864 : index
          %get3A_1696 = tpu.vector_load %arg9[%get3A_1695] {strides = array<i32>} : memref<2000xi32, #tpu.memory_space<vmem>>, vector<16xi32>,
          %gather3A_1697 = tpu.vector_load_idx %arg6[%get3A_1696] : memref<100000xf32, #tpu.memory_space<vmem>>[vector<16xi32>], vector<16xf32>,
          %swap3A_1698 = arith.constant 864 : index
          %swap3A_1699 = tpu.vector_load %arg13[%swap3A_1698] {strides = array<i32>} : memref<2000xf32, #tpu.memory_space<vmem>>, vector<16xf32>,
          tpu.vector_store %arg13[%swap3A_1698], %gather3A_1697 {strides = array<i32>} : memref<2000xf32, #tpu.memory_space<vmem>>, vector<16xf32>,
          %get3A_1700 = arith.constant 880 : index
          %get3A_1701 = tpu.vector_load %arg9[%get3A_1700] {strides = array<i32>} : memref<2000xi32, #tpu.memory_space<vmem>>, vector<16xi32>,
          %gather3A_1702 = tpu.vector_load_idx %arg6[%get3A_1701] : memref<100000xf32, #tpu.memory_space<vmem>>[vector<16xi32>], vector<16xf32>,
          %swap3A_1703 = arith.constant 880 : index
          %swap3A_1704 = tpu.vector_load %arg13[%swap3A_1703] {strides = array<i32>} : memref<2000xf32, #tpu.memory_space<vmem>>, vector<16xf32>,
          tpu.vector_store %arg13[%swap3A_1703], %gather3A_1702 {strides = array<i32>} : memref<2000xf32, #tpu.memory_space<vmem>>, vector<16xf32>,
          %get3A_1705 = arith.constant 896 : index
          %get3A_1706 = tpu.vector_load %arg9[%get3A_1705] {strides = array<i32>} : memref<2000xi32, #tpu.memory_space<vmem>>, vector<16xi32>,
          %gather3A_1707 = tpu.vector_load_idx %arg6[%get3A_1706] : memref<100000xf32, #tpu.memory_space<vmem>>[vector<16xi32>], vector<16xf32>,
          %swap3A_1708 = arith.constant 896 : index
          %swap3A_1709 = tpu.vector_load %arg13[%swap3A_1708] {strides = array<i32>} : memref<2000xf32, #tpu.memory_space<vmem>>, vector<16xf32>,
          tpu.vector_store %arg13[%swap3A_1708], %gather3A_1707 {strides = array<i32>} : memref<2000xf32, #tpu.memory_space<vmem>>, vector<16xf32>,
          %get3A_1710 = arith.constant 912 : index
          %get3A_1711 = tpu.vector_load %arg9[%get3A_1710] {strides = array<i32>} : memref<2000xi32, #tpu.memory_space<vmem>>, vector<16xi32>,
          %gather3A_1712 = tpu.vector_load_idx %arg6[%get3A_1711] : memref<100000xf32, #tpu.memory_space<vmem>>[vector<16xi32>], vector<16xf32>,
          %swap3A_1713 = arith.constant 912 : index
          %swap3A_1714 = tpu.vector_load %arg13[%swap3A_1713] {strides = array<i32>} : memref<2000xf32, #tpu.memory_space<vmem>>, vector<16xf32>,
          tpu.vector_store %arg13[%swap3A_1713], %gather3A_1712 {strides = array<i32>} : memref<2000xf32, #tpu.memory_space<vmem>>, vector<16xf32>,
          %get3A_1715 = arith.constant 928 : index
          %get3A_1716 = tpu.vector_load %arg9[%get3A_1715] {strides = array<i32>} : memref<2000xi32, #tpu.memory_space<vmem>>, vector<16xi32>,
          %gather3A_1717 = tpu.vector_load_idx %arg6[%get3A_1716] : memref<100000xf32, #tpu.memory_space<vmem>>[vector<16xi32>], vector<16xf32>,
          %swap3A_1718 = arith.constant 928 : index
          %swap3A_1719 = tpu.vector_load %arg13[%swap3A_1718] {strides = array<i32>} : memref<2000xf32, #tpu.memory_space<vmem>>, vector<16xf32>,
          tpu.vector_store %arg13[%swap3A_1718], %gather3A_1717 {strides = array<i32>} : memref<2000xf32, #tpu.memory_space<vmem>>, vector<16xf32>,
          %get3A_1720 = arith.constant 944 : index
          %get3A_1721 = tpu.vector_load %arg9[%get3A_1720] {strides = array<i32>} : memref<2000xi32, #tpu.memory_space<vmem>>, vector<16xi32>,
          %gather3A_1722 = tpu.vector_load_idx %arg6[%get3A_1721] : memref<100000xf32, #tpu.memory_space<vmem>>[vector<16xi32>], vector<16xf32>,
          %swap3A_1723 = arith.constant 944 : index
          %swap3A_1724 = tpu.vector_load %arg13[%swap3A_1723] {strides = array<i32>} : memref<2000xf32, #tpu.memory_space<vmem>>, vector<16xf32>,
          tpu.vector_store %arg13[%swap3A_1723], %gather3A_1722 {strides = array<i32>} : memref<2000xf32, #tpu.memory_space<vmem>>, vector<16xf32>,
          %get3A_1725 = arith.constant 960 : index
          %get3A_1726 = tpu.vector_load %arg9[%get3A_1725] {strides = array<i32>} : memref<2000xi32, #tpu.memory_space<vmem>>, vector<16xi32>,
          %gather3A_1727 = tpu.vector_load_idx %arg6[%get3A_1726] : memref<100000xf32, #tpu.memory_space<vmem>>[vector<16xi32>], vector<16xf32>,
          %swap3A_1728 = arith.constant 960 : index
          %swap3A_1729 = tpu.vector_load %arg13[%swap3A_1728] {strides = array<i32>} : memref<2000xf32, #tpu.memory_space<vmem>>, vector<16xf32>,
          tpu.vector_store %arg13[%swap3A_1728], %gather3A_1727 {strides = array<i32>} : memref<2000xf32, #tpu.memory_space<vmem>>, vector<16xf32>,
          %get3A_1730 = arith.constant 976 : index
          %get3A_1731 = tpu.vector_load %arg9[%get3A_1730] {strides = array<i32>} : memref<2000xi32, #tpu.memory_space<vmem>>, vector<16xi32>,
          %gather3A_1732 = tpu.vector_load_idx %arg6[%get3A_1731] : memref<100000xf32, #tpu.memory_space<vmem>>[vector<16xi32>], vector<16xf32>,
          %swap3A_1733 = arith.constant 976 : index
          %swap3A_1734 = tpu.vector_load %arg13[%swap3A_1733] {strides = array<i32>} : memref<2000xf32, #tpu.memory_space<vmem>>, vector<16xf32>,
          tpu.vector_store %arg13[%swap3A_1733], %gather3A_1732 {strides = array<i32>} : memref<2000xf32, #tpu.memory_space<vmem>>, vector<16xf32>,
          %get3A_1735 = arith.constant 992 : index
          %get3A_1736 = tpu.vector_load %arg9[%get3A_1735] {strides = array<i32>} : memref<2000xi32, #tpu.memory_space<vmem>>, vector<16xi32>,
          %gather3A_1737 = tpu.vector_load_idx %arg6[%get3A_1736] : memref<100000xf32, #tpu.memory_space<vmem>>[vector<16xi32>], vector<16xf32>,
          %swap3A_1738 = arith.constant 992 : index
          %swap3A_1739 = tpu.vector_load %arg13[%swap3A_1738] {strides = array<i32>} : memref<2000xf32, #tpu.memory_space<vmem>>, vector<16xf32>,
          tpu.vector_store %arg13[%swap3A_1738], %gather3A_1737 {strides = array<i32>} : memref<2000xf32, #tpu.memory_space<vmem>>, vector<16xf32>,
          %get3A_1740 = arith.constant 1008 : index
          %get3A_1741 = tpu.vector_load %arg9[%get3A_1740] {strides = array<i32>} : memref<2000xi32, #tpu.memory_space<vmem>>, vector<16xi32>,
          %gather3A_1742 = tpu.vector_load_idx %arg6[%get3A_1741] : memref<100000xf32, #tpu.memory_space<vmem>>[vector<16xi32>], vector<16xf32>,
          %swap3A_1743 = arith.constant 1008 : index
          %swap3A_1744 = tpu.vector_load %arg13[%swap3A_1743] {strides = array<i32>} : memref<2000xf32, #tpu.memory_space<vmem>>, vector<16xf32>,
          tpu.vector_store %arg13[%swap3A_1743], %gather3A_1742 {strides = array<i32>} : memref<2000xf32, #tpu.memory_space<vmem>>, vector<16xf32>,
          %get3A_1745 = arith.constant 1024 : index
          %get3A_1746 = tpu.vector_load %arg9[%get3A_1745] {strides = array<i32>} : memref<2000xi32, #tpu.memory_space<vmem>>, vector<16xi32>,
          %gather3A_1747 = tpu.vector_load_idx %arg6[%get3A_1746] : memref<100000xf32, #tpu.memory_space<vmem>>[vector<16xi32>], vector<16xf32>,
          %swap3A_1748 = arith.constant 1024 : index
          %swap3A_1749 = tpu.vector_load %arg13[%swap3A_1748] {strides = array<i32>} : memref<2000xf32, #tpu.memory_space<vmem>>, vector<16xf32>,
          tpu.vector_store %arg13[%swap3A_1748], %gather3A_1747 {strides = array<i32>} : memref<2000xf32, #tpu.memory_space<vmem>>, vector<16xf32>,
          %get3A_1750 = arith.constant 1040 : index
          %get3A_1751 = tpu.vector_load %arg9[%get3A_1750] {strides = array<i32>} : memref<2000xi32, #tpu.memory_space<vmem>>, vector<16xi32>,
          %gather3A_1752 = tpu.vector_load_idx %arg6[%get3A_1751] : memref<100000xf32, #tpu.memory_space<vmem>>[vector<16xi32>], vector<16xf32>,
          %swap3A_1753 = arith.constant 1040 : index
          %swap3A_1754 = tpu.vector_load %arg13[%swap3A_1753] {strides = array<i32>} : memref<2000xf32, #tpu.memory_space<vmem>>, vector<16xf32>,
          tpu.vector_store %arg13[%swap3A_1753], %gather3A_1752 {strides = array<i32>} : memref<2000xf32, #tpu.memory_space<vmem>>, vector<16xf32>,
          %get3A_1755 = arith.constant 1056 : index
          %get3A_1756 = tpu.vector_load %arg9[%get3A_1755] {strides = array<i32>} : memref<2000xi32, #tpu.memory_space<vmem>>, vector<16xi32>,
          %gather3A_1757 = tpu.vector_load_idx %arg6[%get3A_1756] : memref<100000xf32, #tpu.memory_space<vmem>>[vector<16xi32>], vector<16xf32>,
          %swap3A_1758 = arith.constant 1056 : index
          %swap3A_1759 = tpu.vector_load %arg13[%swap3A_1758] {strides = array<i32>} : memref<2000xf32, #tpu.memory_space<vmem>>, vector<16xf32>,
          tpu.vector_store %arg13[%swap3A_1758], %gather3A_1757 {strides = array<i32>} : memref<2000xf32, #tpu.memory_space<vmem>>, vector<16xf32>,
          %get3A_1760 = arith.constant 1072 : index
          %get3A_1761 = tpu.vector_load %arg9[%get3A_1760] {strides = array<i32>} : memref<2000xi32, #tpu.memory_space<vmem>>, vector<16xi32>,
          %gather3A_1762 = tpu.vector_load_idx %arg6[%get3A_1761] : memref<100000xf32, #tpu.memory_space<vmem>>[vector<16xi32>], vector<16xf32>,
          %swap3A_1763 = arith.constant 1072 : index
          %swap3A_1764 = tpu.vector_load %arg13[%swap3A_1763] {strides = array<i32>} : memref<2000xf32, #tpu.memory_space<vmem>>, vector<16xf32>,
          tpu.vector_store %arg13[%swap3A_1763], %gather3A_1762 {strides = array<i32>} : memref<2000xf32, #tpu.memory_space<vmem>>, vector<16xf32>,
          %get3A_1765 = arith.constant 1088 : index
          %get3A_1766 = tpu.vector_load %arg9[%get3A_1765] {strides = array<i32>} : memref<2000xi32, #tpu.memory_space<vmem>>, vector<16xi32>,
          %gather3A_1767 = tpu.vector_load_idx %arg6[%get3A_1766] : memref<100000xf32, #tpu.memory_space<vmem>>[vector<16xi32>], vector<16xf32>,
          %swap3A_1768 = arith.constant 1088 : index
          %swap3A_1769 = tpu.vector_load %arg13[%swap3A_1768] {strides = array<i32>} : memref<2000xf32, #tpu.memory_space<vmem>>, vector<16xf32>,
          tpu.vector_store %arg13[%swap3A_1768], %gather3A_1767 {strides = array<i32>} : memref<2000xf32, #tpu.memory_space<vmem>>, vector<16xf32>,
          %get3A_1770 = arith.constant 1104 : index
          %get3A_1771 = tpu.vector_load %arg9[%get3A_1770] {strides = array<i32>} : memref<2000xi32, #tpu.memory_space<vmem>>, vector<16xi32>,
          %gather3A_1772 = tpu.vector_load_idx %arg6[%get3A_1771] : memref<100000xf32, #tpu.memory_space<vmem>>[vector<16xi32>], vector<16xf32>,
          %swap3A_1773 = arith.constant 1104 : index
          %swap3A_1774 = tpu.vector_load %arg13[%swap3A_1773] {strides = array<i32>} : memref<2000xf32, #tpu.memory_space<vmem>>, vector<16xf32>,
          tpu.vector_store %arg13[%swap3A_1773], %gather3A_1772 {strides = array<i32>} : memref<2000xf32, #tpu.memory_space<vmem>>, vector<16xf32>,
          %get3A_1775 = arith.constant 1120 : index
          %get3A_1776 = tpu.vector_load %arg9[%get3A_1775] {strides = array<i32>} : memref<2000xi32, #tpu.memory_space<vmem>>, vector<16xi32>,
          %gather3A_1777 = tpu.vector_load_idx %arg6[%get3A_1776] : memref<100000xf32, #tpu.memory_space<vmem>>[vector<16xi32>], vector<16xf32>,
          %swap3A_1778 = arith.constant 1120 : index
          %swap3A_1779 = tpu.vector_load %arg13[%swap3A_1778] {strides = array<i32>} : memref<2000xf32, #tpu.memory_space<vmem>>, vector<16xf32>,
          tpu.vector_store %arg13[%swap3A_1778], %gather3A_1777 {strides = array<i32>} : memref<2000xf32, #tpu.memory_space<vmem>>, vector<16xf32>,
          %get3A_1780 = arith.constant 1136 : index
          %get3A_1781 = tpu.vector_load %arg9[%get3A_1780] {strides = array<i32>} : memref<2000xi32, #tpu.memory_space<vmem>>, vector<16xi32>,
          %gather3A_1782 = tpu.vector_load_idx %arg6[%get3A_1781] : memref<100000xf32, #tpu.memory_space<vmem>>[vector<16xi32>], vector<16xf32>,
          %swap3A_1783 = arith.constant 1136 : index
          %swap3A_1784 = tpu.vector_load %arg13[%swap3A_1783] {strides = array<i32>} : memref<2000xf32, #tpu.memory_space<vmem>>, vector<16xf32>,
          tpu.vector_store %arg13[%swap3A_1783], %gather3A_1782 {strides = array<i32>} : memref<2000xf32, #tpu.memory_space<vmem>>, vector<16xf32>,
          %get3A_1785 = arith.constant 1152 : index
          %get3A_1786 = tpu.vector_load %arg9[%get3A_1785] {strides = array<i32>} : memref<2000xi32, #tpu.memory_space<vmem>>, vector<16xi32>,
          %gather3A_1787 = tpu.vector_load_idx %arg6[%get3A_1786] : memref<100000xf32, #tpu.memory_space<vmem>>[vector<16xi32>], vector<16xf32>,
          %swap3A_1788 = arith.constant 1152 : index
          %swap3A_1789 = tpu.vector_load %arg13[%swap3A_1788] {strides = array<i32>} : memref<2000xf32, #tpu.memory_space<vmem>>, vector<16xf32>,
          tpu.vector_store %arg13[%swap3A_1788], %gather3A_1787 {strides = array<i32>} : memref<2000xf32, #tpu.memory_space<vmem>>, vector<16xf32>,
          %get3A_1790 = arith.constant 1168 : index
          %get3A_1791 = tpu.vector_load %arg9[%get3A_1790] {strides = array<i32>} : memref<2000xi32, #tpu.memory_space<vmem>>, vector<16xi32>,
          %gather3A_1792 = tpu.vector_load_idx %arg6[%get3A_1791] : memref<100000xf32, #tpu.memory_space<vmem>>[vector<16xi32>], vector<16xf32>,
          %swap3A_1793 = arith.constant 1168 : index
          %swap3A_1794 = tpu.vector_load %arg13[%swap3A_1793] {strides = array<i32>} : memref<2000xf32, #tpu.memory_space<vmem>>, vector<16xf32>,
          tpu.vector_store %arg13[%swap3A_1793], %gather3A_1792 {strides = array<i32>} : memref<2000xf32, #tpu.memory_space<vmem>>, vector<16xf32>,
          %get3A_1795 = arith.constant 1184 : index
          %get3A_1796 = tpu.vector_load %arg9[%get3A_1795] {strides = array<i32>} : memref<2000xi32, #tpu.memory_space<vmem>>, vector<16xi32>,
          %gather3A_1797 = tpu.vector_load_idx %arg6[%get3A_1796] : memref<100000xf32, #tpu.memory_space<vmem>>[vector<16xi32>], vector<16xf32>,
          %swap3A_1798 = arith.constant 1184 : index
          %swap3A_1799 = tpu.vector_load %arg13[%swap3A_1798] {strides = array<i32>} : memref<2000xf32, #tpu.memory_space<vmem>>, vector<16xf32>,
          tpu.vector_store %arg13[%swap3A_1798], %gather3A_1797 {strides = array<i32>} : memref<2000xf32, #tpu.memory_space<vmem>>, vector<16xf32>,
          %get3A_1800 = arith.constant 1200 : index
          %get3A_1801 = tpu.vector_load %arg9[%get3A_1800] {strides = array<i32>} : memref<2000xi32, #tpu.memory_space<vmem>>, vector<16xi32>,
          %gather3A_1802 = tpu.vector_load_idx %arg6[%get3A_1801] : memref<100000xf32, #tpu.memory_space<vmem>>[vector<16xi32>], vector<16xf32>,
          %swap3A_1803 = arith.constant 1200 : index
          %swap3A_1804 = tpu.vector_load %arg13[%swap3A_1803] {strides = array<i32>} : memref<2000xf32, #tpu.memory_space<vmem>>, vector<16xf32>,
          tpu.vector_store %arg13[%swap3A_1803], %gather3A_1802 {strides = array<i32>} : memref<2000xf32, #tpu.memory_space<vmem>>, vector<16xf32>,
          %get3A_1805 = arith.constant 1216 : index
          %get3A_1806 = tpu.vector_load %arg9[%get3A_1805] {strides = array<i32>} : memref<2000xi32, #tpu.memory_space<vmem>>, vector<16xi32>,
          %gather3A_1807 = tpu.vector_load_idx %arg6[%get3A_1806] : memref<100000xf32, #tpu.memory_space<vmem>>[vector<16xi32>], vector<16xf32>,
          %swap3A_1808 = arith.constant 1216 : index
          %swap3A_1809 = tpu.vector_load %arg13[%swap3A_1808] {strides = array<i32>} : memref<2000xf32, #tpu.memory_space<vmem>>, vector<16xf32>,
          tpu.vector_store %arg13[%swap3A_1808], %gather3A_1807 {strides = array<i32>} : memref<2000xf32, #tpu.memory_space<vmem>>, vector<16xf32>,
          %get3A_1810 = arith.constant 1232 : index
          %get3A_1811 = tpu.vector_load %arg9[%get3A_1810] {strides = array<i32>} : memref<2000xi32, #tpu.memory_space<vmem>>, vector<16xi32>,
          %gather3A_1812 = tpu.vector_load_idx %arg6[%get3A_1811] : memref<100000xf32, #tpu.memory_space<vmem>>[vector<16xi32>], vector<16xf32>,
          %swap3A_1813 = arith.constant 1232 : index
          %swap3A_1814 = tpu.vector_load %arg13[%swap3A_1813] {strides = array<i32>} : memref<2000xf32, #tpu.memory_space<vmem>>, vector<16xf32>,
          tpu.vector_store %arg13[%swap3A_1813], %gather3A_1812 {strides = array<i32>} : memref<2000xf32, #tpu.memory_space<vmem>>, vector<16xf32>,
          %get3A_1815 = arith.constant 1248 : index
          %get3A_1816 = tpu.vector_load %arg9[%get3A_1815] {strides = array<i32>} : memref<2000xi32, #tpu.memory_space<vmem>>, vector<16xi32>,
          %gather3A_1817 = tpu.vector_load_idx %arg6[%get3A_1816] : memref<100000xf32, #tpu.memory_space<vmem>>[vector<16xi32>], vector<16xf32>,
          %swap3A_1818 = arith.constant 1248 : index
          %swap3A_1819 = tpu.vector_load %arg13[%swap3A_1818] {strides = array<i32>} : memref<2000xf32, #tpu.memory_space<vmem>>, vector<16xf32>,
          tpu.vector_store %arg13[%swap3A_1818], %gather3A_1817 {strides = array<i32>} : memref<2000xf32, #tpu.memory_space<vmem>>, vector<16xf32>,
          %get3A_1820 = arith.constant 1264 : index
          %get3A_1821 = tpu.vector_load %arg9[%get3A_1820] {strides = array<i32>} : memref<2000xi32, #tpu.memory_space<vmem>>, vector<16xi32>,
          %gather3A_1822 = tpu.vector_load_idx %arg6[%get3A_1821] : memref<100000xf32, #tpu.memory_space<vmem>>[vector<16xi32>], vector<16xf32>,
          %swap3A_1823 = arith.constant 1264 : index
          %swap3A_1824 = tpu.vector_load %arg13[%swap3A_1823] {strides = array<i32>} : memref<2000xf32, #tpu.memory_space<vmem>>, vector<16xf32>,
          tpu.vector_store %arg13[%swap3A_1823], %gather3A_1822 {strides = array<i32>} : memref<2000xf32, #tpu.memory_space<vmem>>, vector<16xf32>,
          %get3A_1825 = arith.constant 1280 : index
          %get3A_1826 = tpu.vector_load %arg9[%get3A_1825] {strides = array<i32>} : memref<2000xi32, #tpu.memory_space<vmem>>, vector<16xi32>,
          %gather3A_1827 = tpu.vector_load_idx %arg6[%get3A_1826] : memref<100000xf32, #tpu.memory_space<vmem>>[vector<16xi32>], vector<16xf32>,
          %swap3A_1828 = arith.constant 1280 : index
          %swap3A_1829 = tpu.vector_load %arg13[%swap3A_1828] {strides = array<i32>} : memref<2000xf32, #tpu.memory_space<vmem>>, vector<16xf32>,
          tpu.vector_store %arg13[%swap3A_1828], %gather3A_1827 {strides = array<i32>} : memref<2000xf32, #tpu.memory_space<vmem>>, vector<16xf32>,
          %get3A_1830 = arith.constant 1296 : index
          %get3A_1831 = tpu.vector_load %arg9[%get3A_1830] {strides = array<i32>} : memref<2000xi32, #tpu.memory_space<vmem>>, vector<16xi32>,
          %gather3A_1832 = tpu.vector_load_idx %arg6[%get3A_1831] : memref<100000xf32, #tpu.memory_space<vmem>>[vector<16xi32>], vector<16xf32>,
          %swap3A_1833 = arith.constant 1296 : index
          %swap3A_1834 = tpu.vector_load %arg13[%swap3A_1833] {strides = array<i32>} : memref<2000xf32, #tpu.memory_space<vmem>>, vector<16xf32>,
          tpu.vector_store %arg13[%swap3A_1833], %gather3A_1832 {strides = array<i32>} : memref<2000xf32, #tpu.memory_space<vmem>>, vector<16xf32>,
          %get3A_1835 = arith.constant 1312 : index
          %get3A_1836 = tpu.vector_load %arg9[%get3A_1835] {strides = array<i32>} : memref<2000xi32, #tpu.memory_space<vmem>>, vector<16xi32>,
          %gather3A_1837 = tpu.vector_load_idx %arg6[%get3A_1836] : memref<100000xf32, #tpu.memory_space<vmem>>[vector<16xi32>], vector<16xf32>,
          %swap3A_1838 = arith.constant 1312 : index
          %swap3A_1839 = tpu.vector_load %arg13[%swap3A_1838] {strides = array<i32>} : memref<2000xf32, #tpu.memory_space<vmem>>, vector<16xf32>,
          tpu.vector_store %arg13[%swap3A_1838], %gather3A_1837 {strides = array<i32>} : memref<2000xf32, #tpu.memory_space<vmem>>, vector<16xf32>,
          %get3A_1840 = arith.constant 1328 : index
          %get3A_1841 = tpu.vector_load %arg9[%get3A_1840] {strides = array<i32>} : memref<2000xi32, #tpu.memory_space<vmem>>, vector<16xi32>,
          %gather3A_1842 = tpu.vector_load_idx %arg6[%get3A_1841] : memref<100000xf32, #tpu.memory_space<vmem>>[vector<16xi32>], vector<16xf32>,
          %swap3A_1843 = arith.constant 1328 : index
          %swap3A_1844 = tpu.vector_load %arg13[%swap3A_1843] {strides = array<i32>} : memref<2000xf32, #tpu.memory_space<vmem>>, vector<16xf32>,
          tpu.vector_store %arg13[%swap3A_1843], %gather3A_1842 {strides = array<i32>} : memref<2000xf32, #tpu.memory_space<vmem>>, vector<16xf32>,
          %get3A_1845 = arith.constant 1344 : index
          %get3A_1846 = tpu.vector_load %arg9[%get3A_1845] {strides = array<i32>} : memref<2000xi32, #tpu.memory_space<vmem>>, vector<16xi32>,
          %gather3A_1847 = tpu.vector_load_idx %arg6[%get3A_1846] : memref<100000xf32, #tpu.memory_space<vmem>>[vector<16xi32>], vector<16xf32>,
          %swap3A_1848 = arith.constant 1344 : index
          %swap3A_1849 = tpu.vector_load %arg13[%swap3A_1848] {strides = array<i32>} : memref<2000xf32, #tpu.memory_space<vmem>>, vector<16xf32>,
          tpu.vector_store %arg13[%swap3A_1848], %gather3A_1847 {strides = array<i32>} : memref<2000xf32, #tpu.memory_space<vmem>>, vector<16xf32>,
          %get3A_1850 = arith.constant 1360 : index
          %get3A_1851 = tpu.vector_load %arg9[%get3A_1850] {strides = array<i32>} : memref<2000xi32, #tpu.memory_space<vmem>>, vector<16xi32>,
          %gather3A_1852 = tpu.vector_load_idx %arg6[%get3A_1851] : memref<100000xf32, #tpu.memory_space<vmem>>[vector<16xi32>], vector<16xf32>,
          %swap3A_1853 = arith.constant 1360 : index
          %swap3A_1854 = tpu.vector_load %arg13[%swap3A_1853] {strides = array<i32>} : memref<2000xf32, #tpu.memory_space<vmem>>, vector<16xf32>,
          tpu.vector_store %arg13[%swap3A_1853], %gather3A_1852 {strides = array<i32>} : memref<2000xf32, #tpu.memory_space<vmem>>, vector<16xf32>,
          %get3A_1855 = arith.constant 1376 : index
          %get3A_1856 = tpu.vector_load %arg9[%get3A_1855] {strides = array<i32>} : memref<2000xi32, #tpu.memory_space<vmem>>, vector<16xi32>,
          %gather3A_1857 = tpu.vector_load_idx %arg6[%get3A_1856] : memref<100000xf32, #tpu.memory_space<vmem>>[vector<16xi32>], vector<16xf32>,
          %swap3A_1858 = arith.constant 1376 : index
          %swap3A_1859 = tpu.vector_load %arg13[%swap3A_1858] {strides = array<i32>} : memref<2000xf32, #tpu.memory_space<vmem>>, vector<16xf32>,
          tpu.vector_store %arg13[%swap3A_1858], %gather3A_1857 {strides = array<i32>} : memref<2000xf32, #tpu.memory_space<vmem>>, vector<16xf32>,
          %get3A_1860 = arith.constant 1392 : index
          %get3A_1861 = tpu.vector_load %arg9[%get3A_1860] {strides = array<i32>} : memref<2000xi32, #tpu.memory_space<vmem>>, vector<16xi32>,
          %gather3A_1862 = tpu.vector_load_idx %arg6[%get3A_1861] : memref<100000xf32, #tpu.memory_space<vmem>>[vector<16xi32>], vector<16xf32>,
          %swap3A_1863 = arith.constant 1392 : index
          %swap3A_1864 = tpu.vector_load %arg13[%swap3A_1863] {strides = array<i32>} : memref<2000xf32, #tpu.memory_space<vmem>>, vector<16xf32>,
          tpu.vector_store %arg13[%swap3A_1863], %gather3A_1862 {strides = array<i32>} : memref<2000xf32, #tpu.memory_space<vmem>>, vector<16xf32>,
          %get3A_1865 = arith.constant 1408 : index
          %get3A_1866 = tpu.vector_load %arg9[%get3A_1865] {strides = array<i32>} : memref<2000xi32, #tpu.memory_space<vmem>>, vector<16xi32>,
          %gather3A_1867 = tpu.vector_load_idx %arg6[%get3A_1866] : memref<100000xf32, #tpu.memory_space<vmem>>[vector<16xi32>], vector<16xf32>,
          %swap3A_1868 = arith.constant 1408 : index
          %swap3A_1869 = tpu.vector_load %arg13[%swap3A_1868] {strides = array<i32>} : memref<2000xf32, #tpu.memory_space<vmem>>, vector<16xf32>,
          tpu.vector_store %arg13[%swap3A_1868], %gather3A_1867 {strides = array<i32>} : memref<2000xf32, #tpu.memory_space<vmem>>, vector<16xf32>,
          %get3A_1870 = arith.constant 1424 : index
          %get3A_1871 = tpu.vector_load %arg9[%get3A_1870] {strides = array<i32>} : memref<2000xi32, #tpu.memory_space<vmem>>, vector<16xi32>,
          %gather3A_1872 = tpu.vector_load_idx %arg6[%get3A_1871] : memref<100000xf32, #tpu.memory_space<vmem>>[vector<16xi32>], vector<16xf32>,
          %swap3A_1873 = arith.constant 1424 : index
          %swap3A_1874 = tpu.vector_load %arg13[%swap3A_1873] {strides = array<i32>} : memref<2000xf32, #tpu.memory_space<vmem>>, vector<16xf32>,
          tpu.vector_store %arg13[%swap3A_1873], %gather3A_1872 {strides = array<i32>} : memref<2000xf32, #tpu.memory_space<vmem>>, vector<16xf32>,
          %get3A_1875 = arith.constant 1440 : index
          %get3A_1876 = tpu.vector_load %arg9[%get3A_1875] {strides = array<i32>} : memref<2000xi32, #tpu.memory_space<vmem>>, vector<16xi32>,
          %gather3A_1877 = tpu.vector_load_idx %arg6[%get3A_1876] : memref<100000xf32, #tpu.memory_space<vmem>>[vector<16xi32>], vector<16xf32>,
          %swap3A_1878 = arith.constant 1440 : index
          %swap3A_1879 = tpu.vector_load %arg13[%swap3A_1878] {strides = array<i32>} : memref<2000xf32, #tpu.memory_space<vmem>>, vector<16xf32>,
          tpu.vector_store %arg13[%swap3A_1878], %gather3A_1877 {strides = array<i32>} : memref<2000xf32, #tpu.memory_space<vmem>>, vector<16xf32>,
          %get3A_1880 = arith.constant 1456 : index
          %get3A_1881 = tpu.vector_load %arg9[%get3A_1880] {strides = array<i32>} : memref<2000xi32, #tpu.memory_space<vmem>>, vector<16xi32>,
          %gather3A_1882 = tpu.vector_load_idx %arg6[%get3A_1881] : memref<100000xf32, #tpu.memory_space<vmem>>[vector<16xi32>], vector<16xf32>,
          %swap3A_1883 = arith.constant 1456 : index
          %swap3A_1884 = tpu.vector_load %arg13[%swap3A_1883] {strides = array<i32>} : memref<2000xf32, #tpu.memory_space<vmem>>, vector<16xf32>,
          tpu.vector_store %arg13[%swap3A_1883], %gather3A_1882 {strides = array<i32>} : memref<2000xf32, #tpu.memory_space<vmem>>, vector<16xf32>,
          %get3A_1885 = arith.constant 1472 : index
          %get3A_1886 = tpu.vector_load %arg9[%get3A_1885] {strides = array<i32>} : memref<2000xi32, #tpu.memory_space<vmem>>, vector<16xi32>,
          %gather3A_1887 = tpu.vector_load_idx %arg6[%get3A_1886] : memref<100000xf32, #tpu.memory_space<vmem>>[vector<16xi32>], vector<16xf32>,
          %swap3A_1888 = arith.constant 1472 : index
          %swap3A_1889 = tpu.vector_load %arg13[%swap3A_1888] {strides = array<i32>} : memref<2000xf32, #tpu.memory_space<vmem>>, vector<16xf32>,
          tpu.vector_store %arg13[%swap3A_1888], %gather3A_1887 {strides = array<i32>} : memref<2000xf32, #tpu.memory_space<vmem>>, vector<16xf32>,
          %get3A_1890 = arith.constant 1488 : index
          %get3A_1891 = tpu.vector_load %arg9[%get3A_1890] {strides = array<i32>} : memref<2000xi32, #tpu.memory_space<vmem>>, vector<16xi32>,
          %gather3A_1892 = tpu.vector_load_idx %arg6[%get3A_1891] : memref<100000xf32, #tpu.memory_space<vmem>>[vector<16xi32>], vector<16xf32>,
          %swap3A_1893 = arith.constant 1488 : index
          %swap3A_1894 = tpu.vector_load %arg13[%swap3A_1893] {strides = array<i32>} : memref<2000xf32, #tpu.memory_space<vmem>>, vector<16xf32>,
          tpu.vector_store %arg13[%swap3A_1893], %gather3A_1892 {strides = array<i32>} : memref<2000xf32, #tpu.memory_space<vmem>>, vector<16xf32>,
          %get3A_1895 = arith.constant 1504 : index
          %get3A_1896 = tpu.vector_load %arg9[%get3A_1895] {strides = array<i32>} : memref<2000xi32, #tpu.memory_space<vmem>>, vector<16xi32>,
          %gather3A_1897 = tpu.vector_load_idx %arg6[%get3A_1896] : memref<100000xf32, #tpu.memory_space<vmem>>[vector<16xi32>], vector<16xf32>,
          %swap3A_1898 = arith.constant 1504 : index
          %swap3A_1899 = tpu.vector_load %arg13[%swap3A_1898] {strides = array<i32>} : memref<2000xf32, #tpu.memory_space<vmem>>, vector<16xf32>,
          tpu.vector_store %arg13[%swap3A_1898], %gather3A_1897 {strides = array<i32>} : memref<2000xf32, #tpu.memory_space<vmem>>, vector<16xf32>,
          %get3A_1900 = arith.constant 1520 : index
          %get3A_1901 = tpu.vector_load %arg9[%get3A_1900] {strides = array<i32>} : memref<2000xi32, #tpu.memory_space<vmem>>, vector<16xi32>,
          %gather3A_1902 = tpu.vector_load_idx %arg6[%get3A_1901] : memref<100000xf32, #tpu.memory_space<vmem>>[vector<16xi32>], vector<16xf32>,
          %swap3A_1903 = arith.constant 1520 : index
          %swap3A_1904 = tpu.vector_load %arg13[%swap3A_1903] {strides = array<i32>} : memref<2000xf32, #tpu.memory_space<vmem>>, vector<16xf32>,
          tpu.vector_store %arg13[%swap3A_1903], %gather3A_1902 {strides = array<i32>} : memref<2000xf32, #tpu.memory_space<vmem>>, vector<16xf32>,
          %get3A_1905 = arith.constant 1536 : index
          %get3A_1906 = tpu.vector_load %arg9[%get3A_1905] {strides = array<i32>} : memref<2000xi32, #tpu.memory_space<vmem>>, vector<16xi32>,
          %gather3A_1907 = tpu.vector_load_idx %arg6[%get3A_1906] : memref<100000xf32, #tpu.memory_space<vmem>>[vector<16xi32>], vector<16xf32>,
          %swap3A_1908 = arith.constant 1536 : index
          %swap3A_1909 = tpu.vector_load %arg13[%swap3A_1908] {strides = array<i32>} : memref<2000xf32, #tpu.memory_space<vmem>>, vector<16xf32>,
          tpu.vector_store %arg13[%swap3A_1908], %gather3A_1907 {strides = array<i32>} : memref<2000xf32, #tpu.memory_space<vmem>>, vector<16xf32>,
          %get3A_1910 = arith.constant 1552 : index
          %get3A_1911 = tpu.vector_load %arg9[%get3A_1910] {strides = array<i32>} : memref<2000xi32, #tpu.memory_space<vmem>>, vector<16xi32>,
          %gather3A_1912 = tpu.vector_load_idx %arg6[%get3A_1911] : memref<100000xf32, #tpu.memory_space<vmem>>[vector<16xi32>], vector<16xf32>,
          %swap3A_1913 = arith.constant 1552 : index
          %swap3A_1914 = tpu.vector_load %arg13[%swap3A_1913] {strides = array<i32>} : memref<2000xf32, #tpu.memory_space<vmem>>, vector<16xf32>,
          tpu.vector_store %arg13[%swap3A_1913], %gather3A_1912 {strides = array<i32>} : memref<2000xf32, #tpu.memory_space<vmem>>, vector<16xf32>,
          %get3A_1915 = arith.constant 1568 : index
          %get3A_1916 = tpu.vector_load %arg9[%get3A_1915] {strides = array<i32>} : memref<2000xi32, #tpu.memory_space<vmem>>, vector<16xi32>,
          %gather3A_1917 = tpu.vector_load_idx %arg6[%get3A_1916] : memref<100000xf32, #tpu.memory_space<vmem>>[vector<16xi32>], vector<16xf32>,
          %swap3A_1918 = arith.constant 1568 : index
          %swap3A_1919 = tpu.vector_load %arg13[%swap3A_1918] {strides = array<i32>} : memref<2000xf32, #tpu.memory_space<vmem>>, vector<16xf32>,
          tpu.vector_store %arg13[%swap3A_1918], %gather3A_1917 {strides = array<i32>} : memref<2000xf32, #tpu.memory_space<vmem>>, vector<16xf32>,
          %get3A_1920 = arith.constant 1584 : index
          %get3A_1921 = tpu.vector_load %arg9[%get3A_1920] {strides = array<i32>} : memref<2000xi32, #tpu.memory_space<vmem>>, vector<16xi32>,
          %gather3A_1922 = tpu.vector_load_idx %arg6[%get3A_1921] : memref<100000xf32, #tpu.memory_space<vmem>>[vector<16xi32>], vector<16xf32>,
          %swap3A_1923 = arith.constant 1584 : index
          %swap3A_1924 = tpu.vector_load %arg13[%swap3A_1923] {strides = array<i32>} : memref<2000xf32, #tpu.memory_space<vmem>>, vector<16xf32>,
          tpu.vector_store %arg13[%swap3A_1923], %gather3A_1922 {strides = array<i32>} : memref<2000xf32, #tpu.memory_space<vmem>>, vector<16xf32>,
          %get3A_1925 = arith.constant 1600 : index
          %get3A_1926 = tpu.vector_load %arg9[%get3A_1925] {strides = array<i32>} : memref<2000xi32, #tpu.memory_space<vmem>>, vector<16xi32>,
          %gather3A_1927 = tpu.vector_load_idx %arg6[%get3A_1926] : memref<100000xf32, #tpu.memory_space<vmem>>[vector<16xi32>], vector<16xf32>,
          %swap3A_1928 = arith.constant 1600 : index
          %swap3A_1929 = tpu.vector_load %arg13[%swap3A_1928] {strides = array<i32>} : memref<2000xf32, #tpu.memory_space<vmem>>, vector<16xf32>,
          tpu.vector_store %arg13[%swap3A_1928], %gather3A_1927 {strides = array<i32>} : memref<2000xf32, #tpu.memory_space<vmem>>, vector<16xf32>,
          %get3A_1930 = arith.constant 1616 : index
          %get3A_1931 = tpu.vector_load %arg9[%get3A_1930] {strides = array<i32>} : memref<2000xi32, #tpu.memory_space<vmem>>, vector<16xi32>,
          %gather3A_1932 = tpu.vector_load_idx %arg6[%get3A_1931] : memref<100000xf32, #tpu.memory_space<vmem>>[vector<16xi32>], vector<16xf32>,
          %swap3A_1933 = arith.constant 1616 : index
          %swap3A_1934 = tpu.vector_load %arg13[%swap3A_1933] {strides = array<i32>} : memref<2000xf32, #tpu.memory_space<vmem>>, vector<16xf32>,
          tpu.vector_store %arg13[%swap3A_1933], %gather3A_1932 {strides = array<i32>} : memref<2000xf32, #tpu.memory_space<vmem>>, vector<16xf32>,
          %get3A_1935 = arith.constant 1632 : index
          %get3A_1936 = tpu.vector_load %arg9[%get3A_1935] {strides = array<i32>} : memref<2000xi32, #tpu.memory_space<vmem>>, vector<16xi32>,
          %gather3A_1937 = tpu.vector_load_idx %arg6[%get3A_1936] : memref<100000xf32, #tpu.memory_space<vmem>>[vector<16xi32>], vector<16xf32>,
          %swap3A_1938 = arith.constant 1632 : index
          %swap3A_1939 = tpu.vector_load %arg13[%swap3A_1938] {strides = array<i32>} : memref<2000xf32, #tpu.memory_space<vmem>>, vector<16xf32>,
          tpu.vector_store %arg13[%swap3A_1938], %gather3A_1937 {strides = array<i32>} : memref<2000xf32, #tpu.memory_space<vmem>>, vector<16xf32>,
          %get3A_1940 = arith.constant 1648 : index
          %get3A_1941 = tpu.vector_load %arg9[%get3A_1940] {strides = array<i32>} : memref<2000xi32, #tpu.memory_space<vmem>>, vector<16xi32>,
          %gather3A_1942 = tpu.vector_load_idx %arg6[%get3A_1941] : memref<100000xf32, #tpu.memory_space<vmem>>[vector<16xi32>], vector<16xf32>,
          %swap3A_1943 = arith.constant 1648 : index
          %swap3A_1944 = tpu.vector_load %arg13[%swap3A_1943] {strides = array<i32>} : memref<2000xf32, #tpu.memory_space<vmem>>, vector<16xf32>,
          tpu.vector_store %arg13[%swap3A_1943], %gather3A_1942 {strides = array<i32>} : memref<2000xf32, #tpu.memory_space<vmem>>, vector<16xf32>,
          %get3A_1945 = arith.constant 1664 : index
          %get3A_1946 = tpu.vector_load %arg9[%get3A_1945] {strides = array<i32>} : memref<2000xi32, #tpu.memory_space<vmem>>, vector<16xi32>,
          %gather3A_1947 = tpu.vector_load_idx %arg6[%get3A_1946] : memref<100000xf32, #tpu.memory_space<vmem>>[vector<16xi32>], vector<16xf32>,
          %swap3A_1948 = arith.constant 1664 : index
          %swap3A_1949 = tpu.vector_load %arg13[%swap3A_1948] {strides = array<i32>} : memref<2000xf32, #tpu.memory_space<vmem>>, vector<16xf32>,
          tpu.vector_store %arg13[%swap3A_1948], %gather3A_1947 {strides = array<i32>} : memref<2000xf32, #tpu.memory_space<vmem>>, vector<16xf32>,
          %get3A_1950 = arith.constant 1680 : index
          %get3A_1951 = tpu.vector_load %arg9[%get3A_1950] {strides = array<i32>} : memref<2000xi32, #tpu.memory_space<vmem>>, vector<16xi32>,
          %gather3A_1952 = tpu.vector_load_idx %arg6[%get3A_1951] : memref<100000xf32, #tpu.memory_space<vmem>>[vector<16xi32>], vector<16xf32>,
          %swap3A_1953 = arith.constant 1680 : index
          %swap3A_1954 = tpu.vector_load %arg13[%swap3A_1953] {strides = array<i32>} : memref<2000xf32, #tpu.memory_space<vmem>>, vector<16xf32>,
          tpu.vector_store %arg13[%swap3A_1953], %gather3A_1952 {strides = array<i32>} : memref<2000xf32, #tpu.memory_space<vmem>>, vector<16xf32>,
          %get3A_1955 = arith.constant 1696 : index
          %get3A_1956 = tpu.vector_load %arg9[%get3A_1955] {strides = array<i32>} : memref<2000xi32, #tpu.memory_space<vmem>>, vector<16xi32>,
          %gather3A_1957 = tpu.vector_load_idx %arg6[%get3A_1956] : memref<100000xf32, #tpu.memory_space<vmem>>[vector<16xi32>], vector<16xf32>,
          %swap3A_1958 = arith.constant 1696 : index
          %swap3A_1959 = tpu.vector_load %arg13[%swap3A_1958] {strides = array<i32>} : memref<2000xf32, #tpu.memory_space<vmem>>, vector<16xf32>,
          tpu.vector_store %arg13[%swap3A_1958], %gather3A_1957 {strides = array<i32>} : memref<2000xf32, #tpu.memory_space<vmem>>, vector<16xf32>,
          %get3A_1960 = arith.constant 1712 : index
          %get3A_1961 = tpu.vector_load %arg9[%get3A_1960] {strides = array<i32>} : memref<2000xi32, #tpu.memory_space<vmem>>, vector<16xi32>,
          %gather3A_1962 = tpu.vector_load_idx %arg6[%get3A_1961] : memref<100000xf32, #tpu.memory_space<vmem>>[vector<16xi32>], vector<16xf32>,
          %swap3A_1963 = arith.constant 1712 : index
          %swap3A_1964 = tpu.vector_load %arg13[%swap3A_1963] {strides = array<i32>} : memref<2000xf32, #tpu.memory_space<vmem>>, vector<16xf32>,
          tpu.vector_store %arg13[%swap3A_1963], %gather3A_1962 {strides = array<i32>} : memref<2000xf32, #tpu.memory_space<vmem>>, vector<16xf32>,
          %get3A_1965 = arith.constant 1728 : index
          %get3A_1966 = tpu.vector_load %arg9[%get3A_1965] {strides = array<i32>} : memref<2000xi32, #tpu.memory_space<vmem>>, vector<16xi32>,
          %gather3A_1967 = tpu.vector_load_idx %arg6[%get3A_1966] : memref<100000xf32, #tpu.memory_space<vmem>>[vector<16xi32>], vector<16xf32>,
          %swap3A_1968 = arith.constant 1728 : index
          %swap3A_1969 = tpu.vector_load %arg13[%swap3A_1968] {strides = array<i32>} : memref<2000xf32, #tpu.memory_space<vmem>>, vector<16xf32>,
          tpu.vector_store %arg13[%swap3A_1968], %gather3A_1967 {strides = array<i32>} : memref<2000xf32, #tpu.memory_space<vmem>>, vector<16xf32>,
          %get3A_1970 = arith.constant 1744 : index
          %get3A_1971 = tpu.vector_load %arg9[%get3A_1970] {strides = array<i32>} : memref<2000xi32, #tpu.memory_space<vmem>>, vector<16xi32>,
          %gather3A_1972 = tpu.vector_load_idx %arg6[%get3A_1971] : memref<100000xf32, #tpu.memory_space<vmem>>[vector<16xi32>], vector<16xf32>,
          %swap3A_1973 = arith.constant 1744 : index
          %swap3A_1974 = tpu.vector_load %arg13[%swap3A_1973] {strides = array<i32>} : memref<2000xf32, #tpu.memory_space<vmem>>, vector<16xf32>,
          tpu.vector_store %arg13[%swap3A_1973], %gather3A_1972 {strides = array<i32>} : memref<2000xf32, #tpu.memory_space<vmem>>, vector<16xf32>,
          %get3A_1975 = arith.constant 1760 : index
          %get3A_1976 = tpu.vector_load %arg9[%get3A_1975] {strides = array<i32>} : memref<2000xi32, #tpu.memory_space<vmem>>, vector<16xi32>,
          %gather3A_1977 = tpu.vector_load_idx %arg6[%get3A_1976] : memref<100000xf32, #tpu.memory_space<vmem>>[vector<16xi32>], vector<16xf32>,
          %swap3A_1978 = arith.constant 1760 : index
          %swap3A_1979 = tpu.vector_load %arg13[%swap3A_1978] {strides = array<i32>} : memref<2000xf32, #tpu.memory_space<vmem>>, vector<16xf32>,
          tpu.vector_store %arg13[%swap3A_1978], %gather3A_1977 {strides = array<i32>} : memref<2000xf32, #tpu.memory_space<vmem>>, vector<16xf32>,
          %get3A_1980 = arith.constant 1776 : index
          %get3A_1981 = tpu.vector_load %arg9[%get3A_1980] {strides = array<i32>} : memref<2000xi32, #tpu.memory_space<vmem>>, vector<16xi32>,
          %gather3A_1982 = tpu.vector_load_idx %arg6[%get3A_1981] : memref<100000xf32, #tpu.memory_space<vmem>>[vector<16xi32>], vector<16xf32>,
          %swap3A_1983 = arith.constant 1776 : index
          %swap3A_1984 = tpu.vector_load %arg13[%swap3A_1983] {strides = array<i32>} : memref<2000xf32, #tpu.memory_space<vmem>>, vector<16xf32>,
          tpu.vector_store %arg13[%swap3A_1983], %gather3A_1982 {strides = array<i32>} : memref<2000xf32, #tpu.memory_space<vmem>>, vector<16xf32>,
          %get3A_1985 = arith.constant 1792 : index
          %get3A_1986 = tpu.vector_load %arg9[%get3A_1985] {strides = array<i32>} : memref<2000xi32, #tpu.memory_space<vmem>>, vector<16xi32>,
          %gather3A_1987 = tpu.vector_load_idx %arg6[%get3A_1986] : memref<100000xf32, #tpu.memory_space<vmem>>[vector<16xi32>], vector<16xf32>,
          %swap3A_1988 = arith.constant 1792 : index
          %swap3A_1989 = tpu.vector_load %arg13[%swap3A_1988] {strides = array<i32>} : memref<2000xf32, #tpu.memory_space<vmem>>, vector<16xf32>,
          tpu.vector_store %arg13[%swap3A_1988], %gather3A_1987 {strides = array<i32>} : memref<2000xf32, #tpu.memory_space<vmem>>, vector<16xf32>,
          %get3A_1990 = arith.constant 1808 : index
          %get3A_1991 = tpu.vector_load %arg9[%get3A_1990] {strides = array<i32>} : memref<2000xi32, #tpu.memory_space<vmem>>, vector<16xi32>,
          %gather3A_1992 = tpu.vector_load_idx %arg6[%get3A_1991] : memref<100000xf32, #tpu.memory_space<vmem>>[vector<16xi32>], vector<16xf32>,
          %swap3A_1993 = arith.constant 1808 : index
          %swap3A_1994 = tpu.vector_load %arg13[%swap3A_1993] {strides = array<i32>} : memref<2000xf32, #tpu.memory_space<vmem>>, vector<16xf32>,
          tpu.vector_store %arg13[%swap3A_1993], %gather3A_1992 {strides = array<i32>} : memref<2000xf32, #tpu.memory_space<vmem>>, vector<16xf32>,
          %get3A_1995 = arith.constant 1824 : index
          %get3A_1996 = tpu.vector_load %arg9[%get3A_1995] {strides = array<i32>} : memref<2000xi32, #tpu.memory_space<vmem>>, vector<16xi32>,
          %gather3A_1997 = tpu.vector_load_idx %arg6[%get3A_1996] : memref<100000xf32, #tpu.memory_space<vmem>>[vector<16xi32>], vector<16xf32>,
          %swap3A_1998 = arith.constant 1824 : index
          %swap3A_1999 = tpu.vector_load %arg13[%swap3A_1998] {strides = array<i32>} : memref<2000xf32, #tpu.memory_space<vmem>>, vector<16xf32>,
          tpu.vector_store %arg13[%swap3A_1998], %gather3A_1997 {strides = array<i32>} : memref<2000xf32, #tpu.memory_space<vmem>>, vector<16xf32>,
          %get3A_2000 = arith.constant 1840 : index
          %get3A_2001 = tpu.vector_load %arg9[%get3A_2000] {strides = array<i32>} : memref<2000xi32, #tpu.memory_space<vmem>>, vector<16xi32>,
          %gather3A_2002 = tpu.vector_load_idx %arg6[%get3A_2001] : memref<100000xf32, #tpu.memory_space<vmem>>[vector<16xi32>], vector<16xf32>,
          %swap3A_2003 = arith.constant 1840 : index
          %swap3A_2004 = tpu.vector_load %arg13[%swap3A_2003] {strides = array<i32>} : memref<2000xf32, #tpu.memory_space<vmem>>, vector<16xf32>,
          tpu.vector_store %arg13[%swap3A_2003], %gather3A_2002 {strides = array<i32>} : memref<2000xf32, #tpu.memory_space<vmem>>, vector<16xf32>,
          %get3A_2005 = arith.constant 1856 : index
          %get3A_2006 = tpu.vector_load %arg9[%get3A_2005] {strides = array<i32>} : memref<2000xi32, #tpu.memory_space<vmem>>, vector<16xi32>,
          %gather3A_2007 = tpu.vector_load_idx %arg6[%get3A_2006] : memref<100000xf32, #tpu.memory_space<vmem>>[vector<16xi32>], vector<16xf32>,
          %swap3A_2008 = arith.constant 1856 : index
          %swap3A_2009 = tpu.vector_load %arg13[%swap3A_2008] {strides = array<i32>} : memref<2000xf32, #tpu.memory_space<vmem>>, vector<16xf32>,
          tpu.vector_store %arg13[%swap3A_2008], %gather3A_2007 {strides = array<i32>} : memref<2000xf32, #tpu.memory_space<vmem>>, vector<16xf32>,
          %get3A_2010 = arith.constant 1872 : index
          %get3A_2011 = tpu.vector_load %arg9[%get3A_2010] {strides = array<i32>} : memref<2000xi32, #tpu.memory_space<vmem>>, vector<16xi32>,
          %gather3A_2012 = tpu.vector_load_idx %arg6[%get3A_2011] : memref<100000xf32, #tpu.memory_space<vmem>>[vector<16xi32>], vector<16xf32>,
          %swap3A_2013 = arith.constant 1872 : index
          %swap3A_2014 = tpu.vector_load %arg13[%swap3A_2013] {strides = array<i32>} : memref<2000xf32, #tpu.memory_space<vmem>>, vector<16xf32>,
          tpu.vector_store %arg13[%swap3A_2013], %gather3A_2012 {strides = array<i32>} : memref<2000xf32, #tpu.memory_space<vmem>>, vector<16xf32>,
          %get3A_2015 = arith.constant 1888 : index
          %get3A_2016 = tpu.vector_load %arg9[%get3A_2015] {strides = array<i32>} : memref<2000xi32, #tpu.memory_space<vmem>>, vector<16xi32>,
          %gather3A_2017 = tpu.vector_load_idx %arg6[%get3A_2016] : memref<100000xf32, #tpu.memory_space<vmem>>[vector<16xi32>], vector<16xf32>,
          %swap3A_2018 = arith.constant 1888 : index
          %swap3A_2019 = tpu.vector_load %arg13[%swap3A_2018] {strides = array<i32>} : memref<2000xf32, #tpu.memory_space<vmem>>, vector<16xf32>,
          tpu.vector_store %arg13[%swap3A_2018], %gather3A_2017 {strides = array<i32>} : memref<2000xf32, #tpu.memory_space<vmem>>, vector<16xf32>,
          %get3A_2020 = arith.constant 1904 : index
          %get3A_2021 = tpu.vector_load %arg9[%get3A_2020] {strides = array<i32>} : memref<2000xi32, #tpu.memory_space<vmem>>, vector<16xi32>,
          %gather3A_2022 = tpu.vector_load_idx %arg6[%get3A_2021] : memref<100000xf32, #tpu.memory_space<vmem>>[vector<16xi32>], vector<16xf32>,
          %swap3A_2023 = arith.constant 1904 : index
          %swap3A_2024 = tpu.vector_load %arg13[%swap3A_2023] {strides = array<i32>} : memref<2000xf32, #tpu.memory_space<vmem>>, vector<16xf32>,
          tpu.vector_store %arg13[%swap3A_2023], %gather3A_2022 {strides = array<i32>} : memref<2000xf32, #tpu.memory_space<vmem>>, vector<16xf32>,
          %get3A_2025 = arith.constant 1920 : index
          %get3A_2026 = tpu.vector_load %arg9[%get3A_2025] {strides = array<i32>} : memref<2000xi32, #tpu.memory_space<vmem>>, vector<16xi32>,
          %gather3A_2027 = tpu.vector_load_idx %arg6[%get3A_2026] : memref<100000xf32, #tpu.memory_space<vmem>>[vector<16xi32>], vector<16xf32>,
          %swap3A_2028 = arith.constant 1920 : index
          %swap3A_2029 = tpu.vector_load %arg13[%swap3A_2028] {strides = array<i32>} : memref<2000xf32, #tpu.memory_space<vmem>>, vector<16xf32>,
          tpu.vector_store %arg13[%swap3A_2028], %gather3A_2027 {strides = array<i32>} : memref<2000xf32, #tpu.memory_space<vmem>>, vector<16xf32>,
          %get3A_2030 = arith.constant 1936 : index
          %get3A_2031 = tpu.vector_load %arg9[%get3A_2030] {strides = array<i32>} : memref<2000xi32, #tpu.memory_space<vmem>>, vector<16xi32>,
          %gather3A_2032 = tpu.vector_load_idx %arg6[%get3A_2031] : memref<100000xf32, #tpu.memory_space<vmem>>[vector<16xi32>], vector<16xf32>,
          %swap3A_2033 = arith.constant 1936 : index
          %swap3A_2034 = tpu.vector_load %arg13[%swap3A_2033] {strides = array<i32>} : memref<2000xf32, #tpu.memory_space<vmem>>, vector<16xf32>,
          tpu.vector_store %arg13[%swap3A_2033], %gather3A_2032 {strides = array<i32>} : memref<2000xf32, #tpu.memory_space<vmem>>, vector<16xf32>,
          %get3A_2035 = arith.constant 1952 : index
          %get3A_2036 = tpu.vector_load %arg9[%get3A_2035] {strides = array<i32>} : memref<2000xi32, #tpu.memory_space<vmem>>, vector<16xi32>,
          %gather3A_2037 = tpu.vector_load_idx %arg6[%get3A_2036] : memref<100000xf32, #tpu.memory_space<vmem>>[vector<16xi32>], vector<16xf32>,
          %swap3A_2038 = arith.constant 1952 : index
          %swap3A_2039 = tpu.vector_load %arg13[%swap3A_2038] {strides = array<i32>} : memref<2000xf32, #tpu.memory_space<vmem>>, vector<16xf32>,
          tpu.vector_store %arg13[%swap3A_2038], %gather3A_2037 {strides = array<i32>} : memref<2000xf32, #tpu.memory_space<vmem>>, vector<16xf32>,
          %get3A_2040 = arith.constant 1968 : index
          %get3A_2041 = tpu.vector_load %arg9[%get3A_2040] {strides = array<i32>} : memref<2000xi32, #tpu.memory_space<vmem>>, vector<16xi32>,
          %gather3A_2042 = tpu.vector_load_idx %arg6[%get3A_2041] : memref<100000xf32, #tpu.memory_space<vmem>>[vector<16xi32>], vector<16xf32>,
          %swap3A_2043 = arith.constant 1968 : index
          %swap3A_2044 = tpu.vector_load %arg13[%swap3A_2043] {strides = array<i32>} : memref<2000xf32, #tpu.memory_space<vmem>>, vector<16xf32>,
          tpu.vector_store %arg13[%swap3A_2043], %gather3A_2042 {strides = array<i32>} : memref<2000xf32, #tpu.memory_space<vmem>>, vector<16xf32>,
          %get3A_2045 = arith.constant 1984 : index
          %get3A_2046 = tpu.vector_load %arg9[%get3A_2045] {strides = array<i32>} : memref<2000xi32, #tpu.memory_space<vmem>>, vector<16xi32>,
          %gather3A_2047 = tpu.vector_load_idx %arg6[%get3A_2046] : memref<100000xf32, #tpu.memory_space<vmem>>[vector<16xi32>], vector<16xf32>,
          %swap3A_2048 = arith.constant 1984 : index
          %swap3A_2049 = tpu.vector_load %arg13[%swap3A_2048] {strides = array<i32>} : memref<2000xf32, #tpu.memory_space<vmem>>, vector<16xf32>,
          tpu.vector_store %arg13[%swap3A_2048], %gather3A_2047 {strides = array<i32>} : memref<2000xf32, #tpu.memory_space<vmem>>, vector<16xf32>,
          %add3A_2050 = arith.constant 2 : i32
          %add3A_2051 = arith.addi %mul3A_108, %add3A_2050 : i32
          %mul3A_2052 = arith.constant 2000 : i32
          %mul3A_2053 = arith.muli %add3A_2051, %mul3A_2052 : i32
          %mul3A_2054 = arith.constant 200000 : i32
          %mul3A_2055 = arith.muli %add3A_9, %mul3A_2054 : i32
          %add3A_2056 = arith.addi %mul3A_2055, %mul3A_2053 : i32
          %dma_start3A_2057 = tpu.memref_slice %arg5[%add3A_2056] : memref<78600000xf32, #tpu.memory_space<hbm>> -> memref<2000xf32, #tpu.memory_space<hbm>>
          %dma_start3A_2058 = tpu.memref_slice %arg5[%add3A_2056] : memref<78600000xf32, #tpu.memory_space<hbm>> -> memref<2000xf32, #tpu.memory_space<hbm>>
          tpu.enqueue_dma source(%arg13 : memref<2000xf32, #tpu.memory_space<vmem>>) target(%dma_start3A_2058 : memref<2000xf32, #tpu.memory_space<hbm>>) target_semaphore(%arg16 : memref<!tpu.dma_semaphore, #tpu.memory_space<semaphore_mem>>)
          %lt3A_2059 = arith.constant 24 : i32
          %lt3A_2060 = arith.cmpi slt, %scan3A_106, %lt3A_2059 : i32
          %convert_element_type3A_2061 = arith.extui %lt3A_2060 : i1 to i32
          %cond3A_2062 = arith.constant 0 : i32
          %cond3A_2063 = arith.cmpi ne, %convert_element_type3A_2061, %cond3A_2062 : i32
          scf.if %cond3A_2063 {
            %add3A_2717 = arith.constant 4 : i32
            %add3A_2718 = arith.addi %mul3A_108, %add3A_2717 : i32
            %add3A_2719 = arith.constant 2 : i32
            %add3A_2720 = arith.addi %add3A_2718, %add3A_2719 : i32
            %mul3A_2721 = arith.constant 2000 : i32
            %mul3A_2722 = arith.muli %add3A_2720, %mul3A_2721 : i32
            %mul3A_2723 = arith.constant 200000 : i32
            %mul3A_2724 = arith.muli %select_n3A, %mul3A_2723 : i32
            %add3A_2725 = arith.addi %mul3A_2724, %mul3A_2722 : i32
            %dma_start3A_2726 = tpu.memref_slice %arg3[%add3A_2725] : memref<600000xi32, #tpu.memory_space<hbm>> -> memref<2000xi32, #tpu.memory_space<hbm>>
            %dma_start3A_2727 = tpu.memref_slice %arg3[%add3A_2725] : memref<600000xi32, #tpu.memory_space<hbm>> -> memref<2000xi32, #tpu.memory_space<hbm>>
            tpu.enqueue_dma source(%dma_start3A_2727 : memref<2000xi32, #tpu.memory_space<hbm>>) target(%arg9 : memref<2000xi32, #tpu.memory_space<vmem>>) target_semaphore(%arg15 : memref<!tpu.dma_semaphore, #tpu.memory_space<semaphore_mem>>)
          } else {
          }
          %add3A_2064 = arith.constant 3 : i32
          %add3A_2065 = arith.addi %mul3A_108, %add3A_2064 : i32
          %mul3A_2066 = arith.constant 2000 : i32
          %mul3A_2067 = arith.muli %add3A_2065, %mul3A_2066 : i32
          %mul3A_2068 = arith.constant 200000 : i32
          %mul3A_2069 = arith.muli %select_n3A, %mul3A_2068 : i32
          %add3A_2070 = arith.addi %mul3A_2069, %mul3A_2067 : i32
          %dma_wait3A_2071 = tpu.memref_slice %arg3[%add3A_2070] : memref<600000xi32, #tpu.memory_space<hbm>> -> memref<2000xi32, #tpu.memory_space<hbm>>
          %dma_wait3A_2072 = tpu.memref_slice %arg3[%add3A_2070] : memref<600000xi32, #tpu.memory_space<hbm>> -> memref<2000xi32, #tpu.memory_space<hbm>>
          tpu.wait_dma2 semaphore(%arg15 : memref<!tpu.dma_semaphore, #tpu.memory_space<semaphore_mem>>) src(%dma_wait3A_2072 : memref<2000xi32, #tpu.memory_space<hbm>>) dst(%arg10 : memref<2000xi32, #tpu.memory_space<vmem>>)
          %gt3A_2073 = arith.constant 0 : i32
          %gt3A_2074 = arith.cmpi sgt, %scan3A_106, %gt3A_2073 : i32
          %convert_element_type3A_2075 = arith.extui %gt3A_2074 : i1 to i32
          %cond3A_2076 = arith.constant 0 : i32
          %cond3A_2077 = arith.cmpi ne, %convert_element_type3A_2075, %cond3A_2076 : i32
          scf.if %cond3A_2077 {
            %mul3A_2717 = arith.constant 200000 : i32
            %mul3A_2718 = arith.muli %add3A_9, %mul3A_2717 : i32
            %add3A_2719 = arith.constant 0 : i32
            %add3A_2720 = arith.addi %mul3A_2718, %add3A_2719 : i32
            %dma_wait3A_2721 = tpu.memref_slice %arg5[%add3A_2720] : memref<78600000xf32, #tpu.memory_space<hbm>> -> memref<2000xf32, #tpu.memory_space<hbm>>
            %dma_wait3A_2722 = tpu.memref_slice %arg5[%add3A_2720] : memref<78600000xf32, #tpu.memory_space<hbm>> -> memref<2000xf32, #tpu.memory_space<hbm>>
            tpu.wait_dma2 semaphore(%arg16 : memref<!tpu.dma_semaphore, #tpu.memory_space<semaphore_mem>>) src(%arg14 : memref<2000xf32, #tpu.memory_space<vmem>>) dst(%dma_wait3A_2722 : memref<2000xf32, #tpu.memory_space<hbm>>)
          } else {
          }
          %get3A_2078 = arith.constant 0 : index
          %get3A_2079 = tpu.vector_load %arg10[%get3A_2078] {strides = array<i32>} : memref<2000xi32, #tpu.memory_space<vmem>>, vector<16xi32>,
          %gather3A_2080 = tpu.vector_load_idx %arg6[%get3A_2079] : memref<100000xf32, #tpu.memory_space<vmem>>[vector<16xi32>], vector<16xf32>,
          %swap3A_2081 = arith.constant 0 : index
          %swap3A_2082 = tpu.vector_load %arg14[%swap3A_2081] {strides = array<i32>} : memref<2000xf32, #tpu.memory_space<vmem>>, vector<16xf32>,
          tpu.vector_store %arg14[%swap3A_2081], %gather3A_2080 {strides = array<i32>} : memref<2000xf32, #tpu.memory_space<vmem>>, vector<16xf32>,
          %get3A_2083 = arith.constant 16 : index
          %get3A_2084 = tpu.vector_load %arg10[%get3A_2083] {strides = array<i32>} : memref<2000xi32, #tpu.memory_space<vmem>>, vector<16xi32>,
          %gather3A_2085 = tpu.vector_load_idx %arg6[%get3A_2084] : memref<100000xf32, #tpu.memory_space<vmem>>[vector<16xi32>], vector<16xf32>,
          %swap3A_2086 = arith.constant 16 : index
          %swap3A_2087 = tpu.vector_load %arg14[%swap3A_2086] {strides = array<i32>} : memref<2000xf32, #tpu.memory_space<vmem>>, vector<16xf32>,
          tpu.vector_store %arg14[%swap3A_2086], %gather3A_2085 {strides = array<i32>} : memref<2000xf32, #tpu.memory_space<vmem>>, vector<16xf32>,
          %get3A_2088 = arith.constant 32 : index
          %get3A_2089 = tpu.vector_load %arg10[%get3A_2088] {strides = array<i32>} : memref<2000xi32, #tpu.memory_space<vmem>>, vector<16xi32>,
          %gather3A_2090 = tpu.vector_load_idx %arg6[%get3A_2089] : memref<100000xf32, #tpu.memory_space<vmem>>[vector<16xi32>], vector<16xf32>,
          %swap3A_2091 = arith.constant 32 : index
          %swap3A_2092 = tpu.vector_load %arg14[%swap3A_2091] {strides = array<i32>} : memref<2000xf32, #tpu.memory_space<vmem>>, vector<16xf32>,
          tpu.vector_store %arg14[%swap3A_2091], %gather3A_2090 {strides = array<i32>} : memref<2000xf32, #tpu.memory_space<vmem>>, vector<16xf32>,
          %get3A_2093 = arith.constant 48 : index
          %get3A_2094 = tpu.vector_load %arg10[%get3A_2093] {strides = array<i32>} : memref<2000xi32, #tpu.memory_space<vmem>>, vector<16xi32>,
          %gather3A_2095 = tpu.vector_load_idx %arg6[%get3A_2094] : memref<100000xf32, #tpu.memory_space<vmem>>[vector<16xi32>], vector<16xf32>,
          %swap3A_2096 = arith.constant 48 : index
          %swap3A_2097 = tpu.vector_load %arg14[%swap3A_2096] {strides = array<i32>} : memref<2000xf32, #tpu.memory_space<vmem>>, vector<16xf32>,
          tpu.vector_store %arg14[%swap3A_2096], %gather3A_2095 {strides = array<i32>} : memref<2000xf32, #tpu.memory_space<vmem>>, vector<16xf32>,
          %get3A_2098 = arith.constant 64 : index
          %get3A_2099 = tpu.vector_load %arg10[%get3A_2098] {strides = array<i32>} : memref<2000xi32, #tpu.memory_space<vmem>>, vector<16xi32>,
          %gather3A_2100 = tpu.vector_load_idx %arg6[%get3A_2099] : memref<100000xf32, #tpu.memory_space<vmem>>[vector<16xi32>], vector<16xf32>,
          %swap3A_2101 = arith.constant 64 : index
          %swap3A_2102 = tpu.vector_load %arg14[%swap3A_2101] {strides = array<i32>} : memref<2000xf32, #tpu.memory_space<vmem>>, vector<16xf32>,
          tpu.vector_store %arg14[%swap3A_2101], %gather3A_2100 {strides = array<i32>} : memref<2000xf32, #tpu.memory_space<vmem>>, vector<16xf32>,
          %get3A_2103 = arith.constant 80 : index
          %get3A_2104 = tpu.vector_load %arg10[%get3A_2103] {strides = array<i32>} : memref<2000xi32, #tpu.memory_space<vmem>>, vector<16xi32>,
          %gather3A_2105 = tpu.vector_load_idx %arg6[%get3A_2104] : memref<100000xf32, #tpu.memory_space<vmem>>[vector<16xi32>], vector<16xf32>,
          %swap3A_2106 = arith.constant 80 : index
          %swap3A_2107 = tpu.vector_load %arg14[%swap3A_2106] {strides = array<i32>} : memref<2000xf32, #tpu.memory_space<vmem>>, vector<16xf32>,
          tpu.vector_store %arg14[%swap3A_2106], %gather3A_2105 {strides = array<i32>} : memref<2000xf32, #tpu.memory_space<vmem>>, vector<16xf32>,
          %get3A_2108 = arith.constant 96 : index
          %get3A_2109 = tpu.vector_load %arg10[%get3A_2108] {strides = array<i32>} : memref<2000xi32, #tpu.memory_space<vmem>>, vector<16xi32>,
          %gather3A_2110 = tpu.vector_load_idx %arg6[%get3A_2109] : memref<100000xf32, #tpu.memory_space<vmem>>[vector<16xi32>], vector<16xf32>,
          %swap3A_2111 = arith.constant 96 : index
          %swap3A_2112 = tpu.vector_load %arg14[%swap3A_2111] {strides = array<i32>} : memref<2000xf32, #tpu.memory_space<vmem>>, vector<16xf32>,
          tpu.vector_store %arg14[%swap3A_2111], %gather3A_2110 {strides = array<i32>} : memref<2000xf32, #tpu.memory_space<vmem>>, vector<16xf32>,
          %get3A_2113 = arith.constant 112 : index
          %get3A_2114 = tpu.vector_load %arg10[%get3A_2113] {strides = array<i32>} : memref<2000xi32, #tpu.memory_space<vmem>>, vector<16xi32>,
          %gather3A_2115 = tpu.vector_load_idx %arg6[%get3A_2114] : memref<100000xf32, #tpu.memory_space<vmem>>[vector<16xi32>], vector<16xf32>,
          %swap3A_2116 = arith.constant 112 : index
          %swap3A_2117 = tpu.vector_load %arg14[%swap3A_2116] {strides = array<i32>} : memref<2000xf32, #tpu.memory_space<vmem>>, vector<16xf32>,
          tpu.vector_store %arg14[%swap3A_2116], %gather3A_2115 {strides = array<i32>} : memref<2000xf32, #tpu.memory_space<vmem>>, vector<16xf32>,
          %get3A_2118 = arith.constant 128 : index
          %get3A_2119 = tpu.vector_load %arg10[%get3A_2118] {strides = array<i32>} : memref<2000xi32, #tpu.memory_space<vmem>>, vector<16xi32>,
          %gather3A_2120 = tpu.vector_load_idx %arg6[%get3A_2119] : memref<100000xf32, #tpu.memory_space<vmem>>[vector<16xi32>], vector<16xf32>,
          %swap3A_2121 = arith.constant 128 : index
          %swap3A_2122 = tpu.vector_load %arg14[%swap3A_2121] {strides = array<i32>} : memref<2000xf32, #tpu.memory_space<vmem>>, vector<16xf32>,
          tpu.vector_store %arg14[%swap3A_2121], %gather3A_2120 {strides = array<i32>} : memref<2000xf32, #tpu.memory_space<vmem>>, vector<16xf32>,
          %get3A_2123 = arith.constant 144 : index
          %get3A_2124 = tpu.vector_load %arg10[%get3A_2123] {strides = array<i32>} : memref<2000xi32, #tpu.memory_space<vmem>>, vector<16xi32>,
          %gather3A_2125 = tpu.vector_load_idx %arg6[%get3A_2124] : memref<100000xf32, #tpu.memory_space<vmem>>[vector<16xi32>], vector<16xf32>,
          %swap3A_2126 = arith.constant 144 : index
          %swap3A_2127 = tpu.vector_load %arg14[%swap3A_2126] {strides = array<i32>} : memref<2000xf32, #tpu.memory_space<vmem>>, vector<16xf32>,
          tpu.vector_store %arg14[%swap3A_2126], %gather3A_2125 {strides = array<i32>} : memref<2000xf32, #tpu.memory_space<vmem>>, vector<16xf32>,
          %get3A_2128 = arith.constant 160 : index
          %get3A_2129 = tpu.vector_load %arg10[%get3A_2128] {strides = array<i32>} : memref<2000xi32, #tpu.memory_space<vmem>>, vector<16xi32>,
          %gather3A_2130 = tpu.vector_load_idx %arg6[%get3A_2129] : memref<100000xf32, #tpu.memory_space<vmem>>[vector<16xi32>], vector<16xf32>,
          %swap3A_2131 = arith.constant 160 : index
          %swap3A_2132 = tpu.vector_load %arg14[%swap3A_2131] {strides = array<i32>} : memref<2000xf32, #tpu.memory_space<vmem>>, vector<16xf32>,
          tpu.vector_store %arg14[%swap3A_2131], %gather3A_2130 {strides = array<i32>} : memref<2000xf32, #tpu.memory_space<vmem>>, vector<16xf32>,
          %get3A_2133 = arith.constant 176 : index
          %get3A_2134 = tpu.vector_load %arg10[%get3A_2133] {strides = array<i32>} : memref<2000xi32, #tpu.memory_space<vmem>>, vector<16xi32>,
          %gather3A_2135 = tpu.vector_load_idx %arg6[%get3A_2134] : memref<100000xf32, #tpu.memory_space<vmem>>[vector<16xi32>], vector<16xf32>,
          %swap3A_2136 = arith.constant 176 : index
          %swap3A_2137 = tpu.vector_load %arg14[%swap3A_2136] {strides = array<i32>} : memref<2000xf32, #tpu.memory_space<vmem>>, vector<16xf32>,
          tpu.vector_store %arg14[%swap3A_2136], %gather3A_2135 {strides = array<i32>} : memref<2000xf32, #tpu.memory_space<vmem>>, vector<16xf32>,
          %get3A_2138 = arith.constant 192 : index
          %get3A_2139 = tpu.vector_load %arg10[%get3A_2138] {strides = array<i32>} : memref<2000xi32, #tpu.memory_space<vmem>>, vector<16xi32>,
          %gather3A_2140 = tpu.vector_load_idx %arg6[%get3A_2139] : memref<100000xf32, #tpu.memory_space<vmem>>[vector<16xi32>], vector<16xf32>,
          %swap3A_2141 = arith.constant 192 : index
          %swap3A_2142 = tpu.vector_load %arg14[%swap3A_2141] {strides = array<i32>} : memref<2000xf32, #tpu.memory_space<vmem>>, vector<16xf32>,
          tpu.vector_store %arg14[%swap3A_2141], %gather3A_2140 {strides = array<i32>} : memref<2000xf32, #tpu.memory_space<vmem>>, vector<16xf32>,
          %get3A_2143 = arith.constant 208 : index
          %get3A_2144 = tpu.vector_load %arg10[%get3A_2143] {strides = array<i32>} : memref<2000xi32, #tpu.memory_space<vmem>>, vector<16xi32>,
          %gather3A_2145 = tpu.vector_load_idx %arg6[%get3A_2144] : memref<100000xf32, #tpu.memory_space<vmem>>[vector<16xi32>], vector<16xf32>,
          %swap3A_2146 = arith.constant 208 : index
          %swap3A_2147 = tpu.vector_load %arg14[%swap3A_2146] {strides = array<i32>} : memref<2000xf32, #tpu.memory_space<vmem>>, vector<16xf32>,
          tpu.vector_store %arg14[%swap3A_2146], %gather3A_2145 {strides = array<i32>} : memref<2000xf32, #tpu.memory_space<vmem>>, vector<16xf32>,
          %get3A_2148 = arith.constant 224 : index
          %get3A_2149 = tpu.vector_load %arg10[%get3A_2148] {strides = array<i32>} : memref<2000xi32, #tpu.memory_space<vmem>>, vector<16xi32>,
          %gather3A_2150 = tpu.vector_load_idx %arg6[%get3A_2149] : memref<100000xf32, #tpu.memory_space<vmem>>[vector<16xi32>], vector<16xf32>,
          %swap3A_2151 = arith.constant 224 : index
          %swap3A_2152 = tpu.vector_load %arg14[%swap3A_2151] {strides = array<i32>} : memref<2000xf32, #tpu.memory_space<vmem>>, vector<16xf32>,
          tpu.vector_store %arg14[%swap3A_2151], %gather3A_2150 {strides = array<i32>} : memref<2000xf32, #tpu.memory_space<vmem>>, vector<16xf32>,
          %get3A_2153 = arith.constant 240 : index
          %get3A_2154 = tpu.vector_load %arg10[%get3A_2153] {strides = array<i32>} : memref<2000xi32, #tpu.memory_space<vmem>>, vector<16xi32>,
          %gather3A_2155 = tpu.vector_load_idx %arg6[%get3A_2154] : memref<100000xf32, #tpu.memory_space<vmem>>[vector<16xi32>], vector<16xf32>,
          %swap3A_2156 = arith.constant 240 : index
          %swap3A_2157 = tpu.vector_load %arg14[%swap3A_2156] {strides = array<i32>} : memref<2000xf32, #tpu.memory_space<vmem>>, vector<16xf32>,
          tpu.vector_store %arg14[%swap3A_2156], %gather3A_2155 {strides = array<i32>} : memref<2000xf32, #tpu.memory_space<vmem>>, vector<16xf32>,
          %get3A_2158 = arith.constant 256 : index
          %get3A_2159 = tpu.vector_load %arg10[%get3A_2158] {strides = array<i32>} : memref<2000xi32, #tpu.memory_space<vmem>>, vector<16xi32>,
          %gather3A_2160 = tpu.vector_load_idx %arg6[%get3A_2159] : memref<100000xf32, #tpu.memory_space<vmem>>[vector<16xi32>], vector<16xf32>,
          %swap3A_2161 = arith.constant 256 : index
          %swap3A_2162 = tpu.vector_load %arg14[%swap3A_2161] {strides = array<i32>} : memref<2000xf32, #tpu.memory_space<vmem>>, vector<16xf32>,
          tpu.vector_store %arg14[%swap3A_2161], %gather3A_2160 {strides = array<i32>} : memref<2000xf32, #tpu.memory_space<vmem>>, vector<16xf32>,
          %get3A_2163 = arith.constant 272 : index
          %get3A_2164 = tpu.vector_load %arg10[%get3A_2163] {strides = array<i32>} : memref<2000xi32, #tpu.memory_space<vmem>>, vector<16xi32>,
          %gather3A_2165 = tpu.vector_load_idx %arg6[%get3A_2164] : memref<100000xf32, #tpu.memory_space<vmem>>[vector<16xi32>], vector<16xf32>,
          %swap3A_2166 = arith.constant 272 : index
          %swap3A_2167 = tpu.vector_load %arg14[%swap3A_2166] {strides = array<i32>} : memref<2000xf32, #tpu.memory_space<vmem>>, vector<16xf32>,
          tpu.vector_store %arg14[%swap3A_2166], %gather3A_2165 {strides = array<i32>} : memref<2000xf32, #tpu.memory_space<vmem>>, vector<16xf32>,
          %get3A_2168 = arith.constant 288 : index
          %get3A_2169 = tpu.vector_load %arg10[%get3A_2168] {strides = array<i32>} : memref<2000xi32, #tpu.memory_space<vmem>>, vector<16xi32>,
          %gather3A_2170 = tpu.vector_load_idx %arg6[%get3A_2169] : memref<100000xf32, #tpu.memory_space<vmem>>[vector<16xi32>], vector<16xf32>,
          %swap3A_2171 = arith.constant 288 : index
          %swap3A_2172 = tpu.vector_load %arg14[%swap3A_2171] {strides = array<i32>} : memref<2000xf32, #tpu.memory_space<vmem>>, vector<16xf32>,
          tpu.vector_store %arg14[%swap3A_2171], %gather3A_2170 {strides = array<i32>} : memref<2000xf32, #tpu.memory_space<vmem>>, vector<16xf32>,
          %get3A_2173 = arith.constant 304 : index
          %get3A_2174 = tpu.vector_load %arg10[%get3A_2173] {strides = array<i32>} : memref<2000xi32, #tpu.memory_space<vmem>>, vector<16xi32>,
          %gather3A_2175 = tpu.vector_load_idx %arg6[%get3A_2174] : memref<100000xf32, #tpu.memory_space<vmem>>[vector<16xi32>], vector<16xf32>,
          %swap3A_2176 = arith.constant 304 : index
          %swap3A_2177 = tpu.vector_load %arg14[%swap3A_2176] {strides = array<i32>} : memref<2000xf32, #tpu.memory_space<vmem>>, vector<16xf32>,
          tpu.vector_store %arg14[%swap3A_2176], %gather3A_2175 {strides = array<i32>} : memref<2000xf32, #tpu.memory_space<vmem>>, vector<16xf32>,
          %get3A_2178 = arith.constant 320 : index
          %get3A_2179 = tpu.vector_load %arg10[%get3A_2178] {strides = array<i32>} : memref<2000xi32, #tpu.memory_space<vmem>>, vector<16xi32>,
          %gather3A_2180 = tpu.vector_load_idx %arg6[%get3A_2179] : memref<100000xf32, #tpu.memory_space<vmem>>[vector<16xi32>], vector<16xf32>,
          %swap3A_2181 = arith.constant 320 : index
          %swap3A_2182 = tpu.vector_load %arg14[%swap3A_2181] {strides = array<i32>} : memref<2000xf32, #tpu.memory_space<vmem>>, vector<16xf32>,
          tpu.vector_store %arg14[%swap3A_2181], %gather3A_2180 {strides = array<i32>} : memref<2000xf32, #tpu.memory_space<vmem>>, vector<16xf32>,
          %get3A_2183 = arith.constant 336 : index
          %get3A_2184 = tpu.vector_load %arg10[%get3A_2183] {strides = array<i32>} : memref<2000xi32, #tpu.memory_space<vmem>>, vector<16xi32>,
          %gather3A_2185 = tpu.vector_load_idx %arg6[%get3A_2184] : memref<100000xf32, #tpu.memory_space<vmem>>[vector<16xi32>], vector<16xf32>,
          %swap3A_2186 = arith.constant 336 : index
          %swap3A_2187 = tpu.vector_load %arg14[%swap3A_2186] {strides = array<i32>} : memref<2000xf32, #tpu.memory_space<vmem>>, vector<16xf32>,
          tpu.vector_store %arg14[%swap3A_2186], %gather3A_2185 {strides = array<i32>} : memref<2000xf32, #tpu.memory_space<vmem>>, vector<16xf32>,
          %get3A_2188 = arith.constant 352 : index
          %get3A_2189 = tpu.vector_load %arg10[%get3A_2188] {strides = array<i32>} : memref<2000xi32, #tpu.memory_space<vmem>>, vector<16xi32>,
          %gather3A_2190 = tpu.vector_load_idx %arg6[%get3A_2189] : memref<100000xf32, #tpu.memory_space<vmem>>[vector<16xi32>], vector<16xf32>,
          %swap3A_2191 = arith.constant 352 : index
          %swap3A_2192 = tpu.vector_load %arg14[%swap3A_2191] {strides = array<i32>} : memref<2000xf32, #tpu.memory_space<vmem>>, vector<16xf32>,
          tpu.vector_store %arg14[%swap3A_2191], %gather3A_2190 {strides = array<i32>} : memref<2000xf32, #tpu.memory_space<vmem>>, vector<16xf32>,
          %get3A_2193 = arith.constant 368 : index
          %get3A_2194 = tpu.vector_load %arg10[%get3A_2193] {strides = array<i32>} : memref<2000xi32, #tpu.memory_space<vmem>>, vector<16xi32>,
          %gather3A_2195 = tpu.vector_load_idx %arg6[%get3A_2194] : memref<100000xf32, #tpu.memory_space<vmem>>[vector<16xi32>], vector<16xf32>,
          %swap3A_2196 = arith.constant 368 : index
          %swap3A_2197 = tpu.vector_load %arg14[%swap3A_2196] {strides = array<i32>} : memref<2000xf32, #tpu.memory_space<vmem>>, vector<16xf32>,
          tpu.vector_store %arg14[%swap3A_2196], %gather3A_2195 {strides = array<i32>} : memref<2000xf32, #tpu.memory_space<vmem>>, vector<16xf32>,
          %get3A_2198 = arith.constant 384 : index
          %get3A_2199 = tpu.vector_load %arg10[%get3A_2198] {strides = array<i32>} : memref<2000xi32, #tpu.memory_space<vmem>>, vector<16xi32>,
          %gather3A_2200 = tpu.vector_load_idx %arg6[%get3A_2199] : memref<100000xf32, #tpu.memory_space<vmem>>[vector<16xi32>], vector<16xf32>,
          %swap3A_2201 = arith.constant 384 : index
          %swap3A_2202 = tpu.vector_load %arg14[%swap3A_2201] {strides = array<i32>} : memref<2000xf32, #tpu.memory_space<vmem>>, vector<16xf32>,
          tpu.vector_store %arg14[%swap3A_2201], %gather3A_2200 {strides = array<i32>} : memref<2000xf32, #tpu.memory_space<vmem>>, vector<16xf32>,
          %get3A_2203 = arith.constant 400 : index
          %get3A_2204 = tpu.vector_load %arg10[%get3A_2203] {strides = array<i32>} : memref<2000xi32, #tpu.memory_space<vmem>>, vector<16xi32>,
          %gather3A_2205 = tpu.vector_load_idx %arg6[%get3A_2204] : memref<100000xf32, #tpu.memory_space<vmem>>[vector<16xi32>], vector<16xf32>,
          %swap3A_2206 = arith.constant 400 : index
          %swap3A_2207 = tpu.vector_load %arg14[%swap3A_2206] {strides = array<i32>} : memref<2000xf32, #tpu.memory_space<vmem>>, vector<16xf32>,
          tpu.vector_store %arg14[%swap3A_2206], %gather3A_2205 {strides = array<i32>} : memref<2000xf32, #tpu.memory_space<vmem>>, vector<16xf32>,
          %get3A_2208 = arith.constant 416 : index
          %get3A_2209 = tpu.vector_load %arg10[%get3A_2208] {strides = array<i32>} : memref<2000xi32, #tpu.memory_space<vmem>>, vector<16xi32>,
          %gather3A_2210 = tpu.vector_load_idx %arg6[%get3A_2209] : memref<100000xf32, #tpu.memory_space<vmem>>[vector<16xi32>], vector<16xf32>,
          %swap3A_2211 = arith.constant 416 : index
          %swap3A_2212 = tpu.vector_load %arg14[%swap3A_2211] {strides = array<i32>} : memref<2000xf32, #tpu.memory_space<vmem>>, vector<16xf32>,
          tpu.vector_store %arg14[%swap3A_2211], %gather3A_2210 {strides = array<i32>} : memref<2000xf32, #tpu.memory_space<vmem>>, vector<16xf32>,
          %get3A_2213 = arith.constant 432 : index
          %get3A_2214 = tpu.vector_load %arg10[%get3A_2213] {strides = array<i32>} : memref<2000xi32, #tpu.memory_space<vmem>>, vector<16xi32>,
          %gather3A_2215 = tpu.vector_load_idx %arg6[%get3A_2214] : memref<100000xf32, #tpu.memory_space<vmem>>[vector<16xi32>], vector<16xf32>,
          %swap3A_2216 = arith.constant 432 : index
          %swap3A_2217 = tpu.vector_load %arg14[%swap3A_2216] {strides = array<i32>} : memref<2000xf32, #tpu.memory_space<vmem>>, vector<16xf32>,
          tpu.vector_store %arg14[%swap3A_2216], %gather3A_2215 {strides = array<i32>} : memref<2000xf32, #tpu.memory_space<vmem>>, vector<16xf32>,
          %get3A_2218 = arith.constant 448 : index
          %get3A_2219 = tpu.vector_load %arg10[%get3A_2218] {strides = array<i32>} : memref<2000xi32, #tpu.memory_space<vmem>>, vector<16xi32>,
          %gather3A_2220 = tpu.vector_load_idx %arg6[%get3A_2219] : memref<100000xf32, #tpu.memory_space<vmem>>[vector<16xi32>], vector<16xf32>,
          %swap3A_2221 = arith.constant 448 : index
          %swap3A_2222 = tpu.vector_load %arg14[%swap3A_2221] {strides = array<i32>} : memref<2000xf32, #tpu.memory_space<vmem>>, vector<16xf32>,
          tpu.vector_store %arg14[%swap3A_2221], %gather3A_2220 {strides = array<i32>} : memref<2000xf32, #tpu.memory_space<vmem>>, vector<16xf32>,
          %get3A_2223 = arith.constant 464 : index
          %get3A_2224 = tpu.vector_load %arg10[%get3A_2223] {strides = array<i32>} : memref<2000xi32, #tpu.memory_space<vmem>>, vector<16xi32>,
          %gather3A_2225 = tpu.vector_load_idx %arg6[%get3A_2224] : memref<100000xf32, #tpu.memory_space<vmem>>[vector<16xi32>], vector<16xf32>,
          %swap3A_2226 = arith.constant 464 : index
          %swap3A_2227 = tpu.vector_load %arg14[%swap3A_2226] {strides = array<i32>} : memref<2000xf32, #tpu.memory_space<vmem>>, vector<16xf32>,
          tpu.vector_store %arg14[%swap3A_2226], %gather3A_2225 {strides = array<i32>} : memref<2000xf32, #tpu.memory_space<vmem>>, vector<16xf32>,
          %get3A_2228 = arith.constant 480 : index
          %get3A_2229 = tpu.vector_load %arg10[%get3A_2228] {strides = array<i32>} : memref<2000xi32, #tpu.memory_space<vmem>>, vector<16xi32>,
          %gather3A_2230 = tpu.vector_load_idx %arg6[%get3A_2229] : memref<100000xf32, #tpu.memory_space<vmem>>[vector<16xi32>], vector<16xf32>,
          %swap3A_2231 = arith.constant 480 : index
          %swap3A_2232 = tpu.vector_load %arg14[%swap3A_2231] {strides = array<i32>} : memref<2000xf32, #tpu.memory_space<vmem>>, vector<16xf32>,
          tpu.vector_store %arg14[%swap3A_2231], %gather3A_2230 {strides = array<i32>} : memref<2000xf32, #tpu.memory_space<vmem>>, vector<16xf32>,
          %get3A_2233 = arith.constant 496 : index
          %get3A_2234 = tpu.vector_load %arg10[%get3A_2233] {strides = array<i32>} : memref<2000xi32, #tpu.memory_space<vmem>>, vector<16xi32>,
          %gather3A_2235 = tpu.vector_load_idx %arg6[%get3A_2234] : memref<100000xf32, #tpu.memory_space<vmem>>[vector<16xi32>], vector<16xf32>,
          %swap3A_2236 = arith.constant 496 : index
          %swap3A_2237 = tpu.vector_load %arg14[%swap3A_2236] {strides = array<i32>} : memref<2000xf32, #tpu.memory_space<vmem>>, vector<16xf32>,
          tpu.vector_store %arg14[%swap3A_2236], %gather3A_2235 {strides = array<i32>} : memref<2000xf32, #tpu.memory_space<vmem>>, vector<16xf32>,
          %get3A_2238 = arith.constant 512 : index
          %get3A_2239 = tpu.vector_load %arg10[%get3A_2238] {strides = array<i32>} : memref<2000xi32, #tpu.memory_space<vmem>>, vector<16xi32>,
          %gather3A_2240 = tpu.vector_load_idx %arg6[%get3A_2239] : memref<100000xf32, #tpu.memory_space<vmem>>[vector<16xi32>], vector<16xf32>,
          %swap3A_2241 = arith.constant 512 : index
          %swap3A_2242 = tpu.vector_load %arg14[%swap3A_2241] {strides = array<i32>} : memref<2000xf32, #tpu.memory_space<vmem>>, vector<16xf32>,
          tpu.vector_store %arg14[%swap3A_2241], %gather3A_2240 {strides = array<i32>} : memref<2000xf32, #tpu.memory_space<vmem>>, vector<16xf32>,
          %get3A_2243 = arith.constant 528 : index
          %get3A_2244 = tpu.vector_load %arg10[%get3A_2243] {strides = array<i32>} : memref<2000xi32, #tpu.memory_space<vmem>>, vector<16xi32>,
          %gather3A_2245 = tpu.vector_load_idx %arg6[%get3A_2244] : memref<100000xf32, #tpu.memory_space<vmem>>[vector<16xi32>], vector<16xf32>,
          %swap3A_2246 = arith.constant 528 : index
          %swap3A_2247 = tpu.vector_load %arg14[%swap3A_2246] {strides = array<i32>} : memref<2000xf32, #tpu.memory_space<vmem>>, vector<16xf32>,
          tpu.vector_store %arg14[%swap3A_2246], %gather3A_2245 {strides = array<i32>} : memref<2000xf32, #tpu.memory_space<vmem>>, vector<16xf32>,
          %get3A_2248 = arith.constant 544 : index
          %get3A_2249 = tpu.vector_load %arg10[%get3A_2248] {strides = array<i32>} : memref<2000xi32, #tpu.memory_space<vmem>>, vector<16xi32>,
          %gather3A_2250 = tpu.vector_load_idx %arg6[%get3A_2249] : memref<100000xf32, #tpu.memory_space<vmem>>[vector<16xi32>], vector<16xf32>,
          %swap3A_2251 = arith.constant 544 : index
          %swap3A_2252 = tpu.vector_load %arg14[%swap3A_2251] {strides = array<i32>} : memref<2000xf32, #tpu.memory_space<vmem>>, vector<16xf32>,
          tpu.vector_store %arg14[%swap3A_2251], %gather3A_2250 {strides = array<i32>} : memref<2000xf32, #tpu.memory_space<vmem>>, vector<16xf32>,
          %get3A_2253 = arith.constant 560 : index
          %get3A_2254 = tpu.vector_load %arg10[%get3A_2253] {strides = array<i32>} : memref<2000xi32, #tpu.memory_space<vmem>>, vector<16xi32>,
          %gather3A_2255 = tpu.vector_load_idx %arg6[%get3A_2254] : memref<100000xf32, #tpu.memory_space<vmem>>[vector<16xi32>], vector<16xf32>,
          %swap3A_2256 = arith.constant 560 : index
          %swap3A_2257 = tpu.vector_load %arg14[%swap3A_2256] {strides = array<i32>} : memref<2000xf32, #tpu.memory_space<vmem>>, vector<16xf32>,
          tpu.vector_store %arg14[%swap3A_2256], %gather3A_2255 {strides = array<i32>} : memref<2000xf32, #tpu.memory_space<vmem>>, vector<16xf32>,
          %get3A_2258 = arith.constant 576 : index
          %get3A_2259 = tpu.vector_load %arg10[%get3A_2258] {strides = array<i32>} : memref<2000xi32, #tpu.memory_space<vmem>>, vector<16xi32>,
          %gather3A_2260 = tpu.vector_load_idx %arg6[%get3A_2259] : memref<100000xf32, #tpu.memory_space<vmem>>[vector<16xi32>], vector<16xf32>,
          %swap3A_2261 = arith.constant 576 : index
          %swap3A_2262 = tpu.vector_load %arg14[%swap3A_2261] {strides = array<i32>} : memref<2000xf32, #tpu.memory_space<vmem>>, vector<16xf32>,
          tpu.vector_store %arg14[%swap3A_2261], %gather3A_2260 {strides = array<i32>} : memref<2000xf32, #tpu.memory_space<vmem>>, vector<16xf32>,
          %get3A_2263 = arith.constant 592 : index
          %get3A_2264 = tpu.vector_load %arg10[%get3A_2263] {strides = array<i32>} : memref<2000xi32, #tpu.memory_space<vmem>>, vector<16xi32>,
          %gather3A_2265 = tpu.vector_load_idx %arg6[%get3A_2264] : memref<100000xf32, #tpu.memory_space<vmem>>[vector<16xi32>], vector<16xf32>,
          %swap3A_2266 = arith.constant 592 : index
          %swap3A_2267 = tpu.vector_load %arg14[%swap3A_2266] {strides = array<i32>} : memref<2000xf32, #tpu.memory_space<vmem>>, vector<16xf32>,
          tpu.vector_store %arg14[%swap3A_2266], %gather3A_2265 {strides = array<i32>} : memref<2000xf32, #tpu.memory_space<vmem>>, vector<16xf32>,
          %get3A_2268 = arith.constant 608 : index
          %get3A_2269 = tpu.vector_load %arg10[%get3A_2268] {strides = array<i32>} : memref<2000xi32, #tpu.memory_space<vmem>>, vector<16xi32>,
          %gather3A_2270 = tpu.vector_load_idx %arg6[%get3A_2269] : memref<100000xf32, #tpu.memory_space<vmem>>[vector<16xi32>], vector<16xf32>,
          %swap3A_2271 = arith.constant 608 : index
          %swap3A_2272 = tpu.vector_load %arg14[%swap3A_2271] {strides = array<i32>} : memref<2000xf32, #tpu.memory_space<vmem>>, vector<16xf32>,
          tpu.vector_store %arg14[%swap3A_2271], %gather3A_2270 {strides = array<i32>} : memref<2000xf32, #tpu.memory_space<vmem>>, vector<16xf32>,
          %get3A_2273 = arith.constant 624 : index
          %get3A_2274 = tpu.vector_load %arg10[%get3A_2273] {strides = array<i32>} : memref<2000xi32, #tpu.memory_space<vmem>>, vector<16xi32>,
          %gather3A_2275 = tpu.vector_load_idx %arg6[%get3A_2274] : memref<100000xf32, #tpu.memory_space<vmem>>[vector<16xi32>], vector<16xf32>,
          %swap3A_2276 = arith.constant 624 : index
          %swap3A_2277 = tpu.vector_load %arg14[%swap3A_2276] {strides = array<i32>} : memref<2000xf32, #tpu.memory_space<vmem>>, vector<16xf32>,
          tpu.vector_store %arg14[%swap3A_2276], %gather3A_2275 {strides = array<i32>} : memref<2000xf32, #tpu.memory_space<vmem>>, vector<16xf32>,
          %get3A_2278 = arith.constant 640 : index
          %get3A_2279 = tpu.vector_load %arg10[%get3A_2278] {strides = array<i32>} : memref<2000xi32, #tpu.memory_space<vmem>>, vector<16xi32>,
          %gather3A_2280 = tpu.vector_load_idx %arg6[%get3A_2279] : memref<100000xf32, #tpu.memory_space<vmem>>[vector<16xi32>], vector<16xf32>,
          %swap3A_2281 = arith.constant 640 : index
          %swap3A_2282 = tpu.vector_load %arg14[%swap3A_2281] {strides = array<i32>} : memref<2000xf32, #tpu.memory_space<vmem>>, vector<16xf32>,
          tpu.vector_store %arg14[%swap3A_2281], %gather3A_2280 {strides = array<i32>} : memref<2000xf32, #tpu.memory_space<vmem>>, vector<16xf32>,
          %get3A_2283 = arith.constant 656 : index
          %get3A_2284 = tpu.vector_load %arg10[%get3A_2283] {strides = array<i32>} : memref<2000xi32, #tpu.memory_space<vmem>>, vector<16xi32>,
          %gather3A_2285 = tpu.vector_load_idx %arg6[%get3A_2284] : memref<100000xf32, #tpu.memory_space<vmem>>[vector<16xi32>], vector<16xf32>,
          %swap3A_2286 = arith.constant 656 : index
          %swap3A_2287 = tpu.vector_load %arg14[%swap3A_2286] {strides = array<i32>} : memref<2000xf32, #tpu.memory_space<vmem>>, vector<16xf32>,
          tpu.vector_store %arg14[%swap3A_2286], %gather3A_2285 {strides = array<i32>} : memref<2000xf32, #tpu.memory_space<vmem>>, vector<16xf32>,
          %get3A_2288 = arith.constant 672 : index
          %get3A_2289 = tpu.vector_load %arg10[%get3A_2288] {strides = array<i32>} : memref<2000xi32, #tpu.memory_space<vmem>>, vector<16xi32>,
          %gather3A_2290 = tpu.vector_load_idx %arg6[%get3A_2289] : memref<100000xf32, #tpu.memory_space<vmem>>[vector<16xi32>], vector<16xf32>,
          %swap3A_2291 = arith.constant 672 : index
          %swap3A_2292 = tpu.vector_load %arg14[%swap3A_2291] {strides = array<i32>} : memref<2000xf32, #tpu.memory_space<vmem>>, vector<16xf32>,
          tpu.vector_store %arg14[%swap3A_2291], %gather3A_2290 {strides = array<i32>} : memref<2000xf32, #tpu.memory_space<vmem>>, vector<16xf32>,
          %get3A_2293 = arith.constant 688 : index
          %get3A_2294 = tpu.vector_load %arg10[%get3A_2293] {strides = array<i32>} : memref<2000xi32, #tpu.memory_space<vmem>>, vector<16xi32>,
          %gather3A_2295 = tpu.vector_load_idx %arg6[%get3A_2294] : memref<100000xf32, #tpu.memory_space<vmem>>[vector<16xi32>], vector<16xf32>,
          %swap3A_2296 = arith.constant 688 : index
          %swap3A_2297 = tpu.vector_load %arg14[%swap3A_2296] {strides = array<i32>} : memref<2000xf32, #tpu.memory_space<vmem>>, vector<16xf32>,
          tpu.vector_store %arg14[%swap3A_2296], %gather3A_2295 {strides = array<i32>} : memref<2000xf32, #tpu.memory_space<vmem>>, vector<16xf32>,
          %get3A_2298 = arith.constant 704 : index
          %get3A_2299 = tpu.vector_load %arg10[%get3A_2298] {strides = array<i32>} : memref<2000xi32, #tpu.memory_space<vmem>>, vector<16xi32>,
          %gather3A_2300 = tpu.vector_load_idx %arg6[%get3A_2299] : memref<100000xf32, #tpu.memory_space<vmem>>[vector<16xi32>], vector<16xf32>,
          %swap3A_2301 = arith.constant 704 : index
          %swap3A_2302 = tpu.vector_load %arg14[%swap3A_2301] {strides = array<i32>} : memref<2000xf32, #tpu.memory_space<vmem>>, vector<16xf32>,
          tpu.vector_store %arg14[%swap3A_2301], %gather3A_2300 {strides = array<i32>} : memref<2000xf32, #tpu.memory_space<vmem>>, vector<16xf32>,
          %get3A_2303 = arith.constant 720 : index
          %get3A_2304 = tpu.vector_load %arg10[%get3A_2303] {strides = array<i32>} : memref<2000xi32, #tpu.memory_space<vmem>>, vector<16xi32>,
          %gather3A_2305 = tpu.vector_load_idx %arg6[%get3A_2304] : memref<100000xf32, #tpu.memory_space<vmem>>[vector<16xi32>], vector<16xf32>,
          %swap3A_2306 = arith.constant 720 : index
          %swap3A_2307 = tpu.vector_load %arg14[%swap3A_2306] {strides = array<i32>} : memref<2000xf32, #tpu.memory_space<vmem>>, vector<16xf32>,
          tpu.vector_store %arg14[%swap3A_2306], %gather3A_2305 {strides = array<i32>} : memref<2000xf32, #tpu.memory_space<vmem>>, vector<16xf32>,
          %get3A_2308 = arith.constant 736 : index
          %get3A_2309 = tpu.vector_load %arg10[%get3A_2308] {strides = array<i32>} : memref<2000xi32, #tpu.memory_space<vmem>>, vector<16xi32>,
          %gather3A_2310 = tpu.vector_load_idx %arg6[%get3A_2309] : memref<100000xf32, #tpu.memory_space<vmem>>[vector<16xi32>], vector<16xf32>,
          %swap3A_2311 = arith.constant 736 : index
          %swap3A_2312 = tpu.vector_load %arg14[%swap3A_2311] {strides = array<i32>} : memref<2000xf32, #tpu.memory_space<vmem>>, vector<16xf32>,
          tpu.vector_store %arg14[%swap3A_2311], %gather3A_2310 {strides = array<i32>} : memref<2000xf32, #tpu.memory_space<vmem>>, vector<16xf32>,
          %get3A_2313 = arith.constant 752 : index
          %get3A_2314 = tpu.vector_load %arg10[%get3A_2313] {strides = array<i32>} : memref<2000xi32, #tpu.memory_space<vmem>>, vector<16xi32>,
          %gather3A_2315 = tpu.vector_load_idx %arg6[%get3A_2314] : memref<100000xf32, #tpu.memory_space<vmem>>[vector<16xi32>], vector<16xf32>,
          %swap3A_2316 = arith.constant 752 : index
          %swap3A_2317 = tpu.vector_load %arg14[%swap3A_2316] {strides = array<i32>} : memref<2000xf32, #tpu.memory_space<vmem>>, vector<16xf32>,
          tpu.vector_store %arg14[%swap3A_2316], %gather3A_2315 {strides = array<i32>} : memref<2000xf32, #tpu.memory_space<vmem>>, vector<16xf32>,
          %get3A_2318 = arith.constant 768 : index
          %get3A_2319 = tpu.vector_load %arg10[%get3A_2318] {strides = array<i32>} : memref<2000xi32, #tpu.memory_space<vmem>>, vector<16xi32>,
          %gather3A_2320 = tpu.vector_load_idx %arg6[%get3A_2319] : memref<100000xf32, #tpu.memory_space<vmem>>[vector<16xi32>], vector<16xf32>,
          %swap3A_2321 = arith.constant 768 : index
          %swap3A_2322 = tpu.vector_load %arg14[%swap3A_2321] {strides = array<i32>} : memref<2000xf32, #tpu.memory_space<vmem>>, vector<16xf32>,
          tpu.vector_store %arg14[%swap3A_2321], %gather3A_2320 {strides = array<i32>} : memref<2000xf32, #tpu.memory_space<vmem>>, vector<16xf32>,
          %get3A_2323 = arith.constant 784 : index
          %get3A_2324 = tpu.vector_load %arg10[%get3A_2323] {strides = array<i32>} : memref<2000xi32, #tpu.memory_space<vmem>>, vector<16xi32>,
          %gather3A_2325 = tpu.vector_load_idx %arg6[%get3A_2324] : memref<100000xf32, #tpu.memory_space<vmem>>[vector<16xi32>], vector<16xf32>,
          %swap3A_2326 = arith.constant 784 : index
          %swap3A_2327 = tpu.vector_load %arg14[%swap3A_2326] {strides = array<i32>} : memref<2000xf32, #tpu.memory_space<vmem>>, vector<16xf32>,
          tpu.vector_store %arg14[%swap3A_2326], %gather3A_2325 {strides = array<i32>} : memref<2000xf32, #tpu.memory_space<vmem>>, vector<16xf32>,
          %get3A_2328 = arith.constant 800 : index
          %get3A_2329 = tpu.vector_load %arg10[%get3A_2328] {strides = array<i32>} : memref<2000xi32, #tpu.memory_space<vmem>>, vector<16xi32>,
          %gather3A_2330 = tpu.vector_load_idx %arg6[%get3A_2329] : memref<100000xf32, #tpu.memory_space<vmem>>[vector<16xi32>], vector<16xf32>,
          %swap3A_2331 = arith.constant 800 : index
          %swap3A_2332 = tpu.vector_load %arg14[%swap3A_2331] {strides = array<i32>} : memref<2000xf32, #tpu.memory_space<vmem>>, vector<16xf32>,
          tpu.vector_store %arg14[%swap3A_2331], %gather3A_2330 {strides = array<i32>} : memref<2000xf32, #tpu.memory_space<vmem>>, vector<16xf32>,
          %get3A_2333 = arith.constant 816 : index
          %get3A_2334 = tpu.vector_load %arg10[%get3A_2333] {strides = array<i32>} : memref<2000xi32, #tpu.memory_space<vmem>>, vector<16xi32>,
          %gather3A_2335 = tpu.vector_load_idx %arg6[%get3A_2334] : memref<100000xf32, #tpu.memory_space<vmem>>[vector<16xi32>], vector<16xf32>,
          %swap3A_2336 = arith.constant 816 : index
          %swap3A_2337 = tpu.vector_load %arg14[%swap3A_2336] {strides = array<i32>} : memref<2000xf32, #tpu.memory_space<vmem>>, vector<16xf32>,
          tpu.vector_store %arg14[%swap3A_2336], %gather3A_2335 {strides = array<i32>} : memref<2000xf32, #tpu.memory_space<vmem>>, vector<16xf32>,
          %get3A_2338 = arith.constant 832 : index
          %get3A_2339 = tpu.vector_load %arg10[%get3A_2338] {strides = array<i32>} : memref<2000xi32, #tpu.memory_space<vmem>>, vector<16xi32>,
          %gather3A_2340 = tpu.vector_load_idx %arg6[%get3A_2339] : memref<100000xf32, #tpu.memory_space<vmem>>[vector<16xi32>], vector<16xf32>,
          %swap3A_2341 = arith.constant 832 : index
          %swap3A_2342 = tpu.vector_load %arg14[%swap3A_2341] {strides = array<i32>} : memref<2000xf32, #tpu.memory_space<vmem>>, vector<16xf32>,
          tpu.vector_store %arg14[%swap3A_2341], %gather3A_2340 {strides = array<i32>} : memref<2000xf32, #tpu.memory_space<vmem>>, vector<16xf32>,
          %get3A_2343 = arith.constant 848 : index
          %get3A_2344 = tpu.vector_load %arg10[%get3A_2343] {strides = array<i32>} : memref<2000xi32, #tpu.memory_space<vmem>>, vector<16xi32>,
          %gather3A_2345 = tpu.vector_load_idx %arg6[%get3A_2344] : memref<100000xf32, #tpu.memory_space<vmem>>[vector<16xi32>], vector<16xf32>,
          %swap3A_2346 = arith.constant 848 : index
          %swap3A_2347 = tpu.vector_load %arg14[%swap3A_2346] {strides = array<i32>} : memref<2000xf32, #tpu.memory_space<vmem>>, vector<16xf32>,
          tpu.vector_store %arg14[%swap3A_2346], %gather3A_2345 {strides = array<i32>} : memref<2000xf32, #tpu.memory_space<vmem>>, vector<16xf32>,
          %get3A_2348 = arith.constant 864 : index
          %get3A_2349 = tpu.vector_load %arg10[%get3A_2348] {strides = array<i32>} : memref<2000xi32, #tpu.memory_space<vmem>>, vector<16xi32>,
          %gather3A_2350 = tpu.vector_load_idx %arg6[%get3A_2349] : memref<100000xf32, #tpu.memory_space<vmem>>[vector<16xi32>], vector<16xf32>,
          %swap3A_2351 = arith.constant 864 : index
          %swap3A_2352 = tpu.vector_load %arg14[%swap3A_2351] {strides = array<i32>} : memref<2000xf32, #tpu.memory_space<vmem>>, vector<16xf32>,
          tpu.vector_store %arg14[%swap3A_2351], %gather3A_2350 {strides = array<i32>} : memref<2000xf32, #tpu.memory_space<vmem>>, vector<16xf32>,
          %get3A_2353 = arith.constant 880 : index
          %get3A_2354 = tpu.vector_load %arg10[%get3A_2353] {strides = array<i32>} : memref<2000xi32, #tpu.memory_space<vmem>>, vector<16xi32>,
          %gather3A_2355 = tpu.vector_load_idx %arg6[%get3A_2354] : memref<100000xf32, #tpu.memory_space<vmem>>[vector<16xi32>], vector<16xf32>,
          %swap3A_2356 = arith.constant 880 : index
          %swap3A_2357 = tpu.vector_load %arg14[%swap3A_2356] {strides = array<i32>} : memref<2000xf32, #tpu.memory_space<vmem>>, vector<16xf32>,
          tpu.vector_store %arg14[%swap3A_2356], %gather3A_2355 {strides = array<i32>} : memref<2000xf32, #tpu.memory_space<vmem>>, vector<16xf32>,
          %get3A_2358 = arith.constant 896 : index
          %get3A_2359 = tpu.vector_load %arg10[%get3A_2358] {strides = array<i32>} : memref<2000xi32, #tpu.memory_space<vmem>>, vector<16xi32>,
          %gather3A_2360 = tpu.vector_load_idx %arg6[%get3A_2359] : memref<100000xf32, #tpu.memory_space<vmem>>[vector<16xi32>], vector<16xf32>,
          %swap3A_2361 = arith.constant 896 : index
          %swap3A_2362 = tpu.vector_load %arg14[%swap3A_2361] {strides = array<i32>} : memref<2000xf32, #tpu.memory_space<vmem>>, vector<16xf32>,
          tpu.vector_store %arg14[%swap3A_2361], %gather3A_2360 {strides = array<i32>} : memref<2000xf32, #tpu.memory_space<vmem>>, vector<16xf32>,
          %get3A_2363 = arith.constant 912 : index
          %get3A_2364 = tpu.vector_load %arg10[%get3A_2363] {strides = array<i32>} : memref<2000xi32, #tpu.memory_space<vmem>>, vector<16xi32>,
          %gather3A_2365 = tpu.vector_load_idx %arg6[%get3A_2364] : memref<100000xf32, #tpu.memory_space<vmem>>[vector<16xi32>], vector<16xf32>,
          %swap3A_2366 = arith.constant 912 : index
          %swap3A_2367 = tpu.vector_load %arg14[%swap3A_2366] {strides = array<i32>} : memref<2000xf32, #tpu.memory_space<vmem>>, vector<16xf32>,
          tpu.vector_store %arg14[%swap3A_2366], %gather3A_2365 {strides = array<i32>} : memref<2000xf32, #tpu.memory_space<vmem>>, vector<16xf32>,
          %get3A_2368 = arith.constant 928 : index
          %get3A_2369 = tpu.vector_load %arg10[%get3A_2368] {strides = array<i32>} : memref<2000xi32, #tpu.memory_space<vmem>>, vector<16xi32>,
          %gather3A_2370 = tpu.vector_load_idx %arg6[%get3A_2369] : memref<100000xf32, #tpu.memory_space<vmem>>[vector<16xi32>], vector<16xf32>,
          %swap3A_2371 = arith.constant 928 : index
          %swap3A_2372 = tpu.vector_load %arg14[%swap3A_2371] {strides = array<i32>} : memref<2000xf32, #tpu.memory_space<vmem>>, vector<16xf32>,
          tpu.vector_store %arg14[%swap3A_2371], %gather3A_2370 {strides = array<i32>} : memref<2000xf32, #tpu.memory_space<vmem>>, vector<16xf32>,
          %get3A_2373 = arith.constant 944 : index
          %get3A_2374 = tpu.vector_load %arg10[%get3A_2373] {strides = array<i32>} : memref<2000xi32, #tpu.memory_space<vmem>>, vector<16xi32>,
          %gather3A_2375 = tpu.vector_load_idx %arg6[%get3A_2374] : memref<100000xf32, #tpu.memory_space<vmem>>[vector<16xi32>], vector<16xf32>,
          %swap3A_2376 = arith.constant 944 : index
          %swap3A_2377 = tpu.vector_load %arg14[%swap3A_2376] {strides = array<i32>} : memref<2000xf32, #tpu.memory_space<vmem>>, vector<16xf32>,
          tpu.vector_store %arg14[%swap3A_2376], %gather3A_2375 {strides = array<i32>} : memref<2000xf32, #tpu.memory_space<vmem>>, vector<16xf32>,
          %get3A_2378 = arith.constant 960 : index
          %get3A_2379 = tpu.vector_load %arg10[%get3A_2378] {strides = array<i32>} : memref<2000xi32, #tpu.memory_space<vmem>>, vector<16xi32>,
          %gather3A_2380 = tpu.vector_load_idx %arg6[%get3A_2379] : memref<100000xf32, #tpu.memory_space<vmem>>[vector<16xi32>], vector<16xf32>,
          %swap3A_2381 = arith.constant 960 : index
          %swap3A_2382 = tpu.vector_load %arg14[%swap3A_2381] {strides = array<i32>} : memref<2000xf32, #tpu.memory_space<vmem>>, vector<16xf32>,
          tpu.vector_store %arg14[%swap3A_2381], %gather3A_2380 {strides = array<i32>} : memref<2000xf32, #tpu.memory_space<vmem>>, vector<16xf32>,
          %get3A_2383 = arith.constant 976 : index
          %get3A_2384 = tpu.vector_load %arg10[%get3A_2383] {strides = array<i32>} : memref<2000xi32, #tpu.memory_space<vmem>>, vector<16xi32>,
          %gather3A_2385 = tpu.vector_load_idx %arg6[%get3A_2384] : memref<100000xf32, #tpu.memory_space<vmem>>[vector<16xi32>], vector<16xf32>,
          %swap3A_2386 = arith.constant 976 : index
          %swap3A_2387 = tpu.vector_load %arg14[%swap3A_2386] {strides = array<i32>} : memref<2000xf32, #tpu.memory_space<vmem>>, vector<16xf32>,
          tpu.vector_store %arg14[%swap3A_2386], %gather3A_2385 {strides = array<i32>} : memref<2000xf32, #tpu.memory_space<vmem>>, vector<16xf32>,
          %get3A_2388 = arith.constant 992 : index
          %get3A_2389 = tpu.vector_load %arg10[%get3A_2388] {strides = array<i32>} : memref<2000xi32, #tpu.memory_space<vmem>>, vector<16xi32>,
          %gather3A_2390 = tpu.vector_load_idx %arg6[%get3A_2389] : memref<100000xf32, #tpu.memory_space<vmem>>[vector<16xi32>], vector<16xf32>,
          %swap3A_2391 = arith.constant 992 : index
          %swap3A_2392 = tpu.vector_load %arg14[%swap3A_2391] {strides = array<i32>} : memref<2000xf32, #tpu.memory_space<vmem>>, vector<16xf32>,
          tpu.vector_store %arg14[%swap3A_2391], %gather3A_2390 {strides = array<i32>} : memref<2000xf32, #tpu.memory_space<vmem>>, vector<16xf32>,
          %get3A_2393 = arith.constant 1008 : index
          %get3A_2394 = tpu.vector_load %arg10[%get3A_2393] {strides = array<i32>} : memref<2000xi32, #tpu.memory_space<vmem>>, vector<16xi32>,
          %gather3A_2395 = tpu.vector_load_idx %arg6[%get3A_2394] : memref<100000xf32, #tpu.memory_space<vmem>>[vector<16xi32>], vector<16xf32>,
          %swap3A_2396 = arith.constant 1008 : index
          %swap3A_2397 = tpu.vector_load %arg14[%swap3A_2396] {strides = array<i32>} : memref<2000xf32, #tpu.memory_space<vmem>>, vector<16xf32>,
          tpu.vector_store %arg14[%swap3A_2396], %gather3A_2395 {strides = array<i32>} : memref<2000xf32, #tpu.memory_space<vmem>>, vector<16xf32>,
          %get3A_2398 = arith.constant 1024 : index
          %get3A_2399 = tpu.vector_load %arg10[%get3A_2398] {strides = array<i32>} : memref<2000xi32, #tpu.memory_space<vmem>>, vector<16xi32>,
          %gather3A_2400 = tpu.vector_load_idx %arg6[%get3A_2399] : memref<100000xf32, #tpu.memory_space<vmem>>[vector<16xi32>], vector<16xf32>,
          %swap3A_2401 = arith.constant 1024 : index
          %swap3A_2402 = tpu.vector_load %arg14[%swap3A_2401] {strides = array<i32>} : memref<2000xf32, #tpu.memory_space<vmem>>, vector<16xf32>,
          tpu.vector_store %arg14[%swap3A_2401], %gather3A_2400 {strides = array<i32>} : memref<2000xf32, #tpu.memory_space<vmem>>, vector<16xf32>,
          %get3A_2403 = arith.constant 1040 : index
          %get3A_2404 = tpu.vector_load %arg10[%get3A_2403] {strides = array<i32>} : memref<2000xi32, #tpu.memory_space<vmem>>, vector<16xi32>,
          %gather3A_2405 = tpu.vector_load_idx %arg6[%get3A_2404] : memref<100000xf32, #tpu.memory_space<vmem>>[vector<16xi32>], vector<16xf32>,
          %swap3A_2406 = arith.constant 1040 : index
          %swap3A_2407 = tpu.vector_load %arg14[%swap3A_2406] {strides = array<i32>} : memref<2000xf32, #tpu.memory_space<vmem>>, vector<16xf32>,
          tpu.vector_store %arg14[%swap3A_2406], %gather3A_2405 {strides = array<i32>} : memref<2000xf32, #tpu.memory_space<vmem>>, vector<16xf32>,
          %get3A_2408 = arith.constant 1056 : index
          %get3A_2409 = tpu.vector_load %arg10[%get3A_2408] {strides = array<i32>} : memref<2000xi32, #tpu.memory_space<vmem>>, vector<16xi32>,
          %gather3A_2410 = tpu.vector_load_idx %arg6[%get3A_2409] : memref<100000xf32, #tpu.memory_space<vmem>>[vector<16xi32>], vector<16xf32>,
          %swap3A_2411 = arith.constant 1056 : index
          %swap3A_2412 = tpu.vector_load %arg14[%swap3A_2411] {strides = array<i32>} : memref<2000xf32, #tpu.memory_space<vmem>>, vector<16xf32>,
          tpu.vector_store %arg14[%swap3A_2411], %gather3A_2410 {strides = array<i32>} : memref<2000xf32, #tpu.memory_space<vmem>>, vector<16xf32>,
          %get3A_2413 = arith.constant 1072 : index
          %get3A_2414 = tpu.vector_load %arg10[%get3A_2413] {strides = array<i32>} : memref<2000xi32, #tpu.memory_space<vmem>>, vector<16xi32>,
          %gather3A_2415 = tpu.vector_load_idx %arg6[%get3A_2414] : memref<100000xf32, #tpu.memory_space<vmem>>[vector<16xi32>], vector<16xf32>,
          %swap3A_2416 = arith.constant 1072 : index
          %swap3A_2417 = tpu.vector_load %arg14[%swap3A_2416] {strides = array<i32>} : memref<2000xf32, #tpu.memory_space<vmem>>, vector<16xf32>,
          tpu.vector_store %arg14[%swap3A_2416], %gather3A_2415 {strides = array<i32>} : memref<2000xf32, #tpu.memory_space<vmem>>, vector<16xf32>,
          %get3A_2418 = arith.constant 1088 : index
          %get3A_2419 = tpu.vector_load %arg10[%get3A_2418] {strides = array<i32>} : memref<2000xi32, #tpu.memory_space<vmem>>, vector<16xi32>,
          %gather3A_2420 = tpu.vector_load_idx %arg6[%get3A_2419] : memref<100000xf32, #tpu.memory_space<vmem>>[vector<16xi32>], vector<16xf32>,
          %swap3A_2421 = arith.constant 1088 : index
          %swap3A_2422 = tpu.vector_load %arg14[%swap3A_2421] {strides = array<i32>} : memref<2000xf32, #tpu.memory_space<vmem>>, vector<16xf32>,
          tpu.vector_store %arg14[%swap3A_2421], %gather3A_2420 {strides = array<i32>} : memref<2000xf32, #tpu.memory_space<vmem>>, vector<16xf32>,
          %get3A_2423 = arith.constant 1104 : index
          %get3A_2424 = tpu.vector_load %arg10[%get3A_2423] {strides = array<i32>} : memref<2000xi32, #tpu.memory_space<vmem>>, vector<16xi32>,
          %gather3A_2425 = tpu.vector_load_idx %arg6[%get3A_2424] : memref<100000xf32, #tpu.memory_space<vmem>>[vector<16xi32>], vector<16xf32>,
          %swap3A_2426 = arith.constant 1104 : index
          %swap3A_2427 = tpu.vector_load %arg14[%swap3A_2426] {strides = array<i32>} : memref<2000xf32, #tpu.memory_space<vmem>>, vector<16xf32>,
          tpu.vector_store %arg14[%swap3A_2426], %gather3A_2425 {strides = array<i32>} : memref<2000xf32, #tpu.memory_space<vmem>>, vector<16xf32>,
          %get3A_2428 = arith.constant 1120 : index
          %get3A_2429 = tpu.vector_load %arg10[%get3A_2428] {strides = array<i32>} : memref<2000xi32, #tpu.memory_space<vmem>>, vector<16xi32>,
          %gather3A_2430 = tpu.vector_load_idx %arg6[%get3A_2429] : memref<100000xf32, #tpu.memory_space<vmem>>[vector<16xi32>], vector<16xf32>,
          %swap3A_2431 = arith.constant 1120 : index
          %swap3A_2432 = tpu.vector_load %arg14[%swap3A_2431] {strides = array<i32>} : memref<2000xf32, #tpu.memory_space<vmem>>, vector<16xf32>,
          tpu.vector_store %arg14[%swap3A_2431], %gather3A_2430 {strides = array<i32>} : memref<2000xf32, #tpu.memory_space<vmem>>, vector<16xf32>,
          %get3A_2433 = arith.constant 1136 : index
          %get3A_2434 = tpu.vector_load %arg10[%get3A_2433] {strides = array<i32>} : memref<2000xi32, #tpu.memory_space<vmem>>, vector<16xi32>,
          %gather3A_2435 = tpu.vector_load_idx %arg6[%get3A_2434] : memref<100000xf32, #tpu.memory_space<vmem>>[vector<16xi32>], vector<16xf32>,
          %swap3A_2436 = arith.constant 1136 : index
          %swap3A_2437 = tpu.vector_load %arg14[%swap3A_2436] {strides = array<i32>} : memref<2000xf32, #tpu.memory_space<vmem>>, vector<16xf32>,
          tpu.vector_store %arg14[%swap3A_2436], %gather3A_2435 {strides = array<i32>} : memref<2000xf32, #tpu.memory_space<vmem>>, vector<16xf32>,
          %get3A_2438 = arith.constant 1152 : index
          %get3A_2439 = tpu.vector_load %arg10[%get3A_2438] {strides = array<i32>} : memref<2000xi32, #tpu.memory_space<vmem>>, vector<16xi32>,
          %gather3A_2440 = tpu.vector_load_idx %arg6[%get3A_2439] : memref<100000xf32, #tpu.memory_space<vmem>>[vector<16xi32>], vector<16xf32>,
          %swap3A_2441 = arith.constant 1152 : index
          %swap3A_2442 = tpu.vector_load %arg14[%swap3A_2441] {strides = array<i32>} : memref<2000xf32, #tpu.memory_space<vmem>>, vector<16xf32>,
          tpu.vector_store %arg14[%swap3A_2441], %gather3A_2440 {strides = array<i32>} : memref<2000xf32, #tpu.memory_space<vmem>>, vector<16xf32>,
          %get3A_2443 = arith.constant 1168 : index
          %get3A_2444 = tpu.vector_load %arg10[%get3A_2443] {strides = array<i32>} : memref<2000xi32, #tpu.memory_space<vmem>>, vector<16xi32>,
          %gather3A_2445 = tpu.vector_load_idx %arg6[%get3A_2444] : memref<100000xf32, #tpu.memory_space<vmem>>[vector<16xi32>], vector<16xf32>,
          %swap3A_2446 = arith.constant 1168 : index
          %swap3A_2447 = tpu.vector_load %arg14[%swap3A_2446] {strides = array<i32>} : memref<2000xf32, #tpu.memory_space<vmem>>, vector<16xf32>,
          tpu.vector_store %arg14[%swap3A_2446], %gather3A_2445 {strides = array<i32>} : memref<2000xf32, #tpu.memory_space<vmem>>, vector<16xf32>,
          %get3A_2448 = arith.constant 1184 : index
          %get3A_2449 = tpu.vector_load %arg10[%get3A_2448] {strides = array<i32>} : memref<2000xi32, #tpu.memory_space<vmem>>, vector<16xi32>,
          %gather3A_2450 = tpu.vector_load_idx %arg6[%get3A_2449] : memref<100000xf32, #tpu.memory_space<vmem>>[vector<16xi32>], vector<16xf32>,
          %swap3A_2451 = arith.constant 1184 : index
          %swap3A_2452 = tpu.vector_load %arg14[%swap3A_2451] {strides = array<i32>} : memref<2000xf32, #tpu.memory_space<vmem>>, vector<16xf32>,
          tpu.vector_store %arg14[%swap3A_2451], %gather3A_2450 {strides = array<i32>} : memref<2000xf32, #tpu.memory_space<vmem>>, vector<16xf32>,
          %get3A_2453 = arith.constant 1200 : index
          %get3A_2454 = tpu.vector_load %arg10[%get3A_2453] {strides = array<i32>} : memref<2000xi32, #tpu.memory_space<vmem>>, vector<16xi32>,
          %gather3A_2455 = tpu.vector_load_idx %arg6[%get3A_2454] : memref<100000xf32, #tpu.memory_space<vmem>>[vector<16xi32>], vector<16xf32>,
          %swap3A_2456 = arith.constant 1200 : index
          %swap3A_2457 = tpu.vector_load %arg14[%swap3A_2456] {strides = array<i32>} : memref<2000xf32, #tpu.memory_space<vmem>>, vector<16xf32>,
          tpu.vector_store %arg14[%swap3A_2456], %gather3A_2455 {strides = array<i32>} : memref<2000xf32, #tpu.memory_space<vmem>>, vector<16xf32>,
          %get3A_2458 = arith.constant 1216 : index
          %get3A_2459 = tpu.vector_load %arg10[%get3A_2458] {strides = array<i32>} : memref<2000xi32, #tpu.memory_space<vmem>>, vector<16xi32>,
          %gather3A_2460 = tpu.vector_load_idx %arg6[%get3A_2459] : memref<100000xf32, #tpu.memory_space<vmem>>[vector<16xi32>], vector<16xf32>,
          %swap3A_2461 = arith.constant 1216 : index
          %swap3A_2462 = tpu.vector_load %arg14[%swap3A_2461] {strides = array<i32>} : memref<2000xf32, #tpu.memory_space<vmem>>, vector<16xf32>,
          tpu.vector_store %arg14[%swap3A_2461], %gather3A_2460 {strides = array<i32>} : memref<2000xf32, #tpu.memory_space<vmem>>, vector<16xf32>,
          %get3A_2463 = arith.constant 1232 : index
          %get3A_2464 = tpu.vector_load %arg10[%get3A_2463] {strides = array<i32>} : memref<2000xi32, #tpu.memory_space<vmem>>, vector<16xi32>,
          %gather3A_2465 = tpu.vector_load_idx %arg6[%get3A_2464] : memref<100000xf32, #tpu.memory_space<vmem>>[vector<16xi32>], vector<16xf32>,
          %swap3A_2466 = arith.constant 1232 : index
          %swap3A_2467 = tpu.vector_load %arg14[%swap3A_2466] {strides = array<i32>} : memref<2000xf32, #tpu.memory_space<vmem>>, vector<16xf32>,
          tpu.vector_store %arg14[%swap3A_2466], %gather3A_2465 {strides = array<i32>} : memref<2000xf32, #tpu.memory_space<vmem>>, vector<16xf32>,
          %get3A_2468 = arith.constant 1248 : index
          %get3A_2469 = tpu.vector_load %arg10[%get3A_2468] {strides = array<i32>} : memref<2000xi32, #tpu.memory_space<vmem>>, vector<16xi32>,
          %gather3A_2470 = tpu.vector_load_idx %arg6[%get3A_2469] : memref<100000xf32, #tpu.memory_space<vmem>>[vector<16xi32>], vector<16xf32>,
          %swap3A_2471 = arith.constant 1248 : index
          %swap3A_2472 = tpu.vector_load %arg14[%swap3A_2471] {strides = array<i32>} : memref<2000xf32, #tpu.memory_space<vmem>>, vector<16xf32>,
          tpu.vector_store %arg14[%swap3A_2471], %gather3A_2470 {strides = array<i32>} : memref<2000xf32, #tpu.memory_space<vmem>>, vector<16xf32>,
          %get3A_2473 = arith.constant 1264 : index
          %get3A_2474 = tpu.vector_load %arg10[%get3A_2473] {strides = array<i32>} : memref<2000xi32, #tpu.memory_space<vmem>>, vector<16xi32>,
          %gather3A_2475 = tpu.vector_load_idx %arg6[%get3A_2474] : memref<100000xf32, #tpu.memory_space<vmem>>[vector<16xi32>], vector<16xf32>,
          %swap3A_2476 = arith.constant 1264 : index
          %swap3A_2477 = tpu.vector_load %arg14[%swap3A_2476] {strides = array<i32>} : memref<2000xf32, #tpu.memory_space<vmem>>, vector<16xf32>,
          tpu.vector_store %arg14[%swap3A_2476], %gather3A_2475 {strides = array<i32>} : memref<2000xf32, #tpu.memory_space<vmem>>, vector<16xf32>,
          %get3A_2478 = arith.constant 1280 : index
          %get3A_2479 = tpu.vector_load %arg10[%get3A_2478] {strides = array<i32>} : memref<2000xi32, #tpu.memory_space<vmem>>, vector<16xi32>,
          %gather3A_2480 = tpu.vector_load_idx %arg6[%get3A_2479] : memref<100000xf32, #tpu.memory_space<vmem>>[vector<16xi32>], vector<16xf32>,
          %swap3A_2481 = arith.constant 1280 : index
          %swap3A_2482 = tpu.vector_load %arg14[%swap3A_2481] {strides = array<i32>} : memref<2000xf32, #tpu.memory_space<vmem>>, vector<16xf32>,
          tpu.vector_store %arg14[%swap3A_2481], %gather3A_2480 {strides = array<i32>} : memref<2000xf32, #tpu.memory_space<vmem>>, vector<16xf32>,
          %get3A_2483 = arith.constant 1296 : index
          %get3A_2484 = tpu.vector_load %arg10[%get3A_2483] {strides = array<i32>} : memref<2000xi32, #tpu.memory_space<vmem>>, vector<16xi32>,
          %gather3A_2485 = tpu.vector_load_idx %arg6[%get3A_2484] : memref<100000xf32, #tpu.memory_space<vmem>>[vector<16xi32>], vector<16xf32>,
          %swap3A_2486 = arith.constant 1296 : index
          %swap3A_2487 = tpu.vector_load %arg14[%swap3A_2486] {strides = array<i32>} : memref<2000xf32, #tpu.memory_space<vmem>>, vector<16xf32>,
          tpu.vector_store %arg14[%swap3A_2486], %gather3A_2485 {strides = array<i32>} : memref<2000xf32, #tpu.memory_space<vmem>>, vector<16xf32>,
          %get3A_2488 = arith.constant 1312 : index
          %get3A_2489 = tpu.vector_load %arg10[%get3A_2488] {strides = array<i32>} : memref<2000xi32, #tpu.memory_space<vmem>>, vector<16xi32>,
          %gather3A_2490 = tpu.vector_load_idx %arg6[%get3A_2489] : memref<100000xf32, #tpu.memory_space<vmem>>[vector<16xi32>], vector<16xf32>,
          %swap3A_2491 = arith.constant 1312 : index
          %swap3A_2492 = tpu.vector_load %arg14[%swap3A_2491] {strides = array<i32>} : memref<2000xf32, #tpu.memory_space<vmem>>, vector<16xf32>,
          tpu.vector_store %arg14[%swap3A_2491], %gather3A_2490 {strides = array<i32>} : memref<2000xf32, #tpu.memory_space<vmem>>, vector<16xf32>,
          %get3A_2493 = arith.constant 1328 : index
          %get3A_2494 = tpu.vector_load %arg10[%get3A_2493] {strides = array<i32>} : memref<2000xi32, #tpu.memory_space<vmem>>, vector<16xi32>,
          %gather3A_2495 = tpu.vector_load_idx %arg6[%get3A_2494] : memref<100000xf32, #tpu.memory_space<vmem>>[vector<16xi32>], vector<16xf32>,
          %swap3A_2496 = arith.constant 1328 : index
          %swap3A_2497 = tpu.vector_load %arg14[%swap3A_2496] {strides = array<i32>} : memref<2000xf32, #tpu.memory_space<vmem>>, vector<16xf32>,
          tpu.vector_store %arg14[%swap3A_2496], %gather3A_2495 {strides = array<i32>} : memref<2000xf32, #tpu.memory_space<vmem>>, vector<16xf32>,
          %get3A_2498 = arith.constant 1344 : index
          %get3A_2499 = tpu.vector_load %arg10[%get3A_2498] {strides = array<i32>} : memref<2000xi32, #tpu.memory_space<vmem>>, vector<16xi32>,
          %gather3A_2500 = tpu.vector_load_idx %arg6[%get3A_2499] : memref<100000xf32, #tpu.memory_space<vmem>>[vector<16xi32>], vector<16xf32>,
          %swap3A_2501 = arith.constant 1344 : index
          %swap3A_2502 = tpu.vector_load %arg14[%swap3A_2501] {strides = array<i32>} : memref<2000xf32, #tpu.memory_space<vmem>>, vector<16xf32>,
          tpu.vector_store %arg14[%swap3A_2501], %gather3A_2500 {strides = array<i32>} : memref<2000xf32, #tpu.memory_space<vmem>>, vector<16xf32>,
          %get3A_2503 = arith.constant 1360 : index
          %get3A_2504 = tpu.vector_load %arg10[%get3A_2503] {strides = array<i32>} : memref<2000xi32, #tpu.memory_space<vmem>>, vector<16xi32>,
          %gather3A_2505 = tpu.vector_load_idx %arg6[%get3A_2504] : memref<100000xf32, #tpu.memory_space<vmem>>[vector<16xi32>], vector<16xf32>,
          %swap3A_2506 = arith.constant 1360 : index
          %swap3A_2507 = tpu.vector_load %arg14[%swap3A_2506] {strides = array<i32>} : memref<2000xf32, #tpu.memory_space<vmem>>, vector<16xf32>,
          tpu.vector_store %arg14[%swap3A_2506], %gather3A_2505 {strides = array<i32>} : memref<2000xf32, #tpu.memory_space<vmem>>, vector<16xf32>,
          %get3A_2508 = arith.constant 1376 : index
          %get3A_2509 = tpu.vector_load %arg10[%get3A_2508] {strides = array<i32>} : memref<2000xi32, #tpu.memory_space<vmem>>, vector<16xi32>,
          %gather3A_2510 = tpu.vector_load_idx %arg6[%get3A_2509] : memref<100000xf32, #tpu.memory_space<vmem>>[vector<16xi32>], vector<16xf32>,
          %swap3A_2511 = arith.constant 1376 : index
          %swap3A_2512 = tpu.vector_load %arg14[%swap3A_2511] {strides = array<i32>} : memref<2000xf32, #tpu.memory_space<vmem>>, vector<16xf32>,
          tpu.vector_store %arg14[%swap3A_2511], %gather3A_2510 {strides = array<i32>} : memref<2000xf32, #tpu.memory_space<vmem>>, vector<16xf32>,
          %get3A_2513 = arith.constant 1392 : index
          %get3A_2514 = tpu.vector_load %arg10[%get3A_2513] {strides = array<i32>} : memref<2000xi32, #tpu.memory_space<vmem>>, vector<16xi32>,
          %gather3A_2515 = tpu.vector_load_idx %arg6[%get3A_2514] : memref<100000xf32, #tpu.memory_space<vmem>>[vector<16xi32>], vector<16xf32>,
          %swap3A_2516 = arith.constant 1392 : index
          %swap3A_2517 = tpu.vector_load %arg14[%swap3A_2516] {strides = array<i32>} : memref<2000xf32, #tpu.memory_space<vmem>>, vector<16xf32>,
          tpu.vector_store %arg14[%swap3A_2516], %gather3A_2515 {strides = array<i32>} : memref<2000xf32, #tpu.memory_space<vmem>>, vector<16xf32>,
          %get3A_2518 = arith.constant 1408 : index
          %get3A_2519 = tpu.vector_load %arg10[%get3A_2518] {strides = array<i32>} : memref<2000xi32, #tpu.memory_space<vmem>>, vector<16xi32>,
          %gather3A_2520 = tpu.vector_load_idx %arg6[%get3A_2519] : memref<100000xf32, #tpu.memory_space<vmem>>[vector<16xi32>], vector<16xf32>,
          %swap3A_2521 = arith.constant 1408 : index
          %swap3A_2522 = tpu.vector_load %arg14[%swap3A_2521] {strides = array<i32>} : memref<2000xf32, #tpu.memory_space<vmem>>, vector<16xf32>,
          tpu.vector_store %arg14[%swap3A_2521], %gather3A_2520 {strides = array<i32>} : memref<2000xf32, #tpu.memory_space<vmem>>, vector<16xf32>,
          %get3A_2523 = arith.constant 1424 : index
          %get3A_2524 = tpu.vector_load %arg10[%get3A_2523] {strides = array<i32>} : memref<2000xi32, #tpu.memory_space<vmem>>, vector<16xi32>,
          %gather3A_2525 = tpu.vector_load_idx %arg6[%get3A_2524] : memref<100000xf32, #tpu.memory_space<vmem>>[vector<16xi32>], vector<16xf32>,
          %swap3A_2526 = arith.constant 1424 : index
          %swap3A_2527 = tpu.vector_load %arg14[%swap3A_2526] {strides = array<i32>} : memref<2000xf32, #tpu.memory_space<vmem>>, vector<16xf32>,
          tpu.vector_store %arg14[%swap3A_2526], %gather3A_2525 {strides = array<i32>} : memref<2000xf32, #tpu.memory_space<vmem>>, vector<16xf32>,
          %get3A_2528 = arith.constant 1440 : index
          %get3A_2529 = tpu.vector_load %arg10[%get3A_2528] {strides = array<i32>} : memref<2000xi32, #tpu.memory_space<vmem>>, vector<16xi32>,
          %gather3A_2530 = tpu.vector_load_idx %arg6[%get3A_2529] : memref<100000xf32, #tpu.memory_space<vmem>>[vector<16xi32>], vector<16xf32>,
          %swap3A_2531 = arith.constant 1440 : index
          %swap3A_2532 = tpu.vector_load %arg14[%swap3A_2531] {strides = array<i32>} : memref<2000xf32, #tpu.memory_space<vmem>>, vector<16xf32>,
          tpu.vector_store %arg14[%swap3A_2531], %gather3A_2530 {strides = array<i32>} : memref<2000xf32, #tpu.memory_space<vmem>>, vector<16xf32>,
          %get3A_2533 = arith.constant 1456 : index
          %get3A_2534 = tpu.vector_load %arg10[%get3A_2533] {strides = array<i32>} : memref<2000xi32, #tpu.memory_space<vmem>>, vector<16xi32>,
          %gather3A_2535 = tpu.vector_load_idx %arg6[%get3A_2534] : memref<100000xf32, #tpu.memory_space<vmem>>[vector<16xi32>], vector<16xf32>,
          %swap3A_2536 = arith.constant 1456 : index
          %swap3A_2537 = tpu.vector_load %arg14[%swap3A_2536] {strides = array<i32>} : memref<2000xf32, #tpu.memory_space<vmem>>, vector<16xf32>,
          tpu.vector_store %arg14[%swap3A_2536], %gather3A_2535 {strides = array<i32>} : memref<2000xf32, #tpu.memory_space<vmem>>, vector<16xf32>,
          %get3A_2538 = arith.constant 1472 : index
          %get3A_2539 = tpu.vector_load %arg10[%get3A_2538] {strides = array<i32>} : memref<2000xi32, #tpu.memory_space<vmem>>, vector<16xi32>,
          %gather3A_2540 = tpu.vector_load_idx %arg6[%get3A_2539] : memref<100000xf32, #tpu.memory_space<vmem>>[vector<16xi32>], vector<16xf32>,
          %swap3A_2541 = arith.constant 1472 : index
          %swap3A_2542 = tpu.vector_load %arg14[%swap3A_2541] {strides = array<i32>} : memref<2000xf32, #tpu.memory_space<vmem>>, vector<16xf32>,
          tpu.vector_store %arg14[%swap3A_2541], %gather3A_2540 {strides = array<i32>} : memref<2000xf32, #tpu.memory_space<vmem>>, vector<16xf32>,
          %get3A_2543 = arith.constant 1488 : index
          %get3A_2544 = tpu.vector_load %arg10[%get3A_2543] {strides = array<i32>} : memref<2000xi32, #tpu.memory_space<vmem>>, vector<16xi32>,
          %gather3A_2545 = tpu.vector_load_idx %arg6[%get3A_2544] : memref<100000xf32, #tpu.memory_space<vmem>>[vector<16xi32>], vector<16xf32>,
          %swap3A_2546 = arith.constant 1488 : index
          %swap3A_2547 = tpu.vector_load %arg14[%swap3A_2546] {strides = array<i32>} : memref<2000xf32, #tpu.memory_space<vmem>>, vector<16xf32>,
          tpu.vector_store %arg14[%swap3A_2546], %gather3A_2545 {strides = array<i32>} : memref<2000xf32, #tpu.memory_space<vmem>>, vector<16xf32>,
          %get3A_2548 = arith.constant 1504 : index
          %get3A_2549 = tpu.vector_load %arg10[%get3A_2548] {strides = array<i32>} : memref<2000xi32, #tpu.memory_space<vmem>>, vector<16xi32>,
          %gather3A_2550 = tpu.vector_load_idx %arg6[%get3A_2549] : memref<100000xf32, #tpu.memory_space<vmem>>[vector<16xi32>], vector<16xf32>,
          %swap3A_2551 = arith.constant 1504 : index
          %swap3A_2552 = tpu.vector_load %arg14[%swap3A_2551] {strides = array<i32>} : memref<2000xf32, #tpu.memory_space<vmem>>, vector<16xf32>,
          tpu.vector_store %arg14[%swap3A_2551], %gather3A_2550 {strides = array<i32>} : memref<2000xf32, #tpu.memory_space<vmem>>, vector<16xf32>,
          %get3A_2553 = arith.constant 1520 : index
          %get3A_2554 = tpu.vector_load %arg10[%get3A_2553] {strides = array<i32>} : memref<2000xi32, #tpu.memory_space<vmem>>, vector<16xi32>,
          %gather3A_2555 = tpu.vector_load_idx %arg6[%get3A_2554] : memref<100000xf32, #tpu.memory_space<vmem>>[vector<16xi32>], vector<16xf32>,
          %swap3A_2556 = arith.constant 1520 : index
          %swap3A_2557 = tpu.vector_load %arg14[%swap3A_2556] {strides = array<i32>} : memref<2000xf32, #tpu.memory_space<vmem>>, vector<16xf32>,
          tpu.vector_store %arg14[%swap3A_2556], %gather3A_2555 {strides = array<i32>} : memref<2000xf32, #tpu.memory_space<vmem>>, vector<16xf32>,
          %get3A_2558 = arith.constant 1536 : index
          %get3A_2559 = tpu.vector_load %arg10[%get3A_2558] {strides = array<i32>} : memref<2000xi32, #tpu.memory_space<vmem>>, vector<16xi32>,
          %gather3A_2560 = tpu.vector_load_idx %arg6[%get3A_2559] : memref<100000xf32, #tpu.memory_space<vmem>>[vector<16xi32>], vector<16xf32>,
          %swap3A_2561 = arith.constant 1536 : index
          %swap3A_2562 = tpu.vector_load %arg14[%swap3A_2561] {strides = array<i32>} : memref<2000xf32, #tpu.memory_space<vmem>>, vector<16xf32>,
          tpu.vector_store %arg14[%swap3A_2561], %gather3A_2560 {strides = array<i32>} : memref<2000xf32, #tpu.memory_space<vmem>>, vector<16xf32>,
          %get3A_2563 = arith.constant 1552 : index
          %get3A_2564 = tpu.vector_load %arg10[%get3A_2563] {strides = array<i32>} : memref<2000xi32, #tpu.memory_space<vmem>>, vector<16xi32>,
          %gather3A_2565 = tpu.vector_load_idx %arg6[%get3A_2564] : memref<100000xf32, #tpu.memory_space<vmem>>[vector<16xi32>], vector<16xf32>,
          %swap3A_2566 = arith.constant 1552 : index
          %swap3A_2567 = tpu.vector_load %arg14[%swap3A_2566] {strides = array<i32>} : memref<2000xf32, #tpu.memory_space<vmem>>, vector<16xf32>,
          tpu.vector_store %arg14[%swap3A_2566], %gather3A_2565 {strides = array<i32>} : memref<2000xf32, #tpu.memory_space<vmem>>, vector<16xf32>,
          %get3A_2568 = arith.constant 1568 : index
          %get3A_2569 = tpu.vector_load %arg10[%get3A_2568] {strides = array<i32>} : memref<2000xi32, #tpu.memory_space<vmem>>, vector<16xi32>,
          %gather3A_2570 = tpu.vector_load_idx %arg6[%get3A_2569] : memref<100000xf32, #tpu.memory_space<vmem>>[vector<16xi32>], vector<16xf32>,
          %swap3A_2571 = arith.constant 1568 : index
          %swap3A_2572 = tpu.vector_load %arg14[%swap3A_2571] {strides = array<i32>} : memref<2000xf32, #tpu.memory_space<vmem>>, vector<16xf32>,
          tpu.vector_store %arg14[%swap3A_2571], %gather3A_2570 {strides = array<i32>} : memref<2000xf32, #tpu.memory_space<vmem>>, vector<16xf32>,
          %get3A_2573 = arith.constant 1584 : index
          %get3A_2574 = tpu.vector_load %arg10[%get3A_2573] {strides = array<i32>} : memref<2000xi32, #tpu.memory_space<vmem>>, vector<16xi32>,
          %gather3A_2575 = tpu.vector_load_idx %arg6[%get3A_2574] : memref<100000xf32, #tpu.memory_space<vmem>>[vector<16xi32>], vector<16xf32>,
          %swap3A_2576 = arith.constant 1584 : index
          %swap3A_2577 = tpu.vector_load %arg14[%swap3A_2576] {strides = array<i32>} : memref<2000xf32, #tpu.memory_space<vmem>>, vector<16xf32>,
          tpu.vector_store %arg14[%swap3A_2576], %gather3A_2575 {strides = array<i32>} : memref<2000xf32, #tpu.memory_space<vmem>>, vector<16xf32>,
          %get3A_2578 = arith.constant 1600 : index
          %get3A_2579 = tpu.vector_load %arg10[%get3A_2578] {strides = array<i32>} : memref<2000xi32, #tpu.memory_space<vmem>>, vector<16xi32>,
          %gather3A_2580 = tpu.vector_load_idx %arg6[%get3A_2579] : memref<100000xf32, #tpu.memory_space<vmem>>[vector<16xi32>], vector<16xf32>,
          %swap3A_2581 = arith.constant 1600 : index
          %swap3A_2582 = tpu.vector_load %arg14[%swap3A_2581] {strides = array<i32>} : memref<2000xf32, #tpu.memory_space<vmem>>, vector<16xf32>,
          tpu.vector_store %arg14[%swap3A_2581], %gather3A_2580 {strides = array<i32>} : memref<2000xf32, #tpu.memory_space<vmem>>, vector<16xf32>,
          %get3A_2583 = arith.constant 1616 : index
          %get3A_2584 = tpu.vector_load %arg10[%get3A_2583] {strides = array<i32>} : memref<2000xi32, #tpu.memory_space<vmem>>, vector<16xi32>,
          %gather3A_2585 = tpu.vector_load_idx %arg6[%get3A_2584] : memref<100000xf32, #tpu.memory_space<vmem>>[vector<16xi32>], vector<16xf32>,
          %swap3A_2586 = arith.constant 1616 : index
          %swap3A_2587 = tpu.vector_load %arg14[%swap3A_2586] {strides = array<i32>} : memref<2000xf32, #tpu.memory_space<vmem>>, vector<16xf32>,
          tpu.vector_store %arg14[%swap3A_2586], %gather3A_2585 {strides = array<i32>} : memref<2000xf32, #tpu.memory_space<vmem>>, vector<16xf32>,
          %get3A_2588 = arith.constant 1632 : index
          %get3A_2589 = tpu.vector_load %arg10[%get3A_2588] {strides = array<i32>} : memref<2000xi32, #tpu.memory_space<vmem>>, vector<16xi32>,
          %gather3A_2590 = tpu.vector_load_idx %arg6[%get3A_2589] : memref<100000xf32, #tpu.memory_space<vmem>>[vector<16xi32>], vector<16xf32>,
          %swap3A_2591 = arith.constant 1632 : index
          %swap3A_2592 = tpu.vector_load %arg14[%swap3A_2591] {strides = array<i32>} : memref<2000xf32, #tpu.memory_space<vmem>>, vector<16xf32>,
          tpu.vector_store %arg14[%swap3A_2591], %gather3A_2590 {strides = array<i32>} : memref<2000xf32, #tpu.memory_space<vmem>>, vector<16xf32>,
          %get3A_2593 = arith.constant 1648 : index
          %get3A_2594 = tpu.vector_load %arg10[%get3A_2593] {strides = array<i32>} : memref<2000xi32, #tpu.memory_space<vmem>>, vector<16xi32>,
          %gather3A_2595 = tpu.vector_load_idx %arg6[%get3A_2594] : memref<100000xf32, #tpu.memory_space<vmem>>[vector<16xi32>], vector<16xf32>,
          %swap3A_2596 = arith.constant 1648 : index
          %swap3A_2597 = tpu.vector_load %arg14[%swap3A_2596] {strides = array<i32>} : memref<2000xf32, #tpu.memory_space<vmem>>, vector<16xf32>,
          tpu.vector_store %arg14[%swap3A_2596], %gather3A_2595 {strides = array<i32>} : memref<2000xf32, #tpu.memory_space<vmem>>, vector<16xf32>,
          %get3A_2598 = arith.constant 1664 : index
          %get3A_2599 = tpu.vector_load %arg10[%get3A_2598] {strides = array<i32>} : memref<2000xi32, #tpu.memory_space<vmem>>, vector<16xi32>,
          %gather3A_2600 = tpu.vector_load_idx %arg6[%get3A_2599] : memref<100000xf32, #tpu.memory_space<vmem>>[vector<16xi32>], vector<16xf32>,
          %swap3A_2601 = arith.constant 1664 : index
          %swap3A_2602 = tpu.vector_load %arg14[%swap3A_2601] {strides = array<i32>} : memref<2000xf32, #tpu.memory_space<vmem>>, vector<16xf32>,
          tpu.vector_store %arg14[%swap3A_2601], %gather3A_2600 {strides = array<i32>} : memref<2000xf32, #tpu.memory_space<vmem>>, vector<16xf32>,
          %get3A_2603 = arith.constant 1680 : index
          %get3A_2604 = tpu.vector_load %arg10[%get3A_2603] {strides = array<i32>} : memref<2000xi32, #tpu.memory_space<vmem>>, vector<16xi32>,
          %gather3A_2605 = tpu.vector_load_idx %arg6[%get3A_2604] : memref<100000xf32, #tpu.memory_space<vmem>>[vector<16xi32>], vector<16xf32>,
          %swap3A_2606 = arith.constant 1680 : index
          %swap3A_2607 = tpu.vector_load %arg14[%swap3A_2606] {strides = array<i32>} : memref<2000xf32, #tpu.memory_space<vmem>>, vector<16xf32>,
          tpu.vector_store %arg14[%swap3A_2606], %gather3A_2605 {strides = array<i32>} : memref<2000xf32, #tpu.memory_space<vmem>>, vector<16xf32>,
          %get3A_2608 = arith.constant 1696 : index
          %get3A_2609 = tpu.vector_load %arg10[%get3A_2608] {strides = array<i32>} : memref<2000xi32, #tpu.memory_space<vmem>>, vector<16xi32>,
          %gather3A_2610 = tpu.vector_load_idx %arg6[%get3A_2609] : memref<100000xf32, #tpu.memory_space<vmem>>[vector<16xi32>], vector<16xf32>,
          %swap3A_2611 = arith.constant 1696 : index
          %swap3A_2612 = tpu.vector_load %arg14[%swap3A_2611] {strides = array<i32>} : memref<2000xf32, #tpu.memory_space<vmem>>, vector<16xf32>,
          tpu.vector_store %arg14[%swap3A_2611], %gather3A_2610 {strides = array<i32>} : memref<2000xf32, #tpu.memory_space<vmem>>, vector<16xf32>,
          %get3A_2613 = arith.constant 1712 : index
          %get3A_2614 = tpu.vector_load %arg10[%get3A_2613] {strides = array<i32>} : memref<2000xi32, #tpu.memory_space<vmem>>, vector<16xi32>,
          %gather3A_2615 = tpu.vector_load_idx %arg6[%get3A_2614] : memref<100000xf32, #tpu.memory_space<vmem>>[vector<16xi32>], vector<16xf32>,
          %swap3A_2616 = arith.constant 1712 : index
          %swap3A_2617 = tpu.vector_load %arg14[%swap3A_2616] {strides = array<i32>} : memref<2000xf32, #tpu.memory_space<vmem>>, vector<16xf32>,
          tpu.vector_store %arg14[%swap3A_2616], %gather3A_2615 {strides = array<i32>} : memref<2000xf32, #tpu.memory_space<vmem>>, vector<16xf32>,
          %get3A_2618 = arith.constant 1728 : index
          %get3A_2619 = tpu.vector_load %arg10[%get3A_2618] {strides = array<i32>} : memref<2000xi32, #tpu.memory_space<vmem>>, vector<16xi32>,
          %gather3A_2620 = tpu.vector_load_idx %arg6[%get3A_2619] : memref<100000xf32, #tpu.memory_space<vmem>>[vector<16xi32>], vector<16xf32>,
          %swap3A_2621 = arith.constant 1728 : index
          %swap3A_2622 = tpu.vector_load %arg14[%swap3A_2621] {strides = array<i32>} : memref<2000xf32, #tpu.memory_space<vmem>>, vector<16xf32>,
          tpu.vector_store %arg14[%swap3A_2621], %gather3A_2620 {strides = array<i32>} : memref<2000xf32, #tpu.memory_space<vmem>>, vector<16xf32>,
          %get3A_2623 = arith.constant 1744 : index
          %get3A_2624 = tpu.vector_load %arg10[%get3A_2623] {strides = array<i32>} : memref<2000xi32, #tpu.memory_space<vmem>>, vector<16xi32>,
          %gather3A_2625 = tpu.vector_load_idx %arg6[%get3A_2624] : memref<100000xf32, #tpu.memory_space<vmem>>[vector<16xi32>], vector<16xf32>,
          %swap3A_2626 = arith.constant 1744 : index
          %swap3A_2627 = tpu.vector_load %arg14[%swap3A_2626] {strides = array<i32>} : memref<2000xf32, #tpu.memory_space<vmem>>, vector<16xf32>,
          tpu.vector_store %arg14[%swap3A_2626], %gather3A_2625 {strides = array<i32>} : memref<2000xf32, #tpu.memory_space<vmem>>, vector<16xf32>,
          %get3A_2628 = arith.constant 1760 : index
          %get3A_2629 = tpu.vector_load %arg10[%get3A_2628] {strides = array<i32>} : memref<2000xi32, #tpu.memory_space<vmem>>, vector<16xi32>,
          %gather3A_2630 = tpu.vector_load_idx %arg6[%get3A_2629] : memref<100000xf32, #tpu.memory_space<vmem>>[vector<16xi32>], vector<16xf32>,
          %swap3A_2631 = arith.constant 1760 : index
          %swap3A_2632 = tpu.vector_load %arg14[%swap3A_2631] {strides = array<i32>} : memref<2000xf32, #tpu.memory_space<vmem>>, vector<16xf32>,
          tpu.vector_store %arg14[%swap3A_2631], %gather3A_2630 {strides = array<i32>} : memref<2000xf32, #tpu.memory_space<vmem>>, vector<16xf32>,
          %get3A_2633 = arith.constant 1776 : index
          %get3A_2634 = tpu.vector_load %arg10[%get3A_2633] {strides = array<i32>} : memref<2000xi32, #tpu.memory_space<vmem>>, vector<16xi32>,
          %gather3A_2635 = tpu.vector_load_idx %arg6[%get3A_2634] : memref<100000xf32, #tpu.memory_space<vmem>>[vector<16xi32>], vector<16xf32>,
          %swap3A_2636 = arith.constant 1776 : index
          %swap3A_2637 = tpu.vector_load %arg14[%swap3A_2636] {strides = array<i32>} : memref<2000xf32, #tpu.memory_space<vmem>>, vector<16xf32>,
          tpu.vector_store %arg14[%swap3A_2636], %gather3A_2635 {strides = array<i32>} : memref<2000xf32, #tpu.memory_space<vmem>>, vector<16xf32>,
          %get3A_2638 = arith.constant 1792 : index
          %get3A_2639 = tpu.vector_load %arg10[%get3A_2638] {strides = array<i32>} : memref<2000xi32, #tpu.memory_space<vmem>>, vector<16xi32>,
          %gather3A_2640 = tpu.vector_load_idx %arg6[%get3A_2639] : memref<100000xf32, #tpu.memory_space<vmem>>[vector<16xi32>], vector<16xf32>,
          %swap3A_2641 = arith.constant 1792 : index
          %swap3A_2642 = tpu.vector_load %arg14[%swap3A_2641] {strides = array<i32>} : memref<2000xf32, #tpu.memory_space<vmem>>, vector<16xf32>,
          tpu.vector_store %arg14[%swap3A_2641], %gather3A_2640 {strides = array<i32>} : memref<2000xf32, #tpu.memory_space<vmem>>, vector<16xf32>,
          %get3A_2643 = arith.constant 1808 : index
          %get3A_2644 = tpu.vector_load %arg10[%get3A_2643] {strides = array<i32>} : memref<2000xi32, #tpu.memory_space<vmem>>, vector<16xi32>,
          %gather3A_2645 = tpu.vector_load_idx %arg6[%get3A_2644] : memref<100000xf32, #tpu.memory_space<vmem>>[vector<16xi32>], vector<16xf32>,
          %swap3A_2646 = arith.constant 1808 : index
          %swap3A_2647 = tpu.vector_load %arg14[%swap3A_2646] {strides = array<i32>} : memref<2000xf32, #tpu.memory_space<vmem>>, vector<16xf32>,
          tpu.vector_store %arg14[%swap3A_2646], %gather3A_2645 {strides = array<i32>} : memref<2000xf32, #tpu.memory_space<vmem>>, vector<16xf32>,
          %get3A_2648 = arith.constant 1824 : index
          %get3A_2649 = tpu.vector_load %arg10[%get3A_2648] {strides = array<i32>} : memref<2000xi32, #tpu.memory_space<vmem>>, vector<16xi32>,
          %gather3A_2650 = tpu.vector_load_idx %arg6[%get3A_2649] : memref<100000xf32, #tpu.memory_space<vmem>>[vector<16xi32>], vector<16xf32>,
          %swap3A_2651 = arith.constant 1824 : index
          %swap3A_2652 = tpu.vector_load %arg14[%swap3A_2651] {strides = array<i32>} : memref<2000xf32, #tpu.memory_space<vmem>>, vector<16xf32>,
          tpu.vector_store %arg14[%swap3A_2651], %gather3A_2650 {strides = array<i32>} : memref<2000xf32, #tpu.memory_space<vmem>>, vector<16xf32>,
          %get3A_2653 = arith.constant 1840 : index
          %get3A_2654 = tpu.vector_load %arg10[%get3A_2653] {strides = array<i32>} : memref<2000xi32, #tpu.memory_space<vmem>>, vector<16xi32>,
          %gather3A_2655 = tpu.vector_load_idx %arg6[%get3A_2654] : memref<100000xf32, #tpu.memory_space<vmem>>[vector<16xi32>], vector<16xf32>,
          %swap3A_2656 = arith.constant 1840 : index
          %swap3A_2657 = tpu.vector_load %arg14[%swap3A_2656] {strides = array<i32>} : memref<2000xf32, #tpu.memory_space<vmem>>, vector<16xf32>,
          tpu.vector_store %arg14[%swap3A_2656], %gather3A_2655 {strides = array<i32>} : memref<2000xf32, #tpu.memory_space<vmem>>, vector<16xf32>,
          %get3A_2658 = arith.constant 1856 : index
          %get3A_2659 = tpu.vector_load %arg10[%get3A_2658] {strides = array<i32>} : memref<2000xi32, #tpu.memory_space<vmem>>, vector<16xi32>,
          %gather3A_2660 = tpu.vector_load_idx %arg6[%get3A_2659] : memref<100000xf32, #tpu.memory_space<vmem>>[vector<16xi32>], vector<16xf32>,
          %swap3A_2661 = arith.constant 1856 : index
          %swap3A_2662 = tpu.vector_load %arg14[%swap3A_2661] {strides = array<i32>} : memref<2000xf32, #tpu.memory_space<vmem>>, vector<16xf32>,
          tpu.vector_store %arg14[%swap3A_2661], %gather3A_2660 {strides = array<i32>} : memref<2000xf32, #tpu.memory_space<vmem>>, vector<16xf32>,
          %get3A_2663 = arith.constant 1872 : index
          %get3A_2664 = tpu.vector_load %arg10[%get3A_2663] {strides = array<i32>} : memref<2000xi32, #tpu.memory_space<vmem>>, vector<16xi32>,
          %gather3A_2665 = tpu.vector_load_idx %arg6[%get3A_2664] : memref<100000xf32, #tpu.memory_space<vmem>>[vector<16xi32>], vector<16xf32>,
          %swap3A_2666 = arith.constant 1872 : index
          %swap3A_2667 = tpu.vector_load %arg14[%swap3A_2666] {strides = array<i32>} : memref<2000xf32, #tpu.memory_space<vmem>>, vector<16xf32>,
          tpu.vector_store %arg14[%swap3A_2666], %gather3A_2665 {strides = array<i32>} : memref<2000xf32, #tpu.memory_space<vmem>>, vector<16xf32>,
          %get3A_2668 = arith.constant 1888 : index
          %get3A_2669 = tpu.vector_load %arg10[%get3A_2668] {strides = array<i32>} : memref<2000xi32, #tpu.memory_space<vmem>>, vector<16xi32>,
          %gather3A_2670 = tpu.vector_load_idx %arg6[%get3A_2669] : memref<100000xf32, #tpu.memory_space<vmem>>[vector<16xi32>], vector<16xf32>,
          %swap3A_2671 = arith.constant 1888 : index
          %swap3A_2672 = tpu.vector_load %arg14[%swap3A_2671] {strides = array<i32>} : memref<2000xf32, #tpu.memory_space<vmem>>, vector<16xf32>,
          tpu.vector_store %arg14[%swap3A_2671], %gather3A_2670 {strides = array<i32>} : memref<2000xf32, #tpu.memory_space<vmem>>, vector<16xf32>,
          %get3A_2673 = arith.constant 1904 : index
          %get3A_2674 = tpu.vector_load %arg10[%get3A_2673] {strides = array<i32>} : memref<2000xi32, #tpu.memory_space<vmem>>, vector<16xi32>,
          %gather3A_2675 = tpu.vector_load_idx %arg6[%get3A_2674] : memref<100000xf32, #tpu.memory_space<vmem>>[vector<16xi32>], vector<16xf32>,
          %swap3A_2676 = arith.constant 1904 : index
          %swap3A_2677 = tpu.vector_load %arg14[%swap3A_2676] {strides = array<i32>} : memref<2000xf32, #tpu.memory_space<vmem>>, vector<16xf32>,
          tpu.vector_store %arg14[%swap3A_2676], %gather3A_2675 {strides = array<i32>} : memref<2000xf32, #tpu.memory_space<vmem>>, vector<16xf32>,
          %get3A_2678 = arith.constant 1920 : index
          %get3A_2679 = tpu.vector_load %arg10[%get3A_2678] {strides = array<i32>} : memref<2000xi32, #tpu.memory_space<vmem>>, vector<16xi32>,
          %gather3A_2680 = tpu.vector_load_idx %arg6[%get3A_2679] : memref<100000xf32, #tpu.memory_space<vmem>>[vector<16xi32>], vector<16xf32>,
          %swap3A_2681 = arith.constant 1920 : index
          %swap3A_2682 = tpu.vector_load %arg14[%swap3A_2681] {strides = array<i32>} : memref<2000xf32, #tpu.memory_space<vmem>>, vector<16xf32>,
          tpu.vector_store %arg14[%swap3A_2681], %gather3A_2680 {strides = array<i32>} : memref<2000xf32, #tpu.memory_space<vmem>>, vector<16xf32>,
          %get3A_2683 = arith.constant 1936 : index
          %get3A_2684 = tpu.vector_load %arg10[%get3A_2683] {strides = array<i32>} : memref<2000xi32, #tpu.memory_space<vmem>>, vector<16xi32>,
          %gather3A_2685 = tpu.vector_load_idx %arg6[%get3A_2684] : memref<100000xf32, #tpu.memory_space<vmem>>[vector<16xi32>], vector<16xf32>,
          %swap3A_2686 = arith.constant 1936 : index
          %swap3A_2687 = tpu.vector_load %arg14[%swap3A_2686] {strides = array<i32>} : memref<2000xf32, #tpu.memory_space<vmem>>, vector<16xf32>,
          tpu.vector_store %arg14[%swap3A_2686], %gather3A_2685 {strides = array<i32>} : memref<2000xf32, #tpu.memory_space<vmem>>, vector<16xf32>,
          %get3A_2688 = arith.constant 1952 : index
          %get3A_2689 = tpu.vector_load %arg10[%get3A_2688] {strides = array<i32>} : memref<2000xi32, #tpu.memory_space<vmem>>, vector<16xi32>,
          %gather3A_2690 = tpu.vector_load_idx %arg6[%get3A_2689] : memref<100000xf32, #tpu.memory_space<vmem>>[vector<16xi32>], vector<16xf32>,
          %swap3A_2691 = arith.constant 1952 : index
          %swap3A_2692 = tpu.vector_load %arg14[%swap3A_2691] {strides = array<i32>} : memref<2000xf32, #tpu.memory_space<vmem>>, vector<16xf32>,
          tpu.vector_store %arg14[%swap3A_2691], %gather3A_2690 {strides = array<i32>} : memref<2000xf32, #tpu.memory_space<vmem>>, vector<16xf32>,
          %get3A_2693 = arith.constant 1968 : index
          %get3A_2694 = tpu.vector_load %arg10[%get3A_2693] {strides = array<i32>} : memref<2000xi32, #tpu.memory_space<vmem>>, vector<16xi32>,
          %gather3A_2695 = tpu.vector_load_idx %arg6[%get3A_2694] : memref<100000xf32, #tpu.memory_space<vmem>>[vector<16xi32>], vector<16xf32>,
          %swap3A_2696 = arith.constant 1968 : index
          %swap3A_2697 = tpu.vector_load %arg14[%swap3A_2696] {strides = array<i32>} : memref<2000xf32, #tpu.memory_space<vmem>>, vector<16xf32>,
          tpu.vector_store %arg14[%swap3A_2696], %gather3A_2695 {strides = array<i32>} : memref<2000xf32, #tpu.memory_space<vmem>>, vector<16xf32>,
          %get3A_2698 = arith.constant 1984 : index
          %get3A_2699 = tpu.vector_load %arg10[%get3A_2698] {strides = array<i32>} : memref<2000xi32, #tpu.memory_space<vmem>>, vector<16xi32>,
          %gather3A_2700 = tpu.vector_load_idx %arg6[%get3A_2699] : memref<100000xf32, #tpu.memory_space<vmem>>[vector<16xi32>], vector<16xf32>,
          %swap3A_2701 = arith.constant 1984 : index
          %swap3A_2702 = tpu.vector_load %arg14[%swap3A_2701] {strides = array<i32>} : memref<2000xf32, #tpu.memory_space<vmem>>, vector<16xf32>,
          tpu.vector_store %arg14[%swap3A_2701], %gather3A_2700 {strides = array<i32>} : memref<2000xf32, #tpu.memory_space<vmem>>, vector<16xf32>,
          %add3A_2703 = arith.constant 3 : i32
          %add3A_2704 = arith.addi %mul3A_108, %add3A_2703 : i32
          %mul3A_2705 = arith.constant 2000 : i32
          %mul3A_2706 = arith.muli %add3A_2704, %mul3A_2705 : i32
          %mul3A_2707 = arith.constant 200000 : i32
          %mul3A_2708 = arith.muli %add3A_9, %mul3A_2707 : i32
          %add3A_2709 = arith.addi %mul3A_2708, %mul3A_2706 : i32
          %dma_start3A_2710 = tpu.memref_slice %arg5[%add3A_2709] : memref<78600000xf32, #tpu.memory_space<hbm>> -> memref<2000xf32, #tpu.memory_space<hbm>>
          %dma_start3A_2711 = tpu.memref_slice %arg5[%add3A_2709] : memref<78600000xf32, #tpu.memory_space<hbm>> -> memref<2000xf32, #tpu.memory_space<hbm>>
          tpu.enqueue_dma source(%arg14 : memref<2000xf32, #tpu.memory_space<vmem>>) target(%dma_start3A_2711 : memref<2000xf32, #tpu.memory_space<hbm>>) target_semaphore(%arg16 : memref<!tpu.dma_semaphore, #tpu.memory_space<semaphore_mem>>)
          %lt3A_2712 = arith.constant 24 : i32
          %lt3A_2713 = arith.cmpi slt, %scan3A_106, %lt3A_2712 : i32
          %convert_element_type3A_2714 = arith.extui %lt3A_2713 : i1 to i32
          %cond3A_2715 = arith.constant 0 : i32
          %cond3A_2716 = arith.cmpi ne, %convert_element_type3A_2714, %cond3A_2715 : i32
          scf.if %cond3A_2716 {
            %add3A_2717 = arith.constant 4 : i32
            %add3A_2718 = arith.addi %mul3A_108, %add3A_2717 : i32
            %add3A_2719 = arith.constant 3 : i32
            %add3A_2720 = arith.addi %add3A_2718, %add3A_2719 : i32
            %mul3A_2721 = arith.constant 2000 : i32
            %mul3A_2722 = arith.muli %add3A_2720, %mul3A_2721 : i32
            %mul3A_2723 = arith.constant 200000 : i32
            %mul3A_2724 = arith.muli %select_n3A, %mul3A_2723 : i32
            %add3A_2725 = arith.addi %mul3A_2724, %mul3A_2722 : i32
            %dma_start3A_2726 = tpu.memref_slice %arg3[%add3A_2725] : memref<600000xi32, #tpu.memory_space<hbm>> -> memref<2000xi32, #tpu.memory_space<hbm>>
            %dma_start3A_2727 = tpu.memref_slice %arg3[%add3A_2725] : memref<600000xi32, #tpu.memory_space<hbm>> -> memref<2000xi32, #tpu.memory_space<hbm>>
            tpu.enqueue_dma source(%dma_start3A_2727 : memref<2000xi32, #tpu.memory_space<hbm>>) target(%arg10 : memref<2000xi32, #tpu.memory_space<vmem>>) target_semaphore(%arg15 : memref<!tpu.dma_semaphore, #tpu.memory_space<semaphore_mem>>)
          } else {
          }
        }
        %scan3A_82 = arith.constant 25 : i32
        %mul3A_83 = arith.constant 200000 : i32
        %mul3A_84 = arith.muli %add3A_9, %mul3A_83 : i32
        %add3A_85 = arith.constant 0 : i32
        %add3A_86 = arith.addi %mul3A_84, %add3A_85 : i32
        %dma_wait3A = tpu.memref_slice %arg5[%add3A_86] : memref<78600000xf32, #tpu.memory_space<hbm>> -> memref<2000xf32, #tpu.memory_space<hbm>>
        %dma_wait3A_87 = tpu.memref_slice %arg5[%add3A_86] : memref<78600000xf32, #tpu.memory_space<hbm>> -> memref<2000xf32, #tpu.memory_space<hbm>>
        tpu.wait_dma2 semaphore(%arg16 : memref<!tpu.dma_semaphore, #tpu.memory_space<semaphore_mem>>) src(%arg11 : memref<2000xf32, #tpu.memory_space<vmem>>) dst(%dma_wait3A_87 : memref<2000xf32, #tpu.memory_space<hbm>>)
        %mul3A_88 = arith.constant 200000 : i32
        %mul3A_89 = arith.muli %add3A_9, %mul3A_88 : i32
        %add3A_90 = arith.constant 0 : i32
        %add3A_91 = arith.addi %mul3A_89, %add3A_90 : i32
        %dma_wait3A_92 = tpu.memref_slice %arg5[%add3A_91] : memref<78600000xf32, #tpu.memory_space<hbm>> -> memref<2000xf32, #tpu.memory_space<hbm>>
        %dma_wait3A_93 = tpu.memref_slice %arg5[%add3A_91] : memref<78600000xf32, #tpu.memory_space<hbm>> -> memref<2000xf32, #tpu.memory_space<hbm>>
        tpu.wait_dma2 semaphore(%arg16 : memref<!tpu.dma_semaphore, #tpu.memory_space<semaphore_mem>>) src(%arg12 : memref<2000xf32, #tpu.memory_space<vmem>>) dst(%dma_wait3A_93 : memref<2000xf32, #tpu.memory_space<hbm>>)
        %mul3A_94 = arith.constant 200000 : i32
        %mul3A_95 = arith.muli %add3A_9, %mul3A_94 : i32
        %add3A_96 = arith.constant 0 : i32
        %add3A_97 = arith.addi %mul3A_95, %add3A_96 : i32
        %dma_wait3A_98 = tpu.memref_slice %arg5[%add3A_97] : memref<78600000xf32, #tpu.memory_space<hbm>> -> memref<2000xf32, #tpu.memory_space<hbm>>
        %dma_wait3A_99 = tpu.memref_slice %arg5[%add3A_97] : memref<78600000xf32, #tpu.memory_space<hbm>> -> memref<2000xf32, #tpu.memory_space<hbm>>
        tpu.wait_dma2 semaphore(%arg16 : memref<!tpu.dma_semaphore, #tpu.memory_space<semaphore_mem>>) src(%arg13 : memref<2000xf32, #tpu.memory_space<vmem>>) dst(%dma_wait3A_99 : memref<2000xf32, #tpu.memory_space<hbm>>)
        %mul3A_100 = arith.constant 200000 : i32
        %mul3A_101 = arith.muli %add3A_9, %mul3A_100 : i32
        %add3A_102 = arith.constant 0 : i32
        %add3A_103 = arith.addi %mul3A_101, %add3A_102 : i32
        %dma_wait3A_104 = tpu.memref_slice %arg5[%add3A_103] : memref<78600000xf32, #tpu.memory_space<hbm>> -> memref<2000xf32, #tpu.memory_space<hbm>>
        %dma_wait3A_105 = tpu.memref_slice %arg5[%add3A_103] : memref<78600000xf32, #tpu.memory_space<hbm>> -> memref<2000xf32, #tpu.memory_space<hbm>>
        tpu.wait_dma2 semaphore(%arg16 : memref<!tpu.dma_semaphore, #tpu.memory_space<semaphore_mem>>) src(%arg14 : memref<2000xf32, #tpu.memory_space<vmem>>) dst(%dma_wait3A_105 : memref<2000xf32, #tpu.memory_space<hbm>>)
      } else {
      }
    }
    %scan3A_5 = arith.constant 13 : i32
    return
  }
}

</mosaic_0001>

<sc_bundles>
// kernel: kernel.3.cloned.1.call-start
scs
__scs_entry_jumppad:
0x0: {  	(pc) =	sbr.rel $0x88, $3  }
0x1: {  	(tag) =	ssettag $0x0;
	lr =	simm.s32 $0x1  }
0x2: {  	[smem:$0x3F9C] =	sst lr;
	_ =	strace $0xD0000000  }
0x3: {  	_ = 	snop  }
0x4: {  	_ = 	snop  }
0x5: {  	_ = 	snop  }
0x6: {  	_ = 	snop  }
0x7: {  	_ = 	snop  }
__scs_overlays_trampoline_lowered:
0x8: {  	[smem:$0x3FAB] =	sst s0  }
0x9: {  	[smem:$0x3FAC] =	sst s1  }
0xa: {  	[smem:$0x3FAD] =	sst s2  }
0xb: {  	[smem:$0x3FAE] =	sst s3  }
0xc: {  	[smem:$0x3FAF] =	sst s4  }
0xd: {  	[smem:$0x3FB0] =	sst s5  }
0xe: {  	[smem:$0x3FB1] =	sst s6  }
0xf: {  	[smem:$0x3FB2] =	sst s7  }
0x10: {  	[smem:$0x3FB3] =	sst s8  }
0x11: {  	[smem:$0x3FB4] =	sst s9;
	s0 =	simm.s32 @!p0 $0x0  }
0x12: {  	s1 =	sld [smem:$0x3F9A];
	s0 =	simm.s32 @p0 $0x1  }
0x13: {  	[smem:$0x3FB5] =	sst s0;
	s0 =	simm.s32 @!p1 $0x0  }
0x14: {  	s2 =	sld [smem:$0x3F99];
	s0 =	simm.s32 @p1 $0x1  }
0x15: {  	[smem:$0x3FB6] =	sst s0;
	s0 =	simm.s32 @!p2 $0x0  }
0x16: {  	s3 =	sld [smem:$0x3FDB];
	s0 =	simm.s32 @p2 $0x1  }
0x17: {  	s4 =	simm.s32 $0x1BF5;
	[smem:$0x3FB8] =	sst s0  }
0x18: {  	s0 =	sld [smem:$0x3F9B];
	_ =	swait.ge [sflag:s4], $0x0  }
0x19: {  	s7 =	sld [smem:$0x3F9C]  }
0x1a: {  	s8 =	sadd.s32 $0xFFFFE003, lr  }
0x1b: {  	s9 =	sadd.s32 $0xFFFFFEF7, lr;
	s5 =	simm.s32 $0xFFFFFFFF;
	p2 =	slt.u32 s8, $0xFFFFF086  }
0x1c: {  	p1 =	slt.u32 s9, $0xF7A;
	s5 =	simm.s32 @!p2 $0x0  }
0x1d: {  	s5 =	simm.s32 @p1 $0x1;
	p0 =	seq.s32 s7, s2  }
0x1e: {  	s7 =	smul.u32 @!p0 $0xF7A, s2;
	p2 =	seq.s32 @!p0 s5, $0x0  }
0x1f: {  	s9 =	smul.u32 $0xF7A, s1;
	s8 =	simm.s32 @!p0 $0x1BF5;
	p2 =	por !p2, p0  }
0x20: {  	[sflag:s8] =	ssyncset.s32 @!p0 $0xFFFFF086;
	s6 =	sadd.s32 @!p0 s3, s7;
	s7 =	simm.s32 @!p0 $0x108  }
0x21: {  	s3 =	sadd.s32 s3, s9;
	s6 =	sadd.s32 @!p0 $0x88, s6;
	s7 =	simm.s32 @p2 $0x1082  }
0x22: {  	[simem:s7], [sflag:s8] =	dma.local @!p0 [hbm:s6], $0xF7A  }
0x23: {  	s9 =	sor.u32 $0xD0000000, s2;
	s6 =	simm.s32 $0x108;
	_ =	swait.ge @!p0 [sflag:s8], $0x0  }
0x24: {  	s3 =	sadd.s32 $0x88, s3;
	s6 =	simm.s32 @!p1 $0x1082;
	[sflag:s4] =	ssyncset.s32 $0xFFFFF086  }
0x25: {  	[simem:s6], [sflag:s4] =	dma.local [hbm:s3], $0xF7A  }
0x26: {  	[smem:$0x3F9C] =	sst s1;
	(tag) =	ssettag s2;
	_ =	strace s9  }
0x27: {  	s1 =	sld [smem:$0x3FAC]  }
0x28: {  	s2 =	sld [smem:$0x3FAD]  }
0x29: {  	s4 =	sld [smem:$0x3FAF]  }
0x2a: {  	p0 =	seq.s32 s5, $0x0;
	s5 =	sld [smem:$0x3FB0]  }
0x2b: {  	s6 =	sld [smem:$0x3FB1]  }
0x2c: {  	s7 =	sld [smem:$0x3FB2]  }
0x2d: {  	s3 =	simm.s32 $0x108;
	s8 =	sld [smem:$0x3FB3]  }
0x2e: {  	s3 =	simm.s32 @!p0 $0x1082;
	s9 =	sld [smem:$0x3FB4]  }
0x2f: {  	lr =	sadd.s32 s0, s3;
	s0 =	sld [smem:$0x3FAB]  }
0x30: {  	s3 =	sld [smem:$0x3FAE]  }
0x31: {  	[smem:$0x3FB7] =	sst s10  }
0x32: {  	s10 =	sld [smem:$0x3FB5];
	_ =	sdelay $0x3  }
0x33: {  	p0 =	seq.s32 s10, $0x1;
	s10 =	sld [smem:$0x3FB7];
	_ =	sdelay $0x3  }
0x34: {  	[smem:$0x3FB7] =	sst s10  }
0x35: {  	s10 =	sld [smem:$0x3FB6];
	_ =	sdelay $0x3  }
0x36: {  	p1 =	seq.s32 s10, $0x1;
	s10 =	sld [smem:$0x3FB7];
	_ =	sdelay $0x3  }
0x37: {  	[smem:$0x3FB7] =	sst s10  }
0x38: {  	s10 =	sld [smem:$0x3FB8]  }
0x39: {  	_ = 	snop;
	(pc) =	sbr.ind lr, $3  }
0x3a: {  	_ = 	snop  }
0x3b: {  	_ = 	snop  }
0x3c: {  	p2 =	seq.s32 s10, $0x1;
	s10 =	sld [smem:$0x3FB7]  }
0x3d: {  	_ =	shalt  }
0x3e: {  	_ =	shalt  }
0x3f: {  	_ =	shalt  }
0x40: {  	_ =	shalt  }
0x41: {  	_ =	shalt  }
0x42: {  	_ =	shalt  }
0x43: {  	_ =	shalt  }
0x44: {  	_ =	shalt  }
0x45: {  	_ =	shalt  }
0x46: {  	_ =	shalt  }
0x47: {  	_ =	shalt  }
0x48: {  	_ =	shalt  }
0x49: {  	_ =	shalt  }
0x4a: {  	_ =	shalt  }
0x4b: {  	_ =	shalt  }
0x4c: {  	_ =	shalt  }
0x4d: {  	_ =	shalt  }
0x4e: {  	_ =	shalt  }
0x4f: {  	_ =	shalt  }
0x50: {  	_ =	shalt  }
0x51: {  	_ =	shalt  }
0x52: {  	_ =	shalt  }
0x53: {  	_ =	shalt  }
0x54: {  	_ =	shalt  }
0x55: {  	_ =	shalt  }
0x56: {  	_ =	shalt  }
0x57: {  	_ =	shalt  }
0x58: {  	_ =	shalt  }
0x59: {  	_ =	shalt  }
0x5a: {  	_ =	shalt  }
0x5b: {  	_ =	shalt  }
0x5c: {  	_ =	shalt  }
0x5d: {  	_ =	shalt  }
0x5e: {  	_ =	shalt  }
0x5f: {  	_ =	shalt  }
0x60: {  	_ =	shalt  }
0x61: {  	_ =	shalt  }
0x62: {  	_ =	shalt  }
0x63: {  	_ =	shalt  }
0x64: {  	_ =	shalt  }
0x65: {  	_ =	shalt  }
0x66: {  	_ =	shalt  }
0x67: {  	_ =	shalt  }
0x68: {  	_ =	shalt  }
0x69: {  	_ =	shalt  }
0x6a: {  	_ =	shalt  }
0x6b: {  	_ =	shalt  }
0x6c: {  	_ =	shalt  }
0x6d: {  	_ =	shalt  }
0x6e: {  	_ =	shalt  }
0x6f: {  	_ =	shalt  }
0x70: {  	_ =	shalt  }
0x71: {  	_ =	shalt  }
0x72: {  	_ =	shalt  }
0x73: {  	_ =	shalt  }
0x74: {  	_ =	shalt  }
0x75: {  	_ =	shalt  }
0x76: {  	_ =	shalt  }
0x77: {  	_ =	shalt  }
0x78: {  	_ =	shalt  }
0x79: {  	_ =	shalt  }
0x7a: {  	_ =	shalt  }
0x7b: {  	_ =	shalt  }
0x7c: {  	_ =	shalt  }
0x7d: {  	_ =	shalt  }
0x7e: {  	_ =	shalt  }
0x7f: {  	_ =	shalt  }
0x80: {  	_ =	shalt  }
0x81: {  	_ =	shalt  }
0x82: {  	_ =	shalt  }
0x83: {  	_ =	shalt  }
0x84: {  	_ =	shalt  }
0x85: {  	_ =	shalt  }
0x86: {  	_ =	shalt  }
0x87: {  	_ =	shalt  }
.Lfunc_end0:
.L_simem_size_0:
called_computation.1_lowered:
.L_overlay_start_0:
0x88: {  	s2 =	sld [smem:$0x3FD9]  }
0x89: {  	s3 =	sld [smem:$0x3FFE];
	_ =	sdelay $0x1  }
0x8a: {  	s1 =	srdreg.scid  }
0x8b: {  	s0 =	sand.u32 $0x1, s1  }
0x8c: {  	s17 =	sshll.u32 s0, $0xA;
	s2 =	sadd.s32 s3, s2  }
0x8d: {  	s2 =	sadd.s32 s2, s17  }
0x8e: {  	[smem:$0x3FC3] =	sst s2  }
0x8f: {  	_ = 	snop  }
0x90: {  	s2 =	sld [smem:$0x3FD0];
	(tm) =	ssettm $0x1  }
0x91: {  	s18 =	sld [smem:$0x3FFB];
	_ =	sdelay $0x3  }
0x92: {  	_ =	strace s18  }
0x93: {  	s3 =	sld [smem:$0x3FFC];
	_ =	sdelay $0x3  }
0x94: {  	_ =	strace s3  }
0x95: {  	s3 =	sld [smem:$0x3FFD];
	_ =	sdelay $0x3  }
0x96: {  	_ =	strace s3  }
0x97: {  	_ =	strace $0x8FFFFFFF  }
0x98: {  	s19 =	sld [smem:$0x3FDB];
	_ =	sdelay $0x1  }
0x99: {  	s4 =	simm.s32 $_scs_section_size  }
0x9a: {  	s5 =	simm.s32 $_size__tile_overlayer_lowered;
	s6 =	simm.s32 $_tile_overlayer_lowered  }
0x9b: {  	s22 =	simm.s32 $0x1BFF;
	s21 =	sshll.u32 s6, $0x1;
	s3 =	sadd.s32 s4, s19  }
0x9c: {  	s7 =	simm.s32 $0x0;
	s20 =	sshll.u32 s5, $0x1;
	s5 =	sadd.s32 s21, s3  }
0x9d: {  	[timem:s7], [sflag:s22] =	dma.local [hbm:s5], s20  }
0x9e: {  	_ =	swait.ge [sflag:s22], s20  }
0x9f: {  	s4 =	ssub.s32 $0x0, s20;
	[sflag:s22] =	ssyncset.done $0x0  }
0xa0: {  	[sflag:s22] =	ssyncadd.s32 s4;
	_ =	sdelay $0x1  }
0xa1: {  	s23 =	simm.s32 $0x1B8B  }
0xa2: {  	_ =	swait.ge [sflag:s23], $0x1  }
0xa3: {  	[sflag:s23] =	ssyncset.done $0x0  }
0xa4: {  	s25 =	simm.s32 $0x1B8E;
	s24 =	sld [smem:$0x3FFE];
	[sflag:s23] =	ssyncadd.s32 $0xFFFFFFFF  }
0xa5: {  	s26 =	simm.s32 $execute0_lowered;
	[smem:$0x3FD2] =	sst s25  }
0xa6: {  	s5 =	sshll.u32 s26, $0x1;
	_ =	strace $0x80000049;
	[dreg:$0x1] =	wrdreg $0xFFFFFFFF  }
0xa7: {  	s28 =	simm.s32 $_size_execute0_lowered;
	s3 =	sadd.s32 s3, s5;
	[dreg:$0x0] =	wrdreg $0x0  }
0xa8: {  	s5 =	sshll.u32 s28, $0x1;
	[dreg:$0x2] =	wrdreg s3  }
0xa9: {  	[dreg:$0x3] =	wrdreg s5  }
0xaa: {  	[dreg:$0x4] =	wrdreg $0xC0  }
0xab: {  	_ =	task [dreg:s7], $0x5FFFF  }
0xac: {  	[dreg:$0x1] =	wrdreg $0xFFFFFFFF  }
0xad: {  	[dreg:$0x0] =	wrdreg $0x60  }
0xae: {  	[dreg:$0x2] =	wrdreg s24  }
0xaf: {  	[dreg:$0x3] =	wrdreg s2  }
0xb0: {  	[dreg:$0x4] =	wrdreg $0x9  }
0xb1: {  	_ =	task.clear_ibuf [dreg:s7], $0x5FFFF;
	_ =	strace $0x90000049  }
0xb2: {  	s29 =	simm.s32 $0x9;
	_ =	strace $0x8000004B  }
0xb3: {  	_ =	swait.ge [sflag:s29], $0x1  }
0xb4: {  	[sflag:s29] =	ssyncadd.s32 $0xFFFFFFFF  }
0xb5: {  	_ =	strace $0x9000004B  }
0xb6: {  	_ =	sfence  }
0xb7: {  	s30 =	sld [smem:$0x0];
	_ =	sdelay $0x2  }
0xb8: {  	s31 =	sshll.u32 s1, $0xD;
	s1 =	sshrl.u32 s1, $0x2  }
0xb9: {  	s3 =	sand.u32 $0x4000, s31;
	s1 =	sadd.s32 s1, s30  }
0xba: {  	s0 =	sor.u32 s3, s0;
	s1 =	sshll.u32 s1, $0x11  }
0xbb: {  	s0 =	sor.u32 s1, s0  }
0xbc: {  	s0 =	sadd.s32 $0x8F2B, s0  }
0xbd: {  	[sflag:s0] =	ssyncadd.remote.s32 $0x1  }
0xbe: {  	_ =	sfence.sel $0xFFFF  }
0xbf: {  	[dreg:$0x0] =	wrdreg $0xFFFFFFFF;
	(pc) =	sbr.abs _section_cstart, $3  }
0xc0: {  	[dreg:$0x1] =	wrdreg $0xFFFFFFFF  }
0xc1: {  	_ =	task.clear_ibuf [dreg:s7], $0x2FFFF;
	_ =	strace $0x9FFFFFFF  }
0xc2: {  	(tm) =	ssettm $0x7FFFFFFF  }
0xc3: {  	_ =	shalt  }
tec
execute0_lowered:
.L_overlay_start_1:
0x0: {  	(tag) =	ssettag $0x1  }
0x1: {  	s0 =	rddreg [dreg:$0x0]  }
0x2: {  	s1 =	rddreg [dreg:$0x1]  }
0x3: {  	s2 =	simm.s32 $0x0;
	s3 =	srdreg.scid;
	s9 =	stileid.u32  }
0x4: {  	s28 =	simm.s32 $0x19700;
	s29 =	simm.s32 $0x19F00;
	[smem:$0x7FF] =	sst s2  }
0x5: {  	s3 =	sand.u32 $0x1, s3;
	s4 =	smul.u32 $0x61A80, s9;
	s5 =	sadd.s32 $0x4A400, s0  }
0x6: {  	s10 =	sadd.s32 $0x13400, s0;
	_ =	strace $0x8000004A;
	s6 =	ssub.s32 $0x2, s3  }
0x7: {  	s7 =	smul.u32 $0x30D40, s3;
	[dreg:$0x3] =	wrdreg s5;
	s8 =	sshrl.u32 s6, $0x1  }
0x8: {  	s5 =	sadd.s32 $0xE00, s0;
	[dreg:$0x4] =	wrdreg s10;
	s12 =	ssub.s32 s6, s8  }
0x9: {  	s4 =	sadd.s32 s7, s4;
	s7 =	sshll.u32 s9, $0x1;
	s0 =	smax.u32 s12, $0x1  }
0xa: {  	s13 =	sadd.s32 $0x36B0, s4;
	s14 =	sadd.s32 $0x2EE0, s4;
	s15 =	sadd.s32 $0x2710, s4  }
0xb: {  	s19 =	sadd.s32 $0x1F40, s4;
	s20 =	sadd.s32 $0x1770, s4;
	s21 =	sadd.s32 $0xFA0, s4  }
0xc: {  	s25 =	sadd.s32 $0x7D0, s4;
	s4 =	sshrl.u32 s4, $0x3;
	s26 =	sor.u32 s3, s7  }
0xd: {  	[dreg:$0x5] =	wrdreg s0;
	s0 =	sshrl.u32 s13, $0x3;
	s16 =	sshrl.u32 s14, $0x3  }
0xe: {  	s17 =	sshrl.u32 s15, $0x3;
	s22 =	sshrl.u32 s20, $0x3;
	s30 =	sadd.s32 s4, s1  }
0xf: {  	s23 =	sshrl.u32 s21, $0x3;
	s31 =	sadd.s32 $0xFFFFFFF7, s26;
	[dreg:$0xd] =	wrdreg s30  }
0x10: {  	s20 =	simm.s32 $0x1B700;
	s0 =	sadd.s32 s0, s10;
	[dreg:$0xe] =	wrdreg s31  }
0x11: {  	s21 =	simm.s32 $0x1BF00;
	s18 =	sadd.s32 s17, s10;
	[dreg:$0x6] =	wrdreg s0  }
0x12: {  	s26 =	simm.s32 $0x18F00;
	s0 =	sadd.s32 s16, s10;
	[dreg:$0x8] =	wrdreg s18  }
0x13: {  	s24 =	sadd.s32 s23, s1;
	[dreg:$0x7] =	wrdreg s0;
	s0 =	sshrl.u32 s19, $0x3  }
.Ltmp0:
0x14: {  	[dreg:$0xb] =	wrdreg s24;
	s0 =	sadd.s32 s0, s10;
	(pc) =	sbr.rel .LBB2_1-.Ltmp0, $4  }
0x15: {  	s23 =	simm.s32 $0x2;
	[dreg:$0x9] =	wrdreg s0;
	s0 =	sadd.s32 s22, s1  }
0x16: {  	s18 =	simm.s32 $0x1A700;
	[dreg:$0xa] =	wrdreg s0;
	s0 =	sshrl.u32 s25, $0x3  }
0x17: {  	s19 =	simm.s32 $0x1AF00;
	s22 =	simm.s32 $0x1;
	s0 =	sadd.s32 s0, s1  }
0x18: {  	s25 =	simm.s32 $0x18700;
	s1 =	simm.s32 $0x0;
	[dreg:$0xc] =	wrdreg s0  }
.LBB2_25:
0x19: {  	s1 =	rddreg [dreg:$0xf]  }
0x1a: {  	s0 =	rddreg [dreg:$0x5];
	s1 =	sadd.s32 $0x1, s1  }
0x1b: {  	p0 =	sne.s32 s1, s0  }
.Ltmp1:
0x1c: {  	_ = 	snop;
	(pc) =	sbr.rel @!p0 .LBB2_26-.Ltmp1, $1  }
0x1d: {  	_ =	sdelay $0x3  }
.LBB2_1:
0x1e: {  	[dreg:$0xf] =	wrdreg s1  }
0x1f: {  	s31 =	rddreg [dreg:$0xe]  }
0x20: {  	s17 =	rddreg [dreg:$0xd]  }
0x21: {  	s30 =	rddreg [dreg:$0xc]  }
0x22: {  	s4 =	rddreg [dreg:$0xb]  }
.Ltmp2:
0x23: {  	s6 =	rddreg [dreg:$0xa];
	(pc) =	sbr.rel .LBB2_2-.Ltmp2, $4  }
0x24: {  	s12 =	rddreg [dreg:$0x9]  }
0x25: {  	s11 =	rddreg [dreg:$0x8]  }
0x26: {  	s10 =	rddreg [dreg:$0x7]  }
0x27: {  	s9 =	rddreg [dreg:$0x6];
	s8 =	simm.s32 $0x0  }
.LBB2_23:
0x28: {  	_ =	swait.ge [sflag:s23], $0x7D0  }
0x29: {  	[sflag:s23] =	ssyncset.done $0x0  }
0x2a: {  	[sflag:s23] =	ssyncadd.s32 $0xFFFFF830  }
0x2b: {  	_ =	swait.ge [sflag:s23], $0x7D0  }
0x2c: {  	[sflag:s23] =	ssyncset.done $0x0  }
0x2d: {  	[sflag:s23] =	ssyncadd.s32 $0xFFFFF830  }
0x2e: {  	_ =	swait.ge [sflag:s23], $0x7D0  }
0x2f: {  	[sflag:s23] =	ssyncset.done $0x0  }
0x30: {  	[sflag:s23] =	ssyncadd.s32 $0xFFFFF830  }
0x31: {  	_ =	swait.ge [sflag:s23], $0x7D0  }
0x32: {  	[sflag:s23] =	ssyncset.done $0x0  }
0x33: {  	[sflag:s23] =	ssyncadd.s32 $0xFFFFF830  }
.LBB2_24:
0x34: {  	s8 =	sadd.s32 $0x1, s8  }
0x35: {  	p0 =	sne.s32 s8, $0xD  }
.Ltmp3:
0x36: {  	_ = 	snop;
	(pc) =	sbr.rel @!p0 .LBB2_25-.Ltmp3, $4  }
0x37: {  	_ = 	snop  }
0x38: {  	s9 =	sadd.s32 $0xC3500, s9;
	s10 =	sadd.s32 $0xC3500, s10;
	s11 =	sadd.s32 $0xC3500, s11  }
0x39: {  	s12 =	sadd.s32 $0xC3500, s12;
	s6 =	sadd.s32 $0xC3500, s6;
	s4 =	sadd.s32 $0xC3500, s4  }
0x3a: {  	s30 =	sadd.s32 $0xC3500, s30;
	s17 =	sadd.s32 $0xC3500, s17;
	s31 =	sadd.s32 $0x20, s31  }
.LBB2_2:
0x3b: {  	s0 =	sshll.u32 s8, $0x5  }
0x3c: {  	s0 =	sor.u32 s7, s0  }
0x3d: {  	s1 =	sor.u32 s3, s0  }
0x3e: {  	p0 =	sgt.u32 s1, $0x8  }
.Ltmp4:
0x3f: {  	_ = 	snop;
	(pc) =	sbr.rel @p0 .LBB2_7-.Ltmp4, $1  }
0x40: {  	_ =	sdelay $0x3  }
0x41: {  	s13 =	smul.u32 $0x30D40, s1;
	_ =	sdelay $0x1  }
0x42: {  	s14 =	rddreg [dreg:$0x4];
	s13 =	sshrl.u32 s13, $0x3  }
0x43: {  	s14 =	sadd.s32 s14, s13;
	s13 =	simm.s32 $0x0  }
0x44: {  	[tilespmem:s18], [sflag:$0x1] =	stream.linear.gather [hbm4b:s14+s13], $0x7D0, $0x38;
	[tilespmem:$0x1C700] =	vst v63  }
0x45: {  	s15 =	sadd.s32 $0xFA, s14  }
0x46: {  	[tilespmem:s19], [sflag:$0x1] =	stream.linear.gather [hbm4b:s15+s13], $0x7D0, $0x38;
	[tilespmem:$0x1C700] =	vst v63  }
0x47: {  	s24 =	sadd.s32 $0x1F4, s14  }
0x48: {  	[tilespmem:s20], [sflag:$0x1] =	stream.linear.gather [hbm4b:s24+s13], $0x7D0, $0x38;
	[tilespmem:$0x1C700] =	vst v63  }
0x49: {  	s14 =	sadd.s32 $0x2EE, s14  }
0x4a: {  	[tilespmem:s21], [sflag:$0x1] =	stream.linear.gather [hbm4b:s14+s13], $0x7D0, $0x38;
	[tilespmem:$0x1C700] =	vst v63  }
.LBB2_4:
0x4b: {  	_ =	swait.ge [sflag:s22], $0x7D0  }
0x4c: {  	[sflag:s22] =	ssyncset.done $0x0  }
0x4d: {  	s14 =	sadd.s32 s13, s17;
	[sflag:s22] =	ssyncadd.s32 $0xFFFFF830  }
0x4e: {  	[hbm4b:s14+s2] =	stream.linear.scatter [tilespmem:s18], [sflag:$0x2], $0x7D0, $0x38;
	[tilespmem:$0x1C700] =	vst v63  }
0x4f: {  	_ =	swait.ge [sflag:s22], $0x7D0  }
0x50: {  	[sflag:s22] =	ssyncset.done $0x0  }
0x51: {  	s15 =	sadd.s32 s13, s30;
	[sflag:s22] =	ssyncadd.s32 $0xFFFFF830  }
0x52: {  	[hbm4b:s15+s2] =	stream.linear.scatter [tilespmem:s19], [sflag:$0x2], $0x7D0, $0x38;
	[tilespmem:$0x1C700] =	vst v63  }
0x53: {  	_ =	swait.ge [sflag:s22], $0x7D0  }
0x54: {  	[sflag:s22] =	ssyncset.done $0x0  }
0x55: {  	s16 =	sadd.s32 s13, s4;
	[sflag:s22] =	ssyncadd.s32 $0xFFFFF830  }
0x56: {  	[hbm4b:s16+s2] =	stream.linear.scatter [tilespmem:s20], [sflag:$0x2], $0x7D0, $0x38;
	[tilespmem:$0x1C700] =	vst v63  }
0x57: {  	_ =	swait.ge [sflag:s22], $0x7D0  }
0x58: {  	p0 =	seq.s32 s13, $0x5DC0;
	[sflag:s22] =	ssyncset.done $0x0  }
.Ltmp5:
0x59: {  	s24 =	sadd.s32 s13, s6;
	[sflag:s22] =	ssyncadd.s32 $0xFFFFF830;
	(pc) =	sbr.rel @p0 .LBB2_6-.Ltmp5, $4  }
0x5a: {  	[hbm4b:s24+s2] =	stream.linear.scatter [tilespmem:s21], [sflag:$0x2], $0x7D0, $0x38;
	[tilespmem:$0x1C700] =	vst v63  }
0x5b: {  	_ =	swait.ge [sflag:s23], $0x7D0  }
0x5c: {  	[sflag:s23] =	ssyncset.done $0x0  }
0x5d: {  	[sflag:s23] =	ssyncadd.s32 $0xFFFFF830  }
0x5e: {  	s14 =	sadd.s32 s13, s12  }
0x5f: {  	[tilespmem:s18], [sflag:$0x1] =	stream.linear.gather [hbm4b:s14+s2], $0x7D0, $0x38;
	[tilespmem:$0x1C700] =	vst v63  }
0x60: {  	_ =	swait.ge [sflag:s23], $0x7D0  }
0x61: {  	[sflag:s23] =	ssyncset.done $0x0  }
0x62: {  	s15 =	sadd.s32 s13, s11;
	[sflag:s23] =	ssyncadd.s32 $0xFFFFF830  }
0x63: {  	[tilespmem:s19], [sflag:$0x1] =	stream.linear.gather [hbm4b:s15+s2], $0x7D0, $0x38;
	[tilespmem:$0x1C700] =	vst v63  }
0x64: {  	_ =	swait.ge [sflag:s23], $0x7D0  }
0x65: {  	[sflag:s23] =	ssyncset.done $0x0  }
0x66: {  	s16 =	sadd.s32 s13, s10;
	[sflag:s23] =	ssyncadd.s32 $0xFFFFF830  }
0x67: {  	[tilespmem:s20], [sflag:$0x1] =	stream.linear.gather [hbm4b:s16+s2], $0x7D0, $0x38;
	[tilespmem:$0x1C700] =	vst v63  }
.Ltmp6:
0x68: {  	_ = 	snop;
	(pc) =	sbr.rel .LBB2_4-.Ltmp6, $4  }
0x69: {  	_ =	swait.ge [sflag:s23], $0x7D0  }
0x6a: {  	[sflag:s23] =	ssyncset.done $0x0  }
0x6b: {  	s24 =	sadd.s32 s13, s9;
	s13 =	sadd.s32 $0x3E8, s13;
	[sflag:s23] =	ssyncadd.s32 $0xFFFFF830  }
0x6c: {  	[tilespmem:s21], [sflag:$0x1] =	stream.linear.gather [hbm4b:s24+s2], $0x7D0, $0x38;
	[tilespmem:$0x1C700] =	vst v63  }
.LBB2_6:
0x6d: {  	_ =	swait.ge [sflag:s23], $0x7D0  }
0x6e: {  	[sflag:s23] =	ssyncset.done $0x0  }
0x6f: {  	[sflag:s23] =	ssyncadd.s32 $0xFFFFF830  }
0x70: {  	_ =	swait.ge [sflag:s23], $0x7D0  }
0x71: {  	[sflag:s23] =	ssyncset.done $0x0  }
0x72: {  	[sflag:s23] =	ssyncadd.s32 $0xFFFFF830  }
0x73: {  	_ =	swait.ge [sflag:s23], $0x7D0  }
0x74: {  	[sflag:s23] =	ssyncset.done $0x0  }
0x75: {  	[sflag:s23] =	ssyncadd.s32 $0xFFFFF830  }
.LBB2_7:
0x76: {  	s1 =	sadd.s32 $0xFFFFFFF7, s1  }
0x77: {  	p0 =	sgt.u32 s1, $0x17F  }
.Ltmp7:
0x78: {  	_ = 	snop;
	(pc) =	sbr.rel @p0 .LBB2_24-.Ltmp7, $1  }
0x79: {  	_ =	sdelay $0x3  }
0x7a: {  	s13 =	sand.u32 $0x7F, s1  }
0x7b: {  	p0 =	slt.u32 s0, $0xA;
	p1 =	sne.s32 s13, $0x0  }
0x7c: {  	s0 =	simm.s32 $0x1;
	s13 =	smul.u32 $0x30D4, s13;
	p0 =	por !p0, !p1  }
0x7d: {  	s15 =	sshrl.u32 s1, $0x7;
	s16 =	rddreg [dreg:$0x3];
	p0 =	por !p0, !p0  }
0x7e: {  	s1 =	simm.s32 $0x0;
	s13 =	sadd.s32 s16, s13;
	s0 =	simm.s32 @!p0 $0x0  }
0x7f: {  	[tilespmem:s1], [sflag:$0x3] =	stream.linear.gather [hbm4b:s13+s1], $0x186A0, $0x38;
	[tilespmem:$0x1C700] =	vst v63  }
0x80: {  	s0 =	ssub.s32 s15, s0  }
0x81: {  	s14 =	simm.s32 $0x3;
	s0 =	smul.u32 $0x30D40, s0  }
0x82: {  	_ =	swait.ge [sflag:s14], $0x186A0  }
0x83: {  	[sflag:s14] =	ssyncset.done $0x0;
	s24 =	sshrl.u32 s0, $0x3  }
0x84: {  	[sflag:s14] =	ssyncadd.s32 $0xFFFE7960;
	s14 =	sadd.s32 $0x7D0, s0;
	s13 =	sadd.s32 s5, s24  }
0x85: {  	[tilespmem:s25], [sflag:$0x1] =	stream.linear.gather [hbm4b:s13+s1], $0x7D0, $0x38;
	[tilespmem:$0x1C700] =	vst v63  }
0x86: {  	s16 =	sshrl.u32 s31, $0x7;
	s15 =	sadd.s32 $0xFA0, s0;
	s13 =	sshrl.u32 s14, $0x3  }
0x87: {  	s0 =	sadd.s32 $0x1770, s0;
	s14 =	simm.s32 $0xFFFFFFFF;
	s13 =	sadd.s32 s5, s13  }
0x88: {  	[tilespmem:s26], [sflag:$0x1] =	stream.linear.gather [hbm4b:s13+s1], $0x7D0, $0x38;
	[tilespmem:$0x1C700] =	vst v63  }
0x89: {  	s0 =	sshrl.u32 s0, $0x3;
	s14 =	simm.s32 @!p0 $0x0;
	s13 =	sshrl.u32 s15, $0x3  }
0x8a: {  	s0 =	sadd.s32 s5, s0;
	s24 =	smul.u32 $0x30D40, s14;
	s13 =	sadd.s32 s5, s13  }
0x8b: {  	[tilespmem:s28], [sflag:$0x1] =	stream.linear.gather [hbm4b:s13+s1], $0x7D0, $0x38;
	[tilespmem:$0x1C700] =	vst v63  }
0x8c: {  	s15 =	smov.u32 s30;
	s14 =	smov.u32 s4;
	s13 =	smul.u32 $0x30D40, s16  }
0x8d: {  	[tilespmem:s29], [sflag:$0x1] =	stream.linear.gather [hbm4b:s0+s1], $0x7D0, $0x38;
	[tilespmem:$0x1C700] =	vst v63  }
0x8e: {  	s16 =	smov.u32 s17;
	s0 =	sadd.s32 s24, s13;
	s13 =	smov.u32 s6  }
.LBB2_9:
0x8f: {  	_ =	swait.ge [sflag:s22], $0x7D0  }
0x90: {  	p0 =	seq.s32 s1, $0x0;
	[sflag:s22] =	ssyncset.done $0x0  }
0x91: {  	s24 =	simm.s32 @!p0 $0x2;
	[sflag:s22] =	ssyncadd.s32 $0xFFFFF830  }
0x92: {  	_ =	swait.ge @!p0 [sflag:s24], $0x7D0  }
0x93: {  	[sflag:s24] =	ssyncset.done @!p0 $0x0  }
0x94: {  	[sflag:s24] =	ssyncadd.s32 @!p0 $0xFFFFF830  }
0x95: {  	v0 =	vld [tilespmem:$0x18700];
	_ =	sdelay $0x5  }
0x96: {  	v1 =	vld [tilespmem:$0x18710];
	_ =	sdelay $0x1  }
0x97: {  	v0 =	vld.idx.msk [tilespmem:v0+s2+$0x0], $0xffff;
	_ =	sdelay $0x3  }
0x98: {  	v2 =	vld [tilespmem:$0x18720]  }
0x99: {  	[tilespmem:$0x1A700] =	vst v0  }
0x9a: {  	v0 =	vld.idx.msk [tilespmem:v1+s2+$0x0], $0xffff;
	_ =	sdelay $0x3  }
0x9b: {  	v62 =	vld [tilespmem:$0x18730]  }
0x9c: {  	[tilespmem:$0x1A710] =	vst v0  }
0x9d: {  	v0 =	vld.idx.msk [tilespmem:v2+s2+$0x0], $0xffff;
	_ =	sdelay $0x3  }
0x9e: {  	v63 =	vld [tilespmem:$0x18740]  }
0x9f: {  	[tilespmem:$0x1A720] =	vst v0  }
0xa0: {  	v0 =	vld.idx.msk [tilespmem:v62+s2+$0x0], $0xffff;
	_ =	sdelay $0x3  }
0xa1: {  	v4 =	vld [tilespmem:$0x18750]  }
0xa2: {  	[tilespmem:$0x1A730] =	vst v0  }
0xa3: {  	v0 =	vld.idx.msk [tilespmem:v63+s2+$0x0], $0xffff;
	_ =	sdelay $0x3  }
0xa4: {  	v5 =	vld [tilespmem:$0x18760]  }
0xa5: {  	[tilespmem:$0x1A740] =	vst v0  }
0xa6: {  	v0 =	vld.idx.msk [tilespmem:v4+s2+$0x0], $0xffff;
	_ =	sdelay $0x3  }
0xa7: {  	v6 =	vld [tilespmem:$0x18770]  }
0xa8: {  	[tilespmem:$0x1A750] =	vst v0  }
0xa9: {  	v0 =	vld.idx.msk [tilespmem:v5+s2+$0x0], $0xffff;
	_ =	sdelay $0x3  }
0xaa: {  	v7 =	vld [tilespmem:$0x18780]  }
0xab: {  	[tilespmem:$0x1A760] =	vst v0  }
0xac: {  	v0 =	vld.idx.msk [tilespmem:v6+s2+$0x0], $0xffff;
	_ =	sdelay $0x3  }
0xad: {  	v8 =	vld [tilespmem:$0x18790]  }
0xae: {  	[tilespmem:$0x1A770] =	vst v0  }
0xaf: {  	v0 =	vld.idx.msk [tilespmem:v7+s2+$0x0], $0xffff;
	_ =	sdelay $0x3  }
0xb0: {  	v9 =	vld [tilespmem:$0x187A0]  }
0xb1: {  	[tilespmem:$0x1A780] =	vst v0  }
0xb2: {  	v0 =	vld.idx.msk [tilespmem:v8+s2+$0x0], $0xffff;
	_ =	sdelay $0x3  }
0xb3: {  	v10 =	vld [tilespmem:$0x187B0]  }
0xb4: {  	[tilespmem:$0x1A790] =	vst v0  }
0xb5: {  	v0 =	vld.idx.msk [tilespmem:v9+s2+$0x0], $0xffff;
	_ =	sdelay $0x3  }
0xb6: {  	v11 =	vld [tilespmem:$0x187C0]  }
0xb7: {  	[tilespmem:$0x1A7A0] =	vst v0  }
0xb8: {  	v0 =	vld.idx.msk [tilespmem:v10+s2+$0x0], $0xffff;
	_ =	sdelay $0x3  }
0xb9: {  	v12 =	vld [tilespmem:$0x187D0]  }
0xba: {  	[tilespmem:$0x1A7B0] =	vst v0  }
0xbb: {  	v0 =	vld.idx.msk [tilespmem:v11+s2+$0x0], $0xffff;
	_ =	sdelay $0x3  }
0xbc: {  	v13 =	vld [tilespmem:$0x187E0]  }
0xbd: {  	[tilespmem:$0x1A7C0] =	vst v0  }
0xbe: {  	v0 =	vld.idx.msk [tilespmem:v12+s2+$0x0], $0xffff;
	_ =	sdelay $0x3  }
0xbf: {  	v14 =	vld [tilespmem:$0x187F0]  }
0xc0: {  	[tilespmem:$0x1A7D0] =	vst v0  }
0xc1: {  	v0 =	vld.idx.msk [tilespmem:v13+s2+$0x0], $0xffff;
	_ =	sdelay $0x3  }
0xc2: {  	v15 =	vld [tilespmem:$0x18800]  }
0xc3: {  	[tilespmem:$0x1A7E0] =	vst v0  }
0xc4: {  	v0 =	vld.idx.msk [tilespmem:v14+s2+$0x0], $0xffff;
	_ =	sdelay $0x3  }
0xc5: {  	v16 =	vld [tilespmem:$0x18810]  }
0xc6: {  	[tilespmem:$0x1A7F0] =	vst v0  }
0xc7: {  	v0 =	vld.idx.msk [tilespmem:v15+s2+$0x0], $0xffff;
	_ =	sdelay $0x3  }
0xc8: {  	v17 =	vld [tilespmem:$0x18820]  }
0xc9: {  	[tilespmem:$0x1A800] =	vst v0  }
0xca: {  	v0 =	vld.idx.msk [tilespmem:v16+s2+$0x0], $0xffff;
	_ =	sdelay $0x3  }
0xcb: {  	v18 =	vld [tilespmem:$0x18830]  }
0xcc: {  	[tilespmem:$0x1A810] =	vst v0  }
0xcd: {  	v0 =	vld.idx.msk [tilespmem:v17+s2+$0x0], $0xffff;
	_ =	sdelay $0x3  }
0xce: {  	v19 =	vld [tilespmem:$0x18840]  }
0xcf: {  	[tilespmem:$0x1A820] =	vst v0  }
0xd0: {  	v0 =	vld.idx.msk [tilespmem:v18+s2+$0x0], $0xffff;
	_ =	sdelay $0x3  }
0xd1: {  	v20 =	vld [tilespmem:$0x18850]  }
0xd2: {  	[tilespmem:$0x1A830] =	vst v0  }
0xd3: {  	v0 =	vld.idx.msk [tilespmem:v19+s2+$0x0], $0xffff;
	_ =	sdelay $0x3  }
0xd4: {  	v21 =	vld [tilespmem:$0x18860]  }
0xd5: {  	[tilespmem:$0x1A840] =	vst v0  }
0xd6: {  	v0 =	vld.idx.msk [tilespmem:v20+s2+$0x0], $0xffff;
	_ =	sdelay $0x3  }
0xd7: {  	v22 =	vld [tilespmem:$0x18870]  }
0xd8: {  	[tilespmem:$0x1A850] =	vst v0  }
0xd9: {  	v0 =	vld.idx.msk [tilespmem:v21+s2+$0x0], $0xffff;
	_ =	sdelay $0x3  }
0xda: {  	v23 =	vld [tilespmem:$0x18880]  }
0xdb: {  	[tilespmem:$0x1A860] =	vst v0  }
0xdc: {  	v0 =	vld.idx.msk [tilespmem:v22+s2+$0x0], $0xffff;
	_ =	sdelay $0x3  }
0xdd: {  	v24 =	vld [tilespmem:$0x18890]  }
0xde: {  	[tilespmem:$0x1A870] =	vst v0  }
0xdf: {  	v0 =	vld.idx.msk [tilespmem:v23+s2+$0x0], $0xffff;
	_ =	sdelay $0x3  }
0xe0: {  	v25 =	vld [tilespmem:$0x188A0]  }
0xe1: {  	[tilespmem:$0x1A880] =	vst v0  }
0xe2: {  	v0 =	vld.idx.msk [tilespmem:v24+s2+$0x0], $0xffff;
	_ =	sdelay $0x3  }
0xe3: {  	v26 =	vld [tilespmem:$0x188B0]  }
0xe4: {  	[tilespmem:$0x1A890] =	vst v0  }
0xe5: {  	v0 =	vld.idx.msk [tilespmem:v25+s2+$0x0], $0xffff;
	_ =	sdelay $0x3  }
0xe6: {  	v27 =	vld [tilespmem:$0x188C0]  }
0xe7: {  	[tilespmem:$0x1A8A0] =	vst v0  }
0xe8: {  	v0 =	vld.idx.msk [tilespmem:v26+s2+$0x0], $0xffff;
	_ =	sdelay $0x3  }
0xe9: {  	v28 =	vld [tilespmem:$0x188D0]  }
0xea: {  	[tilespmem:$0x1A8B0] =	vst v0  }
0xeb: {  	v0 =	vld.idx.msk [tilespmem:v27+s2+$0x0], $0xffff;
	_ =	sdelay $0x3  }
0xec: {  	v29 =	vld [tilespmem:$0x188E0]  }
0xed: {  	[tilespmem:$0x1A8C0] =	vst v0  }
0xee: {  	v0 =	vld.idx.msk [tilespmem:v28+s2+$0x0], $0xffff;
	_ =	sdelay $0x3  }
0xef: {  	v30 =	vld [tilespmem:$0x188F0]  }
0xf0: {  	[tilespmem:$0x1A8D0] =	vst v0  }
0xf1: {  	v0 =	vld.idx.msk [tilespmem:v29+s2+$0x0], $0xffff;
	_ =	sdelay $0x3  }
0xf2: {  	v31 =	vld [tilespmem:$0x18900]  }
0xf3: {  	[tilespmem:$0x1A8E0] =	vst v0  }
0xf4: {  	v0 =	vld.idx.msk [tilespmem:v30+s2+$0x0], $0xffff;
	_ =	sdelay $0x3  }
0xf5: {  	v32 =	vld [tilespmem:$0x18910]  }
0xf6: {  	[tilespmem:$0x1A8F0] =	vst v0  }
0xf7: {  	v0 =	vld.idx.msk [tilespmem:v31+s2+$0x0], $0xffff;
	_ =	sdelay $0x3  }
0xf8: {  	v33 =	vld [tilespmem:$0x18920]  }
0xf9: {  	[tilespmem:$0x1A900] =	vst v0  }
0xfa: {  	v0 =	vld.idx.msk [tilespmem:v32+s2+$0x0], $0xffff;
	_ =	sdelay $0x3  }
0xfb: {  	v34 =	vld [tilespmem:$0x18930]  }
0xfc: {  	[tilespmem:$0x1A910] =	vst v0  }
0xfd: {  	v0 =	vld.idx.msk [tilespmem:v33+s2+$0x0], $0xffff;
	_ =	sdelay $0x3  }
0xfe: {  	v35 =	vld [tilespmem:$0x18940]  }
0xff: {  	[tilespmem:$0x1A920] =	vst v0  }
0x100: {  	v0 =	vld.idx.msk [tilespmem:v34+s2+$0x0], $0xffff;
	_ =	sdelay $0x3  }
0x101: {  	v36 =	vld [tilespmem:$0x18950]  }
0x102: {  	[tilespmem:$0x1A930] =	vst v0  }
0x103: {  	v0 =	vld.idx.msk [tilespmem:v35+s2+$0x0], $0xffff;
	_ =	sdelay $0x3  }
0x104: {  	v37 =	vld [tilespmem:$0x18960]  }
0x105: {  	[tilespmem:$0x1A940] =	vst v0  }
0x106: {  	v0 =	vld.idx.msk [tilespmem:v36+s2+$0x0], $0xffff;
	_ =	sdelay $0x3  }
0x107: {  	v38 =	vld [tilespmem:$0x18970]  }
0x108: {  	[tilespmem:$0x1A950] =	vst v0  }
0x109: {  	v0 =	vld.idx.msk [tilespmem:v37+s2+$0x0], $0xffff;
	_ =	sdelay $0x3  }
0x10a: {  	v39 =	vld [tilespmem:$0x18980]  }
0x10b: {  	[tilespmem:$0x1A960] =	vst v0  }
0x10c: {  	v0 =	vld.idx.msk [tilespmem:v38+s2+$0x0], $0xffff;
	_ =	sdelay $0x3  }
0x10d: {  	v40 =	vld [tilespmem:$0x18990]  }
0x10e: {  	[tilespmem:$0x1A970] =	vst v0  }
0x10f: {  	v0 =	vld.idx.msk [tilespmem:v39+s2+$0x0], $0xffff;
	_ =	sdelay $0x3  }
0x110: {  	v41 =	vld [tilespmem:$0x189A0]  }
0x111: {  	[tilespmem:$0x1A980] =	vst v0  }
0x112: {  	v0 =	vld.idx.msk [tilespmem:v40+s2+$0x0], $0xffff;
	_ =	sdelay $0x3  }
0x113: {  	v42 =	vld [tilespmem:$0x189B0]  }
0x114: {  	[tilespmem:$0x1A990] =	vst v0  }
0x115: {  	v0 =	vld.idx.msk [tilespmem:v41+s2+$0x0], $0xffff;
	_ =	sdelay $0x3  }
0x116: {  	v43 =	vld [tilespmem:$0x189C0]  }
0x117: {  	[tilespmem:$0x1A9A0] =	vst v0  }
0x118: {  	v0 =	vld.idx.msk [tilespmem:v42+s2+$0x0], $0xffff;
	_ =	sdelay $0x3  }
0x119: {  	v44 =	vld [tilespmem:$0x189D0]  }
0x11a: {  	[tilespmem:$0x1A9B0] =	vst v0  }
0x11b: {  	v0 =	vld.idx.msk [tilespmem:v43+s2+$0x0], $0xffff;
	_ =	sdelay $0x3  }
0x11c: {  	v45 =	vld [tilespmem:$0x189E0]  }
0x11d: {  	[tilespmem:$0x1A9C0] =	vst v0  }
0x11e: {  	v0 =	vld.idx.msk [tilespmem:v44+s2+$0x0], $0xffff;
	_ =	sdelay $0x3  }
0x11f: {  	v46 =	vld [tilespmem:$0x189F0]  }
0x120: {  	[tilespmem:$0x1A9D0] =	vst v0  }
0x121: {  	v0 =	vld.idx.msk [tilespmem:v45+s2+$0x0], $0xffff;
	_ =	sdelay $0x3  }
0x122: {  	v47 =	vld [tilespmem:$0x18A00]  }
0x123: {  	[tilespmem:$0x1A9E0] =	vst v0  }
0x124: {  	v0 =	vld.idx.msk [tilespmem:v46+s2+$0x0], $0xffff;
	_ =	sdelay $0x3  }
0x125: {  	v48 =	vld [tilespmem:$0x18A10]  }
0x126: {  	[tilespmem:$0x1A9F0] =	vst v0  }
0x127: {  	v0 =	vld.idx.msk [tilespmem:v47+s2+$0x0], $0xffff;
	_ =	sdelay $0x3  }
0x128: {  	v49 =	vld [tilespmem:$0x18A20]  }
0x129: {  	[tilespmem:$0x1AA00] =	vst v0  }
0x12a: {  	v0 =	vld.idx.msk [tilespmem:v48+s2+$0x0], $0xffff;
	_ =	sdelay $0x3  }
0x12b: {  	v50 =	vld [tilespmem:$0x18A30]  }
0x12c: {  	[tilespmem:$0x1AA10] =	vst v0  }
0x12d: {  	v0 =	vld.idx.msk [tilespmem:v49+s2+$0x0], $0xffff;
	_ =	sdelay $0x3  }
0x12e: {  	v51 =	vld [tilespmem:$0x18A40]  }
0x12f: {  	[tilespmem:$0x1AA20] =	vst v0  }
0x130: {  	v0 =	vld.idx.msk [tilespmem:v50+s2+$0x0], $0xffff;
	_ =	sdelay $0x3  }
0x131: {  	v52 =	vld [tilespmem:$0x18A50]  }
0x132: {  	[tilespmem:$0x1AA30] =	vst v0  }
0x133: {  	v0 =	vld.idx.msk [tilespmem:v51+s2+$0x0], $0xffff;
	_ =	sdelay $0x3  }
0x134: {  	v53 =	vld [tilespmem:$0x18A60]  }
0x135: {  	[tilespmem:$0x1AA40] =	vst v0  }
0x136: {  	v0 =	vld.idx.msk [tilespmem:v52+s2+$0x0], $0xffff;
	_ =	sdelay $0x3  }
0x137: {  	v54 =	vld [tilespmem:$0x18A70]  }
0x138: {  	[tilespmem:$0x1AA50] =	vst v0  }
0x139: {  	v0 =	vld.idx.msk [tilespmem:v53+s2+$0x0], $0xffff;
	_ =	sdelay $0x3  }
0x13a: {  	v55 =	vld [tilespmem:$0x18A80]  }
0x13b: {  	[tilespmem:$0x1AA60] =	vst v0  }
0x13c: {  	v0 =	vld.idx.msk [tilespmem:v54+s2+$0x0], $0xffff;
	_ =	sdelay $0x3  }
0x13d: {  	v56 =	vld [tilespmem:$0x18A90]  }
0x13e: {  	[tilespmem:$0x1AA70] =	vst v0  }
0x13f: {  	v0 =	vld.idx.msk [tilespmem:v55+s2+$0x0], $0xffff;
	_ =	sdelay $0x3  }
0x140: {  	v57 =	vld [tilespmem:$0x18AA0]  }
0x141: {  	[tilespmem:$0x1AA80] =	vst v0  }
0x142: {  	v0 =	vld.idx.msk [tilespmem:v56+s2+$0x0], $0xffff;
	_ =	sdelay $0x3  }
0x143: {  	v58 =	vld [tilespmem:$0x18AB0]  }
0x144: {  	[tilespmem:$0x1AA90] =	vst v0  }
0x145: {  	v0 =	vld.idx.msk [tilespmem:v57+s2+$0x0], $0xffff;
	_ =	sdelay $0x3  }
0x146: {  	v59 =	vld [tilespmem:$0x18AC0]  }
0x147: {  	[tilespmem:$0x1AAA0] =	vst v0  }
0x148: {  	v0 =	vld.idx.msk [tilespmem:v58+s2+$0x0], $0xffff;
	_ =	sdelay $0x3  }
0x149: {  	v60 =	vld [tilespmem:$0x18AD0]  }
0x14a: {  	[tilespmem:$0x1AAB0] =	vst v0  }
0x14b: {  	v0 =	vld.idx.msk [tilespmem:v59+s2+$0x0], $0xffff;
	_ =	sdelay $0x3  }
0x14c: {  	v61 =	vld [tilespmem:$0x18AE0]  }
0x14d: {  	[tilespmem:$0x1AAC0] =	vst v0  }
0x14e: {  	v0 =	vld.idx.msk [tilespmem:v60+s2+$0x0], $0xffff;
	_ =	sdelay $0x3  }
0x14f: {  	v62 =	vld [tilespmem:$0x18AF0]  }
0x150: {  	[tilespmem:$0x1AAD0] =	vst v0  }
0x151: {  	v0 =	vld.idx.msk [tilespmem:v61+s2+$0x0], $0xffff;
	_ =	sdelay $0x3  }
0x152: {  	v63 =	vld [tilespmem:$0x18B00]  }
0x153: {  	[tilespmem:$0x1AAE0] =	vst v0  }
0x154: {  	v0 =	vld.idx.msk [tilespmem:v62+s2+$0x0], $0xffff;
	_ =	sdelay $0x3  }
0x155: {  	v4 =	vld [tilespmem:$0x18B10]  }
0x156: {  	[tilespmem:$0x1AAF0] =	vst v0  }
0x157: {  	v0 =	vld.idx.msk [tilespmem:v63+s2+$0x0], $0xffff;
	_ =	sdelay $0x3  }
0x158: {  	v5 =	vld [tilespmem:$0x18B20]  }
0x159: {  	[tilespmem:$0x1AB00] =	vst v0  }
0x15a: {  	v0 =	vld.idx.msk [tilespmem:v4+s2+$0x0], $0xffff;
	_ =	sdelay $0x3  }
0x15b: {  	v6 =	vld [tilespmem:$0x18B30]  }
0x15c: {  	[tilespmem:$0x1AB10] =	vst v0  }
0x15d: {  	v0 =	vld.idx.msk [tilespmem:v5+s2+$0x0], $0xffff;
	_ =	sdelay $0x3  }
0x15e: {  	v7 =	vld [tilespmem:$0x18B40]  }
0x15f: {  	[tilespmem:$0x1AB20] =	vst v0  }
0x160: {  	v0 =	vld.idx.msk [tilespmem:v6+s2+$0x0], $0xffff;
	_ =	sdelay $0x3  }
0x161: {  	v8 =	vld [tilespmem:$0x18B50]  }
0x162: {  	[tilespmem:$0x1AB30] =	vst v0  }
0x163: {  	v0 =	vld.idx.msk [tilespmem:v7+s2+$0x0], $0xffff;
	_ =	sdelay $0x3  }
0x164: {  	v9 =	vld [tilespmem:$0x18B60]  }
0x165: {  	[tilespmem:$0x1AB40] =	vst v0  }
0x166: {  	v0 =	vld.idx.msk [tilespmem:v8+s2+$0x0], $0xffff;
	_ =	sdelay $0x3  }
0x167: {  	v10 =	vld [tilespmem:$0x18B70]  }
0x168: {  	[tilespmem:$0x1AB50] =	vst v0  }
0x169: {  	v0 =	vld.idx.msk [tilespmem:v9+s2+$0x0], $0xffff;
	_ =	sdelay $0x3  }
0x16a: {  	v11 =	vld [tilespmem:$0x18B80]  }
0x16b: {  	[tilespmem:$0x1AB60] =	vst v0  }
0x16c: {  	v0 =	vld.idx.msk [tilespmem:v10+s2+$0x0], $0xffff;
	_ =	sdelay $0x3  }
0x16d: {  	v12 =	vld [tilespmem:$0x18B90]  }
0x16e: {  	[tilespmem:$0x1AB70] =	vst v0  }
0x16f: {  	v0 =	vld.idx.msk [tilespmem:v11+s2+$0x0], $0xffff;
	_ =	sdelay $0x3  }
0x170: {  	v13 =	vld [tilespmem:$0x18BA0]  }
0x171: {  	[tilespmem:$0x1AB80] =	vst v0  }
0x172: {  	v0 =	vld.idx.msk [tilespmem:v12+s2+$0x0], $0xffff;
	_ =	sdelay $0x3  }
0x173: {  	v14 =	vld [tilespmem:$0x18BB0]  }
0x174: {  	[tilespmem:$0x1AB90] =	vst v0  }
0x175: {  	v0 =	vld.idx.msk [tilespmem:v13+s2+$0x0], $0xffff;
	_ =	sdelay $0x3  }
0x176: {  	v15 =	vld [tilespmem:$0x18BC0]  }
0x177: {  	[tilespmem:$0x1ABA0] =	vst v0  }
0x178: {  	v0 =	vld.idx.msk [tilespmem:v14+s2+$0x0], $0xffff;
	_ =	sdelay $0x3  }
0x179: {  	v16 =	vld [tilespmem:$0x18BD0]  }
0x17a: {  	[tilespmem:$0x1ABB0] =	vst v0  }
0x17b: {  	v0 =	vld.idx.msk [tilespmem:v15+s2+$0x0], $0xffff;
	_ =	sdelay $0x3  }
0x17c: {  	v17 =	vld [tilespmem:$0x18BE0]  }
0x17d: {  	[tilespmem:$0x1ABC0] =	vst v0  }
0x17e: {  	v0 =	vld.idx.msk [tilespmem:v16+s2+$0x0], $0xffff;
	_ =	sdelay $0x3  }
0x17f: {  	v18 =	vld [tilespmem:$0x18BF0]  }
0x180: {  	[tilespmem:$0x1ABD0] =	vst v0  }
0x181: {  	v0 =	vld.idx.msk [tilespmem:v17+s2+$0x0], $0xffff;
	_ =	sdelay $0x3  }
0x182: {  	v19 =	vld [tilespmem:$0x18C00]  }
0x183: {  	[tilespmem:$0x1ABE0] =	vst v0  }
0x184: {  	v0 =	vld.idx.msk [tilespmem:v18+s2+$0x0], $0xffff;
	_ =	sdelay $0x3  }
0x185: {  	v20 =	vld [tilespmem:$0x18C10]  }
0x186: {  	[tilespmem:$0x1ABF0] =	vst v0  }
0x187: {  	v0 =	vld.idx.msk [tilespmem:v19+s2+$0x0], $0xffff;
	_ =	sdelay $0x3  }
0x188: {  	v21 =	vld [tilespmem:$0x18C20]  }
0x189: {  	[tilespmem:$0x1AC00] =	vst v0  }
0x18a: {  	v0 =	vld.idx.msk [tilespmem:v20+s2+$0x0], $0xffff;
	_ =	sdelay $0x3  }
0x18b: {  	v22 =	vld [tilespmem:$0x18C30]  }
0x18c: {  	[tilespmem:$0x1AC10] =	vst v0  }
0x18d: {  	v0 =	vld.idx.msk [tilespmem:v21+s2+$0x0], $0xffff;
	_ =	sdelay $0x3  }
0x18e: {  	v23 =	vld [tilespmem:$0x18C40]  }
0x18f: {  	[tilespmem:$0x1AC20] =	vst v0  }
0x190: {  	v0 =	vld.idx.msk [tilespmem:v22+s2+$0x0], $0xffff;
	_ =	sdelay $0x3  }
0x191: {  	v24 =	vld [tilespmem:$0x18C50]  }
0x192: {  	[tilespmem:$0x1AC30] =	vst v0  }
0x193: {  	v0 =	vld.idx.msk [tilespmem:v23+s2+$0x0], $0xffff;
	_ =	sdelay $0x3  }
0x194: {  	v25 =	vld [tilespmem:$0x18C60]  }
0x195: {  	[tilespmem:$0x1AC40] =	vst v0  }
0x196: {  	v0 =	vld.idx.msk [tilespmem:v24+s2+$0x0], $0xffff;
	_ =	sdelay $0x3  }
0x197: {  	v26 =	vld [tilespmem:$0x18C70]  }
0x198: {  	[tilespmem:$0x1AC50] =	vst v0  }
0x199: {  	v0 =	vld.idx.msk [tilespmem:v25+s2+$0x0], $0xffff;
	_ =	sdelay $0x3  }
0x19a: {  	v27 =	vld [tilespmem:$0x18C80]  }
0x19b: {  	[tilespmem:$0x1AC60] =	vst v0  }
0x19c: {  	v0 =	vld.idx.msk [tilespmem:v26+s2+$0x0], $0xffff;
	_ =	sdelay $0x3  }
0x19d: {  	v28 =	vld [tilespmem:$0x18C90]  }
0x19e: {  	[tilespmem:$0x1AC70] =	vst v0  }
0x19f: {  	v0 =	vld.idx.msk [tilespmem:v27+s2+$0x0], $0xffff;
	_ =	sdelay $0x3  }
0x1a0: {  	v29 =	vld [tilespmem:$0x18CA0]  }
0x1a1: {  	[tilespmem:$0x1AC80] =	vst v0  }
0x1a2: {  	v0 =	vld.idx.msk [tilespmem:v28+s2+$0x0], $0xffff;
	_ =	sdelay $0x3  }
0x1a3: {  	v30 =	vld [tilespmem:$0x18CB0]  }
0x1a4: {  	[tilespmem:$0x1AC90] =	vst v0  }
0x1a5: {  	v0 =	vld.idx.msk [tilespmem:v29+s2+$0x0], $0xffff;
	_ =	sdelay $0x3  }
0x1a6: {  	v31 =	vld [tilespmem:$0x18CC0]  }
0x1a7: {  	[tilespmem:$0x1ACA0] =	vst v0  }
0x1a8: {  	v0 =	vld.idx.msk [tilespmem:v30+s2+$0x0], $0xffff;
	_ =	sdelay $0x3  }
0x1a9: {  	v32 =	vld [tilespmem:$0x18CD0]  }
0x1aa: {  	[tilespmem:$0x1ACB0] =	vst v0  }
0x1ab: {  	v0 =	vld.idx.msk [tilespmem:v31+s2+$0x0], $0xffff;
	_ =	sdelay $0x3  }
0x1ac: {  	v33 =	vld [tilespmem:$0x18CE0]  }
0x1ad: {  	[tilespmem:$0x1ACC0] =	vst v0  }
0x1ae: {  	v0 =	vld.idx.msk [tilespmem:v32+s2+$0x0], $0xffff;
	_ =	sdelay $0x3  }
0x1af: {  	v34 =	vld [tilespmem:$0x18CF0]  }
0x1b0: {  	[tilespmem:$0x1ACD0] =	vst v0  }
0x1b1: {  	v0 =	vld.idx.msk [tilespmem:v33+s2+$0x0], $0xffff;
	_ =	sdelay $0x3  }
0x1b2: {  	v35 =	vld [tilespmem:$0x18D00]  }
0x1b3: {  	[tilespmem:$0x1ACE0] =	vst v0  }
0x1b4: {  	v0 =	vld.idx.msk [tilespmem:v34+s2+$0x0], $0xffff;
	_ =	sdelay $0x3  }
0x1b5: {  	v36 =	vld [tilespmem:$0x18D10]  }
0x1b6: {  	[tilespmem:$0x1ACF0] =	vst v0  }
0x1b7: {  	v0 =	vld.idx.msk [tilespmem:v35+s2+$0x0], $0xffff;
	_ =	sdelay $0x3  }
0x1b8: {  	v37 =	vld [tilespmem:$0x18D20]  }
0x1b9: {  	[tilespmem:$0x1AD00] =	vst v0  }
0x1ba: {  	v0 =	vld.idx.msk [tilespmem:v36+s2+$0x0], $0xffff;
	_ =	sdelay $0x3  }
0x1bb: {  	v38 =	vld [tilespmem:$0x18D30]  }
0x1bc: {  	[tilespmem:$0x1AD10] =	vst v0  }
0x1bd: {  	v0 =	vld.idx.msk [tilespmem:v37+s2+$0x0], $0xffff;
	_ =	sdelay $0x3  }
0x1be: {  	v39 =	vld [tilespmem:$0x18D40]  }
0x1bf: {  	[tilespmem:$0x1AD20] =	vst v0  }
0x1c0: {  	v0 =	vld.idx.msk [tilespmem:v38+s2+$0x0], $0xffff;
	_ =	sdelay $0x3  }
0x1c1: {  	v40 =	vld [tilespmem:$0x18D50]  }
0x1c2: {  	[tilespmem:$0x1AD30] =	vst v0  }
0x1c3: {  	v0 =	vld.idx.msk [tilespmem:v39+s2+$0x0], $0xffff;
	_ =	sdelay $0x3  }
0x1c4: {  	v41 =	vld [tilespmem:$0x18D60]  }
0x1c5: {  	[tilespmem:$0x1AD40] =	vst v0  }
0x1c6: {  	v0 =	vld.idx.msk [tilespmem:v40+s2+$0x0], $0xffff;
	_ =	sdelay $0x3  }
0x1c7: {  	v42 =	vld [tilespmem:$0x18D70]  }
0x1c8: {  	[tilespmem:$0x1AD50] =	vst v0  }
0x1c9: {  	v0 =	vld.idx.msk [tilespmem:v41+s2+$0x0], $0xffff;
	_ =	sdelay $0x3  }
0x1ca: {  	v43 =	vld [tilespmem:$0x18D80]  }
0x1cb: {  	[tilespmem:$0x1AD60] =	vst v0  }
0x1cc: {  	v0 =	vld.idx.msk [tilespmem:v42+s2+$0x0], $0xffff;
	_ =	sdelay $0x3  }
0x1cd: {  	v44 =	vld [tilespmem:$0x18D90]  }
0x1ce: {  	[tilespmem:$0x1AD70] =	vst v0  }
0x1cf: {  	v0 =	vld.idx.msk [tilespmem:v43+s2+$0x0], $0xffff;
	_ =	sdelay $0x3  }
0x1d0: {  	v45 =	vld [tilespmem:$0x18DA0]  }
0x1d1: {  	[tilespmem:$0x1AD80] =	vst v0  }
0x1d2: {  	v0 =	vld.idx.msk [tilespmem:v44+s2+$0x0], $0xffff;
	_ =	sdelay $0x3  }
0x1d3: {  	v46 =	vld [tilespmem:$0x18DB0]  }
0x1d4: {  	[tilespmem:$0x1AD90] =	vst v0  }
0x1d5: {  	v0 =	vld.idx.msk [tilespmem:v45+s2+$0x0], $0xffff;
	_ =	sdelay $0x3  }
0x1d6: {  	v47 =	vld [tilespmem:$0x18DC0]  }
0x1d7: {  	[tilespmem:$0x1ADA0] =	vst v0  }
0x1d8: {  	v0 =	vld.idx.msk [tilespmem:v46+s2+$0x0], $0xffff;
	_ =	sdelay $0x3  }
0x1d9: {  	v48 =	vld [tilespmem:$0x18DD0]  }
0x1da: {  	[tilespmem:$0x1ADB0] =	vst v0  }
0x1db: {  	v0 =	vld.idx.msk [tilespmem:v47+s2+$0x0], $0xffff;
	_ =	sdelay $0x3  }
0x1dc: {  	v49 =	vld [tilespmem:$0x18DE0]  }
0x1dd: {  	[tilespmem:$0x1ADC0] =	vst v0  }
0x1de: {  	v0 =	vld.idx.msk [tilespmem:v48+s2+$0x0], $0xffff;
	_ =	sdelay $0x3  }
0x1df: {  	v50 =	vld [tilespmem:$0x18DF0]  }
0x1e0: {  	[tilespmem:$0x1ADD0] =	vst v0  }
0x1e1: {  	v0 =	vld.idx.msk [tilespmem:v49+s2+$0x0], $0xffff;
	_ =	sdelay $0x3  }
0x1e2: {  	v51 =	vld [tilespmem:$0x18E00]  }
0x1e3: {  	[tilespmem:$0x1ADE0] =	vst v0  }
0x1e4: {  	v0 =	vld.idx.msk [tilespmem:v50+s2+$0x0], $0xffff;
	_ =	sdelay $0x3  }
0x1e5: {  	v52 =	vld [tilespmem:$0x18E10]  }
0x1e6: {  	[tilespmem:$0x1ADF0] =	vst v0  }
0x1e7: {  	v0 =	vld.idx.msk [tilespmem:v51+s2+$0x0], $0xffff;
	_ =	sdelay $0x3  }
0x1e8: {  	v53 =	vld [tilespmem:$0x18E20]  }
0x1e9: {  	[tilespmem:$0x1AE00] =	vst v0  }
0x1ea: {  	v0 =	vld.idx.msk [tilespmem:v52+s2+$0x0], $0xffff;
	_ =	sdelay $0x3  }
0x1eb: {  	v54 =	vld [tilespmem:$0x18E30]  }
0x1ec: {  	[tilespmem:$0x1AE10] =	vst v0  }
0x1ed: {  	v0 =	vld.idx.msk [tilespmem:v53+s2+$0x0], $0xffff;
	_ =	sdelay $0x3  }
0x1ee: {  	v55 =	vld [tilespmem:$0x18E40]  }
0x1ef: {  	[tilespmem:$0x1AE20] =	vst v0  }
0x1f0: {  	v0 =	vld.idx.msk [tilespmem:v54+s2+$0x0], $0xffff;
	_ =	sdelay $0x3  }
0x1f1: {  	v56 =	vld [tilespmem:$0x18E50]  }
0x1f2: {  	[tilespmem:$0x1AE30] =	vst v0  }
0x1f3: {  	v0 =	vld.idx.msk [tilespmem:v55+s2+$0x0], $0xffff;
	_ =	sdelay $0x3  }
0x1f4: {  	v57 =	vld [tilespmem:$0x18E60]  }
0x1f5: {  	[tilespmem:$0x1AE40] =	vst v0  }
0x1f6: {  	v0 =	vld.idx.msk [tilespmem:v56+s2+$0x0], $0xffff;
	_ =	sdelay $0x3  }
0x1f7: {  	v58 =	vld [tilespmem:$0x18E70]  }
0x1f8: {  	[tilespmem:$0x1AE50] =	vst v0  }
0x1f9: {  	v0 =	vld.idx.msk [tilespmem:v57+s2+$0x0], $0xffff;
	_ =	sdelay $0x3  }
0x1fa: {  	v59 =	vld [tilespmem:$0x18E80]  }
0x1fb: {  	[tilespmem:$0x1AE60] =	vst v0  }
0x1fc: {  	v0 =	vld.idx.msk [tilespmem:v58+s2+$0x0], $0xffff;
	_ =	sdelay $0x3  }
0x1fd: {  	v60 =	vld [tilespmem:$0x18E90]  }
0x1fe: {  	[tilespmem:$0x1AE70] =	vst v0  }
0x1ff: {  	v0 =	vld.idx.msk [tilespmem:v59+s2+$0x0], $0xffff;
	_ =	sdelay $0x3  }
0x200: {  	v61 =	vld [tilespmem:$0x18EA0]  }
0x201: {  	[tilespmem:$0x1AE80] =	vst v0  }
0x202: {  	v0 =	vld.idx.msk [tilespmem:v60+s2+$0x0], $0xffff;
	_ =	sdelay $0x3  }
0x203: {  	v62 =	vld [tilespmem:$0x18EB0]  }
0x204: {  	[tilespmem:$0x1AE90] =	vst v0  }
0x205: {  	v0 =	vld.idx.msk [tilespmem:v61+s2+$0x0], $0xffff;
	_ =	sdelay $0x3  }
0x206: {  	v63 =	vld [tilespmem:$0x18EC0]  }
0x207: {  	[tilespmem:$0x1AEA0] =	vst v0  }
0x208: {  	v0 =	vld.idx.msk [tilespmem:v62+s2+$0x0], $0xffff;
	_ =	sdelay $0x4  }
0x209: {  	[tilespmem:$0x1AEB0] =	vst v0  }
0x20a: {  	v0 =	vld.idx.msk [tilespmem:v63+s2+$0x0], $0xffff  }
0x20b: {  	p1 =	sne.s32 s1, $0x2EE00  }
.Ltmp8:
0x20c: {  	_ = 	snop;
	(pc) =	sbr.rel @p1 .LBB2_11-.Ltmp8, $3  }
0x20d: {  	_ =	sdelay $0x1  }
0x20e: {  	[tilespmem:$0x1AEC0] =	vst v0  }
0x20f: {  	[hbm4b:s16+s2] =	stream.linear.scatter [tilespmem:s18], [sflag:$0x2], $0x7D0, $0x38;
	[tilespmem:$0x1C700] =	vst v63  }
.Ltmp9:
0x210: {  	(pc) =	sbr.rel .LBB2_12-.Ltmp9, $4  }
0x211: {  	_ = 	snop  }
0x212: {  	_ =	swait.ge [sflag:s22], $0x7D0  }
0x213: {  	[sflag:s22] =	ssyncset.done $0x0  }
0x214: {  	[sflag:s22] =	ssyncadd.s32 $0xFFFFF830  }
.LBB2_11:
0x215: {  	s24 =	sadd.s32 s1, s0  }
0x216: {  	s24 =	sadd.s32 $0x1F40, s24  }
0x217: {  	s24 =	sshrl.u32 s24, $0x3  }
.Ltmp10:
0x218: {  	s24 =	sadd.s32 s5, s24;
	(pc) =	sbr.rel @p0 .LBB2_13-.Ltmp10, $4  }
0x219: {  	[tilespmem:s25], [sflag:$0x1] =	stream.linear.gather [hbm4b:s24+s2], $0x7D0, $0x38;
	[tilespmem:$0x1C700] =	vst v63  }
0x21a: {  	_ =	swait.ge [sflag:s22], $0x7D0  }
0x21b: {  	[sflag:s22] =	ssyncset.done $0x0  }
0x21c: {  	[sflag:s22] =	ssyncadd.s32 $0xFFFFF830  }
.LBB2_12:
0x21d: {  	_ =	swait.ge [sflag:s23], $0x7D0  }
0x21e: {  	[sflag:s23] =	ssyncset.done $0x0  }
0x21f: {  	[sflag:s23] =	ssyncadd.s32 $0xFFFFF830  }
.LBB2_13:
0x220: {  	v0 =	vld [tilespmem:$0x18F00];
	_ =	sdelay $0x5  }
0x221: {  	v1 =	vld [tilespmem:$0x18F10];
	_ =	sdelay $0x1  }
0x222: {  	v0 =	vld.idx.msk [tilespmem:v0+s2+$0x0], $0xffff;
	_ =	sdelay $0x3  }
0x223: {  	v2 =	vld [tilespmem:$0x18F20]  }
0x224: {  	[tilespmem:$0x1AF00] =	vst v0  }
0x225: {  	v0 =	vld.idx.msk [tilespmem:v1+s2+$0x0], $0xffff;
	_ =	sdelay $0x3  }
0x226: {  	v62 =	vld [tilespmem:$0x18F30]  }
0x227: {  	[tilespmem:$0x1AF10] =	vst v0  }
0x228: {  	v0 =	vld.idx.msk [tilespmem:v2+s2+$0x0], $0xffff;
	_ =	sdelay $0x3  }
0x229: {  	v63 =	vld [tilespmem:$0x18F40]  }
0x22a: {  	[tilespmem:$0x1AF20] =	vst v0  }
0x22b: {  	v0 =	vld.idx.msk [tilespmem:v62+s2+$0x0], $0xffff;
	_ =	sdelay $0x3  }
0x22c: {  	v4 =	vld [tilespmem:$0x18F50]  }
0x22d: {  	[tilespmem:$0x1AF30] =	vst v0  }
0x22e: {  	v0 =	vld.idx.msk [tilespmem:v63+s2+$0x0], $0xffff;
	_ =	sdelay $0x3  }
0x22f: {  	v5 =	vld [tilespmem:$0x18F60]  }
0x230: {  	[tilespmem:$0x1AF40] =	vst v0  }
0x231: {  	v0 =	vld.idx.msk [tilespmem:v4+s2+$0x0], $0xffff;
	_ =	sdelay $0x3  }
0x232: {  	v6 =	vld [tilespmem:$0x18F70]  }
0x233: {  	[tilespmem:$0x1AF50] =	vst v0  }
0x234: {  	v0 =	vld.idx.msk [tilespmem:v5+s2+$0x0], $0xffff;
	_ =	sdelay $0x3  }
0x235: {  	v7 =	vld [tilespmem:$0x18F80]  }
0x236: {  	[tilespmem:$0x1AF60] =	vst v0  }
0x237: {  	v0 =	vld.idx.msk [tilespmem:v6+s2+$0x0], $0xffff;
	_ =	sdelay $0x3  }
0x238: {  	v8 =	vld [tilespmem:$0x18F90]  }
0x239: {  	[tilespmem:$0x1AF70] =	vst v0  }
0x23a: {  	v0 =	vld.idx.msk [tilespmem:v7+s2+$0x0], $0xffff;
	_ =	sdelay $0x3  }
0x23b: {  	v9 =	vld [tilespmem:$0x18FA0]  }
0x23c: {  	[tilespmem:$0x1AF80] =	vst v0  }
0x23d: {  	v0 =	vld.idx.msk [tilespmem:v8+s2+$0x0], $0xffff;
	_ =	sdelay $0x3  }
0x23e: {  	v10 =	vld [tilespmem:$0x18FB0]  }
0x23f: {  	[tilespmem:$0x1AF90] =	vst v0  }
0x240: {  	v0 =	vld.idx.msk [tilespmem:v9+s2+$0x0], $0xffff;
	_ =	sdelay $0x3  }
0x241: {  	v11 =	vld [tilespmem:$0x18FC0]  }
0x242: {  	[tilespmem:$0x1AFA0] =	vst v0  }
0x243: {  	v0 =	vld.idx.msk [tilespmem:v10+s2+$0x0], $0xffff;
	_ =	sdelay $0x3  }
0x244: {  	v12 =	vld [tilespmem:$0x18FD0]  }
0x245: {  	[tilespmem:$0x1AFB0] =	vst v0  }
0x246: {  	v0 =	vld.idx.msk [tilespmem:v11+s2+$0x0], $0xffff;
	_ =	sdelay $0x3  }
0x247: {  	v13 =	vld [tilespmem:$0x18FE0]  }
0x248: {  	[tilespmem:$0x1AFC0] =	vst v0  }
0x249: {  	v0 =	vld.idx.msk [tilespmem:v12+s2+$0x0], $0xffff;
	_ =	sdelay $0x3  }
0x24a: {  	v14 =	vld [tilespmem:$0x18FF0]  }
0x24b: {  	[tilespmem:$0x1AFD0] =	vst v0  }
0x24c: {  	v0 =	vld.idx.msk [tilespmem:v13+s2+$0x0], $0xffff;
	_ =	sdelay $0x3  }
0x24d: {  	v15 =	vld [tilespmem:$0x19000]  }
0x24e: {  	[tilespmem:$0x1AFE0] =	vst v0  }
0x24f: {  	v0 =	vld.idx.msk [tilespmem:v14+s2+$0x0], $0xffff;
	_ =	sdelay $0x3  }
0x250: {  	v16 =	vld [tilespmem:$0x19010]  }
0x251: {  	[tilespmem:$0x1AFF0] =	vst v0  }
0x252: {  	v0 =	vld.idx.msk [tilespmem:v15+s2+$0x0], $0xffff;
	_ =	sdelay $0x3  }
0x253: {  	v17 =	vld [tilespmem:$0x19020]  }
0x254: {  	[tilespmem:$0x1B000] =	vst v0  }
0x255: {  	v0 =	vld.idx.msk [tilespmem:v16+s2+$0x0], $0xffff;
	_ =	sdelay $0x3  }
0x256: {  	v18 =	vld [tilespmem:$0x19030]  }
0x257: {  	[tilespmem:$0x1B010] =	vst v0  }
0x258: {  	v0 =	vld.idx.msk [tilespmem:v17+s2+$0x0], $0xffff;
	_ =	sdelay $0x3  }
0x259: {  	v19 =	vld [tilespmem:$0x19040]  }
0x25a: {  	[tilespmem:$0x1B020] =	vst v0  }
0x25b: {  	v0 =	vld.idx.msk [tilespmem:v18+s2+$0x0], $0xffff;
	_ =	sdelay $0x3  }
0x25c: {  	v20 =	vld [tilespmem:$0x19050]  }
0x25d: {  	[tilespmem:$0x1B030] =	vst v0  }
0x25e: {  	v0 =	vld.idx.msk [tilespmem:v19+s2+$0x0], $0xffff;
	_ =	sdelay $0x3  }
0x25f: {  	v21 =	vld [tilespmem:$0x19060]  }
0x260: {  	[tilespmem:$0x1B040] =	vst v0  }
0x261: {  	v0 =	vld.idx.msk [tilespmem:v20+s2+$0x0], $0xffff;
	_ =	sdelay $0x3  }
0x262: {  	v22 =	vld [tilespmem:$0x19070]  }
0x263: {  	[tilespmem:$0x1B050] =	vst v0  }
0x264: {  	v0 =	vld.idx.msk [tilespmem:v21+s2+$0x0], $0xffff;
	_ =	sdelay $0x3  }
0x265: {  	v23 =	vld [tilespmem:$0x19080]  }
0x266: {  	[tilespmem:$0x1B060] =	vst v0  }
0x267: {  	v0 =	vld.idx.msk [tilespmem:v22+s2+$0x0], $0xffff;
	_ =	sdelay $0x3  }
0x268: {  	v24 =	vld [tilespmem:$0x19090]  }
0x269: {  	[tilespmem:$0x1B070] =	vst v0  }
0x26a: {  	v0 =	vld.idx.msk [tilespmem:v23+s2+$0x0], $0xffff;
	_ =	sdelay $0x3  }
0x26b: {  	v25 =	vld [tilespmem:$0x190A0]  }
0x26c: {  	[tilespmem:$0x1B080] =	vst v0  }
0x26d: {  	v0 =	vld.idx.msk [tilespmem:v24+s2+$0x0], $0xffff;
	_ =	sdelay $0x3  }
0x26e: {  	v26 =	vld [tilespmem:$0x190B0]  }
0x26f: {  	[tilespmem:$0x1B090] =	vst v0  }
0x270: {  	v0 =	vld.idx.msk [tilespmem:v25+s2+$0x0], $0xffff;
	_ =	sdelay $0x3  }
0x271: {  	v27 =	vld [tilespmem:$0x190C0]  }
0x272: {  	[tilespmem:$0x1B0A0] =	vst v0  }
0x273: {  	v0 =	vld.idx.msk [tilespmem:v26+s2+$0x0], $0xffff;
	_ =	sdelay $0x3  }
0x274: {  	v28 =	vld [tilespmem:$0x190D0]  }
0x275: {  	[tilespmem:$0x1B0B0] =	vst v0  }
0x276: {  	v0 =	vld.idx.msk [tilespmem:v27+s2+$0x0], $0xffff;
	_ =	sdelay $0x3  }
0x277: {  	v29 =	vld [tilespmem:$0x190E0]  }
0x278: {  	[tilespmem:$0x1B0C0] =	vst v0  }
0x279: {  	v0 =	vld.idx.msk [tilespmem:v28+s2+$0x0], $0xffff;
	_ =	sdelay $0x3  }
0x27a: {  	v30 =	vld [tilespmem:$0x190F0]  }
0x27b: {  	[tilespmem:$0x1B0D0] =	vst v0  }
0x27c: {  	v0 =	vld.idx.msk [tilespmem:v29+s2+$0x0], $0xffff;
	_ =	sdelay $0x3  }
0x27d: {  	v31 =	vld [tilespmem:$0x19100]  }
0x27e: {  	[tilespmem:$0x1B0E0] =	vst v0  }
0x27f: {  	v0 =	vld.idx.msk [tilespmem:v30+s2+$0x0], $0xffff;
	_ =	sdelay $0x3  }
0x280: {  	v32 =	vld [tilespmem:$0x19110]  }
0x281: {  	[tilespmem:$0x1B0F0] =	vst v0  }
0x282: {  	v0 =	vld.idx.msk [tilespmem:v31+s2+$0x0], $0xffff;
	_ =	sdelay $0x3  }
0x283: {  	v33 =	vld [tilespmem:$0x19120]  }
0x284: {  	[tilespmem:$0x1B100] =	vst v0  }
0x285: {  	v0 =	vld.idx.msk [tilespmem:v32+s2+$0x0], $0xffff;
	_ =	sdelay $0x3  }
0x286: {  	v34 =	vld [tilespmem:$0x19130]  }
0x287: {  	[tilespmem:$0x1B110] =	vst v0  }
0x288: {  	v0 =	vld.idx.msk [tilespmem:v33+s2+$0x0], $0xffff;
	_ =	sdelay $0x3  }
0x289: {  	v35 =	vld [tilespmem:$0x19140]  }
0x28a: {  	[tilespmem:$0x1B120] =	vst v0  }
0x28b: {  	v0 =	vld.idx.msk [tilespmem:v34+s2+$0x0], $0xffff;
	_ =	sdelay $0x3  }
0x28c: {  	v36 =	vld [tilespmem:$0x19150]  }
0x28d: {  	[tilespmem:$0x1B130] =	vst v0  }
0x28e: {  	v0 =	vld.idx.msk [tilespmem:v35+s2+$0x0], $0xffff;
	_ =	sdelay $0x3  }
0x28f: {  	v37 =	vld [tilespmem:$0x19160]  }
0x290: {  	[tilespmem:$0x1B140] =	vst v0  }
0x291: {  	v0 =	vld.idx.msk [tilespmem:v36+s2+$0x0], $0xffff;
	_ =	sdelay $0x3  }
0x292: {  	v38 =	vld [tilespmem:$0x19170]  }
0x293: {  	[tilespmem:$0x1B150] =	vst v0  }
0x294: {  	v0 =	vld.idx.msk [tilespmem:v37+s2+$0x0], $0xffff;
	_ =	sdelay $0x3  }
0x295: {  	v39 =	vld [tilespmem:$0x19180]  }
0x296: {  	[tilespmem:$0x1B160] =	vst v0  }
0x297: {  	v0 =	vld.idx.msk [tilespmem:v38+s2+$0x0], $0xffff;
	_ =	sdelay $0x3  }
0x298: {  	v40 =	vld [tilespmem:$0x19190]  }
0x299: {  	[tilespmem:$0x1B170] =	vst v0  }
0x29a: {  	v0 =	vld.idx.msk [tilespmem:v39+s2+$0x0], $0xffff;
	_ =	sdelay $0x3  }
0x29b: {  	v41 =	vld [tilespmem:$0x191A0]  }
0x29c: {  	[tilespmem:$0x1B180] =	vst v0  }
0x29d: {  	v0 =	vld.idx.msk [tilespmem:v40+s2+$0x0], $0xffff;
	_ =	sdelay $0x3  }
0x29e: {  	v42 =	vld [tilespmem:$0x191B0]  }
0x29f: {  	[tilespmem:$0x1B190] =	vst v0  }
0x2a0: {  	v0 =	vld.idx.msk [tilespmem:v41+s2+$0x0], $0xffff;
	_ =	sdelay $0x3  }
0x2a1: {  	v43 =	vld [tilespmem:$0x191C0]  }
0x2a2: {  	[tilespmem:$0x1B1A0] =	vst v0  }
0x2a3: {  	v0 =	vld.idx.msk [tilespmem:v42+s2+$0x0], $0xffff;
	_ =	sdelay $0x3  }
0x2a4: {  	v44 =	vld [tilespmem:$0x191D0]  }
0x2a5: {  	[tilespmem:$0x1B1B0] =	vst v0  }
0x2a6: {  	v0 =	vld.idx.msk [tilespmem:v43+s2+$0x0], $0xffff;
	_ =	sdelay $0x3  }
0x2a7: {  	v45 =	vld [tilespmem:$0x191E0]  }
0x2a8: {  	[tilespmem:$0x1B1C0] =	vst v0  }
0x2a9: {  	v0 =	vld.idx.msk [tilespmem:v44+s2+$0x0], $0xffff;
	_ =	sdelay $0x3  }
0x2aa: {  	v46 =	vld [tilespmem:$0x191F0]  }
0x2ab: {  	[tilespmem:$0x1B1D0] =	vst v0  }
0x2ac: {  	v0 =	vld.idx.msk [tilespmem:v45+s2+$0x0], $0xffff;
	_ =	sdelay $0x3  }
0x2ad: {  	v47 =	vld [tilespmem:$0x19200]  }
0x2ae: {  	[tilespmem:$0x1B1E0] =	vst v0  }
0x2af: {  	v0 =	vld.idx.msk [tilespmem:v46+s2+$0x0], $0xffff;
	_ =	sdelay $0x3  }
0x2b0: {  	v48 =	vld [tilespmem:$0x19210]  }
0x2b1: {  	[tilespmem:$0x1B1F0] =	vst v0  }
0x2b2: {  	v0 =	vld.idx.msk [tilespmem:v47+s2+$0x0], $0xffff;
	_ =	sdelay $0x3  }
0x2b3: {  	v49 =	vld [tilespmem:$0x19220]  }
0x2b4: {  	[tilespmem:$0x1B200] =	vst v0  }
0x2b5: {  	v0 =	vld.idx.msk [tilespmem:v48+s2+$0x0], $0xffff;
	_ =	sdelay $0x3  }
0x2b6: {  	v50 =	vld [tilespmem:$0x19230]  }
0x2b7: {  	[tilespmem:$0x1B210] =	vst v0  }
0x2b8: {  	v0 =	vld.idx.msk [tilespmem:v49+s2+$0x0], $0xffff;
	_ =	sdelay $0x3  }
0x2b9: {  	v51 =	vld [tilespmem:$0x19240]  }
0x2ba: {  	[tilespmem:$0x1B220] =	vst v0  }
0x2bb: {  	v0 =	vld.idx.msk [tilespmem:v50+s2+$0x0], $0xffff;
	_ =	sdelay $0x3  }
0x2bc: {  	v52 =	vld [tilespmem:$0x19250]  }
0x2bd: {  	[tilespmem:$0x1B230] =	vst v0  }
0x2be: {  	v0 =	vld.idx.msk [tilespmem:v51+s2+$0x0], $0xffff;
	_ =	sdelay $0x3  }
0x2bf: {  	v53 =	vld [tilespmem:$0x19260]  }
0x2c0: {  	[tilespmem:$0x1B240] =	vst v0  }
0x2c1: {  	v0 =	vld.idx.msk [tilespmem:v52+s2+$0x0], $0xffff;
	_ =	sdelay $0x3  }
0x2c2: {  	v54 =	vld [tilespmem:$0x19270]  }
0x2c3: {  	[tilespmem:$0x1B250] =	vst v0  }
0x2c4: {  	v0 =	vld.idx.msk [tilespmem:v53+s2+$0x0], $0xffff;
	_ =	sdelay $0x3  }
0x2c5: {  	v55 =	vld [tilespmem:$0x19280]  }
0x2c6: {  	[tilespmem:$0x1B260] =	vst v0  }
0x2c7: {  	v0 =	vld.idx.msk [tilespmem:v54+s2+$0x0], $0xffff;
	_ =	sdelay $0x3  }
0x2c8: {  	v56 =	vld [tilespmem:$0x19290]  }
0x2c9: {  	[tilespmem:$0x1B270] =	vst v0  }
0x2ca: {  	v0 =	vld.idx.msk [tilespmem:v55+s2+$0x0], $0xffff;
	_ =	sdelay $0x3  }
0x2cb: {  	v57 =	vld [tilespmem:$0x192A0]  }
0x2cc: {  	[tilespmem:$0x1B280] =	vst v0  }
0x2cd: {  	v0 =	vld.idx.msk [tilespmem:v56+s2+$0x0], $0xffff;
	_ =	sdelay $0x3  }
0x2ce: {  	v58 =	vld [tilespmem:$0x192B0]  }
0x2cf: {  	[tilespmem:$0x1B290] =	vst v0  }
0x2d0: {  	v0 =	vld.idx.msk [tilespmem:v57+s2+$0x0], $0xffff;
	_ =	sdelay $0x3  }
0x2d1: {  	v59 =	vld [tilespmem:$0x192C0]  }
0x2d2: {  	[tilespmem:$0x1B2A0] =	vst v0  }
0x2d3: {  	v0 =	vld.idx.msk [tilespmem:v58+s2+$0x0], $0xffff;
	_ =	sdelay $0x3  }
0x2d4: {  	v60 =	vld [tilespmem:$0x192D0]  }
0x2d5: {  	[tilespmem:$0x1B2B0] =	vst v0  }
0x2d6: {  	v0 =	vld.idx.msk [tilespmem:v59+s2+$0x0], $0xffff;
	_ =	sdelay $0x3  }
0x2d7: {  	v61 =	vld [tilespmem:$0x192E0]  }
0x2d8: {  	[tilespmem:$0x1B2C0] =	vst v0  }
0x2d9: {  	v0 =	vld.idx.msk [tilespmem:v60+s2+$0x0], $0xffff;
	_ =	sdelay $0x3  }
0x2da: {  	v62 =	vld [tilespmem:$0x192F0]  }
0x2db: {  	[tilespmem:$0x1B2D0] =	vst v0  }
0x2dc: {  	v0 =	vld.idx.msk [tilespmem:v61+s2+$0x0], $0xffff;
	_ =	sdelay $0x3  }
0x2dd: {  	v63 =	vld [tilespmem:$0x19300]  }
0x2de: {  	[tilespmem:$0x1B2E0] =	vst v0  }
0x2df: {  	v0 =	vld.idx.msk [tilespmem:v62+s2+$0x0], $0xffff;
	_ =	sdelay $0x3  }
0x2e0: {  	v4 =	vld [tilespmem:$0x19310]  }
0x2e1: {  	[tilespmem:$0x1B2F0] =	vst v0  }
0x2e2: {  	v0 =	vld.idx.msk [tilespmem:v63+s2+$0x0], $0xffff;
	_ =	sdelay $0x3  }
0x2e3: {  	v5 =	vld [tilespmem:$0x19320]  }
0x2e4: {  	[tilespmem:$0x1B300] =	vst v0  }
0x2e5: {  	v0 =	vld.idx.msk [tilespmem:v4+s2+$0x0], $0xffff;
	_ =	sdelay $0x3  }
0x2e6: {  	v6 =	vld [tilespmem:$0x19330]  }
0x2e7: {  	[tilespmem:$0x1B310] =	vst v0  }
0x2e8: {  	v0 =	vld.idx.msk [tilespmem:v5+s2+$0x0], $0xffff;
	_ =	sdelay $0x3  }
0x2e9: {  	v7 =	vld [tilespmem:$0x19340]  }
0x2ea: {  	[tilespmem:$0x1B320] =	vst v0  }
0x2eb: {  	v0 =	vld.idx.msk [tilespmem:v6+s2+$0x0], $0xffff;
	_ =	sdelay $0x3  }
0x2ec: {  	v8 =	vld [tilespmem:$0x19350]  }
0x2ed: {  	[tilespmem:$0x1B330] =	vst v0  }
0x2ee: {  	v0 =	vld.idx.msk [tilespmem:v7+s2+$0x0], $0xffff;
	_ =	sdelay $0x3  }
0x2ef: {  	v9 =	vld [tilespmem:$0x19360]  }
0x2f0: {  	[tilespmem:$0x1B340] =	vst v0  }
0x2f1: {  	v0 =	vld.idx.msk [tilespmem:v8+s2+$0x0], $0xffff;
	_ =	sdelay $0x3  }
0x2f2: {  	v10 =	vld [tilespmem:$0x19370]  }
0x2f3: {  	[tilespmem:$0x1B350] =	vst v0  }
0x2f4: {  	v0 =	vld.idx.msk [tilespmem:v9+s2+$0x0], $0xffff;
	_ =	sdelay $0x3  }
0x2f5: {  	v11 =	vld [tilespmem:$0x19380]  }
0x2f6: {  	[tilespmem:$0x1B360] =	vst v0  }
0x2f7: {  	v0 =	vld.idx.msk [tilespmem:v10+s2+$0x0], $0xffff;
	_ =	sdelay $0x3  }
0x2f8: {  	v12 =	vld [tilespmem:$0x19390]  }
0x2f9: {  	[tilespmem:$0x1B370] =	vst v0  }
0x2fa: {  	v0 =	vld.idx.msk [tilespmem:v11+s2+$0x0], $0xffff;
	_ =	sdelay $0x3  }
0x2fb: {  	v13 =	vld [tilespmem:$0x193A0]  }
0x2fc: {  	[tilespmem:$0x1B380] =	vst v0  }
0x2fd: {  	v0 =	vld.idx.msk [tilespmem:v12+s2+$0x0], $0xffff;
	_ =	sdelay $0x3  }
0x2fe: {  	v14 =	vld [tilespmem:$0x193B0]  }
0x2ff: {  	[tilespmem:$0x1B390] =	vst v0  }
0x300: {  	v0 =	vld.idx.msk [tilespmem:v13+s2+$0x0], $0xffff;
	_ =	sdelay $0x3  }
0x301: {  	v15 =	vld [tilespmem:$0x193C0]  }
0x302: {  	[tilespmem:$0x1B3A0] =	vst v0  }
0x303: {  	v0 =	vld.idx.msk [tilespmem:v14+s2+$0x0], $0xffff;
	_ =	sdelay $0x3  }
0x304: {  	v16 =	vld [tilespmem:$0x193D0]  }
0x305: {  	[tilespmem:$0x1B3B0] =	vst v0  }
0x306: {  	v0 =	vld.idx.msk [tilespmem:v15+s2+$0x0], $0xffff;
	_ =	sdelay $0x3  }
0x307: {  	v17 =	vld [tilespmem:$0x193E0]  }
0x308: {  	[tilespmem:$0x1B3C0] =	vst v0  }
0x309: {  	v0 =	vld.idx.msk [tilespmem:v16+s2+$0x0], $0xffff;
	_ =	sdelay $0x3  }
0x30a: {  	v18 =	vld [tilespmem:$0x193F0]  }
0x30b: {  	[tilespmem:$0x1B3D0] =	vst v0  }
0x30c: {  	v0 =	vld.idx.msk [tilespmem:v17+s2+$0x0], $0xffff;
	_ =	sdelay $0x3  }
0x30d: {  	v19 =	vld [tilespmem:$0x19400]  }
0x30e: {  	[tilespmem:$0x1B3E0] =	vst v0  }
0x30f: {  	v0 =	vld.idx.msk [tilespmem:v18+s2+$0x0], $0xffff;
	_ =	sdelay $0x3  }
0x310: {  	v20 =	vld [tilespmem:$0x19410]  }
0x311: {  	[tilespmem:$0x1B3F0] =	vst v0  }
0x312: {  	v0 =	vld.idx.msk [tilespmem:v19+s2+$0x0], $0xffff;
	_ =	sdelay $0x3  }
0x313: {  	v21 =	vld [tilespmem:$0x19420]  }
0x314: {  	[tilespmem:$0x1B400] =	vst v0  }
0x315: {  	v0 =	vld.idx.msk [tilespmem:v20+s2+$0x0], $0xffff;
	_ =	sdelay $0x3  }
0x316: {  	v22 =	vld [tilespmem:$0x19430]  }
0x317: {  	[tilespmem:$0x1B410] =	vst v0  }
0x318: {  	v0 =	vld.idx.msk [tilespmem:v21+s2+$0x0], $0xffff;
	_ =	sdelay $0x3  }
0x319: {  	v23 =	vld [tilespmem:$0x19440]  }
0x31a: {  	[tilespmem:$0x1B420] =	vst v0  }
0x31b: {  	v0 =	vld.idx.msk [tilespmem:v22+s2+$0x0], $0xffff;
	_ =	sdelay $0x3  }
0x31c: {  	v24 =	vld [tilespmem:$0x19450]  }
0x31d: {  	[tilespmem:$0x1B430] =	vst v0  }
0x31e: {  	v0 =	vld.idx.msk [tilespmem:v23+s2+$0x0], $0xffff;
	_ =	sdelay $0x3  }
0x31f: {  	v25 =	vld [tilespmem:$0x19460]  }
0x320: {  	[tilespmem:$0x1B440] =	vst v0  }
0x321: {  	v0 =	vld.idx.msk [tilespmem:v24+s2+$0x0], $0xffff;
	_ =	sdelay $0x3  }
0x322: {  	v26 =	vld [tilespmem:$0x19470]  }
0x323: {  	[tilespmem:$0x1B450] =	vst v0  }
0x324: {  	v0 =	vld.idx.msk [tilespmem:v25+s2+$0x0], $0xffff;
	_ =	sdelay $0x3  }
0x325: {  	v27 =	vld [tilespmem:$0x19480]  }
0x326: {  	[tilespmem:$0x1B460] =	vst v0  }
0x327: {  	v0 =	vld.idx.msk [tilespmem:v26+s2+$0x0], $0xffff;
	_ =	sdelay $0x3  }
0x328: {  	v28 =	vld [tilespmem:$0x19490]  }
0x329: {  	[tilespmem:$0x1B470] =	vst v0  }
0x32a: {  	v0 =	vld.idx.msk [tilespmem:v27+s2+$0x0], $0xffff;
	_ =	sdelay $0x3  }
0x32b: {  	v29 =	vld [tilespmem:$0x194A0]  }
0x32c: {  	[tilespmem:$0x1B480] =	vst v0  }
0x32d: {  	v0 =	vld.idx.msk [tilespmem:v28+s2+$0x0], $0xffff;
	_ =	sdelay $0x3  }
0x32e: {  	v30 =	vld [tilespmem:$0x194B0]  }
0x32f: {  	[tilespmem:$0x1B490] =	vst v0  }
0x330: {  	v0 =	vld.idx.msk [tilespmem:v29+s2+$0x0], $0xffff;
	_ =	sdelay $0x3  }
0x331: {  	v31 =	vld [tilespmem:$0x194C0]  }
0x332: {  	[tilespmem:$0x1B4A0] =	vst v0  }
0x333: {  	v0 =	vld.idx.msk [tilespmem:v30+s2+$0x0], $0xffff;
	_ =	sdelay $0x3  }
0x334: {  	v32 =	vld [tilespmem:$0x194D0]  }
0x335: {  	[tilespmem:$0x1B4B0] =	vst v0  }
0x336: {  	v0 =	vld.idx.msk [tilespmem:v31+s2+$0x0], $0xffff;
	_ =	sdelay $0x3  }
0x337: {  	v33 =	vld [tilespmem:$0x194E0]  }
0x338: {  	[tilespmem:$0x1B4C0] =	vst v0  }
0x339: {  	v0 =	vld.idx.msk [tilespmem:v32+s2+$0x0], $0xffff;
	_ =	sdelay $0x3  }
0x33a: {  	v34 =	vld [tilespmem:$0x194F0]  }
0x33b: {  	[tilespmem:$0x1B4D0] =	vst v0  }
0x33c: {  	v0 =	vld.idx.msk [tilespmem:v33+s2+$0x0], $0xffff;
	_ =	sdelay $0x3  }
0x33d: {  	v35 =	vld [tilespmem:$0x19500]  }
0x33e: {  	[tilespmem:$0x1B4E0] =	vst v0  }
0x33f: {  	v0 =	vld.idx.msk [tilespmem:v34+s2+$0x0], $0xffff;
	_ =	sdelay $0x3  }
0x340: {  	v36 =	vld [tilespmem:$0x19510]  }
0x341: {  	[tilespmem:$0x1B4F0] =	vst v0  }
0x342: {  	v0 =	vld.idx.msk [tilespmem:v35+s2+$0x0], $0xffff;
	_ =	sdelay $0x3  }
0x343: {  	v37 =	vld [tilespmem:$0x19520]  }
0x344: {  	[tilespmem:$0x1B500] =	vst v0  }
0x345: {  	v0 =	vld.idx.msk [tilespmem:v36+s2+$0x0], $0xffff;
	_ =	sdelay $0x3  }
0x346: {  	v38 =	vld [tilespmem:$0x19530]  }
0x347: {  	[tilespmem:$0x1B510] =	vst v0  }
0x348: {  	v0 =	vld.idx.msk [tilespmem:v37+s2+$0x0], $0xffff;
	_ =	sdelay $0x3  }
0x349: {  	v39 =	vld [tilespmem:$0x19540]  }
0x34a: {  	[tilespmem:$0x1B520] =	vst v0  }
0x34b: {  	v0 =	vld.idx.msk [tilespmem:v38+s2+$0x0], $0xffff;
	_ =	sdelay $0x3  }
0x34c: {  	v40 =	vld [tilespmem:$0x19550]  }
0x34d: {  	[tilespmem:$0x1B530] =	vst v0  }
0x34e: {  	v0 =	vld.idx.msk [tilespmem:v39+s2+$0x0], $0xffff;
	_ =	sdelay $0x3  }
0x34f: {  	v41 =	vld [tilespmem:$0x19560]  }
0x350: {  	[tilespmem:$0x1B540] =	vst v0  }
0x351: {  	v0 =	vld.idx.msk [tilespmem:v40+s2+$0x0], $0xffff;
	_ =	sdelay $0x3  }
0x352: {  	v42 =	vld [tilespmem:$0x19570]  }
0x353: {  	[tilespmem:$0x1B550] =	vst v0  }
0x354: {  	v0 =	vld.idx.msk [tilespmem:v41+s2+$0x0], $0xffff;
	_ =	sdelay $0x3  }
0x355: {  	v43 =	vld [tilespmem:$0x19580]  }
0x356: {  	[tilespmem:$0x1B560] =	vst v0  }
0x357: {  	v0 =	vld.idx.msk [tilespmem:v42+s2+$0x0], $0xffff;
	_ =	sdelay $0x3  }
0x358: {  	v44 =	vld [tilespmem:$0x19590]  }
0x359: {  	[tilespmem:$0x1B570] =	vst v0  }
0x35a: {  	v0 =	vld.idx.msk [tilespmem:v43+s2+$0x0], $0xffff;
	_ =	sdelay $0x3  }
0x35b: {  	v45 =	vld [tilespmem:$0x195A0]  }
0x35c: {  	[tilespmem:$0x1B580] =	vst v0  }
0x35d: {  	v0 =	vld.idx.msk [tilespmem:v44+s2+$0x0], $0xffff;
	_ =	sdelay $0x3  }
0x35e: {  	v46 =	vld [tilespmem:$0x195B0]  }
0x35f: {  	[tilespmem:$0x1B590] =	vst v0  }
0x360: {  	v0 =	vld.idx.msk [tilespmem:v45+s2+$0x0], $0xffff;
	_ =	sdelay $0x3  }
0x361: {  	v47 =	vld [tilespmem:$0x195C0]  }
0x362: {  	[tilespmem:$0x1B5A0] =	vst v0  }
0x363: {  	v0 =	vld.idx.msk [tilespmem:v46+s2+$0x0], $0xffff;
	_ =	sdelay $0x3  }
0x364: {  	v48 =	vld [tilespmem:$0x195D0]  }
0x365: {  	[tilespmem:$0x1B5B0] =	vst v0  }
0x366: {  	v0 =	vld.idx.msk [tilespmem:v47+s2+$0x0], $0xffff;
	_ =	sdelay $0x3  }
0x367: {  	v49 =	vld [tilespmem:$0x195E0]  }
0x368: {  	[tilespmem:$0x1B5C0] =	vst v0  }
0x369: {  	v0 =	vld.idx.msk [tilespmem:v48+s2+$0x0], $0xffff;
	_ =	sdelay $0x3  }
0x36a: {  	v50 =	vld [tilespmem:$0x195F0]  }
0x36b: {  	[tilespmem:$0x1B5D0] =	vst v0  }
0x36c: {  	v0 =	vld.idx.msk [tilespmem:v49+s2+$0x0], $0xffff;
	_ =	sdelay $0x3  }
0x36d: {  	v51 =	vld [tilespmem:$0x19600]  }
0x36e: {  	[tilespmem:$0x1B5E0] =	vst v0  }
0x36f: {  	v0 =	vld.idx.msk [tilespmem:v50+s2+$0x0], $0xffff;
	_ =	sdelay $0x3  }
0x370: {  	v52 =	vld [tilespmem:$0x19610]  }
0x371: {  	[tilespmem:$0x1B5F0] =	vst v0  }
0x372: {  	v0 =	vld.idx.msk [tilespmem:v51+s2+$0x0], $0xffff;
	_ =	sdelay $0x3  }
0x373: {  	v53 =	vld [tilespmem:$0x19620]  }
0x374: {  	[tilespmem:$0x1B600] =	vst v0  }
0x375: {  	v0 =	vld.idx.msk [tilespmem:v52+s2+$0x0], $0xffff;
	_ =	sdelay $0x3  }
0x376: {  	v54 =	vld [tilespmem:$0x19630]  }
0x377: {  	[tilespmem:$0x1B610] =	vst v0  }
0x378: {  	v0 =	vld.idx.msk [tilespmem:v53+s2+$0x0], $0xffff;
	_ =	sdelay $0x3  }
0x379: {  	v55 =	vld [tilespmem:$0x19640]  }
0x37a: {  	[tilespmem:$0x1B620] =	vst v0  }
0x37b: {  	v0 =	vld.idx.msk [tilespmem:v54+s2+$0x0], $0xffff;
	_ =	sdelay $0x3  }
0x37c: {  	v56 =	vld [tilespmem:$0x19650]  }
0x37d: {  	[tilespmem:$0x1B630] =	vst v0  }
0x37e: {  	v0 =	vld.idx.msk [tilespmem:v55+s2+$0x0], $0xffff;
	_ =	sdelay $0x3  }
0x37f: {  	v57 =	vld [tilespmem:$0x19660]  }
0x380: {  	[tilespmem:$0x1B640] =	vst v0  }
0x381: {  	v0 =	vld.idx.msk [tilespmem:v56+s2+$0x0], $0xffff;
	_ =	sdelay $0x3  }
0x382: {  	v58 =	vld [tilespmem:$0x19670]  }
0x383: {  	[tilespmem:$0x1B650] =	vst v0  }
0x384: {  	v0 =	vld.idx.msk [tilespmem:v57+s2+$0x0], $0xffff;
	_ =	sdelay $0x3  }
0x385: {  	v59 =	vld [tilespmem:$0x19680]  }
0x386: {  	[tilespmem:$0x1B660] =	vst v0  }
0x387: {  	v0 =	vld.idx.msk [tilespmem:v58+s2+$0x0], $0xffff;
	_ =	sdelay $0x3  }
0x388: {  	v60 =	vld [tilespmem:$0x19690]  }
0x389: {  	[tilespmem:$0x1B670] =	vst v0  }
0x38a: {  	v0 =	vld.idx.msk [tilespmem:v59+s2+$0x0], $0xffff;
	_ =	sdelay $0x3  }
0x38b: {  	v61 =	vld [tilespmem:$0x196A0]  }
0x38c: {  	[tilespmem:$0x1B680] =	vst v0  }
0x38d: {  	v0 =	vld.idx.msk [tilespmem:v60+s2+$0x0], $0xffff;
	_ =	sdelay $0x3  }
0x38e: {  	v62 =	vld [tilespmem:$0x196B0]  }
0x38f: {  	[tilespmem:$0x1B690] =	vst v0  }
0x390: {  	v0 =	vld.idx.msk [tilespmem:v61+s2+$0x0], $0xffff;
	_ =	sdelay $0x3  }
0x391: {  	v63 =	vld [tilespmem:$0x196C0]  }
0x392: {  	[tilespmem:$0x1B6A0] =	vst v0  }
0x393: {  	v0 =	vld.idx.msk [tilespmem:v62+s2+$0x0], $0xffff;
	_ =	sdelay $0x4  }
0x394: {  	[tilespmem:$0x1B6B0] =	vst v0  }
0x395: {  	v0 =	vld.idx.msk [tilespmem:v63+s2+$0x0], $0xffff;
	_ =	sdelay $0x1  }
.Ltmp11:
0x396: {  	_ = 	snop;
	(pc) =	sbr.rel @p1 .LBB2_15-.Ltmp11, $3  }
0x397: {  	_ =	sdelay $0x1  }
0x398: {  	[tilespmem:$0x1B6C0] =	vst v0  }
0x399: {  	[hbm4b:s15+s2] =	stream.linear.scatter [tilespmem:s19], [sflag:$0x2], $0x7D0, $0x38;
	[tilespmem:$0x1C700] =	vst v63  }
.Ltmp12:
0x39a: {  	(pc) =	sbr.rel .LBB2_16-.Ltmp12, $4  }
0x39b: {  	_ = 	snop  }
0x39c: {  	_ =	swait.ge [sflag:s22], $0x7D0  }
0x39d: {  	[sflag:s22] =	ssyncset.done $0x0  }
0x39e: {  	[sflag:s22] =	ssyncadd.s32 $0xFFFFF830  }
.LBB2_15:
0x39f: {  	s24 =	sadd.s32 s1, s0  }
0x3a0: {  	s24 =	sadd.s32 $0x2710, s24  }
0x3a1: {  	s24 =	sshrl.u32 s24, $0x3  }
.Ltmp13:
0x3a2: {  	s24 =	sadd.s32 s5, s24;
	(pc) =	sbr.rel @p0 .LBB2_17-.Ltmp13, $4  }
0x3a3: {  	[tilespmem:s26], [sflag:$0x1] =	stream.linear.gather [hbm4b:s24+s2], $0x7D0, $0x38;
	[tilespmem:$0x1C700] =	vst v63  }
0x3a4: {  	_ =	swait.ge [sflag:s22], $0x7D0  }
0x3a5: {  	[sflag:s22] =	ssyncset.done $0x0  }
0x3a6: {  	[sflag:s22] =	ssyncadd.s32 $0xFFFFF830  }
.LBB2_16:
0x3a7: {  	_ =	swait.ge [sflag:s23], $0x7D0  }
0x3a8: {  	[sflag:s23] =	ssyncset.done $0x0  }
0x3a9: {  	[sflag:s23] =	ssyncadd.s32 $0xFFFFF830  }
.LBB2_17:
0x3aa: {  	v0 =	vld [tilespmem:$0x19700];
	_ =	sdelay $0x5  }
0x3ab: {  	v1 =	vld [tilespmem:$0x19710];
	_ =	sdelay $0x1  }
0x3ac: {  	v0 =	vld.idx.msk [tilespmem:v0+s2+$0x0], $0xffff;
	_ =	sdelay $0x3  }
0x3ad: {  	v2 =	vld [tilespmem:$0x19720]  }
0x3ae: {  	[tilespmem:$0x1B700] =	vst v0  }
0x3af: {  	v0 =	vld.idx.msk [tilespmem:v1+s2+$0x0], $0xffff;
	_ =	sdelay $0x3  }
0x3b0: {  	v62 =	vld [tilespmem:$0x19730]  }
0x3b1: {  	[tilespmem:$0x1B710] =	vst v0  }
0x3b2: {  	v0 =	vld.idx.msk [tilespmem:v2+s2+$0x0], $0xffff;
	_ =	sdelay $0x3  }
0x3b3: {  	v63 =	vld [tilespmem:$0x19740]  }
0x3b4: {  	[tilespmem:$0x1B720] =	vst v0  }
0x3b5: {  	v0 =	vld.idx.msk [tilespmem:v62+s2+$0x0], $0xffff;
	_ =	sdelay $0x3  }
0x3b6: {  	v4 =	vld [tilespmem:$0x19750]  }
0x3b7: {  	[tilespmem:$0x1B730] =	vst v0  }
0x3b8: {  	v0 =	vld.idx.msk [tilespmem:v63+s2+$0x0], $0xffff;
	_ =	sdelay $0x3  }
0x3b9: {  	v5 =	vld [tilespmem:$0x19760]  }
0x3ba: {  	[tilespmem:$0x1B740] =	vst v0  }
0x3bb: {  	v0 =	vld.idx.msk [tilespmem:v4+s2+$0x0], $0xffff;
	_ =	sdelay $0x3  }
0x3bc: {  	v6 =	vld [tilespmem:$0x19770]  }
0x3bd: {  	[tilespmem:$0x1B750] =	vst v0  }
0x3be: {  	v0 =	vld.idx.msk [tilespmem:v5+s2+$0x0], $0xffff;
	_ =	sdelay $0x3  }
0x3bf: {  	v7 =	vld [tilespmem:$0x19780]  }
0x3c0: {  	[tilespmem:$0x1B760] =	vst v0  }
0x3c1: {  	v0 =	vld.idx.msk [tilespmem:v6+s2+$0x0], $0xffff;
	_ =	sdelay $0x3  }
0x3c2: {  	v8 =	vld [tilespmem:$0x19790]  }
0x3c3: {  	[tilespmem:$0x1B770] =	vst v0  }
0x3c4: {  	v0 =	vld.idx.msk [tilespmem:v7+s2+$0x0], $0xffff;
	_ =	sdelay $0x3  }
0x3c5: {  	v9 =	vld [tilespmem:$0x197A0]  }
0x3c6: {  	[tilespmem:$0x1B780] =	vst v0  }
0x3c7: {  	v0 =	vld.idx.msk [tilespmem:v8+s2+$0x0], $0xffff;
	_ =	sdelay $0x3  }
0x3c8: {  	v10 =	vld [tilespmem:$0x197B0]  }
0x3c9: {  	[tilespmem:$0x1B790] =	vst v0  }
0x3ca: {  	v0 =	vld.idx.msk [tilespmem:v9+s2+$0x0], $0xffff;
	_ =	sdelay $0x3  }
0x3cb: {  	v11 =	vld [tilespmem:$0x197C0]  }
0x3cc: {  	[tilespmem:$0x1B7A0] =	vst v0  }
0x3cd: {  	v0 =	vld.idx.msk [tilespmem:v10+s2+$0x0], $0xffff;
	_ =	sdelay $0x3  }
0x3ce: {  	v12 =	vld [tilespmem:$0x197D0]  }
0x3cf: {  	[tilespmem:$0x1B7B0] =	vst v0  }
0x3d0: {  	v0 =	vld.idx.msk [tilespmem:v11+s2+$0x0], $0xffff;
	_ =	sdelay $0x3  }
0x3d1: {  	v13 =	vld [tilespmem:$0x197E0]  }
0x3d2: {  	[tilespmem:$0x1B7C0] =	vst v0  }
0x3d3: {  	v0 =	vld.idx.msk [tilespmem:v12+s2+$0x0], $0xffff;
	_ =	sdelay $0x3  }
0x3d4: {  	v14 =	vld [tilespmem:$0x197F0]  }
0x3d5: {  	[tilespmem:$0x1B7D0] =	vst v0  }
0x3d6: {  	v0 =	vld.idx.msk [tilespmem:v13+s2+$0x0], $0xffff;
	_ =	sdelay $0x3  }
0x3d7: {  	v15 =	vld [tilespmem:$0x19800]  }
0x3d8: {  	[tilespmem:$0x1B7E0] =	vst v0  }
0x3d9: {  	v0 =	vld.idx.msk [tilespmem:v14+s2+$0x0], $0xffff;
	_ =	sdelay $0x3  }
0x3da: {  	v16 =	vld [tilespmem:$0x19810]  }
0x3db: {  	[tilespmem:$0x1B7F0] =	vst v0  }
0x3dc: {  	v0 =	vld.idx.msk [tilespmem:v15+s2+$0x0], $0xffff;
	_ =	sdelay $0x3  }
0x3dd: {  	v17 =	vld [tilespmem:$0x19820]  }
0x3de: {  	[tilespmem:$0x1B800] =	vst v0  }
0x3df: {  	v0 =	vld.idx.msk [tilespmem:v16+s2+$0x0], $0xffff;
	_ =	sdelay $0x3  }
0x3e0: {  	v18 =	vld [tilespmem:$0x19830]  }
0x3e1: {  	[tilespmem:$0x1B810] =	vst v0  }
0x3e2: {  	v0 =	vld.idx.msk [tilespmem:v17+s2+$0x0], $0xffff;
	_ =	sdelay $0x3  }
0x3e3: {  	v19 =	vld [tilespmem:$0x19840]  }
0x3e4: {  	[tilespmem:$0x1B820] =	vst v0  }
0x3e5: {  	v0 =	vld.idx.msk [tilespmem:v18+s2+$0x0], $0xffff;
	_ =	sdelay $0x3  }
0x3e6: {  	v20 =	vld [tilespmem:$0x19850]  }
0x3e7: {  	[tilespmem:$0x1B830] =	vst v0  }
0x3e8: {  	v0 =	vld.idx.msk [tilespmem:v19+s2+$0x0], $0xffff;
	_ =	sdelay $0x3  }
0x3e9: {  	v21 =	vld [tilespmem:$0x19860]  }
0x3ea: {  	[tilespmem:$0x1B840] =	vst v0  }
0x3eb: {  	v0 =	vld.idx.msk [tilespmem:v20+s2+$0x0], $0xffff;
	_ =	sdelay $0x3  }
0x3ec: {  	v22 =	vld [tilespmem:$0x19870]  }
0x3ed: {  	[tilespmem:$0x1B850] =	vst v0  }
0x3ee: {  	v0 =	vld.idx.msk [tilespmem:v21+s2+$0x0], $0xffff;
	_ =	sdelay $0x3  }
0x3ef: {  	v23 =	vld [tilespmem:$0x19880]  }
0x3f0: {  	[tilespmem:$0x1B860] =	vst v0  }
0x3f1: {  	v0 =	vld.idx.msk [tilespmem:v22+s2+$0x0], $0xffff;
	_ =	sdelay $0x3  }
0x3f2: {  	v24 =	vld [tilespmem:$0x19890]  }
0x3f3: {  	[tilespmem:$0x1B870] =	vst v0  }
0x3f4: {  	v0 =	vld.idx.msk [tilespmem:v23+s2+$0x0], $0xffff;
	_ =	sdelay $0x3  }
0x3f5: {  	v25 =	vld [tilespmem:$0x198A0]  }
0x3f6: {  	[tilespmem:$0x1B880] =	vst v0  }
0x3f7: {  	v0 =	vld.idx.msk [tilespmem:v24+s2+$0x0], $0xffff;
	_ =	sdelay $0x3  }
0x3f8: {  	v26 =	vld [tilespmem:$0x198B0]  }
0x3f9: {  	[tilespmem:$0x1B890] =	vst v0  }
0x3fa: {  	v0 =	vld.idx.msk [tilespmem:v25+s2+$0x0], $0xffff;
	_ =	sdelay $0x3  }
0x3fb: {  	v27 =	vld [tilespmem:$0x198C0]  }
0x3fc: {  	[tilespmem:$0x1B8A0] =	vst v0  }
0x3fd: {  	v0 =	vld.idx.msk [tilespmem:v26+s2+$0x0], $0xffff;
	_ =	sdelay $0x3  }
0x3fe: {  	v28 =	vld [tilespmem:$0x198D0]  }
0x3ff: {  	[tilespmem:$0x1B8B0] =	vst v0  }
0x400: {  	v0 =	vld.idx.msk [tilespmem:v27+s2+$0x0], $0xffff;
	_ =	sdelay $0x3  }
0x401: {  	v29 =	vld [tilespmem:$0x198E0]  }
0x402: {  	[tilespmem:$0x1B8C0] =	vst v0  }
0x403: {  	v0 =	vld.idx.msk [tilespmem:v28+s2+$0x0], $0xffff;
	_ =	sdelay $0x3  }
0x404: {  	v30 =	vld [tilespmem:$0x198F0]  }
0x405: {  	[tilespmem:$0x1B8D0] =	vst v0  }
0x406: {  	v0 =	vld.idx.msk [tilespmem:v29+s2+$0x0], $0xffff;
	_ =	sdelay $0x3  }
0x407: {  	v31 =	vld [tilespmem:$0x19900]  }
0x408: {  	[tilespmem:$0x1B8E0] =	vst v0  }
0x409: {  	v0 =	vld.idx.msk [tilespmem:v30+s2+$0x0], $0xffff;
	_ =	sdelay $0x3  }
0x40a: {  	v32 =	vld [tilespmem:$0x19910]  }
0x40b: {  	[tilespmem:$0x1B8F0] =	vst v0  }
0x40c: {  	v0 =	vld.idx.msk [tilespmem:v31+s2+$0x0], $0xffff;
	_ =	sdelay $0x3  }
0x40d: {  	v33 =	vld [tilespmem:$0x19920]  }
0x40e: {  	[tilespmem:$0x1B900] =	vst v0  }
0x40f: {  	v0 =	vld.idx.msk [tilespmem:v32+s2+$0x0], $0xffff;
	_ =	sdelay $0x3  }
0x410: {  	v34 =	vld [tilespmem:$0x19930]  }
0x411: {  	[tilespmem:$0x1B910] =	vst v0  }
0x412: {  	v0 =	vld.idx.msk [tilespmem:v33+s2+$0x0], $0xffff;
	_ =	sdelay $0x3  }
0x413: {  	v35 =	vld [tilespmem:$0x19940]  }
0x414: {  	[tilespmem:$0x1B920] =	vst v0  }
0x415: {  	v0 =	vld.idx.msk [tilespmem:v34+s2+$0x0], $0xffff;
	_ =	sdelay $0x3  }
0x416: {  	v36 =	vld [tilespmem:$0x19950]  }
0x417: {  	[tilespmem:$0x1B930] =	vst v0  }
0x418: {  	v0 =	vld.idx.msk [tilespmem:v35+s2+$0x0], $0xffff;
	_ =	sdelay $0x3  }
0x419: {  	v37 =	vld [tilespmem:$0x19960]  }
0x41a: {  	[tilespmem:$0x1B940] =	vst v0  }
0x41b: {  	v0 =	vld.idx.msk [tilespmem:v36+s2+$0x0], $0xffff;
	_ =	sdelay $0x3  }
0x41c: {  	v38 =	vld [tilespmem:$0x19970]  }
0x41d: {  	[tilespmem:$0x1B950] =	vst v0  }
0x41e: {  	v0 =	vld.idx.msk [tilespmem:v37+s2+$0x0], $0xffff;
	_ =	sdelay $0x3  }
0x41f: {  	v39 =	vld [tilespmem:$0x19980]  }
0x420: {  	[tilespmem:$0x1B960] =	vst v0  }
0x421: {  	v0 =	vld.idx.msk [tilespmem:v38+s2+$0x0], $0xffff;
	_ =	sdelay $0x3  }
0x422: {  	v40 =	vld [tilespmem:$0x19990]  }
0x423: {  	[tilespmem:$0x1B970] =	vst v0  }
0x424: {  	v0 =	vld.idx.msk [tilespmem:v39+s2+$0x0], $0xffff;
	_ =	sdelay $0x3  }
0x425: {  	v41 =	vld [tilespmem:$0x199A0]  }
0x426: {  	[tilespmem:$0x1B980] =	vst v0  }
0x427: {  	v0 =	vld.idx.msk [tilespmem:v40+s2+$0x0], $0xffff;
	_ =	sdelay $0x3  }
0x428: {  	v42 =	vld [tilespmem:$0x199B0]  }
0x429: {  	[tilespmem:$0x1B990] =	vst v0  }
0x42a: {  	v0 =	vld.idx.msk [tilespmem:v41+s2+$0x0], $0xffff;
	_ =	sdelay $0x3  }
0x42b: {  	v43 =	vld [tilespmem:$0x199C0]  }
0x42c: {  	[tilespmem:$0x1B9A0] =	vst v0  }
0x42d: {  	v0 =	vld.idx.msk [tilespmem:v42+s2+$0x0], $0xffff;
	_ =	sdelay $0x3  }
0x42e: {  	v44 =	vld [tilespmem:$0x199D0]  }
0x42f: {  	[tilespmem:$0x1B9B0] =	vst v0  }
0x430: {  	v0 =	vld.idx.msk [tilespmem:v43+s2+$0x0], $0xffff;
	_ =	sdelay $0x3  }
0x431: {  	v45 =	vld [tilespmem:$0x199E0]  }
0x432: {  	[tilespmem:$0x1B9C0] =	vst v0  }
0x433: {  	v0 =	vld.idx.msk [tilespmem:v44+s2+$0x0], $0xffff;
	_ =	sdelay $0x3  }
0x434: {  	v46 =	vld [tilespmem:$0x199F0]  }
0x435: {  	[tilespmem:$0x1B9D0] =	vst v0  }
0x436: {  	v0 =	vld.idx.msk [tilespmem:v45+s2+$0x0], $0xffff;
	_ =	sdelay $0x3  }
0x437: {  	v47 =	vld [tilespmem:$0x19A00]  }
0x438: {  	[tilespmem:$0x1B9E0] =	vst v0  }
0x439: {  	v0 =	vld.idx.msk [tilespmem:v46+s2+$0x0], $0xffff;
	_ =	sdelay $0x3  }
0x43a: {  	v48 =	vld [tilespmem:$0x19A10]  }
0x43b: {  	[tilespmem:$0x1B9F0] =	vst v0  }
0x43c: {  	v0 =	vld.idx.msk [tilespmem:v47+s2+$0x0], $0xffff;
	_ =	sdelay $0x3  }
0x43d: {  	v49 =	vld [tilespmem:$0x19A20]  }
0x43e: {  	[tilespmem:$0x1BA00] =	vst v0  }
0x43f: {  	v0 =	vld.idx.msk [tilespmem:v48+s2+$0x0], $0xffff;
	_ =	sdelay $0x3  }
0x440: {  	v50 =	vld [tilespmem:$0x19A30]  }
0x441: {  	[tilespmem:$0x1BA10] =	vst v0  }
0x442: {  	v0 =	vld.idx.msk [tilespmem:v49+s2+$0x0], $0xffff;
	_ =	sdelay $0x3  }
0x443: {  	v51 =	vld [tilespmem:$0x19A40]  }
0x444: {  	[tilespmem:$0x1BA20] =	vst v0  }
0x445: {  	v0 =	vld.idx.msk [tilespmem:v50+s2+$0x0], $0xffff;
	_ =	sdelay $0x3  }
0x446: {  	v52 =	vld [tilespmem:$0x19A50]  }
0x447: {  	[tilespmem:$0x1BA30] =	vst v0  }
0x448: {  	v0 =	vld.idx.msk [tilespmem:v51+s2+$0x0], $0xffff;
	_ =	sdelay $0x3  }
0x449: {  	v53 =	vld [tilespmem:$0x19A60]  }
0x44a: {  	[tilespmem:$0x1BA40] =	vst v0  }
0x44b: {  	v0 =	vld.idx.msk [tilespmem:v52+s2+$0x0], $0xffff;
	_ =	sdelay $0x3  }
0x44c: {  	v54 =	vld [tilespmem:$0x19A70]  }
0x44d: {  	[tilespmem:$0x1BA50] =	vst v0  }
0x44e: {  	v0 =	vld.idx.msk [tilespmem:v53+s2+$0x0], $0xffff;
	_ =	sdelay $0x3  }
0x44f: {  	v55 =	vld [tilespmem:$0x19A80]  }
0x450: {  	[tilespmem:$0x1BA60] =	vst v0  }
0x451: {  	v0 =	vld.idx.msk [tilespmem:v54+s2+$0x0], $0xffff;
	_ =	sdelay $0x3  }
0x452: {  	v56 =	vld [tilespmem:$0x19A90]  }
0x453: {  	[tilespmem:$0x1BA70] =	vst v0  }
0x454: {  	v0 =	vld.idx.msk [tilespmem:v55+s2+$0x0], $0xffff;
	_ =	sdelay $0x3  }
0x455: {  	v57 =	vld [tilespmem:$0x19AA0]  }
0x456: {  	[tilespmem:$0x1BA80] =	vst v0  }
0x457: {  	v0 =	vld.idx.msk [tilespmem:v56+s2+$0x0], $0xffff;
	_ =	sdelay $0x3  }
0x458: {  	v58 =	vld [tilespmem:$0x19AB0]  }
0x459: {  	[tilespmem:$0x1BA90] =	vst v0  }
0x45a: {  	v0 =	vld.idx.msk [tilespmem:v57+s2+$0x0], $0xffff;
	_ =	sdelay $0x3  }
0x45b: {  	v59 =	vld [tilespmem:$0x19AC0]  }
0x45c: {  	[tilespmem:$0x1BAA0] =	vst v0  }
0x45d: {  	v0 =	vld.idx.msk [tilespmem:v58+s2+$0x0], $0xffff;
	_ =	sdelay $0x3  }
0x45e: {  	v60 =	vld [tilespmem:$0x19AD0]  }
0x45f: {  	[tilespmem:$0x1BAB0] =	vst v0  }
0x460: {  	v0 =	vld.idx.msk [tilespmem:v59+s2+$0x0], $0xffff;
	_ =	sdelay $0x3  }
0x461: {  	v61 =	vld [tilespmem:$0x19AE0]  }
0x462: {  	[tilespmem:$0x1BAC0] =	vst v0  }
0x463: {  	v0 =	vld.idx.msk [tilespmem:v60+s2+$0x0], $0xffff;
	_ =	sdelay $0x3  }
0x464: {  	v62 =	vld [tilespmem:$0x19AF0]  }
0x465: {  	[tilespmem:$0x1BAD0] =	vst v0  }
0x466: {  	v0 =	vld.idx.msk [tilespmem:v61+s2+$0x0], $0xffff;
	_ =	sdelay $0x3  }
0x467: {  	v63 =	vld [tilespmem:$0x19B00]  }
0x468: {  	[tilespmem:$0x1BAE0] =	vst v0  }
0x469: {  	v0 =	vld.idx.msk [tilespmem:v62+s2+$0x0], $0xffff;
	_ =	sdelay $0x3  }
0x46a: {  	v4 =	vld [tilespmem:$0x19B10]  }
0x46b: {  	[tilespmem:$0x1BAF0] =	vst v0  }
0x46c: {  	v0 =	vld.idx.msk [tilespmem:v63+s2+$0x0], $0xffff;
	_ =	sdelay $0x3  }
0x46d: {  	v5 =	vld [tilespmem:$0x19B20]  }
0x46e: {  	[tilespmem:$0x1BB00] =	vst v0  }
0x46f: {  	v0 =	vld.idx.msk [tilespmem:v4+s2+$0x0], $0xffff;
	_ =	sdelay $0x3  }
0x470: {  	v6 =	vld [tilespmem:$0x19B30]  }
0x471: {  	[tilespmem:$0x1BB10] =	vst v0  }
0x472: {  	v0 =	vld.idx.msk [tilespmem:v5+s2+$0x0], $0xffff;
	_ =	sdelay $0x3  }
0x473: {  	v7 =	vld [tilespmem:$0x19B40]  }
0x474: {  	[tilespmem:$0x1BB20] =	vst v0  }
0x475: {  	v0 =	vld.idx.msk [tilespmem:v6+s2+$0x0], $0xffff;
	_ =	sdelay $0x3  }
0x476: {  	v8 =	vld [tilespmem:$0x19B50]  }
0x477: {  	[tilespmem:$0x1BB30] =	vst v0  }
0x478: {  	v0 =	vld.idx.msk [tilespmem:v7+s2+$0x0], $0xffff;
	_ =	sdelay $0x3  }
0x479: {  	v9 =	vld [tilespmem:$0x19B60]  }
0x47a: {  	[tilespmem:$0x1BB40] =	vst v0  }
0x47b: {  	v0 =	vld.idx.msk [tilespmem:v8+s2+$0x0], $0xffff;
	_ =	sdelay $0x3  }
0x47c: {  	v10 =	vld [tilespmem:$0x19B70]  }
0x47d: {  	[tilespmem:$0x1BB50] =	vst v0  }
0x47e: {  	v0 =	vld.idx.msk [tilespmem:v9+s2+$0x0], $0xffff;
	_ =	sdelay $0x3  }
0x47f: {  	v11 =	vld [tilespmem:$0x19B80]  }
0x480: {  	[tilespmem:$0x1BB60] =	vst v0  }
0x481: {  	v0 =	vld.idx.msk [tilespmem:v10+s2+$0x0], $0xffff;
	_ =	sdelay $0x3  }
0x482: {  	v12 =	vld [tilespmem:$0x19B90]  }
0x483: {  	[tilespmem:$0x1BB70] =	vst v0  }
0x484: {  	v0 =	vld.idx.msk [tilespmem:v11+s2+$0x0], $0xffff;
	_ =	sdelay $0x3  }
0x485: {  	v13 =	vld [tilespmem:$0x19BA0]  }
0x486: {  	[tilespmem:$0x1BB80] =	vst v0  }
0x487: {  	v0 =	vld.idx.msk [tilespmem:v12+s2+$0x0], $0xffff;
	_ =	sdelay $0x3  }
0x488: {  	v14 =	vld [tilespmem:$0x19BB0]  }
0x489: {  	[tilespmem:$0x1BB90] =	vst v0  }
0x48a: {  	v0 =	vld.idx.msk [tilespmem:v13+s2+$0x0], $0xffff;
	_ =	sdelay $0x3  }
0x48b: {  	v15 =	vld [tilespmem:$0x19BC0]  }
0x48c: {  	[tilespmem:$0x1BBA0] =	vst v0  }
0x48d: {  	v0 =	vld.idx.msk [tilespmem:v14+s2+$0x0], $0xffff;
	_ =	sdelay $0x3  }
0x48e: {  	v16 =	vld [tilespmem:$0x19BD0]  }
0x48f: {  	[tilespmem:$0x1BBB0] =	vst v0  }
0x490: {  	v0 =	vld.idx.msk [tilespmem:v15+s2+$0x0], $0xffff;
	_ =	sdelay $0x3  }
0x491: {  	v17 =	vld [tilespmem:$0x19BE0]  }
0x492: {  	[tilespmem:$0x1BBC0] =	vst v0  }
0x493: {  	v0 =	vld.idx.msk [tilespmem:v16+s2+$0x0], $0xffff;
	_ =	sdelay $0x3  }
0x494: {  	v18 =	vld [tilespmem:$0x19BF0]  }
0x495: {  	[tilespmem:$0x1BBD0] =	vst v0  }
0x496: {  	v0 =	vld.idx.msk [tilespmem:v17+s2+$0x0], $0xffff;
	_ =	sdelay $0x3  }
0x497: {  	v19 =	vld [tilespmem:$0x19C00]  }
0x498: {  	[tilespmem:$0x1BBE0] =	vst v0  }
0x499: {  	v0 =	vld.idx.msk [tilespmem:v18+s2+$0x0], $0xffff;
	_ =	sdelay $0x3  }
0x49a: {  	v20 =	vld [tilespmem:$0x19C10]  }
0x49b: {  	[tilespmem:$0x1BBF0] =	vst v0  }
0x49c: {  	v0 =	vld.idx.msk [tilespmem:v19+s2+$0x0], $0xffff;
	_ =	sdelay $0x3  }
0x49d: {  	v21 =	vld [tilespmem:$0x19C20]  }
0x49e: {  	[tilespmem:$0x1BC00] =	vst v0  }
0x49f: {  	v0 =	vld.idx.msk [tilespmem:v20+s2+$0x0], $0xffff;
	_ =	sdelay $0x3  }
0x4a0: {  	v22 =	vld [tilespmem:$0x19C30]  }
0x4a1: {  	[tilespmem:$0x1BC10] =	vst v0  }
0x4a2: {  	v0 =	vld.idx.msk [tilespmem:v21+s2+$0x0], $0xffff;
	_ =	sdelay $0x3  }
0x4a3: {  	v23 =	vld [tilespmem:$0x19C40]  }
0x4a4: {  	[tilespmem:$0x1BC20] =	vst v0  }
0x4a5: {  	v0 =	vld.idx.msk [tilespmem:v22+s2+$0x0], $0xffff;
	_ =	sdelay $0x3  }
0x4a6: {  	v24 =	vld [tilespmem:$0x19C50]  }
0x4a7: {  	[tilespmem:$0x1BC30] =	vst v0  }
0x4a8: {  	v0 =	vld.idx.msk [tilespmem:v23+s2+$0x0], $0xffff;
	_ =	sdelay $0x3  }
0x4a9: {  	v25 =	vld [tilespmem:$0x19C60]  }
0x4aa: {  	[tilespmem:$0x1BC40] =	vst v0  }
0x4ab: {  	v0 =	vld.idx.msk [tilespmem:v24+s2+$0x0], $0xffff;
	_ =	sdelay $0x3  }
0x4ac: {  	v26 =	vld [tilespmem:$0x19C70]  }
0x4ad: {  	[tilespmem:$0x1BC50] =	vst v0  }
0x4ae: {  	v0 =	vld.idx.msk [tilespmem:v25+s2+$0x0], $0xffff;
	_ =	sdelay $0x3  }
0x4af: {  	v27 =	vld [tilespmem:$0x19C80]  }
0x4b0: {  	[tilespmem:$0x1BC60] =	vst v0  }
0x4b1: {  	v0 =	vld.idx.msk [tilespmem:v26+s2+$0x0], $0xffff;
	_ =	sdelay $0x3  }
0x4b2: {  	v28 =	vld [tilespmem:$0x19C90]  }
0x4b3: {  	[tilespmem:$0x1BC70] =	vst v0  }
0x4b4: {  	v0 =	vld.idx.msk [tilespmem:v27+s2+$0x0], $0xffff;
	_ =	sdelay $0x3  }
0x4b5: {  	v29 =	vld [tilespmem:$0x19CA0]  }
0x4b6: {  	[tilespmem:$0x1BC80] =	vst v0  }
0x4b7: {  	v0 =	vld.idx.msk [tilespmem:v28+s2+$0x0], $0xffff;
	_ =	sdelay $0x3  }
0x4b8: {  	v30 =	vld [tilespmem:$0x19CB0]  }
0x4b9: {  	[tilespmem:$0x1BC90] =	vst v0  }
0x4ba: {  	v0 =	vld.idx.msk [tilespmem:v29+s2+$0x0], $0xffff;
	_ =	sdelay $0x3  }
0x4bb: {  	v31 =	vld [tilespmem:$0x19CC0]  }
0x4bc: {  	[tilespmem:$0x1BCA0] =	vst v0  }
0x4bd: {  	v0 =	vld.idx.msk [tilespmem:v30+s2+$0x0], $0xffff;
	_ =	sdelay $0x3  }
0x4be: {  	v32 =	vld [tilespmem:$0x19CD0]  }
0x4bf: {  	[tilespmem:$0x1BCB0] =	vst v0  }
0x4c0: {  	v0 =	vld.idx.msk [tilespmem:v31+s2+$0x0], $0xffff;
	_ =	sdelay $0x3  }
0x4c1: {  	v33 =	vld [tilespmem:$0x19CE0]  }
0x4c2: {  	[tilespmem:$0x1BCC0] =	vst v0  }
0x4c3: {  	v0 =	vld.idx.msk [tilespmem:v32+s2+$0x0], $0xffff;
	_ =	sdelay $0x3  }
0x4c4: {  	v34 =	vld [tilespmem:$0x19CF0]  }
0x4c5: {  	[tilespmem:$0x1BCD0] =	vst v0  }
0x4c6: {  	v0 =	vld.idx.msk [tilespmem:v33+s2+$0x0], $0xffff;
	_ =	sdelay $0x3  }
0x4c7: {  	v35 =	vld [tilespmem:$0x19D00]  }
0x4c8: {  	[tilespmem:$0x1BCE0] =	vst v0  }
0x4c9: {  	v0 =	vld.idx.msk [tilespmem:v34+s2+$0x0], $0xffff;
	_ =	sdelay $0x3  }
0x4ca: {  	v36 =	vld [tilespmem:$0x19D10]  }
0x4cb: {  	[tilespmem:$0x1BCF0] =	vst v0  }
0x4cc: {  	v0 =	vld.idx.msk [tilespmem:v35+s2+$0x0], $0xffff;
	_ =	sdelay $0x3  }
0x4cd: {  	v37 =	vld [tilespmem:$0x19D20]  }
0x4ce: {  	[tilespmem:$0x1BD00] =	vst v0  }
0x4cf: {  	v0 =	vld.idx.msk [tilespmem:v36+s2+$0x0], $0xffff;
	_ =	sdelay $0x3  }
0x4d0: {  	v38 =	vld [tilespmem:$0x19D30]  }
0x4d1: {  	[tilespmem:$0x1BD10] =	vst v0  }
0x4d2: {  	v0 =	vld.idx.msk [tilespmem:v37+s2+$0x0], $0xffff;
	_ =	sdelay $0x3  }
0x4d3: {  	v39 =	vld [tilespmem:$0x19D40]  }
0x4d4: {  	[tilespmem:$0x1BD20] =	vst v0  }
0x4d5: {  	v0 =	vld.idx.msk [tilespmem:v38+s2+$0x0], $0xffff;
	_ =	sdelay $0x3  }
0x4d6: {  	v40 =	vld [tilespmem:$0x19D50]  }
0x4d7: {  	[tilespmem:$0x1BD30] =	vst v0  }
0x4d8: {  	v0 =	vld.idx.msk [tilespmem:v39+s2+$0x0], $0xffff;
	_ =	sdelay $0x3  }
0x4d9: {  	v41 =	vld [tilespmem:$0x19D60]  }
0x4da: {  	[tilespmem:$0x1BD40] =	vst v0  }
0x4db: {  	v0 =	vld.idx.msk [tilespmem:v40+s2+$0x0], $0xffff;
	_ =	sdelay $0x3  }
0x4dc: {  	v42 =	vld [tilespmem:$0x19D70]  }
0x4dd: {  	[tilespmem:$0x1BD50] =	vst v0  }
0x4de: {  	v0 =	vld.idx.msk [tilespmem:v41+s2+$0x0], $0xffff;
	_ =	sdelay $0x3  }
0x4df: {  	v43 =	vld [tilespmem:$0x19D80]  }
0x4e0: {  	[tilespmem:$0x1BD60] =	vst v0  }
0x4e1: {  	v0 =	vld.idx.msk [tilespmem:v42+s2+$0x0], $0xffff;
	_ =	sdelay $0x3  }
0x4e2: {  	v44 =	vld [tilespmem:$0x19D90]  }
0x4e3: {  	[tilespmem:$0x1BD70] =	vst v0  }
0x4e4: {  	v0 =	vld.idx.msk [tilespmem:v43+s2+$0x0], $0xffff;
	_ =	sdelay $0x3  }
0x4e5: {  	v45 =	vld [tilespmem:$0x19DA0]  }
0x4e6: {  	[tilespmem:$0x1BD80] =	vst v0  }
0x4e7: {  	v0 =	vld.idx.msk [tilespmem:v44+s2+$0x0], $0xffff;
	_ =	sdelay $0x3  }
0x4e8: {  	v46 =	vld [tilespmem:$0x19DB0]  }
0x4e9: {  	[tilespmem:$0x1BD90] =	vst v0  }
0x4ea: {  	v0 =	vld.idx.msk [tilespmem:v45+s2+$0x0], $0xffff;
	_ =	sdelay $0x3  }
0x4eb: {  	v47 =	vld [tilespmem:$0x19DC0]  }
0x4ec: {  	[tilespmem:$0x1BDA0] =	vst v0  }
0x4ed: {  	v0 =	vld.idx.msk [tilespmem:v46+s2+$0x0], $0xffff;
	_ =	sdelay $0x3  }
0x4ee: {  	v48 =	vld [tilespmem:$0x19DD0]  }
0x4ef: {  	[tilespmem:$0x1BDB0] =	vst v0  }
0x4f0: {  	v0 =	vld.idx.msk [tilespmem:v47+s2+$0x0], $0xffff;
	_ =	sdelay $0x3  }
0x4f1: {  	v49 =	vld [tilespmem:$0x19DE0]  }
0x4f2: {  	[tilespmem:$0x1BDC0] =	vst v0  }
0x4f3: {  	v0 =	vld.idx.msk [tilespmem:v48+s2+$0x0], $0xffff;
	_ =	sdelay $0x3  }
0x4f4: {  	v50 =	vld [tilespmem:$0x19DF0]  }
0x4f5: {  	[tilespmem:$0x1BDD0] =	vst v0  }
0x4f6: {  	v0 =	vld.idx.msk [tilespmem:v49+s2+$0x0], $0xffff;
	_ =	sdelay $0x3  }
0x4f7: {  	v51 =	vld [tilespmem:$0x19E00]  }
0x4f8: {  	[tilespmem:$0x1BDE0] =	vst v0  }
0x4f9: {  	v0 =	vld.idx.msk [tilespmem:v50+s2+$0x0], $0xffff;
	_ =	sdelay $0x3  }
0x4fa: {  	v52 =	vld [tilespmem:$0x19E10]  }
0x4fb: {  	[tilespmem:$0x1BDF0] =	vst v0  }
0x4fc: {  	v0 =	vld.idx.msk [tilespmem:v51+s2+$0x0], $0xffff;
	_ =	sdelay $0x3  }
0x4fd: {  	v53 =	vld [tilespmem:$0x19E20]  }
0x4fe: {  	[tilespmem:$0x1BE00] =	vst v0  }
0x4ff: {  	v0 =	vld.idx.msk [tilespmem:v52+s2+$0x0], $0xffff;
	_ =	sdelay $0x3  }
0x500: {  	v54 =	vld [tilespmem:$0x19E30]  }
0x501: {  	[tilespmem:$0x1BE10] =	vst v0  }
0x502: {  	v0 =	vld.idx.msk [tilespmem:v53+s2+$0x0], $0xffff;
	_ =	sdelay $0x3  }
0x503: {  	v55 =	vld [tilespmem:$0x19E40]  }
0x504: {  	[tilespmem:$0x1BE20] =	vst v0  }
0x505: {  	v0 =	vld.idx.msk [tilespmem:v54+s2+$0x0], $0xffff;
	_ =	sdelay $0x3  }
0x506: {  	v56 =	vld [tilespmem:$0x19E50]  }
0x507: {  	[tilespmem:$0x1BE30] =	vst v0  }
0x508: {  	v0 =	vld.idx.msk [tilespmem:v55+s2+$0x0], $0xffff;
	_ =	sdelay $0x3  }
0x509: {  	v57 =	vld [tilespmem:$0x19E60]  }
0x50a: {  	[tilespmem:$0x1BE40] =	vst v0  }
0x50b: {  	v0 =	vld.idx.msk [tilespmem:v56+s2+$0x0], $0xffff;
	_ =	sdelay $0x3  }
0x50c: {  	v58 =	vld [tilespmem:$0x19E70]  }
0x50d: {  	[tilespmem:$0x1BE50] =	vst v0  }
0x50e: {  	v0 =	vld.idx.msk [tilespmem:v57+s2+$0x0], $0xffff;
	_ =	sdelay $0x3  }
0x50f: {  	v59 =	vld [tilespmem:$0x19E80]  }
0x510: {  	[tilespmem:$0x1BE60] =	vst v0  }
0x511: {  	v0 =	vld.idx.msk [tilespmem:v58+s2+$0x0], $0xffff;
	_ =	sdelay $0x3  }
0x512: {  	v60 =	vld [tilespmem:$0x19E90]  }
0x513: {  	[tilespmem:$0x1BE70] =	vst v0  }
0x514: {  	v0 =	vld.idx.msk [tilespmem:v59+s2+$0x0], $0xffff;
	_ =	sdelay $0x3  }
0x515: {  	v61 =	vld [tilespmem:$0x19EA0]  }
0x516: {  	[tilespmem:$0x1BE80] =	vst v0  }
0x517: {  	v0 =	vld.idx.msk [tilespmem:v60+s2+$0x0], $0xffff;
	_ =	sdelay $0x3  }
0x518: {  	v62 =	vld [tilespmem:$0x19EB0]  }
0x519: {  	[tilespmem:$0x1BE90] =	vst v0  }
0x51a: {  	v0 =	vld.idx.msk [tilespmem:v61+s2+$0x0], $0xffff;
	_ =	sdelay $0x3  }
0x51b: {  	v63 =	vld [tilespmem:$0x19EC0]  }
0x51c: {  	[tilespmem:$0x1BEA0] =	vst v0  }
0x51d: {  	v0 =	vld.idx.msk [tilespmem:v62+s2+$0x0], $0xffff;
	_ =	sdelay $0x4  }
0x51e: {  	[tilespmem:$0x1BEB0] =	vst v0  }
0x51f: {  	v0 =	vld.idx.msk [tilespmem:v63+s2+$0x0], $0xffff;
	_ =	sdelay $0x1  }
.Ltmp14:
0x520: {  	_ = 	snop;
	(pc) =	sbr.rel @p1 .LBB2_19-.Ltmp14, $3  }
0x521: {  	_ =	sdelay $0x1  }
0x522: {  	[tilespmem:$0x1BEC0] =	vst v0  }
0x523: {  	[hbm4b:s14+s2] =	stream.linear.scatter [tilespmem:s20], [sflag:$0x2], $0x7D0, $0x38;
	[tilespmem:$0x1C700] =	vst v63  }
.Ltmp15:
0x524: {  	(pc) =	sbr.rel .LBB2_20-.Ltmp15, $4  }
0x525: {  	_ = 	snop  }
0x526: {  	_ =	swait.ge [sflag:s22], $0x7D0  }
0x527: {  	[sflag:s22] =	ssyncset.done $0x0  }
0x528: {  	[sflag:s22] =	ssyncadd.s32 $0xFFFFF830  }
.LBB2_19:
0x529: {  	s24 =	sadd.s32 s1, s0  }
0x52a: {  	s24 =	sadd.s32 $0x2EE0, s24  }
0x52b: {  	s24 =	sshrl.u32 s24, $0x3  }
.Ltmp16:
0x52c: {  	s24 =	sadd.s32 s5, s24;
	(pc) =	sbr.rel @p0 .LBB2_21-.Ltmp16, $4  }
0x52d: {  	[tilespmem:s28], [sflag:$0x1] =	stream.linear.gather [hbm4b:s24+s2], $0x7D0, $0x38;
	[tilespmem:$0x1C700] =	vst v63  }
0x52e: {  	_ =	swait.ge [sflag:s22], $0x7D0  }
0x52f: {  	[sflag:s22] =	ssyncset.done $0x0  }
0x530: {  	[sflag:s22] =	ssyncadd.s32 $0xFFFFF830  }
.LBB2_20:
0x531: {  	_ =	swait.ge [sflag:s23], $0x7D0  }
0x532: {  	[sflag:s23] =	ssyncset.done $0x0  }
0x533: {  	[sflag:s23] =	ssyncadd.s32 $0xFFFFF830  }
.LBB2_21:
0x534: {  	v0 =	vld [tilespmem:$0x19F00];
	_ =	sdelay $0x5  }
0x535: {  	v1 =	vld [tilespmem:$0x19F10];
	_ =	sdelay $0x1  }
0x536: {  	v0 =	vld.idx.msk [tilespmem:v0+s2+$0x0], $0xffff;
	_ =	sdelay $0x3  }
0x537: {  	v2 =	vld [tilespmem:$0x19F20]  }
0x538: {  	[tilespmem:$0x1BF00] =	vst v0  }
0x539: {  	v0 =	vld.idx.msk [tilespmem:v1+s2+$0x0], $0xffff;
	_ =	sdelay $0x3  }
0x53a: {  	v62 =	vld [tilespmem:$0x19F30]  }
0x53b: {  	[tilespmem:$0x1BF10] =	vst v0  }
0x53c: {  	v0 =	vld.idx.msk [tilespmem:v2+s2+$0x0], $0xffff;
	_ =	sdelay $0x3  }
0x53d: {  	v63 =	vld [tilespmem:$0x19F40]  }
0x53e: {  	[tilespmem:$0x1BF20] =	vst v0  }
0x53f: {  	v0 =	vld.idx.msk [tilespmem:v62+s2+$0x0], $0xffff;
	_ =	sdelay $0x3  }
0x540: {  	v4 =	vld [tilespmem:$0x19F50]  }
0x541: {  	[tilespmem:$0x1BF30] =	vst v0  }
0x542: {  	v0 =	vld.idx.msk [tilespmem:v63+s2+$0x0], $0xffff;
	_ =	sdelay $0x3  }
0x543: {  	v5 =	vld [tilespmem:$0x19F60]  }
0x544: {  	[tilespmem:$0x1BF40] =	vst v0  }
0x545: {  	v0 =	vld.idx.msk [tilespmem:v4+s2+$0x0], $0xffff;
	_ =	sdelay $0x3  }
0x546: {  	v6 =	vld [tilespmem:$0x19F70]  }
0x547: {  	[tilespmem:$0x1BF50] =	vst v0  }
0x548: {  	v0 =	vld.idx.msk [tilespmem:v5+s2+$0x0], $0xffff;
	_ =	sdelay $0x3  }
0x549: {  	v7 =	vld [tilespmem:$0x19F80]  }
0x54a: {  	[tilespmem:$0x1BF60] =	vst v0  }
0x54b: {  	v0 =	vld.idx.msk [tilespmem:v6+s2+$0x0], $0xffff;
	_ =	sdelay $0x3  }
0x54c: {  	v8 =	vld [tilespmem:$0x19F90]  }
0x54d: {  	[tilespmem:$0x1BF70] =	vst v0  }
0x54e: {  	v0 =	vld.idx.msk [tilespmem:v7+s2+$0x0], $0xffff;
	_ =	sdelay $0x3  }
0x54f: {  	v9 =	vld [tilespmem:$0x19FA0]  }
0x550: {  	[tilespmem:$0x1BF80] =	vst v0  }
0x551: {  	v0 =	vld.idx.msk [tilespmem:v8+s2+$0x0], $0xffff;
	_ =	sdelay $0x3  }
0x552: {  	v10 =	vld [tilespmem:$0x19FB0]  }
0x553: {  	[tilespmem:$0x1BF90] =	vst v0  }
0x554: {  	v0 =	vld.idx.msk [tilespmem:v9+s2+$0x0], $0xffff;
	_ =	sdelay $0x3  }
0x555: {  	v11 =	vld [tilespmem:$0x19FC0]  }
0x556: {  	[tilespmem:$0x1BFA0] =	vst v0  }
0x557: {  	v0 =	vld.idx.msk [tilespmem:v10+s2+$0x0], $0xffff;
	_ =	sdelay $0x3  }
0x558: {  	v12 =	vld [tilespmem:$0x19FD0]  }
0x559: {  	[tilespmem:$0x1BFB0] =	vst v0  }
0x55a: {  	v0 =	vld.idx.msk [tilespmem:v11+s2+$0x0], $0xffff;
	_ =	sdelay $0x3  }
0x55b: {  	v13 =	vld [tilespmem:$0x19FE0]  }
0x55c: {  	[tilespmem:$0x1BFC0] =	vst v0  }
0x55d: {  	v0 =	vld.idx.msk [tilespmem:v12+s2+$0x0], $0xffff;
	_ =	sdelay $0x3  }
0x55e: {  	v14 =	vld [tilespmem:$0x19FF0]  }
0x55f: {  	[tilespmem:$0x1BFD0] =	vst v0  }
0x560: {  	v0 =	vld.idx.msk [tilespmem:v13+s2+$0x0], $0xffff;
	_ =	sdelay $0x3  }
0x561: {  	v15 =	vld [tilespmem:$0x1A000]  }
0x562: {  	[tilespmem:$0x1BFE0] =	vst v0  }
0x563: {  	v0 =	vld.idx.msk [tilespmem:v14+s2+$0x0], $0xffff;
	_ =	sdelay $0x3  }
0x564: {  	v16 =	vld [tilespmem:$0x1A010]  }
0x565: {  	[tilespmem:$0x1BFF0] =	vst v0  }
0x566: {  	v0 =	vld.idx.msk [tilespmem:v15+s2+$0x0], $0xffff;
	_ =	sdelay $0x3  }
0x567: {  	v17 =	vld [tilespmem:$0x1A020]  }
0x568: {  	[tilespmem:$0x1C000] =	vst v0  }
0x569: {  	v0 =	vld.idx.msk [tilespmem:v16+s2+$0x0], $0xffff;
	_ =	sdelay $0x3  }
0x56a: {  	v18 =	vld [tilespmem:$0x1A030]  }
0x56b: {  	[tilespmem:$0x1C010] =	vst v0  }
0x56c: {  	v0 =	vld.idx.msk [tilespmem:v17+s2+$0x0], $0xffff;
	_ =	sdelay $0x3  }
0x56d: {  	v19 =	vld [tilespmem:$0x1A040]  }
0x56e: {  	[tilespmem:$0x1C020] =	vst v0  }
0x56f: {  	v0 =	vld.idx.msk [tilespmem:v18+s2+$0x0], $0xffff;
	_ =	sdelay $0x3  }
0x570: {  	v20 =	vld [tilespmem:$0x1A050]  }
0x571: {  	[tilespmem:$0x1C030] =	vst v0  }
0x572: {  	v0 =	vld.idx.msk [tilespmem:v19+s2+$0x0], $0xffff;
	_ =	sdelay $0x3  }
0x573: {  	v21 =	vld [tilespmem:$0x1A060]  }
0x574: {  	[tilespmem:$0x1C040] =	vst v0  }
0x575: {  	v0 =	vld.idx.msk [tilespmem:v20+s2+$0x0], $0xffff;
	_ =	sdelay $0x3  }
0x576: {  	v22 =	vld [tilespmem:$0x1A070]  }
0x577: {  	[tilespmem:$0x1C050] =	vst v0  }
0x578: {  	v0 =	vld.idx.msk [tilespmem:v21+s2+$0x0], $0xffff;
	_ =	sdelay $0x3  }
0x579: {  	v23 =	vld [tilespmem:$0x1A080]  }
0x57a: {  	[tilespmem:$0x1C060] =	vst v0  }
0x57b: {  	v0 =	vld.idx.msk [tilespmem:v22+s2+$0x0], $0xffff;
	_ =	sdelay $0x3  }
0x57c: {  	v24 =	vld [tilespmem:$0x1A090]  }
0x57d: {  	[tilespmem:$0x1C070] =	vst v0  }
0x57e: {  	v0 =	vld.idx.msk [tilespmem:v23+s2+$0x0], $0xffff;
	_ =	sdelay $0x3  }
0x57f: {  	v25 =	vld [tilespmem:$0x1A0A0]  }
0x580: {  	[tilespmem:$0x1C080] =	vst v0  }
0x581: {  	v0 =	vld.idx.msk [tilespmem:v24+s2+$0x0], $0xffff;
	_ =	sdelay $0x3  }
0x582: {  	v26 =	vld [tilespmem:$0x1A0B0]  }
0x583: {  	[tilespmem:$0x1C090] =	vst v0  }
0x584: {  	v0 =	vld.idx.msk [tilespmem:v25+s2+$0x0], $0xffff;
	_ =	sdelay $0x3  }
0x585: {  	v27 =	vld [tilespmem:$0x1A0C0]  }
0x586: {  	[tilespmem:$0x1C0A0] =	vst v0  }
0x587: {  	v0 =	vld.idx.msk [tilespmem:v26+s2+$0x0], $0xffff;
	_ =	sdelay $0x3  }
0x588: {  	v28 =	vld [tilespmem:$0x1A0D0]  }
0x589: {  	[tilespmem:$0x1C0B0] =	vst v0  }
0x58a: {  	v0 =	vld.idx.msk [tilespmem:v27+s2+$0x0], $0xffff;
	_ =	sdelay $0x3  }
0x58b: {  	v29 =	vld [tilespmem:$0x1A0E0]  }
0x58c: {  	[tilespmem:$0x1C0C0] =	vst v0  }
0x58d: {  	v0 =	vld.idx.msk [tilespmem:v28+s2+$0x0], $0xffff;
	_ =	sdelay $0x3  }
0x58e: {  	v30 =	vld [tilespmem:$0x1A0F0]  }
0x58f: {  	[tilespmem:$0x1C0D0] =	vst v0  }
0x590: {  	v0 =	vld.idx.msk [tilespmem:v29+s2+$0x0], $0xffff;
	_ =	sdelay $0x3  }
0x591: {  	v31 =	vld [tilespmem:$0x1A100]  }
0x592: {  	[tilespmem:$0x1C0E0] =	vst v0  }
0x593: {  	v0 =	vld.idx.msk [tilespmem:v30+s2+$0x0], $0xffff;
	_ =	sdelay $0x3  }
0x594: {  	v32 =	vld [tilespmem:$0x1A110]  }
0x595: {  	[tilespmem:$0x1C0F0] =	vst v0  }
0x596: {  	v0 =	vld.idx.msk [tilespmem:v31+s2+$0x0], $0xffff;
	_ =	sdelay $0x3  }
0x597: {  	v33 =	vld [tilespmem:$0x1A120]  }
0x598: {  	[tilespmem:$0x1C100] =	vst v0  }
0x599: {  	v0 =	vld.idx.msk [tilespmem:v32+s2+$0x0], $0xffff;
	_ =	sdelay $0x3  }
0x59a: {  	v34 =	vld [tilespmem:$0x1A130]  }
0x59b: {  	[tilespmem:$0x1C110] =	vst v0  }
0x59c: {  	v0 =	vld.idx.msk [tilespmem:v33+s2+$0x0], $0xffff;
	_ =	sdelay $0x3  }
0x59d: {  	v35 =	vld [tilespmem:$0x1A140]  }
0x59e: {  	[tilespmem:$0x1C120] =	vst v0  }
0x59f: {  	v0 =	vld.idx.msk [tilespmem:v34+s2+$0x0], $0xffff;
	_ =	sdelay $0x3  }
0x5a0: {  	v36 =	vld [tilespmem:$0x1A150]  }
0x5a1: {  	[tilespmem:$0x1C130] =	vst v0  }
0x5a2: {  	v0 =	vld.idx.msk [tilespmem:v35+s2+$0x0], $0xffff;
	_ =	sdelay $0x3  }
0x5a3: {  	v37 =	vld [tilespmem:$0x1A160]  }
0x5a4: {  	[tilespmem:$0x1C140] =	vst v0  }
0x5a5: {  	v0 =	vld.idx.msk [tilespmem:v36+s2+$0x0], $0xffff;
	_ =	sdelay $0x3  }
0x5a6: {  	v38 =	vld [tilespmem:$0x1A170]  }
0x5a7: {  	[tilespmem:$0x1C150] =	vst v0  }
0x5a8: {  	v0 =	vld.idx.msk [tilespmem:v37+s2+$0x0], $0xffff;
	_ =	sdelay $0x3  }
0x5a9: {  	v39 =	vld [tilespmem:$0x1A180]  }
0x5aa: {  	[tilespmem:$0x1C160] =	vst v0  }
0x5ab: {  	v0 =	vld.idx.msk [tilespmem:v38+s2+$0x0], $0xffff;
	_ =	sdelay $0x3  }
0x5ac: {  	v40 =	vld [tilespmem:$0x1A190]  }
0x5ad: {  	[tilespmem:$0x1C170] =	vst v0  }
0x5ae: {  	v0 =	vld.idx.msk [tilespmem:v39+s2+$0x0], $0xffff;
	_ =	sdelay $0x3  }
0x5af: {  	v41 =	vld [tilespmem:$0x1A1A0]  }
0x5b0: {  	[tilespmem:$0x1C180] =	vst v0  }
0x5b1: {  	v0 =	vld.idx.msk [tilespmem:v40+s2+$0x0], $0xffff;
	_ =	sdelay $0x3  }
0x5b2: {  	v42 =	vld [tilespmem:$0x1A1B0]  }
0x5b3: {  	[tilespmem:$0x1C190] =	vst v0  }
0x5b4: {  	v0 =	vld.idx.msk [tilespmem:v41+s2+$0x0], $0xffff;
	_ =	sdelay $0x3  }
0x5b5: {  	v43 =	vld [tilespmem:$0x1A1C0]  }
0x5b6: {  	[tilespmem:$0x1C1A0] =	vst v0  }
0x5b7: {  	v0 =	vld.idx.msk [tilespmem:v42+s2+$0x0], $0xffff;
	_ =	sdelay $0x3  }
0x5b8: {  	v44 =	vld [tilespmem:$0x1A1D0]  }
0x5b9: {  	[tilespmem:$0x1C1B0] =	vst v0  }
0x5ba: {  	v0 =	vld.idx.msk [tilespmem:v43+s2+$0x0], $0xffff;
	_ =	sdelay $0x3  }
0x5bb: {  	v45 =	vld [tilespmem:$0x1A1E0]  }
0x5bc: {  	[tilespmem:$0x1C1C0] =	vst v0  }
0x5bd: {  	v0 =	vld.idx.msk [tilespmem:v44+s2+$0x0], $0xffff;
	_ =	sdelay $0x3  }
0x5be: {  	v46 =	vld [tilespmem:$0x1A1F0]  }
0x5bf: {  	[tilespmem:$0x1C1D0] =	vst v0  }
0x5c0: {  	v0 =	vld.idx.msk [tilespmem:v45+s2+$0x0], $0xffff;
	_ =	sdelay $0x3  }
0x5c1: {  	v47 =	vld [tilespmem:$0x1A200]  }
0x5c2: {  	[tilespmem:$0x1C1E0] =	vst v0  }
0x5c3: {  	v0 =	vld.idx.msk [tilespmem:v46+s2+$0x0], $0xffff;
	_ =	sdelay $0x3  }
0x5c4: {  	v48 =	vld [tilespmem:$0x1A210]  }
0x5c5: {  	[tilespmem:$0x1C1F0] =	vst v0  }
0x5c6: {  	v0 =	vld.idx.msk [tilespmem:v47+s2+$0x0], $0xffff;
	_ =	sdelay $0x3  }
0x5c7: {  	v49 =	vld [tilespmem:$0x1A220]  }
0x5c8: {  	[tilespmem:$0x1C200] =	vst v0  }
0x5c9: {  	v0 =	vld.idx.msk [tilespmem:v48+s2+$0x0], $0xffff;
	_ =	sdelay $0x3  }
0x5ca: {  	v50 =	vld [tilespmem:$0x1A230]  }
0x5cb: {  	[tilespmem:$0x1C210] =	vst v0  }
0x5cc: {  	v0 =	vld.idx.msk [tilespmem:v49+s2+$0x0], $0xffff;
	_ =	sdelay $0x3  }
0x5cd: {  	v51 =	vld [tilespmem:$0x1A240]  }
0x5ce: {  	[tilespmem:$0x1C220] =	vst v0  }
0x5cf: {  	v0 =	vld.idx.msk [tilespmem:v50+s2+$0x0], $0xffff;
	_ =	sdelay $0x3  }
0x5d0: {  	v52 =	vld [tilespmem:$0x1A250]  }
0x5d1: {  	[tilespmem:$0x1C230] =	vst v0  }
0x5d2: {  	v0 =	vld.idx.msk [tilespmem:v51+s2+$0x0], $0xffff;
	_ =	sdelay $0x3  }
0x5d3: {  	v53 =	vld [tilespmem:$0x1A260]  }
0x5d4: {  	[tilespmem:$0x1C240] =	vst v0  }
0x5d5: {  	v0 =	vld.idx.msk [tilespmem:v52+s2+$0x0], $0xffff;
	_ =	sdelay $0x3  }
0x5d6: {  	v54 =	vld [tilespmem:$0x1A270]  }
0x5d7: {  	[tilespmem:$0x1C250] =	vst v0  }
0x5d8: {  	v0 =	vld.idx.msk [tilespmem:v53+s2+$0x0], $0xffff;
	_ =	sdelay $0x3  }
0x5d9: {  	v55 =	vld [tilespmem:$0x1A280]  }
0x5da: {  	[tilespmem:$0x1C260] =	vst v0  }
0x5db: {  	v0 =	vld.idx.msk [tilespmem:v54+s2+$0x0], $0xffff;
	_ =	sdelay $0x3  }
0x5dc: {  	v56 =	vld [tilespmem:$0x1A290]  }
0x5dd: {  	[tilespmem:$0x1C270] =	vst v0  }
0x5de: {  	v0 =	vld.idx.msk [tilespmem:v55+s2+$0x0], $0xffff;
	_ =	sdelay $0x3  }
0x5df: {  	v57 =	vld [tilespmem:$0x1A2A0]  }
0x5e0: {  	[tilespmem:$0x1C280] =	vst v0  }
0x5e1: {  	v0 =	vld.idx.msk [tilespmem:v56+s2+$0x0], $0xffff;
	_ =	sdelay $0x3  }
0x5e2: {  	v58 =	vld [tilespmem:$0x1A2B0]  }
0x5e3: {  	[tilespmem:$0x1C290] =	vst v0  }
0x5e4: {  	v0 =	vld.idx.msk [tilespmem:v57+s2+$0x0], $0xffff;
	_ =	sdelay $0x3  }
0x5e5: {  	v59 =	vld [tilespmem:$0x1A2C0]  }
0x5e6: {  	[tilespmem:$0x1C2A0] =	vst v0  }
0x5e7: {  	v0 =	vld.idx.msk [tilespmem:v58+s2+$0x0], $0xffff;
	_ =	sdelay $0x3  }
0x5e8: {  	v60 =	vld [tilespmem:$0x1A2D0]  }
0x5e9: {  	[tilespmem:$0x1C2B0] =	vst v0  }
0x5ea: {  	v0 =	vld.idx.msk [tilespmem:v59+s2+$0x0], $0xffff;
	_ =	sdelay $0x3  }
0x5eb: {  	v61 =	vld [tilespmem:$0x1A2E0]  }
0x5ec: {  	[tilespmem:$0x1C2C0] =	vst v0  }
0x5ed: {  	v0 =	vld.idx.msk [tilespmem:v60+s2+$0x0], $0xffff;
	_ =	sdelay $0x3  }
0x5ee: {  	v62 =	vld [tilespmem:$0x1A2F0]  }
0x5ef: {  	[tilespmem:$0x1C2D0] =	vst v0  }
0x5f0: {  	v0 =	vld.idx.msk [tilespmem:v61+s2+$0x0], $0xffff;
	_ =	sdelay $0x3  }
0x5f1: {  	v63 =	vld [tilespmem:$0x1A300]  }
0x5f2: {  	[tilespmem:$0x1C2E0] =	vst v0  }
0x5f3: {  	v0 =	vld.idx.msk [tilespmem:v62+s2+$0x0], $0xffff;
	_ =	sdelay $0x3  }
0x5f4: {  	v4 =	vld [tilespmem:$0x1A310]  }
0x5f5: {  	[tilespmem:$0x1C2F0] =	vst v0  }
0x5f6: {  	v0 =	vld.idx.msk [tilespmem:v63+s2+$0x0], $0xffff;
	_ =	sdelay $0x3  }
0x5f7: {  	v5 =	vld [tilespmem:$0x1A320]  }
0x5f8: {  	[tilespmem:$0x1C300] =	vst v0  }
0x5f9: {  	v0 =	vld.idx.msk [tilespmem:v4+s2+$0x0], $0xffff;
	_ =	sdelay $0x3  }
0x5fa: {  	v6 =	vld [tilespmem:$0x1A330]  }
0x5fb: {  	[tilespmem:$0x1C310] =	vst v0  }
0x5fc: {  	v0 =	vld.idx.msk [tilespmem:v5+s2+$0x0], $0xffff;
	_ =	sdelay $0x3  }
0x5fd: {  	v7 =	vld [tilespmem:$0x1A340]  }
0x5fe: {  	[tilespmem:$0x1C320] =	vst v0  }
0x5ff: {  	v0 =	vld.idx.msk [tilespmem:v6+s2+$0x0], $0xffff;
	_ =	sdelay $0x3  }
0x600: {  	v8 =	vld [tilespmem:$0x1A350]  }
0x601: {  	[tilespmem:$0x1C330] =	vst v0  }
0x602: {  	v0 =	vld.idx.msk [tilespmem:v7+s2+$0x0], $0xffff;
	_ =	sdelay $0x3  }
0x603: {  	v9 =	vld [tilespmem:$0x1A360]  }
0x604: {  	[tilespmem:$0x1C340] =	vst v0  }
0x605: {  	v0 =	vld.idx.msk [tilespmem:v8+s2+$0x0], $0xffff;
	_ =	sdelay $0x3  }
0x606: {  	v10 =	vld [tilespmem:$0x1A370]  }
0x607: {  	[tilespmem:$0x1C350] =	vst v0  }
0x608: {  	v0 =	vld.idx.msk [tilespmem:v9+s2+$0x0], $0xffff;
	_ =	sdelay $0x3  }
0x609: {  	v11 =	vld [tilespmem:$0x1A380]  }
0x60a: {  	[tilespmem:$0x1C360] =	vst v0  }
0x60b: {  	v0 =	vld.idx.msk [tilespmem:v10+s2+$0x0], $0xffff;
	_ =	sdelay $0x3  }
0x60c: {  	v12 =	vld [tilespmem:$0x1A390]  }
0x60d: {  	[tilespmem:$0x1C370] =	vst v0  }
0x60e: {  	v0 =	vld.idx.msk [tilespmem:v11+s2+$0x0], $0xffff;
	_ =	sdelay $0x3  }
0x60f: {  	v13 =	vld [tilespmem:$0x1A3A0]  }
0x610: {  	[tilespmem:$0x1C380] =	vst v0  }
0x611: {  	v0 =	vld.idx.msk [tilespmem:v12+s2+$0x0], $0xffff;
	_ =	sdelay $0x3  }
0x612: {  	v14 =	vld [tilespmem:$0x1A3B0]  }
0x613: {  	[tilespmem:$0x1C390] =	vst v0  }
0x614: {  	v0 =	vld.idx.msk [tilespmem:v13+s2+$0x0], $0xffff;
	_ =	sdelay $0x3  }
0x615: {  	v15 =	vld [tilespmem:$0x1A3C0]  }
0x616: {  	[tilespmem:$0x1C3A0] =	vst v0  }
0x617: {  	v0 =	vld.idx.msk [tilespmem:v14+s2+$0x0], $0xffff;
	_ =	sdelay $0x3  }
0x618: {  	v16 =	vld [tilespmem:$0x1A3D0]  }
0x619: {  	[tilespmem:$0x1C3B0] =	vst v0  }
0x61a: {  	v0 =	vld.idx.msk [tilespmem:v15+s2+$0x0], $0xffff;
	_ =	sdelay $0x3  }
0x61b: {  	v17 =	vld [tilespmem:$0x1A3E0]  }
0x61c: {  	[tilespmem:$0x1C3C0] =	vst v0  }
0x61d: {  	v0 =	vld.idx.msk [tilespmem:v16+s2+$0x0], $0xffff;
	_ =	sdelay $0x3  }
0x61e: {  	v18 =	vld [tilespmem:$0x1A3F0]  }
0x61f: {  	[tilespmem:$0x1C3D0] =	vst v0  }
0x620: {  	v0 =	vld.idx.msk [tilespmem:v17+s2+$0x0], $0xffff;
	_ =	sdelay $0x3  }
0x621: {  	v19 =	vld [tilespmem:$0x1A400]  }
0x622: {  	[tilespmem:$0x1C3E0] =	vst v0  }
0x623: {  	v0 =	vld.idx.msk [tilespmem:v18+s2+$0x0], $0xffff;
	_ =	sdelay $0x3  }
0x624: {  	v20 =	vld [tilespmem:$0x1A410]  }
0x625: {  	[tilespmem:$0x1C3F0] =	vst v0  }
0x626: {  	v0 =	vld.idx.msk [tilespmem:v19+s2+$0x0], $0xffff;
	_ =	sdelay $0x3  }
0x627: {  	v21 =	vld [tilespmem:$0x1A420]  }
0x628: {  	[tilespmem:$0x1C400] =	vst v0  }
0x629: {  	v0 =	vld.idx.msk [tilespmem:v20+s2+$0x0], $0xffff;
	_ =	sdelay $0x3  }
0x62a: {  	v22 =	vld [tilespmem:$0x1A430]  }
0x62b: {  	[tilespmem:$0x1C410] =	vst v0  }
0x62c: {  	v0 =	vld.idx.msk [tilespmem:v21+s2+$0x0], $0xffff;
	_ =	sdelay $0x3  }
0x62d: {  	v23 =	vld [tilespmem:$0x1A440]  }
0x62e: {  	[tilespmem:$0x1C420] =	vst v0  }
0x62f: {  	v0 =	vld.idx.msk [tilespmem:v22+s2+$0x0], $0xffff;
	_ =	sdelay $0x3  }
0x630: {  	v24 =	vld [tilespmem:$0x1A450]  }
0x631: {  	[tilespmem:$0x1C430] =	vst v0  }
0x632: {  	v0 =	vld.idx.msk [tilespmem:v23+s2+$0x0], $0xffff;
	_ =	sdelay $0x3  }
0x633: {  	v25 =	vld [tilespmem:$0x1A460]  }
0x634: {  	[tilespmem:$0x1C440] =	vst v0  }
0x635: {  	v0 =	vld.idx.msk [tilespmem:v24+s2+$0x0], $0xffff;
	_ =	sdelay $0x3  }
0x636: {  	v26 =	vld [tilespmem:$0x1A470]  }
0x637: {  	[tilespmem:$0x1C450] =	vst v0  }
0x638: {  	v0 =	vld.idx.msk [tilespmem:v25+s2+$0x0], $0xffff;
	_ =	sdelay $0x3  }
0x639: {  	v27 =	vld [tilespmem:$0x1A480]  }
0x63a: {  	[tilespmem:$0x1C460] =	vst v0  }
0x63b: {  	v0 =	vld.idx.msk [tilespmem:v26+s2+$0x0], $0xffff;
	_ =	sdelay $0x3  }
0x63c: {  	v28 =	vld [tilespmem:$0x1A490]  }
0x63d: {  	[tilespmem:$0x1C470] =	vst v0  }
0x63e: {  	v0 =	vld.idx.msk [tilespmem:v27+s2+$0x0], $0xffff;
	_ =	sdelay $0x3  }
0x63f: {  	v29 =	vld [tilespmem:$0x1A4A0]  }
0x640: {  	[tilespmem:$0x1C480] =	vst v0  }
0x641: {  	v0 =	vld.idx.msk [tilespmem:v28+s2+$0x0], $0xffff;
	_ =	sdelay $0x3  }
0x642: {  	v30 =	vld [tilespmem:$0x1A4B0]  }
0x643: {  	[tilespmem:$0x1C490] =	vst v0  }
0x644: {  	v0 =	vld.idx.msk [tilespmem:v29+s2+$0x0], $0xffff;
	_ =	sdelay $0x3  }
0x645: {  	v31 =	vld [tilespmem:$0x1A4C0]  }
0x646: {  	[tilespmem:$0x1C4A0] =	vst v0  }
0x647: {  	v0 =	vld.idx.msk [tilespmem:v30+s2+$0x0], $0xffff;
	_ =	sdelay $0x3  }
0x648: {  	v32 =	vld [tilespmem:$0x1A4D0]  }
0x649: {  	[tilespmem:$0x1C4B0] =	vst v0  }
0x64a: {  	v0 =	vld.idx.msk [tilespmem:v31+s2+$0x0], $0xffff;
	_ =	sdelay $0x3  }
0x64b: {  	v33 =	vld [tilespmem:$0x1A4E0]  }
0x64c: {  	[tilespmem:$0x1C4C0] =	vst v0  }
0x64d: {  	v0 =	vld.idx.msk [tilespmem:v32+s2+$0x0], $0xffff;
	_ =	sdelay $0x3  }
0x64e: {  	v34 =	vld [tilespmem:$0x1A4F0]  }
0x64f: {  	[tilespmem:$0x1C4D0] =	vst v0  }
0x650: {  	v0 =	vld.idx.msk [tilespmem:v33+s2+$0x0], $0xffff;
	_ =	sdelay $0x3  }
0x651: {  	v35 =	vld [tilespmem:$0x1A500]  }
0x652: {  	[tilespmem:$0x1C4E0] =	vst v0  }
0x653: {  	v0 =	vld.idx.msk [tilespmem:v34+s2+$0x0], $0xffff;
	_ =	sdelay $0x3  }
0x654: {  	v36 =	vld [tilespmem:$0x1A510]  }
0x655: {  	[tilespmem:$0x1C4F0] =	vst v0  }
0x656: {  	v0 =	vld.idx.msk [tilespmem:v35+s2+$0x0], $0xffff;
	_ =	sdelay $0x3  }
0x657: {  	v37 =	vld [tilespmem:$0x1A520]  }
0x658: {  	[tilespmem:$0x1C500] =	vst v0  }
0x659: {  	v0 =	vld.idx.msk [tilespmem:v36+s2+$0x0], $0xffff;
	_ =	sdelay $0x3  }
0x65a: {  	v38 =	vld [tilespmem:$0x1A530]  }
0x65b: {  	[tilespmem:$0x1C510] =	vst v0  }
0x65c: {  	v0 =	vld.idx.msk [tilespmem:v37+s2+$0x0], $0xffff;
	_ =	sdelay $0x3  }
0x65d: {  	v39 =	vld [tilespmem:$0x1A540]  }
0x65e: {  	[tilespmem:$0x1C520] =	vst v0  }
0x65f: {  	v0 =	vld.idx.msk [tilespmem:v38+s2+$0x0], $0xffff;
	_ =	sdelay $0x3  }
0x660: {  	v40 =	vld [tilespmem:$0x1A550]  }
0x661: {  	[tilespmem:$0x1C530] =	vst v0  }
0x662: {  	v0 =	vld.idx.msk [tilespmem:v39+s2+$0x0], $0xffff;
	_ =	sdelay $0x3  }
0x663: {  	v41 =	vld [tilespmem:$0x1A560]  }
0x664: {  	[tilespmem:$0x1C540] =	vst v0  }
0x665: {  	v0 =	vld.idx.msk [tilespmem:v40+s2+$0x0], $0xffff;
	_ =	sdelay $0x3  }
0x666: {  	v42 =	vld [tilespmem:$0x1A570]  }
0x667: {  	[tilespmem:$0x1C550] =	vst v0  }
0x668: {  	v0 =	vld.idx.msk [tilespmem:v41+s2+$0x0], $0xffff;
	_ =	sdelay $0x3  }
0x669: {  	v43 =	vld [tilespmem:$0x1A580]  }
0x66a: {  	[tilespmem:$0x1C560] =	vst v0  }
0x66b: {  	v0 =	vld.idx.msk [tilespmem:v42+s2+$0x0], $0xffff;
	_ =	sdelay $0x3  }
0x66c: {  	v44 =	vld [tilespmem:$0x1A590]  }
0x66d: {  	[tilespmem:$0x1C570] =	vst v0  }
0x66e: {  	v0 =	vld.idx.msk [tilespmem:v43+s2+$0x0], $0xffff;
	_ =	sdelay $0x3  }
0x66f: {  	v45 =	vld [tilespmem:$0x1A5A0]  }
0x670: {  	[tilespmem:$0x1C580] =	vst v0  }
0x671: {  	v0 =	vld.idx.msk [tilespmem:v44+s2+$0x0], $0xffff;
	_ =	sdelay $0x3  }
0x672: {  	v46 =	vld [tilespmem:$0x1A5B0]  }
0x673: {  	[tilespmem:$0x1C590] =	vst v0  }
0x674: {  	v0 =	vld.idx.msk [tilespmem:v45+s2+$0x0], $0xffff;
	_ =	sdelay $0x3  }
0x675: {  	v47 =	vld [tilespmem:$0x1A5C0]  }
0x676: {  	[tilespmem:$0x1C5A0] =	vst v0  }
0x677: {  	v0 =	vld.idx.msk [tilespmem:v46+s2+$0x0], $0xffff;
	_ =	sdelay $0x3  }
0x678: {  	v48 =	vld [tilespmem:$0x1A5D0]  }
0x679: {  	[tilespmem:$0x1C5B0] =	vst v0  }
0x67a: {  	v0 =	vld.idx.msk [tilespmem:v47+s2+$0x0], $0xffff;
	_ =	sdelay $0x3  }
0x67b: {  	v49 =	vld [tilespmem:$0x1A5E0]  }
0x67c: {  	[tilespmem:$0x1C5C0] =	vst v0  }
0x67d: {  	v0 =	vld.idx.msk [tilespmem:v48+s2+$0x0], $0xffff;
	_ =	sdelay $0x3  }
0x67e: {  	v50 =	vld [tilespmem:$0x1A5F0]  }
0x67f: {  	[tilespmem:$0x1C5D0] =	vst v0  }
0x680: {  	v0 =	vld.idx.msk [tilespmem:v49+s2+$0x0], $0xffff;
	_ =	sdelay $0x3  }
0x681: {  	v51 =	vld [tilespmem:$0x1A600]  }
0x682: {  	[tilespmem:$0x1C5E0] =	vst v0  }
0x683: {  	v0 =	vld.idx.msk [tilespmem:v50+s2+$0x0], $0xffff;
	_ =	sdelay $0x3  }
0x684: {  	v52 =	vld [tilespmem:$0x1A610]  }
0x685: {  	[tilespmem:$0x1C5F0] =	vst v0  }
0x686: {  	v0 =	vld.idx.msk [tilespmem:v51+s2+$0x0], $0xffff;
	_ =	sdelay $0x3  }
0x687: {  	v53 =	vld [tilespmem:$0x1A620]  }
0x688: {  	[tilespmem:$0x1C600] =	vst v0  }
0x689: {  	v0 =	vld.idx.msk [tilespmem:v52+s2+$0x0], $0xffff;
	_ =	sdelay $0x3  }
0x68a: {  	v54 =	vld [tilespmem:$0x1A630]  }
0x68b: {  	[tilespmem:$0x1C610] =	vst v0  }
0x68c: {  	v0 =	vld.idx.msk [tilespmem:v53+s2+$0x0], $0xffff;
	_ =	sdelay $0x3  }
0x68d: {  	v55 =	vld [tilespmem:$0x1A640]  }
0x68e: {  	[tilespmem:$0x1C620] =	vst v0  }
0x68f: {  	v0 =	vld.idx.msk [tilespmem:v54+s2+$0x0], $0xffff;
	_ =	sdelay $0x3  }
0x690: {  	v56 =	vld [tilespmem:$0x1A650]  }
0x691: {  	[tilespmem:$0x1C630] =	vst v0  }
0x692: {  	v0 =	vld.idx.msk [tilespmem:v55+s2+$0x0], $0xffff;
	_ =	sdelay $0x3  }
0x693: {  	v57 =	vld [tilespmem:$0x1A660]  }
0x694: {  	[tilespmem:$0x1C640] =	vst v0  }
0x695: {  	v0 =	vld.idx.msk [tilespmem:v56+s2+$0x0], $0xffff;
	_ =	sdelay $0x3  }
0x696: {  	v58 =	vld [tilespmem:$0x1A670]  }
0x697: {  	[tilespmem:$0x1C650] =	vst v0  }
0x698: {  	v0 =	vld.idx.msk [tilespmem:v57+s2+$0x0], $0xffff;
	_ =	sdelay $0x3  }
0x699: {  	v59 =	vld [tilespmem:$0x1A680]  }
0x69a: {  	[tilespmem:$0x1C660] =	vst v0  }
0x69b: {  	v0 =	vld.idx.msk [tilespmem:v58+s2+$0x0], $0xffff;
	_ =	sdelay $0x3  }
0x69c: {  	v60 =	vld [tilespmem:$0x1A690]  }
0x69d: {  	[tilespmem:$0x1C670] =	vst v0  }
0x69e: {  	v0 =	vld.idx.msk [tilespmem:v59+s2+$0x0], $0xffff;
	_ =	sdelay $0x3  }
0x69f: {  	v61 =	vld [tilespmem:$0x1A6A0]  }
0x6a0: {  	[tilespmem:$0x1C680] =	vst v0  }
0x6a1: {  	v0 =	vld.idx.msk [tilespmem:v60+s2+$0x0], $0xffff;
	_ =	sdelay $0x3  }
0x6a2: {  	v62 =	vld [tilespmem:$0x1A6B0]  }
0x6a3: {  	[tilespmem:$0x1C690] =	vst v0  }
0x6a4: {  	v0 =	vld.idx.msk [tilespmem:v61+s2+$0x0], $0xffff;
	_ =	sdelay $0x3  }
0x6a5: {  	v63 =	vld [tilespmem:$0x1A6C0]  }
0x6a6: {  	[tilespmem:$0x1C6A0] =	vst v0  }
0x6a7: {  	v0 =	vld.idx.msk [tilespmem:v62+s2+$0x0], $0xffff;
	_ =	sdelay $0x4  }
0x6a8: {  	[tilespmem:$0x1C6B0] =	vst v0  }
0x6a9: {  	v0 =	vld.idx.msk [tilespmem:v63+s2+$0x0], $0xffff  }
0x6aa: {  	p0 =	seq.s32 s1, $0x2EE00  }
.Ltmp17:
0x6ab: {  	_ = 	snop;
	(pc) =	sbr.rel @p0 .LBB2_23-.Ltmp17, $3  }
0x6ac: {  	_ =	sdelay $0x1  }
0x6ad: {  	[tilespmem:$0x1C6C0] =	vst v0  }
0x6ae: {  	[hbm4b:s13+s2] =	stream.linear.scatter [tilespmem:s21], [sflag:$0x2], $0x7D0, $0x38;
	[tilespmem:$0x1C700] =	vst v63  }
.Ltmp18:
0x6af: {  	s24 =	sadd.s32 s1, s0;
	(pc) =	sbr.rel .LBB2_9-.Ltmp18, $4  }
0x6b0: {  	s1 =	sadd.s32 $0x1F40, s1;
	s24 =	sadd.s32 $0x36B0, s24  }
0x6b1: {  	s13 =	sadd.s32 $0x3E8, s13;
	s14 =	sadd.s32 $0x3E8, s14;
	s24 =	sshrl.u32 s24, $0x3  }
0x6b2: {  	s15 =	sadd.s32 $0x3E8, s15;
	s16 =	sadd.s32 $0x3E8, s16;
	s24 =	sadd.s32 s5, s24  }
0x6b3: {  	[tilespmem:s29], [sflag:$0x1] =	stream.linear.gather [hbm4b:s24+s2], $0x7D0, $0x38;
	[tilespmem:$0x1C700] =	vst v63  }
.LBB2_26:
0x6b4: {  	_ =	sfence.sel $0x180000  }
0x6b5: {  	[bflag:$0x0] =	sbarrier.arrive $0xFFFF  }
0x6b6: {  	_ =	strace $0x9000004A  }
0x6b7: {  	s0 =	stileid.u32;
	[bflag:$0x2] =	sbarrier.arrive $0xFFFF  }
0x6b8: {  	p0 =	sne.s32 s0, $0x0;
	s0 =	rddreg [dreg:$0x2]  }
0x6b9: {  	s0 =	sadd.s32 @!p0 $0x100000, s0  }
0x6ba: {  	[sflag:s0] =	ssyncadd.tile.s32 @!p0 $0x1;
	_ =	shalt  }
.Lfunc_end2:
_tile_overlayer_lowered:
.L_overlay_start_2:
0x6bb: {  	(tag) =	ssettag $0x2  }
0x6bc: {  	s0 =	rddreg [dreg:$0x0];
	s2 =	stileid.u32  }
0x6bd: {  	s1 =	rddreg [dreg:$0x1];
	p0 =	sne.s32 s2, $0x0  }
0x6be: {  	s3 =	rddreg [dreg:$0x2];
	[bflag:$0x3] =	sbarrier.arrive $0xFFFF;
	s2 =	simm.s32 @!p0 $0x1C03  }
0x6bf: {  	[timem:s3], [sflag:s2] =	dma.local @!p0 [hbm:s0], s1  }
0x6c0: {  	s0 =	simm.s32 @!p0 $0x3  }
0x6c1: {  	_ =	swait.ge @!p0 [sflag:s0], s1  }
0x6c2: {  	s1 =	ssub.s32 @!p0 $0x0, s1;
	[sflag:s0] =	ssyncset.done @!p0 $0x0  }
0x6c3: {  	[sflag:s0] =	ssyncadd.s32 @!p0 s1  }
0x6c4: {  	[bflag:$0x3] =	sbarrier.arrive $0xFFFF  }
0x6c5: {  	_ =	shalt  }

// kernel: sparse-core-data-format-call.cloned.1.call-start
scs
called_computation_lowered:
.L_overlay_start_0:
0x0: {  	s2 =	sld [smem:$0x3FD9]  }
0x1: {  	s3 =	sld [smem:$0x3FFE];
	_ =	sdelay $0x1  }
0x2: {  	s1 =	srdreg.scid  }
0x3: {  	s0 =	sand.u32 $0x1, s1  }
0x4: {  	s19 =	sshll.u32 s0, $0xA;
	s2 =	sadd.s32 s3, s2  }
0x5: {  	s2 =	sadd.s32 s2, s19  }
0x6: {  	[smem:$0x3FC3] =	sst s2  }
0x7: {  	_ = 	snop  }
0x8: {  	s2 =	sld [smem:$0x3FC9]  }
0x9: {  	s20 =	sld [smem:$0x3FD0];
	(tm) =	ssettm $0x1  }
0xa: {  	s4 =	sld [smem:$0x3FFB];
	_ =	sdelay $0x3  }
0xb: {  	_ =	strace s4  }
0xc: {  	s4 =	sld [smem:$0x3FFC];
	_ =	sdelay $0x3  }
0xd: {  	_ =	strace s4  }
0xe: {  	s4 =	sld [smem:$0x3FFD];
	_ =	sdelay $0x3  }
0xf: {  	_ =	strace s4  }
0x10: {  	_ =	strace $0x8FFFFFFF  }
0x11: {  	s21 =	sld [smem:$0x3FDB];
	_ =	sdelay $0x1  }
0x12: {  	s5 =	simm.s32 $_scs_section_size  }
0x13: {  	s6 =	simm.s32 $_size__tile_overlayer_lowered;
	s7 =	simm.s32 $_tile_overlayer_lowered  }
0x14: {  	s24 =	simm.s32 $0x1BFF;
	s23 =	sshll.u32 s7, $0x1;
	s4 =	sadd.s32 s5, s21  }
0x15: {  	s8 =	simm.s32 $0x0;
	s22 =	sshll.u32 s6, $0x1;
	s6 =	sadd.s32 s23, s4  }
0x16: {  	[timem:s8], [sflag:s24] =	dma.local [hbm:s6], s22  }
0x17: {  	_ =	swait.ge [sflag:s24], s22  }
0x18: {  	s5 =	ssub.s32 $0x0, s22;
	[sflag:s24] =	ssyncset.done $0x0  }
0x19: {  	[sflag:s24] =	ssyncadd.s32 s5;
	_ =	sdelay $0x1  }
0x1a: {  	s25 =	simm.s32 $0x1B8B  }
0x1b: {  	_ =	swait.ge [sflag:s25], $0x1  }
0x1c: {  	[sflag:s25] =	ssyncset.done $0x0  }
0x1d: {  	s26 =	simm.s32 $0x1B8E;
	[sflag:s25] =	ssyncadd.s32 $0xFFFFFFFF  }
0x1e: {  	s27 =	simm.s32 $execute0_lowered;
	[smem:$0x3FD2] =	sst s26  }
0x1f: {  	s5 =	sshll.u32 s27, $0x1;
	_ =	strace $0x80000046;
	[dreg:$0x1] =	wrdreg $0xFFFFFFFF  }
0x20: {  	s28 =	simm.s32 $_size_execute0_lowered;
	s4 =	sadd.s32 s4, s5;
	[dreg:$0x0] =	wrdreg $0x0  }
0x21: {  	s5 =	sshll.u32 s28, $0x1;
	[dreg:$0x2] =	wrdreg s4  }
0x22: {  	[dreg:$0x3] =	wrdreg s5  }
0x23: {  	[dreg:$0x4] =	wrdreg $0xC0  }
0x24: {  	_ =	task [dreg:s8], $0x5FFFF  }
0x25: {  	[dreg:$0x1] =	wrdreg $0xFFFFFFFF  }
0x26: {  	[dreg:$0x0] =	wrdreg $0x60  }
0x27: {  	[dreg:$0x2] =	wrdreg s2  }
0x28: {  	[dreg:$0x3] =	wrdreg s20  }
0x29: {  	[dreg:$0x4] =	wrdreg $0x9  }
0x2a: {  	_ =	task.clear_ibuf [dreg:s8], $0x5FFFF;
	_ =	strace $0x90000046  }
0x2b: {  	s29 =	simm.s32 $0x9;
	_ =	strace $0x80000048  }
0x2c: {  	_ =	swait.ge [sflag:s29], $0x1  }
0x2d: {  	[sflag:s29] =	ssyncadd.s32 $0xFFFFFFFF  }
0x2e: {  	_ =	strace $0x90000048  }
0x2f: {  	_ =	sfence  }
0x30: {  	s30 =	sld [smem:$0x0];
	_ =	sdelay $0x2  }
0x31: {  	s31 =	sshll.u32 s1, $0xD;
	s1 =	sshrl.u32 s1, $0x2  }
0x32: {  	s3 =	sand.u32 $0x4000, s31;
	s1 =	sadd.s32 s1, s30  }
0x33: {  	s0 =	sor.u32 s3, s0;
	s1 =	sshll.u32 s1, $0x11  }
0x34: {  	s0 =	sor.u32 s1, s0  }
0x35: {  	s0 =	sadd.s32 $0x8F2B, s0  }
0x36: {  	[sflag:s0] =	ssyncadd.remote.s32 $0x1  }
0x37: {  	_ =	sfence.sel $0xFFFF  }
0x38: {  	[dreg:$0x0] =	wrdreg $0xFFFFFFFF;
	(pc) =	sbr.abs _section_cstart, $3  }
0x39: {  	[dreg:$0x1] =	wrdreg $0xFFFFFFFF  }
0x3a: {  	_ =	task.clear_ibuf [dreg:s8], $0x2FFFF;
	_ =	strace $0x9FFFFFFF  }
0x3b: {  	(tm) =	ssettm $0x7FFFFFFF  }
tec
execute0_lowered:
.L_overlay_start_1:
0x0: {  	(tag) =	ssettag $0x1  }
0x1: {  	s0 =	srdreg.scid;
	s2 =	rddreg [dreg:$0x0]  }
0x2: {  	s3 =	rddreg [dreg:$0x1];
	s5 =	simm.s32 $0x1;
	s1 =	sshll.u32 s0, $0x4  }
0x3: {  	s7 =	simm.s32 $0x2;
	s0 =	stileid.u32;
	s1 =	sand.u32 $0x10, s1  }
.Ltmp0:
0x4: {  	s11 =	simm.s32 $0x0;
	s4 =	sor.u32 s0, s1;
	(pc) =	sbr.rel .LBB1_1-.Ltmp0, $4  }
0x5: {  	p0 =	por $0x0, $0x0;
	s8 =	simm.s32 $0xC3800;
	s4 =	sshll.u32 s4, $0x7  }
0x6: {  	s1 =	rddreg [dreg:$0x2];
	_ =	strace $0x80000047;
	s6 =	ssub.s32 $0x18680, s4  }
0x7: {  	s10 =	simm.s32 $0x0;
	[sflag:s5] =	ssyncpa.u1 $0x0;
	s6 =	sshrl.u32 s6, $0xC  }
0x8: {  	[sflag:s7] =	ssyncpa.u1 $0x0;
	s9 =	smov.u32 s4;
	s7 =	sadd.s32 $0x2, s6  }
.LBB1_5:
0x9: {  	s13 =	sadd.s32 $0x1000, s9  }
0xa: {  	p2 =	sgt.s32 s13, $0x1869F  }
0xb: {  	s13 =	smov.u32 @p2 s4;
	p2 =	sne.s32 s10, s7  }
.Ltmp1:
0xc: {  	p1 =	slt.u32 s10, $0x2;
	(pc) =	sbr.rel @!p2 .LBB1_6-.Ltmp1, $4  }
0xd: {  	s12 =	simm.s32 @!p1 $0x2  }
0xe: {  	s14 =	sadd.s32 $0x1, s10;
	_ =	swait.ge @!p1 [sflag:s12], $0x4000  }
0xf: {  	s11 =	smov.u32 s9;
	p0 =	por !p0, !p0;
	[sflag:s12] =	ssyncset.done @!p1 $0x0  }
0x10: {  	s10 =	smov.u32 s14;
	s9 =	smov.u32 s13;
	[sflag:s12] =	ssyncadd.s32 @!p1 $0xFFFFC000  }
.LBB1_1:
0x11: {  	p1 =	sgt.u32 s10, s6  }
0x12: {  	s12 =	sand.u32 @!p1 $0x1FFFFFF, s9  }
0x13: {  	p2 =	sgt.s32 @!p1 s9, $0x18620;
	s13 =	smulhi.u32 @!p1 $0x14F8B59, s12  }
0x14: {  	s14 =	smov.u32 s9;
	s15 =	sshra.s32 @!p1 s9, $0x1F;
	p2 =	por !p2, p1  }
0x15: {  	s15 =	sand.u32 @!p1 s15, s9;
	s14 =	simm.s32 @p2 $0x18620;
	s13 =	sshrl.u32 @!p1 s13, $0x9  }
0x16: {  	s14 =	ssub.s32 @!p1 s14, s15;
	s13 =	smul.u32 @!p1 $0x186A0, s13  }
0x17: {  	s15 =	sxor.u32 @!p1 $0xFFFFFFFF, s10;
	s14 =	sadd.s32 @!p1 $0xFFFE79E0, s14  }
0x18: {  	s15 =	sshll.u32 @!p1 s15, $0xE;
	s12 =	ssub.s32 @!p1 s12, s13;
	s13 =	sshll.u32 @!p1 s14, $0x9  }
0x19: {  	s15 =	sand.u32 @!p1 $0x4000, s15;
	p2 =	sgt.s32 @!p1 s14, $0x7F;
	s13 =	ssub.s32 @!p1 $0x10000, s13  }
0x1a: {  	p2 =	por !p2, p1;
	s12 =	sshll.u32 @!p1 s12, $0x4;
	s13 =	sshrl.u32 @!p1 s13, $0x2  }
0x1b: {  	s14 =	simm.s32 @!p1 $0x0;
	s12 =	sadd.s32 @!p1 s2, s12;
	s13 =	simm.s32 @!p2 $0x0  }
0x1c: {  	[tilespmem:s15], [sflag:$0x1] =	stream.linear.gather @!p1 [hbm4b:s12+s14], s13, $0x38;
	[tilespmem:$0x10100] =	vst v63  }
0x1d: {  	p1 =	seq.s32 s10, $0x0  }
0x1e: {  	p2 =	sge.u32 @!p1 s10, s7  }
0x1f: {  	p1 =	por p1, p2  }
.Ltmp2:
0x20: {  	_ = 	snop;
	(pc) =	sbr.rel @p1 .LBB1_5-.Ltmp2, $1  }
0x21: {  	_ =	sdelay $0x3  }
0x22: {  	p1 =	sgt.s32 s11, $0x18620;
	s12 =	smov.u32 s11;
	s13 =	sshra.s32 s11, $0x1F  }
0x23: {  	s12 =	simm.s32 @!p1 $0x18620;
	s13 =	sand.u32 s13, s11  }
0x24: {  	s12 =	ssub.s32 s12, s13  }
0x25: {  	s12 =	sadd.s32 $0xFFFE79E0, s12  }
0x26: {  	s29 =	sshll.u32 s12, $0x9  }
0x27: {  	s13 =	ssub.s32 $0x10000, s29  }
0x28: {  	p1 =	sgt.s32 s12, $0x7F;
	s12 =	sshrl.u32 s13, $0x2  }
0x29: {  	s13 =	simm.s32 $0x1;
	s12 =	simm.s32 @p1 $0x0  }
0x2a: {  	s13 =	simm.s32 @!p0 $0x0;
	_ =	swait.ge [sflag:s5], s12  }
0x2b: {  	s14 =	sshll.u32 s13, $0xE;
	s12 =	ssub.s32 $0x0, s12;
	[sflag:s5] =	ssyncset.done $0x0  }
0x2c: {  	s15 =	sor.u32 $0x40, s14;
	[sflag:s5] =	ssyncadd.s32 s12  }
0x2d: {  	s30 =	smul.u32 $0x10200, s13;
	v0 =	vld [tilespmem:s15+$0x30]  }
0x2e: {  	v1 =	vld [tilespmem:s15+$0xFFFFFFD0]  }
0x2f: {  	s12 =	sshrl.u32 s30, $0x2;
	v5 =	vld [tilespmem:s15+$0xFFFFFFE0]  }
0x30: {  	s13 =	sor.u32 $0x8000, s12;
	v6 =	vld [tilespmem:s15+$0xFFFFFFF0]  }
0x31: {  	s31 =	sand.u32 $0x1, s10;
	v3 =	vld [tilespmem:s15+$0x0];
	s14 =	sadd.s32 $0x0, s13  }
0x32: {  	s12 =	smul.u32 $0x10200, s31;
	v4 =	vld [tilespmem:s15+$0x10];
	[tilespmem:s14+$0x3870 ss:$0x81] =	vst.msk $0xffff, v0  }
0x33: {  	v2 =	vld [tilespmem:s15+$0x20];
	[tilespmem:s14+$0x810 ss:$0x81] =	vst.msk $0xffff, v1  }
0x34: {  	s12 =	sshrl.u32 s12, $0x2;
	v0 =	vld [tilespmem:s15+$0xFFFFFFC0];
	[tilespmem:s14+$0x1020 ss:$0x81] =	vst.msk $0xffff, v5;
	s15 =	sadd.s32 $0x80, s15  }
0x35: {  	s16 =	simm.s32 $0x4;
	s17 =	simm.s32 $0x8;
	s12 =	sor.u32 $0x8000, s12;
	[tilespmem:s14+$0x1830 ss:$0x81] =	vst.msk $0xffff, v6;
	v1 =	vld [tilespmem:s15+$0x30]  }
.LBB1_3:
0x36: {  	p1 =	sne.s32 s17, $0x1FC;
	v5 =	vld [tilespmem:s15+$0xFFFFFFD0];
	[tilespmem:s14+$0x2040 ss:$0x81] =	vst.msk $0xffff, v3  }
0x37: {  	v6 =	vld [tilespmem:s15+$0xFFFFFFE0];
	[tilespmem:s14+$0x2850 ss:$0x81] =	vst.msk $0xffff, v4  }
0x38: {  	s18 =	sshra.s32 s16, $0x2;
	s16 =	smov.u32 s17;
	v7 =	vld [tilespmem:s15+$0xFFFFFFF0];
	[tilespmem:s14+$0x3060 ss:$0x81] =	vst.msk $0xffff, v2  }
.Ltmp3:
0x39: {  	v3 =	vld [tilespmem:s15+$0x0];
	[tilespmem:s14+$0x0 ss:$0x81] =	vst.msk $0xffff, v0;
	s14 =	sadd.s32 s18, s13;
	(pc) =	sbr.rel @p1 .LBB1_3-.Ltmp3, $4  }
0x3a: {  	v4 =	vld [tilespmem:s15+$0x10];
	[tilespmem:s14+$0x3870 ss:$0x81] =	vst.msk $0xffff, v1  }
0x3b: {  	[tilespmem:s14+$0x810 ss:$0x81] =	vst.msk $0xffff, v5;
	v2 =	vld [tilespmem:s15+$0x20]  }
0x3c: {  	v0 =	vld [tilespmem:s15+$0xFFFFFFC0];
	[tilespmem:s14+$0x1020 ss:$0x81] =	vst.msk $0xffff, v6;
	s15 =	sadd.s32 $0x80, s15  }
0x3d: {  	s17 =	sadd.s32 $0x4, s17;
	v1 =	vld [tilespmem:s15+$0x30];
	[tilespmem:s14+$0x1830 ss:$0x81] =	vst.msk $0xffff, v7  }
0x3e: {  	v5 =	vld [tilespmem:s15+$0xFFFFFFD0];
	[tilespmem:s14+$0x2040 ss:$0x81] =	vst.msk $0xffff, v3;
	s17 =	sshll.u32 s11, $0x3  }
0x3f: {  	v58 =	vld [tilespmem:s15+$0xFFFFFFE0];
	s25 =	sand.u32 $0x7F, s11;
	[tilespmem:s14+$0x2850 ss:$0x81] =	vst.msk $0xffff, v4;
	s17 =	sand.u32 $0xFFFFFC00, s17  }
0x40: {  	s16 =	sshra.s32 s16, $0x2;
	v59 =	vld [tilespmem:s15+$0xFFFFFFF0];
	[tilespmem:s14+$0x3060 ss:$0x81] =	vst.msk $0xffff, v2;
	s11 =	sor.u32 s25, s17  }
0x41: {  	v60 =	vld [tilespmem:s15+$0x0];
	s13 =	sadd.s32 s16, s13;
	[tilespmem:s14+$0x0 ss:$0x81] =	vst.msk $0xffff, v0;
	s26 =	smulhi.u32 $0xA79C7B17, s11  }
0x42: {  	v61 =	vld [tilespmem:s15+$0x10];
	[tilespmem:s13+$0x3870 ss:$0x81] =	vst.msk $0xffff, v1  }
0x43: {  	v62 =	vld [tilespmem:s15+$0x20];
	s27 =	smulhi.u32 $0xA79C7B17, s17;
	[tilespmem:s13+$0x810 ss:$0x81] =	vst.msk $0xffff, v5;
	s14 =	sshrl.u32 s26, $0x10  }
0x44: {  	v63 =	vld [tilespmem:s15+$0xFFFFFFC0];
	[tilespmem:s13+$0x1020 ss:$0x81] =	vst.msk $0xffff, v58;
	s14 =	smul.u32 $0x18700, s14  }
0x45: {  	s28 =	sshrl.u32 s27, $0x10;
	[tilespmem:s13+$0x1830 ss:$0x81] =	vst.msk $0xffff, v59  }
.Ltmp4:
0x46: {  	[tilespmem:s13+$0x2040 ss:$0x81] =	vst.msk $0xffff, v60;
	s29 =	sand.u32 $0x7F, s28;
	s11 =	ssub.s32 s11, s14;
	(pc) =	sbr.rel .LBB1_5-.Ltmp4, $4  }
0x47: {  	[tilespmem:s13+$0x2850 ss:$0x81] =	vst.msk $0xffff, v61;
	s14 =	smul.u32 $0x30E0, s29;
	s30 =	sshrl.u32 s11, $0x3;
	s11 =	sand.u32 $0x7, s11  }
0x48: {  	[tilespmem:s13+$0x3060 ss:$0x81] =	vst.msk $0xffff, v62;
	s15 =	sadd.s32 s3, s30;
	s11 =	sshll.u32 s11, $0x12  }
0x49: {  	[tilespmem:s13+$0x0 ss:$0x81] =	vst.msk $0xffff, v63;
	s31 =	sadd.s32 s14, s15;
	s11 =	sor.u32 $0x400, s11  }
0x4a: {  	[hbm4b:s31+s11] =	stream.strided.scatter [tilespmem:s12], [sflag:$0x2], $0x4000, s8, s11, $0x20;
	[tilespmem:$0x10100] =	vst v63  }
.LBB1_6:
0x4b: {  	_ =	sfence.sel $0x180000  }
0x4c: {  	s2 =	simm.s32 $0x1;
	[bflag:$0x0] =	sbarrier.arrive $0xFFFF  }
0x4d: {  	s31 =	simm.s32 $0x2;
	[sflag:s2] =	ssyncpa.u1 $0x1  }
0x4e: {  	[sflag:s31] =	ssyncpa.u1 $0x1  }
0x4f: {  	p0 =	sne.s32 s0, $0x0;
	_ =	strace $0x90000047  }
0x50: {  	s0 =	sadd.s32 @!p0 $0x100000, s1;
	[bflag:$0x2] =	sbarrier.arrive $0xFFFF  }
0x51: {  	[sflag:s0] =	ssyncadd.tile.s32 @!p0 $0x1;
	_ =	shalt  }
.Lfunc_end1:
_tile_overlayer_lowered:
.L_overlay_start_2:
0x52: {  	(tag) =	ssettag $0x2  }
0x53: {  	s0 =	rddreg [dreg:$0x0];
	s2 =	stileid.u32  }
0x54: {  	s1 =	rddreg [dreg:$0x1];
	p0 =	sne.s32 s2, $0x0  }
0x55: {  	s3 =	rddreg [dreg:$0x2];
	[bflag:$0x3] =	sbarrier.arrive $0xFFFF;
	s2 =	simm.s32 @!p0 $0x1C01  }
0x56: {  	[timem:s3], [sflag:s2] =	dma.local @!p0 [hbm:s0], s1  }
0x57: {  	s0 =	simm.s32 @!p0 $0x1  }
0x58: {  	_ =	swait.ge @!p0 [sflag:s0], s1  }
0x59: {  	s1 =	ssub.s32 @!p0 $0x0, s1;
	[sflag:s0] =	ssyncset.done @!p0 $0x0  }
0x5a: {  	[sflag:s0] =	ssyncadd.s32 @!p0 s1  }
0x5b: {  	[bflag:$0x3] =	sbarrier.arrive $0xFFFF  }
0x5c: {  	_ =	shalt  }

</sc_bundles>
